<compile_context>
chip_gen: v7x
topology: tpu7x:2x2x1
jax: 0.10.2.dev20260603
libtpu: 0.0.44.dev20260713+nightly
codegen_flags: <defaults>
</compile_context>

<pallas_src>
import jax
import jax.numpy as jnp
from jax import lax
from jax.experimental import pallas as pl
from jax.experimental.pallas import tpu as pltpu
from jax.experimental.pallas import tpu_sc as plsc

_M = 1000000
_N = 64
_B = 16384
_K = 4

_NC = 2
_NS = 16
_NW = _NC * _NS
_BPW = _B // _NW
_UPW = _BPW * _K
_RG = _BPW // 16

_BR = 8000


def _copy_body(src_ref, dst_ref):
    dst_ref[...] = src_ref[...]


_tc_copy = pl.pallas_call(
    _copy_body,
    grid=(_M // _BR,),
    in_specs=[pl.BlockSpec((_BR, _N), lambda i: (i, 0))],
    out_specs=pl.BlockSpec((_BR, _N), lambda i: (i, 0)),
    out_shape=jax.ShapeDtypeStruct((_M, _N), jnp.float32),
)


def _sc_body(cf, kg, rows, ind, vals, rows_v, ind_v, val_v, rowbuf, sem):
    c = lax.axis_index("c")
    s = lax.axis_index("s")
    wid = s * _NC + c
    bbase = wid * _BPW
    ebase = wid * _UPW

    pltpu.sync_copy(rows.at[pl.ds(bbase, _BPW)], rows_v)
    pltpu.sync_copy(ind.at[pl.ds(ebase, _UPW)], ind_v)
    pltpu.sync_copy(vals.at[pl.ds(wid * 16, 16), :], val_v)

    def gather_group(g, carry):
        rvec = rows_v[pl.ds(g * 16, 16)]
        cps = []
        for l in range(16):
            b = g * 16 + l
            cps.append(pltpu.async_copy(
                kg.at[rvec[l], :], rowbuf.at[b, :], sem))
        for cp in cps:
            cp.wait()
        return carry

    lax.fori_loop(0, _RG, gather_group, 0)

    iota = lax.iota(jnp.int32, 16)
    for t in range(_UPW // 16):
        j = iota + (t * 16)
        b = lax.shift_right_logical(j, 2)
        col = ind_v[pl.ds(t * 16, 16)]
        v = val_v[t // 8, pl.ds((t % 8) * 16, 16)]
        plsc.store_scatter(rowbuf, [b, col], v)

    def scatter_group(g, carry):
        rvec = rows_v[pl.ds(g * 16, 16)]
        cps = []
        for l in range(16):
            b = g * 16 + l
            cps.append(pltpu.async_copy(
                rowbuf.at[b, :], cf.at[rvec[l], :], sem))
        for cp in cps:
            cp.wait()
        return carry

    lax.fori_loop(0, _RG, scatter_group, 0)


_sc_scatter = pl.kernel(
    _sc_body,
    out_type=(),
    mesh=plsc.VectorSubcoreMesh(core_axis_name="c", subcore_axis_name="s"),
    compiler_params=pltpu.CompilerParams(needs_layout_passes=False),
    scratch_types=[
        pltpu.VMEM((_BPW,), jnp.int32),
        pltpu.VMEM((_UPW,), jnp.int32),
        pltpu.VMEM((16, 128), jnp.float32),
        pltpu.VMEM((_BPW, _N), jnp.float32),
        pltpu.SemaphoreType.DMA,
    ],
)


def kernel(kg_neighbors, batch_tensor, indices, values):
    cf = _tc_copy(kg_neighbors)
    ind_flat = indices.reshape(_B * _K)
    val2 = values.reshape((_B * _K) // 128, 128)
    ref = jax.new_ref(cf)
    _sc_scatter(ref, kg_neighbors, batch_tensor, ind_flat, val2)
    return ref[...]

# --- scband reference (transcript-rebuilt; emitter-appended) ---
"""Pipeline reference for scband-cfgenerator-20229295964329 (READ-ONLY COPY).

The authoritative reference and input builder live on the scoring server;
editing this copy changes nothing except your own understanding.
"""

import jax, jax.numpy as jnp
import numpy as np

M = 1000000      # n_items (rows of kg_neighbors memory)
N_NEI = 64       # neighbor slots per item
B = 16384        # batch size
K = 4            # replace_num


def setup_inputs(seed: int = 0) -> dict:
    key = jax.random.key(seed)
    k1, k2, k3, k4 = jax.random.split(key, 4)
    kg_neighbors = jax.random.normal(k1, (M, N_NEI), dtype=jnp.float32)
    batch_tensor = jax.random.randint(k2, (B,), 0, M, dtype=jnp.int32)
    indices = jax.random.randint(k3, (B, K), 0, N_NEI, dtype=jnp.int32)
    values = jax.random.normal(k4, (B, K), dtype=jnp.float32)
    return {
        "kg_neighbors": kg_neighbors,
        "batch_tensor": batch_tensor,
        "indices": indices,
        "values": values,
    }


def reference(kg_neighbors, batch_tensor, indices, values):
    # Faithful translation of CFGenerator.get_cf_kg_neighbors:
    #   cf = kg_neighbors.clone()
    #   cf[batch_tensor.unsqueeze(1), indices] = values
    # torch advanced indexing broadcasts [B,1] rows against [B,K] cols.
    rows = batch_tensor[:, None]                     # [B, 1] -> broadcast to [B, K]
    cf_kg_neighbors = kg_neighbors.at[rows, indices].set(values)  # scatter-overwrite
    return cf_kg_neighbors

if __name__ == "__main__":
    import jax
    _d = setup_inputs()
    print(jax.jit(kernel)(*tuple(_d.values())))

</pallas_src>

<mosaic_0001>
#map = affine_map<(d0, d1) -> (0, 0)>
#map1 = affine_map<(d0, d1) -> (0)>
module attributes {stable_mosaic.version = 14 : i64} {
  func.func @new_body(%arg0: i32, %arg1: i32, %arg2: memref<1000000x64xf32, #tpu.memory_space<hbm>>, %arg3: memref<1000000x64xf32, #tpu.memory_space<hbm>>, %arg4: memref<16384xi32, #tpu.memory_space<hbm>>, %arg5: memref<65536xi32, #tpu.memory_space<hbm>>, %arg6: memref<512x128xf32, #tpu.memory_space<hbm>>, %arg7: memref<1000000x64xf32, #tpu.memory_space<hbm>>, %arg8: memref<512xi32, #tpu.memory_space<vmem>>, %arg9: memref<2048xi32, #tpu.memory_space<vmem>>, %arg10: memref<16x128xf32, #tpu.memory_space<vmem>>, %arg11: memref<512x64xf32, #tpu.memory_space<vmem>>, %arg12: memref<!tpu.dma_semaphore, #tpu.memory_space<semaphore_mem>>) attributes {dimension_semantics = [#tpu.dimension_semantics<core_parallel>, #tpu.dimension_semantics<subcore_parallel>], iteration_bounds = array<i64: 2, 16>, scalar_prefetch = 0 : i64, scratch_operands = 5 : i64, tpu.core_type = #tpu.core_type<sc_vector_subcore>, window_params = [{transform_indices = #map}, {transform_indices = #map}, {transform_indices = #map1}, {transform_indices = #map1}, {transform_indices = #map}, {transform_indices = #map}]} {
    %mul3A = arith.constant 2 : i32
    %mul3A_0 = arith.muli %arg1, %mul3A : i32
    %add3A = arith.addi %mul3A_0, %arg0 : i32
    %mul3A_1 = arith.constant 512 : i32
    %mul3A_2 = arith.muli %add3A, %mul3A_1 : i32
    %mul3A_3 = arith.constant 2048 : i32
    %mul3A_4 = arith.muli %add3A, %mul3A_3 : i32
    "tpu.region"() ({
      %run_scoped3A = tpu.sem_alloc : memref<!tpu.dma_semaphore, #tpu.memory_space<semaphore_mem>>
      %dma_start3A = tpu.memref_slice %arg4[%mul3A_2] : memref<16384xi32, #tpu.memory_space<hbm>> -> memref<512xi32, #tpu.memory_space<hbm>>
      %dma_start3A_1552 = tpu.memref_slice %arg4[%mul3A_2] : memref<16384xi32, #tpu.memory_space<hbm>> -> memref<512xi32, #tpu.memory_space<hbm>>
      tpu.enqueue_dma source(%dma_start3A_1552 : memref<512xi32, #tpu.memory_space<hbm>>) target(%arg8 : memref<512xi32, #tpu.memory_space<vmem>>) target_semaphore(%run_scoped3A : memref<!tpu.dma_semaphore, #tpu.memory_space<semaphore_mem>>)
      %dma_wait3A = tpu.memref_slice %arg4[%mul3A_2] : memref<16384xi32, #tpu.memory_space<hbm>> -> memref<512xi32, #tpu.memory_space<hbm>>
      %dma_wait3A_1553 = tpu.memref_slice %arg4[%mul3A_2] : memref<16384xi32, #tpu.memory_space<hbm>> -> memref<512xi32, #tpu.memory_space<hbm>>
      tpu.wait_dma2 semaphore(%run_scoped3A : memref<!tpu.dma_semaphore, #tpu.memory_space<semaphore_mem>>) src(%dma_wait3A_1553 : memref<512xi32, #tpu.memory_space<hbm>>) dst(%arg8 : memref<512xi32, #tpu.memory_space<vmem>>)
      tpu.yield
    }) : () -> ()
    "tpu.region"() ({
      %run_scoped3A = tpu.sem_alloc : memref<!tpu.dma_semaphore, #tpu.memory_space<semaphore_mem>>
      %dma_start3A = tpu.memref_slice %arg5[%mul3A_4] : memref<65536xi32, #tpu.memory_space<hbm>> -> memref<2048xi32, #tpu.memory_space<hbm>>
      %dma_start3A_1552 = tpu.memref_slice %arg5[%mul3A_4] : memref<65536xi32, #tpu.memory_space<hbm>> -> memref<2048xi32, #tpu.memory_space<hbm>>
      tpu.enqueue_dma source(%dma_start3A_1552 : memref<2048xi32, #tpu.memory_space<hbm>>) target(%arg9 : memref<2048xi32, #tpu.memory_space<vmem>>) target_semaphore(%run_scoped3A : memref<!tpu.dma_semaphore, #tpu.memory_space<semaphore_mem>>)
      %dma_wait3A = tpu.memref_slice %arg5[%mul3A_4] : memref<65536xi32, #tpu.memory_space<hbm>> -> memref<2048xi32, #tpu.memory_space<hbm>>
      %dma_wait3A_1553 = tpu.memref_slice %arg5[%mul3A_4] : memref<65536xi32, #tpu.memory_space<hbm>> -> memref<2048xi32, #tpu.memory_space<hbm>>
      tpu.wait_dma2 semaphore(%run_scoped3A : memref<!tpu.dma_semaphore, #tpu.memory_space<semaphore_mem>>) src(%dma_wait3A_1553 : memref<2048xi32, #tpu.memory_space<hbm>>) dst(%arg9 : memref<2048xi32, #tpu.memory_space<vmem>>)
      tpu.yield
    }) : () -> ()
    %mul3A_5 = arith.constant 16 : i32
    %mul3A_6 = arith.muli %add3A, %mul3A_5 : i32
    "tpu.region"() ({
      %run_scoped3A = tpu.sem_alloc : memref<!tpu.dma_semaphore, #tpu.memory_space<semaphore_mem>>
      %dma_start3A = arith.constant 0 : i32
      %dma_start3A_1552 = tpu.memref_slice %arg6[%mul3A_6, %dma_start3A] : memref<512x128xf32, #tpu.memory_space<hbm>> -> memref<16x128xf32, #tpu.memory_space<hbm>>
      %dma_start3A_1553 = arith.constant 0 : i32
      %dma_start3A_1554 = tpu.memref_slice %arg6[%mul3A_6, %dma_start3A_1553] : memref<512x128xf32, #tpu.memory_space<hbm>> -> memref<16x128xf32, #tpu.memory_space<hbm>>
      tpu.enqueue_dma source(%dma_start3A_1554 : memref<16x128xf32, #tpu.memory_space<hbm>>) target(%arg10 : memref<16x128xf32, #tpu.memory_space<vmem>>) target_semaphore(%run_scoped3A : memref<!tpu.dma_semaphore, #tpu.memory_space<semaphore_mem>>)
      %dma_wait3A = arith.constant 0 : i32
      %dma_wait3A_1555 = tpu.memref_slice %arg6[%mul3A_6, %dma_wait3A] : memref<512x128xf32, #tpu.memory_space<hbm>> -> memref<16x128xf32, #tpu.memory_space<hbm>>
      %dma_wait3A_1556 = arith.constant 0 : i32
      %dma_wait3A_1557 = tpu.memref_slice %arg6[%mul3A_6, %dma_wait3A_1556] : memref<512x128xf32, #tpu.memory_space<hbm>> -> memref<16x128xf32, #tpu.memory_space<hbm>>
      tpu.wait_dma2 semaphore(%run_scoped3A : memref<!tpu.dma_semaphore, #tpu.memory_space<semaphore_mem>>) src(%dma_wait3A_1557 : memref<16x128xf32, #tpu.memory_space<hbm>>) dst(%arg10 : memref<16x128xf32, #tpu.memory_space<vmem>>)
      tpu.yield
    }) : () -> ()
    %scan3A = arith.constant 0 : i32
    %scan3A_7 = arith.constant 0 : i32
    %scan3A_8 = arith.constant 32 : i32
    %scan3A_9 = arith.addi %scan3A_7, %scan3A_8 : i32
    %scan3A_10 = arith.constant 1 : i32
    scf.for %scan3A_1552 = %scan3A_7 to %scan3A_9 step %scan3A_10  : i32 {
      %mul3A_1553 = arith.constant 16 : i32
      %mul3A_1554 = arith.muli %scan3A_1552, %mul3A_1553 : i32
      %get3A_1555 = arith.index_cast %mul3A_1554 : i32 to index
      %get3A_1556 = tpu.vector_load %arg8[%get3A_1555] {strides = array<i32>} : memref<512xi32, #tpu.memory_space<vmem>>, vector<16xi32>,
      %mul3A_1557 = arith.constant 16 : i32
      %mul3A_1558 = arith.muli %scan3A_1552, %mul3A_1557 : i32
      %add3A_1559 = arith.constant 0 : i32
      %add3A_1560 = arith.addi %mul3A_1558, %add3A_1559 : i32
      %slice3A = vector.extract_strided_slice %get3A_1556 {offsets = [0], sizes = [1], strides = [1]} : vector<16xi32> to vector<1xi32>
      %squeeze3A = vector.extract %slice3A[0] : i32 from vector<1xi32>
      %dma_start3A = arith.constant 0 : i32
      %dma_start3A_1561 = tpu.memref_slice %arg11[%add3A_1560, %dma_start3A] : memref<512x64xf32, #tpu.memory_space<vmem>> -> memref<1x64xf32, #tpu.memory_space<vmem>>
      %dma_start3A_1562 = tpu.memref_squeeze %dma_start3A_1561 : memref<1x64xf32, #tpu.memory_space<vmem>> -> memref<64xf32, #tpu.memory_space<vmem>>
      %dma_start3A_1563 = arith.constant 0 : i32
      %dma_start3A_1564 = tpu.memref_slice %arg3[%squeeze3A, %dma_start3A_1563] : memref<1000000x64xf32, #tpu.memory_space<hbm>> -> memref<1x64xf32, #tpu.memory_space<hbm>>
      %dma_start3A_1565 = tpu.memref_squeeze %dma_start3A_1564 : memref<1x64xf32, #tpu.memory_space<hbm>> -> memref<64xf32, #tpu.memory_space<hbm>>
      %dma_start3A_1566 = arith.constant 0 : i32
      %dma_start3A_1567 = tpu.memref_slice %arg11[%add3A_1560, %dma_start3A_1566] : memref<512x64xf32, #tpu.memory_space<vmem>> -> memref<1x64xf32, #tpu.memory_space<vmem>>
      %dma_start3A_1568 = tpu.memref_squeeze %dma_start3A_1567 : memref<1x64xf32, #tpu.memory_space<vmem>> -> memref<64xf32, #tpu.memory_space<vmem>>
      %dma_start3A_1569 = arith.constant 0 : i32
      %dma_start3A_1570 = tpu.memref_slice %arg3[%squeeze3A, %dma_start3A_1569] : memref<1000000x64xf32, #tpu.memory_space<hbm>> -> memref<1x64xf32, #tpu.memory_space<hbm>>
      %dma_start3A_1571 = tpu.memref_squeeze %dma_start3A_1570 : memref<1x64xf32, #tpu.memory_space<hbm>> -> memref<64xf32, #tpu.memory_space<hbm>>
      tpu.enqueue_dma source(%dma_start3A_1571 : memref<64xf32, #tpu.memory_space<hbm>>) target(%dma_start3A_1568 : memref<64xf32, #tpu.memory_space<vmem>>) target_semaphore(%arg12 : memref<!tpu.dma_semaphore, #tpu.memory_space<semaphore_mem>>)
      %mul3A_1572 = arith.constant 16 : i32
      %mul3A_1573 = arith.muli %scan3A_1552, %mul3A_1572 : i32
      %add3A_1574 = arith.constant 1 : i32
      %add3A_1575 = arith.addi %mul3A_1573, %add3A_1574 : i32
      %slice3A_1576 = vector.extract_strided_slice %get3A_1556 {offsets = [1], sizes = [1], strides = [1]} : vector<16xi32> to vector<1xi32>
      %squeeze3A_1577 = vector.extract %slice3A_1576[0] : i32 from vector<1xi32>
      %dma_start3A_1578 = arith.constant 0 : i32
      %dma_start3A_1579 = tpu.memref_slice %arg11[%add3A_1575, %dma_start3A_1578] : memref<512x64xf32, #tpu.memory_space<vmem>> -> memref<1x64xf32, #tpu.memory_space<vmem>>
      %dma_start3A_1580 = tpu.memref_squeeze %dma_start3A_1579 : memref<1x64xf32, #tpu.memory_space<vmem>> -> memref<64xf32, #tpu.memory_space<vmem>>
      %dma_start3A_1581 = arith.constant 0 : i32
      %dma_start3A_1582 = tpu.memref_slice %arg3[%squeeze3A_1577, %dma_start3A_1581] : memref<1000000x64xf32, #tpu.memory_space<hbm>> -> memref<1x64xf32, #tpu.memory_space<hbm>>
      %dma_start3A_1583 = tpu.memref_squeeze %dma_start3A_1582 : memref<1x64xf32, #tpu.memory_space<hbm>> -> memref<64xf32, #tpu.memory_space<hbm>>
      %dma_start3A_1584 = arith.constant 0 : i32
      %dma_start3A_1585 = tpu.memref_slice %arg11[%add3A_1575, %dma_start3A_1584] : memref<512x64xf32, #tpu.memory_space<vmem>> -> memref<1x64xf32, #tpu.memory_space<vmem>>
      %dma_start3A_1586 = tpu.memref_squeeze %dma_start3A_1585 : memref<1x64xf32, #tpu.memory_space<vmem>> -> memref<64xf32, #tpu.memory_space<vmem>>
      %dma_start3A_1587 = arith.constant 0 : i32
      %dma_start3A_1588 = tpu.memref_slice %arg3[%squeeze3A_1577, %dma_start3A_1587] : memref<1000000x64xf32, #tpu.memory_space<hbm>> -> memref<1x64xf32, #tpu.memory_space<hbm>>
      %dma_start3A_1589 = tpu.memref_squeeze %dma_start3A_1588 : memref<1x64xf32, #tpu.memory_space<hbm>> -> memref<64xf32, #tpu.memory_space<hbm>>
      tpu.enqueue_dma source(%dma_start3A_1589 : memref<64xf32, #tpu.memory_space<hbm>>) target(%dma_start3A_1586 : memref<64xf32, #tpu.memory_space<vmem>>) target_semaphore(%arg12 : memref<!tpu.dma_semaphore, #tpu.memory_space<semaphore_mem>>)
      %mul3A_1590 = arith.constant 16 : i32
      %mul3A_1591 = arith.muli %scan3A_1552, %mul3A_1590 : i32
      %add3A_1592 = arith.constant 2 : i32
      %add3A_1593 = arith.addi %mul3A_1591, %add3A_1592 : i32
      %slice3A_1594 = vector.extract_strided_slice %get3A_1556 {offsets = [2], sizes = [1], strides = [1]} : vector<16xi32> to vector<1xi32>
      %squeeze3A_1595 = vector.extract %slice3A_1594[0] : i32 from vector<1xi32>
      %dma_start3A_1596 = arith.constant 0 : i32
      %dma_start3A_1597 = tpu.memref_slice %arg11[%add3A_1593, %dma_start3A_1596] : memref<512x64xf32, #tpu.memory_space<vmem>> -> memref<1x64xf32, #tpu.memory_space<vmem>>
      %dma_start3A_1598 = tpu.memref_squeeze %dma_start3A_1597 : memref<1x64xf32, #tpu.memory_space<vmem>> -> memref<64xf32, #tpu.memory_space<vmem>>
      %dma_start3A_1599 = arith.constant 0 : i32
      %dma_start3A_1600 = tpu.memref_slice %arg3[%squeeze3A_1595, %dma_start3A_1599] : memref<1000000x64xf32, #tpu.memory_space<hbm>> -> memref<1x64xf32, #tpu.memory_space<hbm>>
      %dma_start3A_1601 = tpu.memref_squeeze %dma_start3A_1600 : memref<1x64xf32, #tpu.memory_space<hbm>> -> memref<64xf32, #tpu.memory_space<hbm>>
      %dma_start3A_1602 = arith.constant 0 : i32
      %dma_start3A_1603 = tpu.memref_slice %arg11[%add3A_1593, %dma_start3A_1602] : memref<512x64xf32, #tpu.memory_space<vmem>> -> memref<1x64xf32, #tpu.memory_space<vmem>>
      %dma_start3A_1604 = tpu.memref_squeeze %dma_start3A_1603 : memref<1x64xf32, #tpu.memory_space<vmem>> -> memref<64xf32, #tpu.memory_space<vmem>>
      %dma_start3A_1605 = arith.constant 0 : i32
      %dma_start3A_1606 = tpu.memref_slice %arg3[%squeeze3A_1595, %dma_start3A_1605] : memref<1000000x64xf32, #tpu.memory_space<hbm>> -> memref<1x64xf32, #tpu.memory_space<hbm>>
      %dma_start3A_1607 = tpu.memref_squeeze %dma_start3A_1606 : memref<1x64xf32, #tpu.memory_space<hbm>> -> memref<64xf32, #tpu.memory_space<hbm>>
      tpu.enqueue_dma source(%dma_start3A_1607 : memref<64xf32, #tpu.memory_space<hbm>>) target(%dma_start3A_1604 : memref<64xf32, #tpu.memory_space<vmem>>) target_semaphore(%arg12 : memref<!tpu.dma_semaphore, #tpu.memory_space<semaphore_mem>>)
      %mul3A_1608 = arith.constant 16 : i32
      %mul3A_1609 = arith.muli %scan3A_1552, %mul3A_1608 : i32
      %add3A_1610 = arith.constant 3 : i32
      %add3A_1611 = arith.addi %mul3A_1609, %add3A_1610 : i32
      %slice3A_1612 = vector.extract_strided_slice %get3A_1556 {offsets = [3], sizes = [1], strides = [1]} : vector<16xi32> to vector<1xi32>
      %squeeze3A_1613 = vector.extract %slice3A_1612[0] : i32 from vector<1xi32>
      %dma_start3A_1614 = arith.constant 0 : i32
      %dma_start3A_1615 = tpu.memref_slice %arg11[%add3A_1611, %dma_start3A_1614] : memref<512x64xf32, #tpu.memory_space<vmem>> -> memref<1x64xf32, #tpu.memory_space<vmem>>
      %dma_start3A_1616 = tpu.memref_squeeze %dma_start3A_1615 : memref<1x64xf32, #tpu.memory_space<vmem>> -> memref<64xf32, #tpu.memory_space<vmem>>
      %dma_start3A_1617 = arith.constant 0 : i32
      %dma_start3A_1618 = tpu.memref_slice %arg3[%squeeze3A_1613, %dma_start3A_1617] : memref<1000000x64xf32, #tpu.memory_space<hbm>> -> memref<1x64xf32, #tpu.memory_space<hbm>>
      %dma_start3A_1619 = tpu.memref_squeeze %dma_start3A_1618 : memref<1x64xf32, #tpu.memory_space<hbm>> -> memref<64xf32, #tpu.memory_space<hbm>>
      %dma_start3A_1620 = arith.constant 0 : i32
      %dma_start3A_1621 = tpu.memref_slice %arg11[%add3A_1611, %dma_start3A_1620] : memref<512x64xf32, #tpu.memory_space<vmem>> -> memref<1x64xf32, #tpu.memory_space<vmem>>
      %dma_start3A_1622 = tpu.memref_squeeze %dma_start3A_1621 : memref<1x64xf32, #tpu.memory_space<vmem>> -> memref<64xf32, #tpu.memory_space<vmem>>
      %dma_start3A_1623 = arith.constant 0 : i32
      %dma_start3A_1624 = tpu.memref_slice %arg3[%squeeze3A_1613, %dma_start3A_1623] : memref<1000000x64xf32, #tpu.memory_space<hbm>> -> memref<1x64xf32, #tpu.memory_space<hbm>>
      %dma_start3A_1625 = tpu.memref_squeeze %dma_start3A_1624 : memref<1x64xf32, #tpu.memory_space<hbm>> -> memref<64xf32, #tpu.memory_space<hbm>>
      tpu.enqueue_dma source(%dma_start3A_1625 : memref<64xf32, #tpu.memory_space<hbm>>) target(%dma_start3A_1622 : memref<64xf32, #tpu.memory_space<vmem>>) target_semaphore(%arg12 : memref<!tpu.dma_semaphore, #tpu.memory_space<semaphore_mem>>)
      %mul3A_1626 = arith.constant 16 : i32
      %mul3A_1627 = arith.muli %scan3A_1552, %mul3A_1626 : i32
      %add3A_1628 = arith.constant 4 : i32
      %add3A_1629 = arith.addi %mul3A_1627, %add3A_1628 : i32
      %slice3A_1630 = vector.extract_strided_slice %get3A_1556 {offsets = [4], sizes = [1], strides = [1]} : vector<16xi32> to vector<1xi32>
      %squeeze3A_1631 = vector.extract %slice3A_1630[0] : i32 from vector<1xi32>
      %dma_start3A_1632 = arith.constant 0 : i32
      %dma_start3A_1633 = tpu.memref_slice %arg11[%add3A_1629, %dma_start3A_1632] : memref<512x64xf32, #tpu.memory_space<vmem>> -> memref<1x64xf32, #tpu.memory_space<vmem>>
      %dma_start3A_1634 = tpu.memref_squeeze %dma_start3A_1633 : memref<1x64xf32, #tpu.memory_space<vmem>> -> memref<64xf32, #tpu.memory_space<vmem>>
      %dma_start3A_1635 = arith.constant 0 : i32
      %dma_start3A_1636 = tpu.memref_slice %arg3[%squeeze3A_1631, %dma_start3A_1635] : memref<1000000x64xf32, #tpu.memory_space<hbm>> -> memref<1x64xf32, #tpu.memory_space<hbm>>
      %dma_start3A_1637 = tpu.memref_squeeze %dma_start3A_1636 : memref<1x64xf32, #tpu.memory_space<hbm>> -> memref<64xf32, #tpu.memory_space<hbm>>
      %dma_start3A_1638 = arith.constant 0 : i32
      %dma_start3A_1639 = tpu.memref_slice %arg11[%add3A_1629, %dma_start3A_1638] : memref<512x64xf32, #tpu.memory_space<vmem>> -> memref<1x64xf32, #tpu.memory_space<vmem>>
      %dma_start3A_1640 = tpu.memref_squeeze %dma_start3A_1639 : memref<1x64xf32, #tpu.memory_space<vmem>> -> memref<64xf32, #tpu.memory_space<vmem>>
      %dma_start3A_1641 = arith.constant 0 : i32
      %dma_start3A_1642 = tpu.memref_slice %arg3[%squeeze3A_1631, %dma_start3A_1641] : memref<1000000x64xf32, #tpu.memory_space<hbm>> -> memref<1x64xf32, #tpu.memory_space<hbm>>
      %dma_start3A_1643 = tpu.memref_squeeze %dma_start3A_1642 : memref<1x64xf32, #tpu.memory_space<hbm>> -> memref<64xf32, #tpu.memory_space<hbm>>
      tpu.enqueue_dma source(%dma_start3A_1643 : memref<64xf32, #tpu.memory_space<hbm>>) target(%dma_start3A_1640 : memref<64xf32, #tpu.memory_space<vmem>>) target_semaphore(%arg12 : memref<!tpu.dma_semaphore, #tpu.memory_space<semaphore_mem>>)
      %mul3A_1644 = arith.constant 16 : i32
      %mul3A_1645 = arith.muli %scan3A_1552, %mul3A_1644 : i32
      %add3A_1646 = arith.constant 5 : i32
      %add3A_1647 = arith.addi %mul3A_1645, %add3A_1646 : i32
      %slice3A_1648 = vector.extract_strided_slice %get3A_1556 {offsets = [5], sizes = [1], strides = [1]} : vector<16xi32> to vector<1xi32>
      %squeeze3A_1649 = vector.extract %slice3A_1648[0] : i32 from vector<1xi32>
      %dma_start3A_1650 = arith.constant 0 : i32
      %dma_start3A_1651 = tpu.memref_slice %arg11[%add3A_1647, %dma_start3A_1650] : memref<512x64xf32, #tpu.memory_space<vmem>> -> memref<1x64xf32, #tpu.memory_space<vmem>>
      %dma_start3A_1652 = tpu.memref_squeeze %dma_start3A_1651 : memref<1x64xf32, #tpu.memory_space<vmem>> -> memref<64xf32, #tpu.memory_space<vmem>>
      %dma_start3A_1653 = arith.constant 0 : i32
      %dma_start3A_1654 = tpu.memref_slice %arg3[%squeeze3A_1649, %dma_start3A_1653] : memref<1000000x64xf32, #tpu.memory_space<hbm>> -> memref<1x64xf32, #tpu.memory_space<hbm>>
      %dma_start3A_1655 = tpu.memref_squeeze %dma_start3A_1654 : memref<1x64xf32, #tpu.memory_space<hbm>> -> memref<64xf32, #tpu.memory_space<hbm>>
      %dma_start3A_1656 = arith.constant 0 : i32
      %dma_start3A_1657 = tpu.memref_slice %arg11[%add3A_1647, %dma_start3A_1656] : memref<512x64xf32, #tpu.memory_space<vmem>> -> memref<1x64xf32, #tpu.memory_space<vmem>>
      %dma_start3A_1658 = tpu.memref_squeeze %dma_start3A_1657 : memref<1x64xf32, #tpu.memory_space<vmem>> -> memref<64xf32, #tpu.memory_space<vmem>>
      %dma_start3A_1659 = arith.constant 0 : i32
      %dma_start3A_1660 = tpu.memref_slice %arg3[%squeeze3A_1649, %dma_start3A_1659] : memref<1000000x64xf32, #tpu.memory_space<hbm>> -> memref<1x64xf32, #tpu.memory_space<hbm>>
      %dma_start3A_1661 = tpu.memref_squeeze %dma_start3A_1660 : memref<1x64xf32, #tpu.memory_space<hbm>> -> memref<64xf32, #tpu.memory_space<hbm>>
      tpu.enqueue_dma source(%dma_start3A_1661 : memref<64xf32, #tpu.memory_space<hbm>>) target(%dma_start3A_1658 : memref<64xf32, #tpu.memory_space<vmem>>) target_semaphore(%arg12 : memref<!tpu.dma_semaphore, #tpu.memory_space<semaphore_mem>>)
      %mul3A_1662 = arith.constant 16 : i32
      %mul3A_1663 = arith.muli %scan3A_1552, %mul3A_1662 : i32
      %add3A_1664 = arith.constant 6 : i32
      %add3A_1665 = arith.addi %mul3A_1663, %add3A_1664 : i32
      %slice3A_1666 = vector.extract_strided_slice %get3A_1556 {offsets = [6], sizes = [1], strides = [1]} : vector<16xi32> to vector<1xi32>
      %squeeze3A_1667 = vector.extract %slice3A_1666[0] : i32 from vector<1xi32>
      %dma_start3A_1668 = arith.constant 0 : i32
      %dma_start3A_1669 = tpu.memref_slice %arg11[%add3A_1665, %dma_start3A_1668] : memref<512x64xf32, #tpu.memory_space<vmem>> -> memref<1x64xf32, #tpu.memory_space<vmem>>
      %dma_start3A_1670 = tpu.memref_squeeze %dma_start3A_1669 : memref<1x64xf32, #tpu.memory_space<vmem>> -> memref<64xf32, #tpu.memory_space<vmem>>
      %dma_start3A_1671 = arith.constant 0 : i32
      %dma_start3A_1672 = tpu.memref_slice %arg3[%squeeze3A_1667, %dma_start3A_1671] : memref<1000000x64xf32, #tpu.memory_space<hbm>> -> memref<1x64xf32, #tpu.memory_space<hbm>>
      %dma_start3A_1673 = tpu.memref_squeeze %dma_start3A_1672 : memref<1x64xf32, #tpu.memory_space<hbm>> -> memref<64xf32, #tpu.memory_space<hbm>>
      %dma_start3A_1674 = arith.constant 0 : i32
      %dma_start3A_1675 = tpu.memref_slice %arg11[%add3A_1665, %dma_start3A_1674] : memref<512x64xf32, #tpu.memory_space<vmem>> -> memref<1x64xf32, #tpu.memory_space<vmem>>
      %dma_start3A_1676 = tpu.memref_squeeze %dma_start3A_1675 : memref<1x64xf32, #tpu.memory_space<vmem>> -> memref<64xf32, #tpu.memory_space<vmem>>
      %dma_start3A_1677 = arith.constant 0 : i32
      %dma_start3A_1678 = tpu.memref_slice %arg3[%squeeze3A_1667, %dma_start3A_1677] : memref<1000000x64xf32, #tpu.memory_space<hbm>> -> memref<1x64xf32, #tpu.memory_space<hbm>>
      %dma_start3A_1679 = tpu.memref_squeeze %dma_start3A_1678 : memref<1x64xf32, #tpu.memory_space<hbm>> -> memref<64xf32, #tpu.memory_space<hbm>>
      tpu.enqueue_dma source(%dma_start3A_1679 : memref<64xf32, #tpu.memory_space<hbm>>) target(%dma_start3A_1676 : memref<64xf32, #tpu.memory_space<vmem>>) target_semaphore(%arg12 : memref<!tpu.dma_semaphore, #tpu.memory_space<semaphore_mem>>)
      %mul3A_1680 = arith.constant 16 : i32
      %mul3A_1681 = arith.muli %scan3A_1552, %mul3A_1680 : i32
      %add3A_1682 = arith.constant 7 : i32
      %add3A_1683 = arith.addi %mul3A_1681, %add3A_1682 : i32
      %slice3A_1684 = vector.extract_strided_slice %get3A_1556 {offsets = [7], sizes = [1], strides = [1]} : vector<16xi32> to vector<1xi32>
      %squeeze3A_1685 = vector.extract %slice3A_1684[0] : i32 from vector<1xi32>
      %dma_start3A_1686 = arith.constant 0 : i32
      %dma_start3A_1687 = tpu.memref_slice %arg11[%add3A_1683, %dma_start3A_1686] : memref<512x64xf32, #tpu.memory_space<vmem>> -> memref<1x64xf32, #tpu.memory_space<vmem>>
      %dma_start3A_1688 = tpu.memref_squeeze %dma_start3A_1687 : memref<1x64xf32, #tpu.memory_space<vmem>> -> memref<64xf32, #tpu.memory_space<vmem>>
      %dma_start3A_1689 = arith.constant 0 : i32
      %dma_start3A_1690 = tpu.memref_slice %arg3[%squeeze3A_1685, %dma_start3A_1689] : memref<1000000x64xf32, #tpu.memory_space<hbm>> -> memref<1x64xf32, #tpu.memory_space<hbm>>
      %dma_start3A_1691 = tpu.memref_squeeze %dma_start3A_1690 : memref<1x64xf32, #tpu.memory_space<hbm>> -> memref<64xf32, #tpu.memory_space<hbm>>
      %dma_start3A_1692 = arith.constant 0 : i32
      %dma_start3A_1693 = tpu.memref_slice %arg11[%add3A_1683, %dma_start3A_1692] : memref<512x64xf32, #tpu.memory_space<vmem>> -> memref<1x64xf32, #tpu.memory_space<vmem>>
      %dma_start3A_1694 = tpu.memref_squeeze %dma_start3A_1693 : memref<1x64xf32, #tpu.memory_space<vmem>> -> memref<64xf32, #tpu.memory_space<vmem>>
      %dma_start3A_1695 = arith.constant 0 : i32
      %dma_start3A_1696 = tpu.memref_slice %arg3[%squeeze3A_1685, %dma_start3A_1695] : memref<1000000x64xf32, #tpu.memory_space<hbm>> -> memref<1x64xf32, #tpu.memory_space<hbm>>
      %dma_start3A_1697 = tpu.memref_squeeze %dma_start3A_1696 : memref<1x64xf32, #tpu.memory_space<hbm>> -> memref<64xf32, #tpu.memory_space<hbm>>
      tpu.enqueue_dma source(%dma_start3A_1697 : memref<64xf32, #tpu.memory_space<hbm>>) target(%dma_start3A_1694 : memref<64xf32, #tpu.memory_space<vmem>>) target_semaphore(%arg12 : memref<!tpu.dma_semaphore, #tpu.memory_space<semaphore_mem>>)
      %mul3A_1698 = arith.constant 16 : i32
      %mul3A_1699 = arith.muli %scan3A_1552, %mul3A_1698 : i32
      %add3A_1700 = arith.constant 8 : i32
      %add3A_1701 = arith.addi %mul3A_1699, %add3A_1700 : i32
      %slice3A_1702 = vector.extract_strided_slice %get3A_1556 {offsets = [8], sizes = [1], strides = [1]} : vector<16xi32> to vector<1xi32>
      %squeeze3A_1703 = vector.extract %slice3A_1702[0] : i32 from vector<1xi32>
      %dma_start3A_1704 = arith.constant 0 : i32
      %dma_start3A_1705 = tpu.memref_slice %arg11[%add3A_1701, %dma_start3A_1704] : memref<512x64xf32, #tpu.memory_space<vmem>> -> memref<1x64xf32, #tpu.memory_space<vmem>>
      %dma_start3A_1706 = tpu.memref_squeeze %dma_start3A_1705 : memref<1x64xf32, #tpu.memory_space<vmem>> -> memref<64xf32, #tpu.memory_space<vmem>>
      %dma_start3A_1707 = arith.constant 0 : i32
      %dma_start3A_1708 = tpu.memref_slice %arg3[%squeeze3A_1703, %dma_start3A_1707] : memref<1000000x64xf32, #tpu.memory_space<hbm>> -> memref<1x64xf32, #tpu.memory_space<hbm>>
      %dma_start3A_1709 = tpu.memref_squeeze %dma_start3A_1708 : memref<1x64xf32, #tpu.memory_space<hbm>> -> memref<64xf32, #tpu.memory_space<hbm>>
      %dma_start3A_1710 = arith.constant 0 : i32
      %dma_start3A_1711 = tpu.memref_slice %arg11[%add3A_1701, %dma_start3A_1710] : memref<512x64xf32, #tpu.memory_space<vmem>> -> memref<1x64xf32, #tpu.memory_space<vmem>>
      %dma_start3A_1712 = tpu.memref_squeeze %dma_start3A_1711 : memref<1x64xf32, #tpu.memory_space<vmem>> -> memref<64xf32, #tpu.memory_space<vmem>>
      %dma_start3A_1713 = arith.constant 0 : i32
      %dma_start3A_1714 = tpu.memref_slice %arg3[%squeeze3A_1703, %dma_start3A_1713] : memref<1000000x64xf32, #tpu.memory_space<hbm>> -> memref<1x64xf32, #tpu.memory_space<hbm>>
      %dma_start3A_1715 = tpu.memref_squeeze %dma_start3A_1714 : memref<1x64xf32, #tpu.memory_space<hbm>> -> memref<64xf32, #tpu.memory_space<hbm>>
      tpu.enqueue_dma source(%dma_start3A_1715 : memref<64xf32, #tpu.memory_space<hbm>>) target(%dma_start3A_1712 : memref<64xf32, #tpu.memory_space<vmem>>) target_semaphore(%arg12 : memref<!tpu.dma_semaphore, #tpu.memory_space<semaphore_mem>>)
      %mul3A_1716 = arith.constant 16 : i32
      %mul3A_1717 = arith.muli %scan3A_1552, %mul3A_1716 : i32
      %add3A_1718 = arith.constant 9 : i32
      %add3A_1719 = arith.addi %mul3A_1717, %add3A_1718 : i32
      %slice3A_1720 = vector.extract_strided_slice %get3A_1556 {offsets = [9], sizes = [1], strides = [1]} : vector<16xi32> to vector<1xi32>
      %squeeze3A_1721 = vector.extract %slice3A_1720[0] : i32 from vector<1xi32>
      %dma_start3A_1722 = arith.constant 0 : i32
      %dma_start3A_1723 = tpu.memref_slice %arg11[%add3A_1719, %dma_start3A_1722] : memref<512x64xf32, #tpu.memory_space<vmem>> -> memref<1x64xf32, #tpu.memory_space<vmem>>
      %dma_start3A_1724 = tpu.memref_squeeze %dma_start3A_1723 : memref<1x64xf32, #tpu.memory_space<vmem>> -> memref<64xf32, #tpu.memory_space<vmem>>
      %dma_start3A_1725 = arith.constant 0 : i32
      %dma_start3A_1726 = tpu.memref_slice %arg3[%squeeze3A_1721, %dma_start3A_1725] : memref<1000000x64xf32, #tpu.memory_space<hbm>> -> memref<1x64xf32, #tpu.memory_space<hbm>>
      %dma_start3A_1727 = tpu.memref_squeeze %dma_start3A_1726 : memref<1x64xf32, #tpu.memory_space<hbm>> -> memref<64xf32, #tpu.memory_space<hbm>>
      %dma_start3A_1728 = arith.constant 0 : i32
      %dma_start3A_1729 = tpu.memref_slice %arg11[%add3A_1719, %dma_start3A_1728] : memref<512x64xf32, #tpu.memory_space<vmem>> -> memref<1x64xf32, #tpu.memory_space<vmem>>
      %dma_start3A_1730 = tpu.memref_squeeze %dma_start3A_1729 : memref<1x64xf32, #tpu.memory_space<vmem>> -> memref<64xf32, #tpu.memory_space<vmem>>
      %dma_start3A_1731 = arith.constant 0 : i32
      %dma_start3A_1732 = tpu.memref_slice %arg3[%squeeze3A_1721, %dma_start3A_1731] : memref<1000000x64xf32, #tpu.memory_space<hbm>> -> memref<1x64xf32, #tpu.memory_space<hbm>>
      %dma_start3A_1733 = tpu.memref_squeeze %dma_start3A_1732 : memref<1x64xf32, #tpu.memory_space<hbm>> -> memref<64xf32, #tpu.memory_space<hbm>>
      tpu.enqueue_dma source(%dma_start3A_1733 : memref<64xf32, #tpu.memory_space<hbm>>) target(%dma_start3A_1730 : memref<64xf32, #tpu.memory_space<vmem>>) target_semaphore(%arg12 : memref<!tpu.dma_semaphore, #tpu.memory_space<semaphore_mem>>)
      %mul3A_1734 = arith.constant 16 : i32
      %mul3A_1735 = arith.muli %scan3A_1552, %mul3A_1734 : i32
      %add3A_1736 = arith.constant 10 : i32
      %add3A_1737 = arith.addi %mul3A_1735, %add3A_1736 : i32
      %slice3A_1738 = vector.extract_strided_slice %get3A_1556 {offsets = [10], sizes = [1], strides = [1]} : vector<16xi32> to vector<1xi32>
      %squeeze3A_1739 = vector.extract %slice3A_1738[0] : i32 from vector<1xi32>
      %dma_start3A_1740 = arith.constant 0 : i32
      %dma_start3A_1741 = tpu.memref_slice %arg11[%add3A_1737, %dma_start3A_1740] : memref<512x64xf32, #tpu.memory_space<vmem>> -> memref<1x64xf32, #tpu.memory_space<vmem>>
      %dma_start3A_1742 = tpu.memref_squeeze %dma_start3A_1741 : memref<1x64xf32, #tpu.memory_space<vmem>> -> memref<64xf32, #tpu.memory_space<vmem>>
      %dma_start3A_1743 = arith.constant 0 : i32
      %dma_start3A_1744 = tpu.memref_slice %arg3[%squeeze3A_1739, %dma_start3A_1743] : memref<1000000x64xf32, #tpu.memory_space<hbm>> -> memref<1x64xf32, #tpu.memory_space<hbm>>
      %dma_start3A_1745 = tpu.memref_squeeze %dma_start3A_1744 : memref<1x64xf32, #tpu.memory_space<hbm>> -> memref<64xf32, #tpu.memory_space<hbm>>
      %dma_start3A_1746 = arith.constant 0 : i32
      %dma_start3A_1747 = tpu.memref_slice %arg11[%add3A_1737, %dma_start3A_1746] : memref<512x64xf32, #tpu.memory_space<vmem>> -> memref<1x64xf32, #tpu.memory_space<vmem>>
      %dma_start3A_1748 = tpu.memref_squeeze %dma_start3A_1747 : memref<1x64xf32, #tpu.memory_space<vmem>> -> memref<64xf32, #tpu.memory_space<vmem>>
      %dma_start3A_1749 = arith.constant 0 : i32
      %dma_start3A_1750 = tpu.memref_slice %arg3[%squeeze3A_1739, %dma_start3A_1749] : memref<1000000x64xf32, #tpu.memory_space<hbm>> -> memref<1x64xf32, #tpu.memory_space<hbm>>
      %dma_start3A_1751 = tpu.memref_squeeze %dma_start3A_1750 : memref<1x64xf32, #tpu.memory_space<hbm>> -> memref<64xf32, #tpu.memory_space<hbm>>
      tpu.enqueue_dma source(%dma_start3A_1751 : memref<64xf32, #tpu.memory_space<hbm>>) target(%dma_start3A_1748 : memref<64xf32, #tpu.memory_space<vmem>>) target_semaphore(%arg12 : memref<!tpu.dma_semaphore, #tpu.memory_space<semaphore_mem>>)
      %mul3A_1752 = arith.constant 16 : i32
      %mul3A_1753 = arith.muli %scan3A_1552, %mul3A_1752 : i32
      %add3A_1754 = arith.constant 11 : i32
      %add3A_1755 = arith.addi %mul3A_1753, %add3A_1754 : i32
      %slice3A_1756 = vector.extract_strided_slice %get3A_1556 {offsets = [11], sizes = [1], strides = [1]} : vector<16xi32> to vector<1xi32>
      %squeeze3A_1757 = vector.extract %slice3A_1756[0] : i32 from vector<1xi32>
      %dma_start3A_1758 = arith.constant 0 : i32
      %dma_start3A_1759 = tpu.memref_slice %arg11[%add3A_1755, %dma_start3A_1758] : memref<512x64xf32, #tpu.memory_space<vmem>> -> memref<1x64xf32, #tpu.memory_space<vmem>>
      %dma_start3A_1760 = tpu.memref_squeeze %dma_start3A_1759 : memref<1x64xf32, #tpu.memory_space<vmem>> -> memref<64xf32, #tpu.memory_space<vmem>>
      %dma_start3A_1761 = arith.constant 0 : i32
      %dma_start3A_1762 = tpu.memref_slice %arg3[%squeeze3A_1757, %dma_start3A_1761] : memref<1000000x64xf32, #tpu.memory_space<hbm>> -> memref<1x64xf32, #tpu.memory_space<hbm>>
      %dma_start3A_1763 = tpu.memref_squeeze %dma_start3A_1762 : memref<1x64xf32, #tpu.memory_space<hbm>> -> memref<64xf32, #tpu.memory_space<hbm>>
      %dma_start3A_1764 = arith.constant 0 : i32
      %dma_start3A_1765 = tpu.memref_slice %arg11[%add3A_1755, %dma_start3A_1764] : memref<512x64xf32, #tpu.memory_space<vmem>> -> memref<1x64xf32, #tpu.memory_space<vmem>>
      %dma_start3A_1766 = tpu.memref_squeeze %dma_start3A_1765 : memref<1x64xf32, #tpu.memory_space<vmem>> -> memref<64xf32, #tpu.memory_space<vmem>>
      %dma_start3A_1767 = arith.constant 0 : i32
      %dma_start3A_1768 = tpu.memref_slice %arg3[%squeeze3A_1757, %dma_start3A_1767] : memref<1000000x64xf32, #tpu.memory_space<hbm>> -> memref<1x64xf32, #tpu.memory_space<hbm>>
      %dma_start3A_1769 = tpu.memref_squeeze %dma_start3A_1768 : memref<1x64xf32, #tpu.memory_space<hbm>> -> memref<64xf32, #tpu.memory_space<hbm>>
      tpu.enqueue_dma source(%dma_start3A_1769 : memref<64xf32, #tpu.memory_space<hbm>>) target(%dma_start3A_1766 : memref<64xf32, #tpu.memory_space<vmem>>) target_semaphore(%arg12 : memref<!tpu.dma_semaphore, #tpu.memory_space<semaphore_mem>>)
      %mul3A_1770 = arith.constant 16 : i32
      %mul3A_1771 = arith.muli %scan3A_1552, %mul3A_1770 : i32
      %add3A_1772 = arith.constant 12 : i32
      %add3A_1773 = arith.addi %mul3A_1771, %add3A_1772 : i32
      %slice3A_1774 = vector.extract_strided_slice %get3A_1556 {offsets = [12], sizes = [1], strides = [1]} : vector<16xi32> to vector<1xi32>
      %squeeze3A_1775 = vector.extract %slice3A_1774[0] : i32 from vector<1xi32>
      %dma_start3A_1776 = arith.constant 0 : i32
      %dma_start3A_1777 = tpu.memref_slice %arg11[%add3A_1773, %dma_start3A_1776] : memref<512x64xf32, #tpu.memory_space<vmem>> -> memref<1x64xf32, #tpu.memory_space<vmem>>
      %dma_start3A_1778 = tpu.memref_squeeze %dma_start3A_1777 : memref<1x64xf32, #tpu.memory_space<vmem>> -> memref<64xf32, #tpu.memory_space<vmem>>
      %dma_start3A_1779 = arith.constant 0 : i32
      %dma_start3A_1780 = tpu.memref_slice %arg3[%squeeze3A_1775, %dma_start3A_1779] : memref<1000000x64xf32, #tpu.memory_space<hbm>> -> memref<1x64xf32, #tpu.memory_space<hbm>>
      %dma_start3A_1781 = tpu.memref_squeeze %dma_start3A_1780 : memref<1x64xf32, #tpu.memory_space<hbm>> -> memref<64xf32, #tpu.memory_space<hbm>>
      %dma_start3A_1782 = arith.constant 0 : i32
      %dma_start3A_1783 = tpu.memref_slice %arg11[%add3A_1773, %dma_start3A_1782] : memref<512x64xf32, #tpu.memory_space<vmem>> -> memref<1x64xf32, #tpu.memory_space<vmem>>
      %dma_start3A_1784 = tpu.memref_squeeze %dma_start3A_1783 : memref<1x64xf32, #tpu.memory_space<vmem>> -> memref<64xf32, #tpu.memory_space<vmem>>
      %dma_start3A_1785 = arith.constant 0 : i32
      %dma_start3A_1786 = tpu.memref_slice %arg3[%squeeze3A_1775, %dma_start3A_1785] : memref<1000000x64xf32, #tpu.memory_space<hbm>> -> memref<1x64xf32, #tpu.memory_space<hbm>>
      %dma_start3A_1787 = tpu.memref_squeeze %dma_start3A_1786 : memref<1x64xf32, #tpu.memory_space<hbm>> -> memref<64xf32, #tpu.memory_space<hbm>>
      tpu.enqueue_dma source(%dma_start3A_1787 : memref<64xf32, #tpu.memory_space<hbm>>) target(%dma_start3A_1784 : memref<64xf32, #tpu.memory_space<vmem>>) target_semaphore(%arg12 : memref<!tpu.dma_semaphore, #tpu.memory_space<semaphore_mem>>)
      %mul3A_1788 = arith.constant 16 : i32
      %mul3A_1789 = arith.muli %scan3A_1552, %mul3A_1788 : i32
      %add3A_1790 = arith.constant 13 : i32
      %add3A_1791 = arith.addi %mul3A_1789, %add3A_1790 : i32
      %slice3A_1792 = vector.extract_strided_slice %get3A_1556 {offsets = [13], sizes = [1], strides = [1]} : vector<16xi32> to vector<1xi32>
      %squeeze3A_1793 = vector.extract %slice3A_1792[0] : i32 from vector<1xi32>
      %dma_start3A_1794 = arith.constant 0 : i32
      %dma_start3A_1795 = tpu.memref_slice %arg11[%add3A_1791, %dma_start3A_1794] : memref<512x64xf32, #tpu.memory_space<vmem>> -> memref<1x64xf32, #tpu.memory_space<vmem>>
      %dma_start3A_1796 = tpu.memref_squeeze %dma_start3A_1795 : memref<1x64xf32, #tpu.memory_space<vmem>> -> memref<64xf32, #tpu.memory_space<vmem>>
      %dma_start3A_1797 = arith.constant 0 : i32
      %dma_start3A_1798 = tpu.memref_slice %arg3[%squeeze3A_1793, %dma_start3A_1797] : memref<1000000x64xf32, #tpu.memory_space<hbm>> -> memref<1x64xf32, #tpu.memory_space<hbm>>
      %dma_start3A_1799 = tpu.memref_squeeze %dma_start3A_1798 : memref<1x64xf32, #tpu.memory_space<hbm>> -> memref<64xf32, #tpu.memory_space<hbm>>
      %dma_start3A_1800 = arith.constant 0 : i32
      %dma_start3A_1801 = tpu.memref_slice %arg11[%add3A_1791, %dma_start3A_1800] : memref<512x64xf32, #tpu.memory_space<vmem>> -> memref<1x64xf32, #tpu.memory_space<vmem>>
      %dma_start3A_1802 = tpu.memref_squeeze %dma_start3A_1801 : memref<1x64xf32, #tpu.memory_space<vmem>> -> memref<64xf32, #tpu.memory_space<vmem>>
      %dma_start3A_1803 = arith.constant 0 : i32
      %dma_start3A_1804 = tpu.memref_slice %arg3[%squeeze3A_1793, %dma_start3A_1803] : memref<1000000x64xf32, #tpu.memory_space<hbm>> -> memref<1x64xf32, #tpu.memory_space<hbm>>
      %dma_start3A_1805 = tpu.memref_squeeze %dma_start3A_1804 : memref<1x64xf32, #tpu.memory_space<hbm>> -> memref<64xf32, #tpu.memory_space<hbm>>
      tpu.enqueue_dma source(%dma_start3A_1805 : memref<64xf32, #tpu.memory_space<hbm>>) target(%dma_start3A_1802 : memref<64xf32, #tpu.memory_space<vmem>>) target_semaphore(%arg12 : memref<!tpu.dma_semaphore, #tpu.memory_space<semaphore_mem>>)
      %mul3A_1806 = arith.constant 16 : i32
      %mul3A_1807 = arith.muli %scan3A_1552, %mul3A_1806 : i32
      %add3A_1808 = arith.constant 14 : i32
      %add3A_1809 = arith.addi %mul3A_1807, %add3A_1808 : i32
      %slice3A_1810 = vector.extract_strided_slice %get3A_1556 {offsets = [14], sizes = [1], strides = [1]} : vector<16xi32> to vector<1xi32>
      %squeeze3A_1811 = vector.extract %slice3A_1810[0] : i32 from vector<1xi32>
      %dma_start3A_1812 = arith.constant 0 : i32
      %dma_start3A_1813 = tpu.memref_slice %arg11[%add3A_1809, %dma_start3A_1812] : memref<512x64xf32, #tpu.memory_space<vmem>> -> memref<1x64xf32, #tpu.memory_space<vmem>>
      %dma_start3A_1814 = tpu.memref_squeeze %dma_start3A_1813 : memref<1x64xf32, #tpu.memory_space<vmem>> -> memref<64xf32, #tpu.memory_space<vmem>>
      %dma_start3A_1815 = arith.constant 0 : i32
      %dma_start3A_1816 = tpu.memref_slice %arg3[%squeeze3A_1811, %dma_start3A_1815] : memref<1000000x64xf32, #tpu.memory_space<hbm>> -> memref<1x64xf32, #tpu.memory_space<hbm>>
      %dma_start3A_1817 = tpu.memref_squeeze %dma_start3A_1816 : memref<1x64xf32, #tpu.memory_space<hbm>> -> memref<64xf32, #tpu.memory_space<hbm>>
      %dma_start3A_1818 = arith.constant 0 : i32
      %dma_start3A_1819 = tpu.memref_slice %arg11[%add3A_1809, %dma_start3A_1818] : memref<512x64xf32, #tpu.memory_space<vmem>> -> memref<1x64xf32, #tpu.memory_space<vmem>>
      %dma_start3A_1820 = tpu.memref_squeeze %dma_start3A_1819 : memref<1x64xf32, #tpu.memory_space<vmem>> -> memref<64xf32, #tpu.memory_space<vmem>>
      %dma_start3A_1821 = arith.constant 0 : i32
      %dma_start3A_1822 = tpu.memref_slice %arg3[%squeeze3A_1811, %dma_start3A_1821] : memref<1000000x64xf32, #tpu.memory_space<hbm>> -> memref<1x64xf32, #tpu.memory_space<hbm>>
      %dma_start3A_1823 = tpu.memref_squeeze %dma_start3A_1822 : memref<1x64xf32, #tpu.memory_space<hbm>> -> memref<64xf32, #tpu.memory_space<hbm>>
      tpu.enqueue_dma source(%dma_start3A_1823 : memref<64xf32, #tpu.memory_space<hbm>>) target(%dma_start3A_1820 : memref<64xf32, #tpu.memory_space<vmem>>) target_semaphore(%arg12 : memref<!tpu.dma_semaphore, #tpu.memory_space<semaphore_mem>>)
      %mul3A_1824 = arith.constant 16 : i32
      %mul3A_1825 = arith.muli %scan3A_1552, %mul3A_1824 : i32
      %add3A_1826 = arith.constant 15 : i32
      %add3A_1827 = arith.addi %mul3A_1825, %add3A_1826 : i32
      %slice3A_1828 = vector.extract_strided_slice %get3A_1556 {offsets = [15], sizes = [1], strides = [1]} : vector<16xi32> to vector<1xi32>
      %squeeze3A_1829 = vector.extract %slice3A_1828[0] : i32 from vector<1xi32>
      %dma_start3A_1830 = arith.constant 0 : i32
      %dma_start3A_1831 = tpu.memref_slice %arg11[%add3A_1827, %dma_start3A_1830] : memref<512x64xf32, #tpu.memory_space<vmem>> -> memref<1x64xf32, #tpu.memory_space<vmem>>
      %dma_start3A_1832 = tpu.memref_squeeze %dma_start3A_1831 : memref<1x64xf32, #tpu.memory_space<vmem>> -> memref<64xf32, #tpu.memory_space<vmem>>
      %dma_start3A_1833 = arith.constant 0 : i32
      %dma_start3A_1834 = tpu.memref_slice %arg3[%squeeze3A_1829, %dma_start3A_1833] : memref<1000000x64xf32, #tpu.memory_space<hbm>> -> memref<1x64xf32, #tpu.memory_space<hbm>>
      %dma_start3A_1835 = tpu.memref_squeeze %dma_start3A_1834 : memref<1x64xf32, #tpu.memory_space<hbm>> -> memref<64xf32, #tpu.memory_space<hbm>>
      %dma_start3A_1836 = arith.constant 0 : i32
      %dma_start3A_1837 = tpu.memref_slice %arg11[%add3A_1827, %dma_start3A_1836] : memref<512x64xf32, #tpu.memory_space<vmem>> -> memref<1x64xf32, #tpu.memory_space<vmem>>
      %dma_start3A_1838 = tpu.memref_squeeze %dma_start3A_1837 : memref<1x64xf32, #tpu.memory_space<vmem>> -> memref<64xf32, #tpu.memory_space<vmem>>
      %dma_start3A_1839 = arith.constant 0 : i32
      %dma_start3A_1840 = tpu.memref_slice %arg3[%squeeze3A_1829, %dma_start3A_1839] : memref<1000000x64xf32, #tpu.memory_space<hbm>> -> memref<1x64xf32, #tpu.memory_space<hbm>>
      %dma_start3A_1841 = tpu.memref_squeeze %dma_start3A_1840 : memref<1x64xf32, #tpu.memory_space<hbm>> -> memref<64xf32, #tpu.memory_space<hbm>>
      tpu.enqueue_dma source(%dma_start3A_1841 : memref<64xf32, #tpu.memory_space<hbm>>) target(%dma_start3A_1838 : memref<64xf32, #tpu.memory_space<vmem>>) target_semaphore(%arg12 : memref<!tpu.dma_semaphore, #tpu.memory_space<semaphore_mem>>)
      %dma_wait3A = arith.constant 0 : i32
      %dma_wait3A_1842 = tpu.memref_slice %arg11[%add3A_1560, %dma_wait3A] : memref<512x64xf32, #tpu.memory_space<vmem>> -> memref<1x64xf32, #tpu.memory_space<vmem>>
      %dma_wait3A_1843 = tpu.memref_squeeze %dma_wait3A_1842 : memref<1x64xf32, #tpu.memory_space<vmem>> -> memref<64xf32, #tpu.memory_space<vmem>>
      %dma_wait3A_1844 = arith.constant 0 : i32
      %dma_wait3A_1845 = tpu.memref_slice %arg3[%squeeze3A, %dma_wait3A_1844] : memref<1000000x64xf32, #tpu.memory_space<hbm>> -> memref<1x64xf32, #tpu.memory_space<hbm>>
      %dma_wait3A_1846 = tpu.memref_squeeze %dma_wait3A_1845 : memref<1x64xf32, #tpu.memory_space<hbm>> -> memref<64xf32, #tpu.memory_space<hbm>>
      %dma_wait3A_1847 = arith.constant 0 : i32
      %dma_wait3A_1848 = tpu.memref_slice %arg11[%add3A_1560, %dma_wait3A_1847] : memref<512x64xf32, #tpu.memory_space<vmem>> -> memref<1x64xf32, #tpu.memory_space<vmem>>
      %dma_wait3A_1849 = tpu.memref_squeeze %dma_wait3A_1848 : memref<1x64xf32, #tpu.memory_space<vmem>> -> memref<64xf32, #tpu.memory_space<vmem>>
      %dma_wait3A_1850 = arith.constant 0 : i32
      %dma_wait3A_1851 = tpu.memref_slice %arg3[%squeeze3A, %dma_wait3A_1850] : memref<1000000x64xf32, #tpu.memory_space<hbm>> -> memref<1x64xf32, #tpu.memory_space<hbm>>
      %dma_wait3A_1852 = tpu.memref_squeeze %dma_wait3A_1851 : memref<1x64xf32, #tpu.memory_space<hbm>> -> memref<64xf32, #tpu.memory_space<hbm>>
      tpu.wait_dma2 semaphore(%arg12 : memref<!tpu.dma_semaphore, #tpu.memory_space<semaphore_mem>>) src(%dma_wait3A_1852 : memref<64xf32, #tpu.memory_space<hbm>>) dst(%dma_wait3A_1849 : memref<64xf32, #tpu.memory_space<vmem>>)
      %dma_wait3A_1853 = arith.constant 0 : i32
      %dma_wait3A_1854 = tpu.memref_slice %arg11[%add3A_1575, %dma_wait3A_1853] : memref<512x64xf32, #tpu.memory_space<vmem>> -> memref<1x64xf32, #tpu.memory_space<vmem>>
      %dma_wait3A_1855 = tpu.memref_squeeze %dma_wait3A_1854 : memref<1x64xf32, #tpu.memory_space<vmem>> -> memref<64xf32, #tpu.memory_space<vmem>>
      %dma_wait3A_1856 = arith.constant 0 : i32
      %dma_wait3A_1857 = tpu.memref_slice %arg3[%squeeze3A_1577, %dma_wait3A_1856] : memref<1000000x64xf32, #tpu.memory_space<hbm>> -> memref<1x64xf32, #tpu.memory_space<hbm>>
      %dma_wait3A_1858 = tpu.memref_squeeze %dma_wait3A_1857 : memref<1x64xf32, #tpu.memory_space<hbm>> -> memref<64xf32, #tpu.memory_space<hbm>>
      %dma_wait3A_1859 = arith.constant 0 : i32
      %dma_wait3A_1860 = tpu.memref_slice %arg11[%add3A_1575, %dma_wait3A_1859] : memref<512x64xf32, #tpu.memory_space<vmem>> -> memref<1x64xf32, #tpu.memory_space<vmem>>
      %dma_wait3A_1861 = tpu.memref_squeeze %dma_wait3A_1860 : memref<1x64xf32, #tpu.memory_space<vmem>> -> memref<64xf32, #tpu.memory_space<vmem>>
      %dma_wait3A_1862 = arith.constant 0 : i32
      %dma_wait3A_1863 = tpu.memref_slice %arg3[%squeeze3A_1577, %dma_wait3A_1862] : memref<1000000x64xf32, #tpu.memory_space<hbm>> -> memref<1x64xf32, #tpu.memory_space<hbm>>
      %dma_wait3A_1864 = tpu.memref_squeeze %dma_wait3A_1863 : memref<1x64xf32, #tpu.memory_space<hbm>> -> memref<64xf32, #tpu.memory_space<hbm>>
      tpu.wait_dma2 semaphore(%arg12 : memref<!tpu.dma_semaphore, #tpu.memory_space<semaphore_mem>>) src(%dma_wait3A_1864 : memref<64xf32, #tpu.memory_space<hbm>>) dst(%dma_wait3A_1861 : memref<64xf32, #tpu.memory_space<vmem>>)
      %dma_wait3A_1865 = arith.constant 0 : i32
      %dma_wait3A_1866 = tpu.memref_slice %arg11[%add3A_1593, %dma_wait3A_1865] : memref<512x64xf32, #tpu.memory_space<vmem>> -> memref<1x64xf32, #tpu.memory_space<vmem>>
      %dma_wait3A_1867 = tpu.memref_squeeze %dma_wait3A_1866 : memref<1x64xf32, #tpu.memory_space<vmem>> -> memref<64xf32, #tpu.memory_space<vmem>>
      %dma_wait3A_1868 = arith.constant 0 : i32
      %dma_wait3A_1869 = tpu.memref_slice %arg3[%squeeze3A_1595, %dma_wait3A_1868] : memref<1000000x64xf32, #tpu.memory_space<hbm>> -> memref<1x64xf32, #tpu.memory_space<hbm>>
      %dma_wait3A_1870 = tpu.memref_squeeze %dma_wait3A_1869 : memref<1x64xf32, #tpu.memory_space<hbm>> -> memref<64xf32, #tpu.memory_space<hbm>>
      %dma_wait3A_1871 = arith.constant 0 : i32
      %dma_wait3A_1872 = tpu.memref_slice %arg11[%add3A_1593, %dma_wait3A_1871] : memref<512x64xf32, #tpu.memory_space<vmem>> -> memref<1x64xf32, #tpu.memory_space<vmem>>
      %dma_wait3A_1873 = tpu.memref_squeeze %dma_wait3A_1872 : memref<1x64xf32, #tpu.memory_space<vmem>> -> memref<64xf32, #tpu.memory_space<vmem>>
      %dma_wait3A_1874 = arith.constant 0 : i32
      %dma_wait3A_1875 = tpu.memref_slice %arg3[%squeeze3A_1595, %dma_wait3A_1874] : memref<1000000x64xf32, #tpu.memory_space<hbm>> -> memref<1x64xf32, #tpu.memory_space<hbm>>
      %dma_wait3A_1876 = tpu.memref_squeeze %dma_wait3A_1875 : memref<1x64xf32, #tpu.memory_space<hbm>> -> memref<64xf32, #tpu.memory_space<hbm>>
      tpu.wait_dma2 semaphore(%arg12 : memref<!tpu.dma_semaphore, #tpu.memory_space<semaphore_mem>>) src(%dma_wait3A_1876 : memref<64xf32, #tpu.memory_space<hbm>>) dst(%dma_wait3A_1873 : memref<64xf32, #tpu.memory_space<vmem>>)
      %dma_wait3A_1877 = arith.constant 0 : i32
      %dma_wait3A_1878 = tpu.memref_slice %arg11[%add3A_1611, %dma_wait3A_1877] : memref<512x64xf32, #tpu.memory_space<vmem>> -> memref<1x64xf32, #tpu.memory_space<vmem>>
      %dma_wait3A_1879 = tpu.memref_squeeze %dma_wait3A_1878 : memref<1x64xf32, #tpu.memory_space<vmem>> -> memref<64xf32, #tpu.memory_space<vmem>>
      %dma_wait3A_1880 = arith.constant 0 : i32
      %dma_wait3A_1881 = tpu.memref_slice %arg3[%squeeze3A_1613, %dma_wait3A_1880] : memref<1000000x64xf32, #tpu.memory_space<hbm>> -> memref<1x64xf32, #tpu.memory_space<hbm>>
      %dma_wait3A_1882 = tpu.memref_squeeze %dma_wait3A_1881 : memref<1x64xf32, #tpu.memory_space<hbm>> -> memref<64xf32, #tpu.memory_space<hbm>>
      %dma_wait3A_1883 = arith.constant 0 : i32
      %dma_wait3A_1884 = tpu.memref_slice %arg11[%add3A_1611, %dma_wait3A_1883] : memref<512x64xf32, #tpu.memory_space<vmem>> -> memref<1x64xf32, #tpu.memory_space<vmem>>
      %dma_wait3A_1885 = tpu.memref_squeeze %dma_wait3A_1884 : memref<1x64xf32, #tpu.memory_space<vmem>> -> memref<64xf32, #tpu.memory_space<vmem>>
      %dma_wait3A_1886 = arith.constant 0 : i32
      %dma_wait3A_1887 = tpu.memref_slice %arg3[%squeeze3A_1613, %dma_wait3A_1886] : memref<1000000x64xf32, #tpu.memory_space<hbm>> -> memref<1x64xf32, #tpu.memory_space<hbm>>
      %dma_wait3A_1888 = tpu.memref_squeeze %dma_wait3A_1887 : memref<1x64xf32, #tpu.memory_space<hbm>> -> memref<64xf32, #tpu.memory_space<hbm>>
      tpu.wait_dma2 semaphore(%arg12 : memref<!tpu.dma_semaphore, #tpu.memory_space<semaphore_mem>>) src(%dma_wait3A_1888 : memref<64xf32, #tpu.memory_space<hbm>>) dst(%dma_wait3A_1885 : memref<64xf32, #tpu.memory_space<vmem>>)
      %dma_wait3A_1889 = arith.constant 0 : i32
      %dma_wait3A_1890 = tpu.memref_slice %arg11[%add3A_1629, %dma_wait3A_1889] : memref<512x64xf32, #tpu.memory_space<vmem>> -> memref<1x64xf32, #tpu.memory_space<vmem>>
      %dma_wait3A_1891 = tpu.memref_squeeze %dma_wait3A_1890 : memref<1x64xf32, #tpu.memory_space<vmem>> -> memref<64xf32, #tpu.memory_space<vmem>>
      %dma_wait3A_1892 = arith.constant 0 : i32
      %dma_wait3A_1893 = tpu.memref_slice %arg3[%squeeze3A_1631, %dma_wait3A_1892] : memref<1000000x64xf32, #tpu.memory_space<hbm>> -> memref<1x64xf32, #tpu.memory_space<hbm>>
      %dma_wait3A_1894 = tpu.memref_squeeze %dma_wait3A_1893 : memref<1x64xf32, #tpu.memory_space<hbm>> -> memref<64xf32, #tpu.memory_space<hbm>>
      %dma_wait3A_1895 = arith.constant 0 : i32
      %dma_wait3A_1896 = tpu.memref_slice %arg11[%add3A_1629, %dma_wait3A_1895] : memref<512x64xf32, #tpu.memory_space<vmem>> -> memref<1x64xf32, #tpu.memory_space<vmem>>
      %dma_wait3A_1897 = tpu.memref_squeeze %dma_wait3A_1896 : memref<1x64xf32, #tpu.memory_space<vmem>> -> memref<64xf32, #tpu.memory_space<vmem>>
      %dma_wait3A_1898 = arith.constant 0 : i32
      %dma_wait3A_1899 = tpu.memref_slice %arg3[%squeeze3A_1631, %dma_wait3A_1898] : memref<1000000x64xf32, #tpu.memory_space<hbm>> -> memref<1x64xf32, #tpu.memory_space<hbm>>
      %dma_wait3A_1900 = tpu.memref_squeeze %dma_wait3A_1899 : memref<1x64xf32, #tpu.memory_space<hbm>> -> memref<64xf32, #tpu.memory_space<hbm>>
      tpu.wait_dma2 semaphore(%arg12 : memref<!tpu.dma_semaphore, #tpu.memory_space<semaphore_mem>>) src(%dma_wait3A_1900 : memref<64xf32, #tpu.memory_space<hbm>>) dst(%dma_wait3A_1897 : memref<64xf32, #tpu.memory_space<vmem>>)
      %dma_wait3A_1901 = arith.constant 0 : i32
      %dma_wait3A_1902 = tpu.memref_slice %arg11[%add3A_1647, %dma_wait3A_1901] : memref<512x64xf32, #tpu.memory_space<vmem>> -> memref<1x64xf32, #tpu.memory_space<vmem>>
      %dma_wait3A_1903 = tpu.memref_squeeze %dma_wait3A_1902 : memref<1x64xf32, #tpu.memory_space<vmem>> -> memref<64xf32, #tpu.memory_space<vmem>>
      %dma_wait3A_1904 = arith.constant 0 : i32
      %dma_wait3A_1905 = tpu.memref_slice %arg3[%squeeze3A_1649, %dma_wait3A_1904] : memref<1000000x64xf32, #tpu.memory_space<hbm>> -> memref<1x64xf32, #tpu.memory_space<hbm>>
      %dma_wait3A_1906 = tpu.memref_squeeze %dma_wait3A_1905 : memref<1x64xf32, #tpu.memory_space<hbm>> -> memref<64xf32, #tpu.memory_space<hbm>>
      %dma_wait3A_1907 = arith.constant 0 : i32
      %dma_wait3A_1908 = tpu.memref_slice %arg11[%add3A_1647, %dma_wait3A_1907] : memref<512x64xf32, #tpu.memory_space<vmem>> -> memref<1x64xf32, #tpu.memory_space<vmem>>
      %dma_wait3A_1909 = tpu.memref_squeeze %dma_wait3A_1908 : memref<1x64xf32, #tpu.memory_space<vmem>> -> memref<64xf32, #tpu.memory_space<vmem>>
      %dma_wait3A_1910 = arith.constant 0 : i32
      %dma_wait3A_1911 = tpu.memref_slice %arg3[%squeeze3A_1649, %dma_wait3A_1910] : memref<1000000x64xf32, #tpu.memory_space<hbm>> -> memref<1x64xf32, #tpu.memory_space<hbm>>
      %dma_wait3A_1912 = tpu.memref_squeeze %dma_wait3A_1911 : memref<1x64xf32, #tpu.memory_space<hbm>> -> memref<64xf32, #tpu.memory_space<hbm>>
      tpu.wait_dma2 semaphore(%arg12 : memref<!tpu.dma_semaphore, #tpu.memory_space<semaphore_mem>>) src(%dma_wait3A_1912 : memref<64xf32, #tpu.memory_space<hbm>>) dst(%dma_wait3A_1909 : memref<64xf32, #tpu.memory_space<vmem>>)
      %dma_wait3A_1913 = arith.constant 0 : i32
      %dma_wait3A_1914 = tpu.memref_slice %arg11[%add3A_1665, %dma_wait3A_1913] : memref<512x64xf32, #tpu.memory_space<vmem>> -> memref<1x64xf32, #tpu.memory_space<vmem>>
      %dma_wait3A_1915 = tpu.memref_squeeze %dma_wait3A_1914 : memref<1x64xf32, #tpu.memory_space<vmem>> -> memref<64xf32, #tpu.memory_space<vmem>>
      %dma_wait3A_1916 = arith.constant 0 : i32
      %dma_wait3A_1917 = tpu.memref_slice %arg3[%squeeze3A_1667, %dma_wait3A_1916] : memref<1000000x64xf32, #tpu.memory_space<hbm>> -> memref<1x64xf32, #tpu.memory_space<hbm>>
      %dma_wait3A_1918 = tpu.memref_squeeze %dma_wait3A_1917 : memref<1x64xf32, #tpu.memory_space<hbm>> -> memref<64xf32, #tpu.memory_space<hbm>>
      %dma_wait3A_1919 = arith.constant 0 : i32
      %dma_wait3A_1920 = tpu.memref_slice %arg11[%add3A_1665, %dma_wait3A_1919] : memref<512x64xf32, #tpu.memory_space<vmem>> -> memref<1x64xf32, #tpu.memory_space<vmem>>
      %dma_wait3A_1921 = tpu.memref_squeeze %dma_wait3A_1920 : memref<1x64xf32, #tpu.memory_space<vmem>> -> memref<64xf32, #tpu.memory_space<vmem>>
      %dma_wait3A_1922 = arith.constant 0 : i32
      %dma_wait3A_1923 = tpu.memref_slice %arg3[%squeeze3A_1667, %dma_wait3A_1922] : memref<1000000x64xf32, #tpu.memory_space<hbm>> -> memref<1x64xf32, #tpu.memory_space<hbm>>
      %dma_wait3A_1924 = tpu.memref_squeeze %dma_wait3A_1923 : memref<1x64xf32, #tpu.memory_space<hbm>> -> memref<64xf32, #tpu.memory_space<hbm>>
      tpu.wait_dma2 semaphore(%arg12 : memref<!tpu.dma_semaphore, #tpu.memory_space<semaphore_mem>>) src(%dma_wait3A_1924 : memref<64xf32, #tpu.memory_space<hbm>>) dst(%dma_wait3A_1921 : memref<64xf32, #tpu.memory_space<vmem>>)
      %dma_wait3A_1925 = arith.constant 0 : i32
      %dma_wait3A_1926 = tpu.memref_slice %arg11[%add3A_1683, %dma_wait3A_1925] : memref<512x64xf32, #tpu.memory_space<vmem>> -> memref<1x64xf32, #tpu.memory_space<vmem>>
      %dma_wait3A_1927 = tpu.memref_squeeze %dma_wait3A_1926 : memref<1x64xf32, #tpu.memory_space<vmem>> -> memref<64xf32, #tpu.memory_space<vmem>>
      %dma_wait3A_1928 = arith.constant 0 : i32
      %dma_wait3A_1929 = tpu.memref_slice %arg3[%squeeze3A_1685, %dma_wait3A_1928] : memref<1000000x64xf32, #tpu.memory_space<hbm>> -> memref<1x64xf32, #tpu.memory_space<hbm>>
      %dma_wait3A_1930 = tpu.memref_squeeze %dma_wait3A_1929 : memref<1x64xf32, #tpu.memory_space<hbm>> -> memref<64xf32, #tpu.memory_space<hbm>>
      %dma_wait3A_1931 = arith.constant 0 : i32
      %dma_wait3A_1932 = tpu.memref_slice %arg11[%add3A_1683, %dma_wait3A_1931] : memref<512x64xf32, #tpu.memory_space<vmem>> -> memref<1x64xf32, #tpu.memory_space<vmem>>
      %dma_wait3A_1933 = tpu.memref_squeeze %dma_wait3A_1932 : memref<1x64xf32, #tpu.memory_space<vmem>> -> memref<64xf32, #tpu.memory_space<vmem>>
      %dma_wait3A_1934 = arith.constant 0 : i32
      %dma_wait3A_1935 = tpu.memref_slice %arg3[%squeeze3A_1685, %dma_wait3A_1934] : memref<1000000x64xf32, #tpu.memory_space<hbm>> -> memref<1x64xf32, #tpu.memory_space<hbm>>
      %dma_wait3A_1936 = tpu.memref_squeeze %dma_wait3A_1935 : memref<1x64xf32, #tpu.memory_space<hbm>> -> memref<64xf32, #tpu.memory_space<hbm>>
      tpu.wait_dma2 semaphore(%arg12 : memref<!tpu.dma_semaphore, #tpu.memory_space<semaphore_mem>>) src(%dma_wait3A_1936 : memref<64xf32, #tpu.memory_space<hbm>>) dst(%dma_wait3A_1933 : memref<64xf32, #tpu.memory_space<vmem>>)
      %dma_wait3A_1937 = arith.constant 0 : i32
      %dma_wait3A_1938 = tpu.memref_slice %arg11[%add3A_1701, %dma_wait3A_1937] : memref<512x64xf32, #tpu.memory_space<vmem>> -> memref<1x64xf32, #tpu.memory_space<vmem>>
      %dma_wait3A_1939 = tpu.memref_squeeze %dma_wait3A_1938 : memref<1x64xf32, #tpu.memory_space<vmem>> -> memref<64xf32, #tpu.memory_space<vmem>>
      %dma_wait3A_1940 = arith.constant 0 : i32
      %dma_wait3A_1941 = tpu.memref_slice %arg3[%squeeze3A_1703, %dma_wait3A_1940] : memref<1000000x64xf32, #tpu.memory_space<hbm>> -> memref<1x64xf32, #tpu.memory_space<hbm>>
      %dma_wait3A_1942 = tpu.memref_squeeze %dma_wait3A_1941 : memref<1x64xf32, #tpu.memory_space<hbm>> -> memref<64xf32, #tpu.memory_space<hbm>>
      %dma_wait3A_1943 = arith.constant 0 : i32
      %dma_wait3A_1944 = tpu.memref_slice %arg11[%add3A_1701, %dma_wait3A_1943] : memref<512x64xf32, #tpu.memory_space<vmem>> -> memref<1x64xf32, #tpu.memory_space<vmem>>
      %dma_wait3A_1945 = tpu.memref_squeeze %dma_wait3A_1944 : memref<1x64xf32, #tpu.memory_space<vmem>> -> memref<64xf32, #tpu.memory_space<vmem>>
      %dma_wait3A_1946 = arith.constant 0 : i32
      %dma_wait3A_1947 = tpu.memref_slice %arg3[%squeeze3A_1703, %dma_wait3A_1946] : memref<1000000x64xf32, #tpu.memory_space<hbm>> -> memref<1x64xf32, #tpu.memory_space<hbm>>
      %dma_wait3A_1948 = tpu.memref_squeeze %dma_wait3A_1947 : memref<1x64xf32, #tpu.memory_space<hbm>> -> memref<64xf32, #tpu.memory_space<hbm>>
      tpu.wait_dma2 semaphore(%arg12 : memref<!tpu.dma_semaphore, #tpu.memory_space<semaphore_mem>>) src(%dma_wait3A_1948 : memref<64xf32, #tpu.memory_space<hbm>>) dst(%dma_wait3A_1945 : memref<64xf32, #tpu.memory_space<vmem>>)
      %dma_wait3A_1949 = arith.constant 0 : i32
      %dma_wait3A_1950 = tpu.memref_slice %arg11[%add3A_1719, %dma_wait3A_1949] : memref<512x64xf32, #tpu.memory_space<vmem>> -> memref<1x64xf32, #tpu.memory_space<vmem>>
      %dma_wait3A_1951 = tpu.memref_squeeze %dma_wait3A_1950 : memref<1x64xf32, #tpu.memory_space<vmem>> -> memref<64xf32, #tpu.memory_space<vmem>>
      %dma_wait3A_1952 = arith.constant 0 : i32
      %dma_wait3A_1953 = tpu.memref_slice %arg3[%squeeze3A_1721, %dma_wait3A_1952] : memref<1000000x64xf32, #tpu.memory_space<hbm>> -> memref<1x64xf32, #tpu.memory_space<hbm>>
      %dma_wait3A_1954 = tpu.memref_squeeze %dma_wait3A_1953 : memref<1x64xf32, #tpu.memory_space<hbm>> -> memref<64xf32, #tpu.memory_space<hbm>>
      %dma_wait3A_1955 = arith.constant 0 : i32
      %dma_wait3A_1956 = tpu.memref_slice %arg11[%add3A_1719, %dma_wait3A_1955] : memref<512x64xf32, #tpu.memory_space<vmem>> -> memref<1x64xf32, #tpu.memory_space<vmem>>
      %dma_wait3A_1957 = tpu.memref_squeeze %dma_wait3A_1956 : memref<1x64xf32, #tpu.memory_space<vmem>> -> memref<64xf32, #tpu.memory_space<vmem>>
      %dma_wait3A_1958 = arith.constant 0 : i32
      %dma_wait3A_1959 = tpu.memref_slice %arg3[%squeeze3A_1721, %dma_wait3A_1958] : memref<1000000x64xf32, #tpu.memory_space<hbm>> -> memref<1x64xf32, #tpu.memory_space<hbm>>
      %dma_wait3A_1960 = tpu.memref_squeeze %dma_wait3A_1959 : memref<1x64xf32, #tpu.memory_space<hbm>> -> memref<64xf32, #tpu.memory_space<hbm>>
      tpu.wait_dma2 semaphore(%arg12 : memref<!tpu.dma_semaphore, #tpu.memory_space<semaphore_mem>>) src(%dma_wait3A_1960 : memref<64xf32, #tpu.memory_space<hbm>>) dst(%dma_wait3A_1957 : memref<64xf32, #tpu.memory_space<vmem>>)
      %dma_wait3A_1961 = arith.constant 0 : i32
      %dma_wait3A_1962 = tpu.memref_slice %arg11[%add3A_1737, %dma_wait3A_1961] : memref<512x64xf32, #tpu.memory_space<vmem>> -> memref<1x64xf32, #tpu.memory_space<vmem>>
      %dma_wait3A_1963 = tpu.memref_squeeze %dma_wait3A_1962 : memref<1x64xf32, #tpu.memory_space<vmem>> -> memref<64xf32, #tpu.memory_space<vmem>>
      %dma_wait3A_1964 = arith.constant 0 : i32
      %dma_wait3A_1965 = tpu.memref_slice %arg3[%squeeze3A_1739, %dma_wait3A_1964] : memref<1000000x64xf32, #tpu.memory_space<hbm>> -> memref<1x64xf32, #tpu.memory_space<hbm>>
      %dma_wait3A_1966 = tpu.memref_squeeze %dma_wait3A_1965 : memref<1x64xf32, #tpu.memory_space<hbm>> -> memref<64xf32, #tpu.memory_space<hbm>>
      %dma_wait3A_1967 = arith.constant 0 : i32
      %dma_wait3A_1968 = tpu.memref_slice %arg11[%add3A_1737, %dma_wait3A_1967] : memref<512x64xf32, #tpu.memory_space<vmem>> -> memref<1x64xf32, #tpu.memory_space<vmem>>
      %dma_wait3A_1969 = tpu.memref_squeeze %dma_wait3A_1968 : memref<1x64xf32, #tpu.memory_space<vmem>> -> memref<64xf32, #tpu.memory_space<vmem>>
      %dma_wait3A_1970 = arith.constant 0 : i32
      %dma_wait3A_1971 = tpu.memref_slice %arg3[%squeeze3A_1739, %dma_wait3A_1970] : memref<1000000x64xf32, #tpu.memory_space<hbm>> -> memref<1x64xf32, #tpu.memory_space<hbm>>
      %dma_wait3A_1972 = tpu.memref_squeeze %dma_wait3A_1971 : memref<1x64xf32, #tpu.memory_space<hbm>> -> memref<64xf32, #tpu.memory_space<hbm>>
      tpu.wait_dma2 semaphore(%arg12 : memref<!tpu.dma_semaphore, #tpu.memory_space<semaphore_mem>>) src(%dma_wait3A_1972 : memref<64xf32, #tpu.memory_space<hbm>>) dst(%dma_wait3A_1969 : memref<64xf32, #tpu.memory_space<vmem>>)
      %dma_wait3A_1973 = arith.constant 0 : i32
      %dma_wait3A_1974 = tpu.memref_slice %arg11[%add3A_1755, %dma_wait3A_1973] : memref<512x64xf32, #tpu.memory_space<vmem>> -> memref<1x64xf32, #tpu.memory_space<vmem>>
      %dma_wait3A_1975 = tpu.memref_squeeze %dma_wait3A_1974 : memref<1x64xf32, #tpu.memory_space<vmem>> -> memref<64xf32, #tpu.memory_space<vmem>>
      %dma_wait3A_1976 = arith.constant 0 : i32
      %dma_wait3A_1977 = tpu.memref_slice %arg3[%squeeze3A_1757, %dma_wait3A_1976] : memref<1000000x64xf32, #tpu.memory_space<hbm>> -> memref<1x64xf32, #tpu.memory_space<hbm>>
      %dma_wait3A_1978 = tpu.memref_squeeze %dma_wait3A_1977 : memref<1x64xf32, #tpu.memory_space<hbm>> -> memref<64xf32, #tpu.memory_space<hbm>>
      %dma_wait3A_1979 = arith.constant 0 : i32
      %dma_wait3A_1980 = tpu.memref_slice %arg11[%add3A_1755, %dma_wait3A_1979] : memref<512x64xf32, #tpu.memory_space<vmem>> -> memref<1x64xf32, #tpu.memory_space<vmem>>
      %dma_wait3A_1981 = tpu.memref_squeeze %dma_wait3A_1980 : memref<1x64xf32, #tpu.memory_space<vmem>> -> memref<64xf32, #tpu.memory_space<vmem>>
      %dma_wait3A_1982 = arith.constant 0 : i32
      %dma_wait3A_1983 = tpu.memref_slice %arg3[%squeeze3A_1757, %dma_wait3A_1982] : memref<1000000x64xf32, #tpu.memory_space<hbm>> -> memref<1x64xf32, #tpu.memory_space<hbm>>
      %dma_wait3A_1984 = tpu.memref_squeeze %dma_wait3A_1983 : memref<1x64xf32, #tpu.memory_space<hbm>> -> memref<64xf32, #tpu.memory_space<hbm>>
      tpu.wait_dma2 semaphore(%arg12 : memref<!tpu.dma_semaphore, #tpu.memory_space<semaphore_mem>>) src(%dma_wait3A_1984 : memref<64xf32, #tpu.memory_space<hbm>>) dst(%dma_wait3A_1981 : memref<64xf32, #tpu.memory_space<vmem>>)
      %dma_wait3A_1985 = arith.constant 0 : i32
      %dma_wait3A_1986 = tpu.memref_slice %arg11[%add3A_1773, %dma_wait3A_1985] : memref<512x64xf32, #tpu.memory_space<vmem>> -> memref<1x64xf32, #tpu.memory_space<vmem>>
      %dma_wait3A_1987 = tpu.memref_squeeze %dma_wait3A_1986 : memref<1x64xf32, #tpu.memory_space<vmem>> -> memref<64xf32, #tpu.memory_space<vmem>>
      %dma_wait3A_1988 = arith.constant 0 : i32
      %dma_wait3A_1989 = tpu.memref_slice %arg3[%squeeze3A_1775, %dma_wait3A_1988] : memref<1000000x64xf32, #tpu.memory_space<hbm>> -> memref<1x64xf32, #tpu.memory_space<hbm>>
      %dma_wait3A_1990 = tpu.memref_squeeze %dma_wait3A_1989 : memref<1x64xf32, #tpu.memory_space<hbm>> -> memref<64xf32, #tpu.memory_space<hbm>>
      %dma_wait3A_1991 = arith.constant 0 : i32
      %dma_wait3A_1992 = tpu.memref_slice %arg11[%add3A_1773, %dma_wait3A_1991] : memref<512x64xf32, #tpu.memory_space<vmem>> -> memref<1x64xf32, #tpu.memory_space<vmem>>
      %dma_wait3A_1993 = tpu.memref_squeeze %dma_wait3A_1992 : memref<1x64xf32, #tpu.memory_space<vmem>> -> memref<64xf32, #tpu.memory_space<vmem>>
      %dma_wait3A_1994 = arith.constant 0 : i32
      %dma_wait3A_1995 = tpu.memref_slice %arg3[%squeeze3A_1775, %dma_wait3A_1994] : memref<1000000x64xf32, #tpu.memory_space<hbm>> -> memref<1x64xf32, #tpu.memory_space<hbm>>
      %dma_wait3A_1996 = tpu.memref_squeeze %dma_wait3A_1995 : memref<1x64xf32, #tpu.memory_space<hbm>> -> memref<64xf32, #tpu.memory_space<hbm>>
      tpu.wait_dma2 semaphore(%arg12 : memref<!tpu.dma_semaphore, #tpu.memory_space<semaphore_mem>>) src(%dma_wait3A_1996 : memref<64xf32, #tpu.memory_space<hbm>>) dst(%dma_wait3A_1993 : memref<64xf32, #tpu.memory_space<vmem>>)
      %dma_wait3A_1997 = arith.constant 0 : i32
      %dma_wait3A_1998 = tpu.memref_slice %arg11[%add3A_1791, %dma_wait3A_1997] : memref<512x64xf32, #tpu.memory_space<vmem>> -> memref<1x64xf32, #tpu.memory_space<vmem>>
      %dma_wait3A_1999 = tpu.memref_squeeze %dma_wait3A_1998 : memref<1x64xf32, #tpu.memory_space<vmem>> -> memref<64xf32, #tpu.memory_space<vmem>>
      %dma_wait3A_2000 = arith.constant 0 : i32
      %dma_wait3A_2001 = tpu.memref_slice %arg3[%squeeze3A_1793, %dma_wait3A_2000] : memref<1000000x64xf32, #tpu.memory_space<hbm>> -> memref<1x64xf32, #tpu.memory_space<hbm>>
      %dma_wait3A_2002 = tpu.memref_squeeze %dma_wait3A_2001 : memref<1x64xf32, #tpu.memory_space<hbm>> -> memref<64xf32, #tpu.memory_space<hbm>>
      %dma_wait3A_2003 = arith.constant 0 : i32
      %dma_wait3A_2004 = tpu.memref_slice %arg11[%add3A_1791, %dma_wait3A_2003] : memref<512x64xf32, #tpu.memory_space<vmem>> -> memref<1x64xf32, #tpu.memory_space<vmem>>
      %dma_wait3A_2005 = tpu.memref_squeeze %dma_wait3A_2004 : memref<1x64xf32, #tpu.memory_space<vmem>> -> memref<64xf32, #tpu.memory_space<vmem>>
      %dma_wait3A_2006 = arith.constant 0 : i32
      %dma_wait3A_2007 = tpu.memref_slice %arg3[%squeeze3A_1793, %dma_wait3A_2006] : memref<1000000x64xf32, #tpu.memory_space<hbm>> -> memref<1x64xf32, #tpu.memory_space<hbm>>
      %dma_wait3A_2008 = tpu.memref_squeeze %dma_wait3A_2007 : memref<1x64xf32, #tpu.memory_space<hbm>> -> memref<64xf32, #tpu.memory_space<hbm>>
      tpu.wait_dma2 semaphore(%arg12 : memref<!tpu.dma_semaphore, #tpu.memory_space<semaphore_mem>>) src(%dma_wait3A_2008 : memref<64xf32, #tpu.memory_space<hbm>>) dst(%dma_wait3A_2005 : memref<64xf32, #tpu.memory_space<vmem>>)
      %dma_wait3A_2009 = arith.constant 0 : i32
      %dma_wait3A_2010 = tpu.memref_slice %arg11[%add3A_1809, %dma_wait3A_2009] : memref<512x64xf32, #tpu.memory_space<vmem>> -> memref<1x64xf32, #tpu.memory_space<vmem>>
      %dma_wait3A_2011 = tpu.memref_squeeze %dma_wait3A_2010 : memref<1x64xf32, #tpu.memory_space<vmem>> -> memref<64xf32, #tpu.memory_space<vmem>>
      %dma_wait3A_2012 = arith.constant 0 : i32
      %dma_wait3A_2013 = tpu.memref_slice %arg3[%squeeze3A_1811, %dma_wait3A_2012] : memref<1000000x64xf32, #tpu.memory_space<hbm>> -> memref<1x64xf32, #tpu.memory_space<hbm>>
      %dma_wait3A_2014 = tpu.memref_squeeze %dma_wait3A_2013 : memref<1x64xf32, #tpu.memory_space<hbm>> -> memref<64xf32, #tpu.memory_space<hbm>>
      %dma_wait3A_2015 = arith.constant 0 : i32
      %dma_wait3A_2016 = tpu.memref_slice %arg11[%add3A_1809, %dma_wait3A_2015] : memref<512x64xf32, #tpu.memory_space<vmem>> -> memref<1x64xf32, #tpu.memory_space<vmem>>
      %dma_wait3A_2017 = tpu.memref_squeeze %dma_wait3A_2016 : memref<1x64xf32, #tpu.memory_space<vmem>> -> memref<64xf32, #tpu.memory_space<vmem>>
      %dma_wait3A_2018 = arith.constant 0 : i32
      %dma_wait3A_2019 = tpu.memref_slice %arg3[%squeeze3A_1811, %dma_wait3A_2018] : memref<1000000x64xf32, #tpu.memory_space<hbm>> -> memref<1x64xf32, #tpu.memory_space<hbm>>
      %dma_wait3A_2020 = tpu.memref_squeeze %dma_wait3A_2019 : memref<1x64xf32, #tpu.memory_space<hbm>> -> memref<64xf32, #tpu.memory_space<hbm>>
      tpu.wait_dma2 semaphore(%arg12 : memref<!tpu.dma_semaphore, #tpu.memory_space<semaphore_mem>>) src(%dma_wait3A_2020 : memref<64xf32, #tpu.memory_space<hbm>>) dst(%dma_wait3A_2017 : memref<64xf32, #tpu.memory_space<vmem>>)
      %dma_wait3A_2021 = arith.constant 0 : i32
      %dma_wait3A_2022 = tpu.memref_slice %arg11[%add3A_1827, %dma_wait3A_2021] : memref<512x64xf32, #tpu.memory_space<vmem>> -> memref<1x64xf32, #tpu.memory_space<vmem>>
      %dma_wait3A_2023 = tpu.memref_squeeze %dma_wait3A_2022 : memref<1x64xf32, #tpu.memory_space<vmem>> -> memref<64xf32, #tpu.memory_space<vmem>>
      %dma_wait3A_2024 = arith.constant 0 : i32
      %dma_wait3A_2025 = tpu.memref_slice %arg3[%squeeze3A_1829, %dma_wait3A_2024] : memref<1000000x64xf32, #tpu.memory_space<hbm>> -> memref<1x64xf32, #tpu.memory_space<hbm>>
      %dma_wait3A_2026 = tpu.memref_squeeze %dma_wait3A_2025 : memref<1x64xf32, #tpu.memory_space<hbm>> -> memref<64xf32, #tpu.memory_space<hbm>>
      %dma_wait3A_2027 = arith.constant 0 : i32
      %dma_wait3A_2028 = tpu.memref_slice %arg11[%add3A_1827, %dma_wait3A_2027] : memref<512x64xf32, #tpu.memory_space<vmem>> -> memref<1x64xf32, #tpu.memory_space<vmem>>
      %dma_wait3A_2029 = tpu.memref_squeeze %dma_wait3A_2028 : memref<1x64xf32, #tpu.memory_space<vmem>> -> memref<64xf32, #tpu.memory_space<vmem>>
      %dma_wait3A_2030 = arith.constant 0 : i32
      %dma_wait3A_2031 = tpu.memref_slice %arg3[%squeeze3A_1829, %dma_wait3A_2030] : memref<1000000x64xf32, #tpu.memory_space<hbm>> -> memref<1x64xf32, #tpu.memory_space<hbm>>
      %dma_wait3A_2032 = tpu.memref_squeeze %dma_wait3A_2031 : memref<1x64xf32, #tpu.memory_space<hbm>> -> memref<64xf32, #tpu.memory_space<hbm>>
      tpu.wait_dma2 semaphore(%arg12 : memref<!tpu.dma_semaphore, #tpu.memory_space<semaphore_mem>>) src(%dma_wait3A_2032 : memref<64xf32, #tpu.memory_space<hbm>>) dst(%dma_wait3A_2029 : memref<64xf32, #tpu.memory_space<vmem>>)
    }
    %scan3A_11 = arith.constant 32 : i32
    %iota3A = tpu.iota {dimensions = array<i32: 0>} : vector<16xi32>
    %add3A_12 = arith.constant 0 : i32
    %add3A_13 = vector.broadcast %add3A_12 : i32 to vector<16xi32>
    %add3A_14 = arith.addi %iota3A, %add3A_13 : vector<16xi32>
    %shift_right_logical3A = arith.constant 2 : i32
    %shift_right_logical3A_15 = vector.broadcast %shift_right_logical3A : i32 to vector<16xi32>
    %shift_right_logical3A_16 = arith.shrui %add3A_14, %shift_right_logical3A_15 : vector<16xi32>
    %get3A = arith.constant 0 : index
    %get3A_17 = tpu.vector_load %arg9[%get3A] {strides = array<i32>} : memref<2048xi32, #tpu.memory_space<vmem>>, vector<16xi32>,
    %get3A_18 = arith.constant 0 : i32
    %get3A_19 = arith.index_cast %get3A_18 : i32 to index
    %get3A_20 = arith.constant 0 : index
    %get3A_21 = tpu.vector_load %arg10[%get3A_19, %get3A_20] {strides = array<i32>} : memref<16x128xf32, #tpu.memory_space<vmem>>, vector<16xf32>,
    tpu.vector_store_idx %arg11[%shift_right_logical3A_16, %get3A_17], %get3A_21 : memref<512x64xf32, #tpu.memory_space<vmem>>[vector<16xi32>, vector<16xi32>], vector<16xf32>,
    %add3A_22 = arith.constant 16 : i32
    %add3A_23 = vector.broadcast %add3A_22 : i32 to vector<16xi32>
    %add3A_24 = arith.addi %iota3A, %add3A_23 : vector<16xi32>
    %shift_right_logical3A_25 = arith.constant 2 : i32
    %shift_right_logical3A_26 = vector.broadcast %shift_right_logical3A_25 : i32 to vector<16xi32>
    %shift_right_logical3A_27 = arith.shrui %add3A_24, %shift_right_logical3A_26 : vector<16xi32>
    %get3A_28 = arith.constant 16 : index
    %get3A_29 = tpu.vector_load %arg9[%get3A_28] {strides = array<i32>} : memref<2048xi32, #tpu.memory_space<vmem>>, vector<16xi32>,
    %get3A_30 = arith.constant 0 : i32
    %get3A_31 = arith.index_cast %get3A_30 : i32 to index
    %get3A_32 = arith.constant 16 : index
    %get3A_33 = tpu.vector_load %arg10[%get3A_31, %get3A_32] {strides = array<i32>} : memref<16x128xf32, #tpu.memory_space<vmem>>, vector<16xf32>,
    tpu.vector_store_idx %arg11[%shift_right_logical3A_27, %get3A_29], %get3A_33 : memref<512x64xf32, #tpu.memory_space<vmem>>[vector<16xi32>, vector<16xi32>], vector<16xf32>,
    %add3A_34 = arith.constant 32 : i32
    %add3A_35 = vector.broadcast %add3A_34 : i32 to vector<16xi32>
    %add3A_36 = arith.addi %iota3A, %add3A_35 : vector<16xi32>
    %shift_right_logical3A_37 = arith.constant 2 : i32
    %shift_right_logical3A_38 = vector.broadcast %shift_right_logical3A_37 : i32 to vector<16xi32>
    %shift_right_logical3A_39 = arith.shrui %add3A_36, %shift_right_logical3A_38 : vector<16xi32>
    %get3A_40 = arith.constant 32 : index
    %get3A_41 = tpu.vector_load %arg9[%get3A_40] {strides = array<i32>} : memref<2048xi32, #tpu.memory_space<vmem>>, vector<16xi32>,
    %get3A_42 = arith.constant 0 : i32
    %get3A_43 = arith.index_cast %get3A_42 : i32 to index
    %get3A_44 = arith.constant 32 : index
    %get3A_45 = tpu.vector_load %arg10[%get3A_43, %get3A_44] {strides = array<i32>} : memref<16x128xf32, #tpu.memory_space<vmem>>, vector<16xf32>,
    tpu.vector_store_idx %arg11[%shift_right_logical3A_39, %get3A_41], %get3A_45 : memref<512x64xf32, #tpu.memory_space<vmem>>[vector<16xi32>, vector<16xi32>], vector<16xf32>,
    %add3A_46 = arith.constant 48 : i32
    %add3A_47 = vector.broadcast %add3A_46 : i32 to vector<16xi32>
    %add3A_48 = arith.addi %iota3A, %add3A_47 : vector<16xi32>
    %shift_right_logical3A_49 = arith.constant 2 : i32
    %shift_right_logical3A_50 = vector.broadcast %shift_right_logical3A_49 : i32 to vector<16xi32>
    %shift_right_logical3A_51 = arith.shrui %add3A_48, %shift_right_logical3A_50 : vector<16xi32>
    %get3A_52 = arith.constant 48 : index
    %get3A_53 = tpu.vector_load %arg9[%get3A_52] {strides = array<i32>} : memref<2048xi32, #tpu.memory_space<vmem>>, vector<16xi32>,
    %get3A_54 = arith.constant 0 : i32
    %get3A_55 = arith.index_cast %get3A_54 : i32 to index
    %get3A_56 = arith.constant 48 : index
    %get3A_57 = tpu.vector_load %arg10[%get3A_55, %get3A_56] {strides = array<i32>} : memref<16x128xf32, #tpu.memory_space<vmem>>, vector<16xf32>,
    tpu.vector_store_idx %arg11[%shift_right_logical3A_51, %get3A_53], %get3A_57 : memref<512x64xf32, #tpu.memory_space<vmem>>[vector<16xi32>, vector<16xi32>], vector<16xf32>,
    %add3A_58 = arith.constant 64 : i32
    %add3A_59 = vector.broadcast %add3A_58 : i32 to vector<16xi32>
    %add3A_60 = arith.addi %iota3A, %add3A_59 : vector<16xi32>
    %shift_right_logical3A_61 = arith.constant 2 : i32
    %shift_right_logical3A_62 = vector.broadcast %shift_right_logical3A_61 : i32 to vector<16xi32>
    %shift_right_logical3A_63 = arith.shrui %add3A_60, %shift_right_logical3A_62 : vector<16xi32>
    %get3A_64 = arith.constant 64 : index
    %get3A_65 = tpu.vector_load %arg9[%get3A_64] {strides = array<i32>} : memref<2048xi32, #tpu.memory_space<vmem>>, vector<16xi32>,
    %get3A_66 = arith.constant 0 : i32
    %get3A_67 = arith.index_cast %get3A_66 : i32 to index
    %get3A_68 = arith.constant 64 : index
    %get3A_69 = tpu.vector_load %arg10[%get3A_67, %get3A_68] {strides = array<i32>} : memref<16x128xf32, #tpu.memory_space<vmem>>, vector<16xf32>,
    tpu.vector_store_idx %arg11[%shift_right_logical3A_63, %get3A_65], %get3A_69 : memref<512x64xf32, #tpu.memory_space<vmem>>[vector<16xi32>, vector<16xi32>], vector<16xf32>,
    %add3A_70 = arith.constant 80 : i32
    %add3A_71 = vector.broadcast %add3A_70 : i32 to vector<16xi32>
    %add3A_72 = arith.addi %iota3A, %add3A_71 : vector<16xi32>
    %shift_right_logical3A_73 = arith.constant 2 : i32
    %shift_right_logical3A_74 = vector.broadcast %shift_right_logical3A_73 : i32 to vector<16xi32>
    %shift_right_logical3A_75 = arith.shrui %add3A_72, %shift_right_logical3A_74 : vector<16xi32>
    %get3A_76 = arith.constant 80 : index
    %get3A_77 = tpu.vector_load %arg9[%get3A_76] {strides = array<i32>} : memref<2048xi32, #tpu.memory_space<vmem>>, vector<16xi32>,
    %get3A_78 = arith.constant 0 : i32
    %get3A_79 = arith.index_cast %get3A_78 : i32 to index
    %get3A_80 = arith.constant 80 : index
    %get3A_81 = tpu.vector_load %arg10[%get3A_79, %get3A_80] {strides = array<i32>} : memref<16x128xf32, #tpu.memory_space<vmem>>, vector<16xf32>,
    tpu.vector_store_idx %arg11[%shift_right_logical3A_75, %get3A_77], %get3A_81 : memref<512x64xf32, #tpu.memory_space<vmem>>[vector<16xi32>, vector<16xi32>], vector<16xf32>,
    %add3A_82 = arith.constant 96 : i32
    %add3A_83 = vector.broadcast %add3A_82 : i32 to vector<16xi32>
    %add3A_84 = arith.addi %iota3A, %add3A_83 : vector<16xi32>
    %shift_right_logical3A_85 = arith.constant 2 : i32
    %shift_right_logical3A_86 = vector.broadcast %shift_right_logical3A_85 : i32 to vector<16xi32>
    %shift_right_logical3A_87 = arith.shrui %add3A_84, %shift_right_logical3A_86 : vector<16xi32>
    %get3A_88 = arith.constant 96 : index
    %get3A_89 = tpu.vector_load %arg9[%get3A_88] {strides = array<i32>} : memref<2048xi32, #tpu.memory_space<vmem>>, vector<16xi32>,
    %get3A_90 = arith.constant 0 : i32
    %get3A_91 = arith.index_cast %get3A_90 : i32 to index
    %get3A_92 = arith.constant 96 : index
    %get3A_93 = tpu.vector_load %arg10[%get3A_91, %get3A_92] {strides = array<i32>} : memref<16x128xf32, #tpu.memory_space<vmem>>, vector<16xf32>,
    tpu.vector_store_idx %arg11[%shift_right_logical3A_87, %get3A_89], %get3A_93 : memref<512x64xf32, #tpu.memory_space<vmem>>[vector<16xi32>, vector<16xi32>], vector<16xf32>,
    %add3A_94 = arith.constant 112 : i32
    %add3A_95 = vector.broadcast %add3A_94 : i32 to vector<16xi32>
    %add3A_96 = arith.addi %iota3A, %add3A_95 : vector<16xi32>
    %shift_right_logical3A_97 = arith.constant 2 : i32
    %shift_right_logical3A_98 = vector.broadcast %shift_right_logical3A_97 : i32 to vector<16xi32>
    %shift_right_logical3A_99 = arith.shrui %add3A_96, %shift_right_logical3A_98 : vector<16xi32>
    %get3A_100 = arith.constant 112 : index
    %get3A_101 = tpu.vector_load %arg9[%get3A_100] {strides = array<i32>} : memref<2048xi32, #tpu.memory_space<vmem>>, vector<16xi32>,
    %get3A_102 = arith.constant 0 : i32
    %get3A_103 = arith.index_cast %get3A_102 : i32 to index
    %get3A_104 = arith.constant 112 : index
    %get3A_105 = tpu.vector_load %arg10[%get3A_103, %get3A_104] {strides = array<i32>} : memref<16x128xf32, #tpu.memory_space<vmem>>, vector<16xf32>,
    tpu.vector_store_idx %arg11[%shift_right_logical3A_99, %get3A_101], %get3A_105 : memref<512x64xf32, #tpu.memory_space<vmem>>[vector<16xi32>, vector<16xi32>], vector<16xf32>,
    %add3A_106 = arith.constant 128 : i32
    %add3A_107 = vector.broadcast %add3A_106 : i32 to vector<16xi32>
    %add3A_108 = arith.addi %iota3A, %add3A_107 : vector<16xi32>
    %shift_right_logical3A_109 = arith.constant 2 : i32
    %shift_right_logical3A_110 = vector.broadcast %shift_right_logical3A_109 : i32 to vector<16xi32>
    %shift_right_logical3A_111 = arith.shrui %add3A_108, %shift_right_logical3A_110 : vector<16xi32>
    %get3A_112 = arith.constant 128 : index
    %get3A_113 = tpu.vector_load %arg9[%get3A_112] {strides = array<i32>} : memref<2048xi32, #tpu.memory_space<vmem>>, vector<16xi32>,
    %get3A_114 = arith.constant 1 : i32
    %get3A_115 = arith.index_cast %get3A_114 : i32 to index
    %get3A_116 = arith.constant 0 : index
    %get3A_117 = tpu.vector_load %arg10[%get3A_115, %get3A_116] {strides = array<i32>} : memref<16x128xf32, #tpu.memory_space<vmem>>, vector<16xf32>,
    tpu.vector_store_idx %arg11[%shift_right_logical3A_111, %get3A_113], %get3A_117 : memref<512x64xf32, #tpu.memory_space<vmem>>[vector<16xi32>, vector<16xi32>], vector<16xf32>,
    %add3A_118 = arith.constant 144 : i32
    %add3A_119 = vector.broadcast %add3A_118 : i32 to vector<16xi32>
    %add3A_120 = arith.addi %iota3A, %add3A_119 : vector<16xi32>
    %shift_right_logical3A_121 = arith.constant 2 : i32
    %shift_right_logical3A_122 = vector.broadcast %shift_right_logical3A_121 : i32 to vector<16xi32>
    %shift_right_logical3A_123 = arith.shrui %add3A_120, %shift_right_logical3A_122 : vector<16xi32>
    %get3A_124 = arith.constant 144 : index
    %get3A_125 = tpu.vector_load %arg9[%get3A_124] {strides = array<i32>} : memref<2048xi32, #tpu.memory_space<vmem>>, vector<16xi32>,
    %get3A_126 = arith.constant 1 : i32
    %get3A_127 = arith.index_cast %get3A_126 : i32 to index
    %get3A_128 = arith.constant 16 : index
    %get3A_129 = tpu.vector_load %arg10[%get3A_127, %get3A_128] {strides = array<i32>} : memref<16x128xf32, #tpu.memory_space<vmem>>, vector<16xf32>,
    tpu.vector_store_idx %arg11[%shift_right_logical3A_123, %get3A_125], %get3A_129 : memref<512x64xf32, #tpu.memory_space<vmem>>[vector<16xi32>, vector<16xi32>], vector<16xf32>,
    %add3A_130 = arith.constant 160 : i32
    %add3A_131 = vector.broadcast %add3A_130 : i32 to vector<16xi32>
    %add3A_132 = arith.addi %iota3A, %add3A_131 : vector<16xi32>
    %shift_right_logical3A_133 = arith.constant 2 : i32
    %shift_right_logical3A_134 = vector.broadcast %shift_right_logical3A_133 : i32 to vector<16xi32>
    %shift_right_logical3A_135 = arith.shrui %add3A_132, %shift_right_logical3A_134 : vector<16xi32>
    %get3A_136 = arith.constant 160 : index
    %get3A_137 = tpu.vector_load %arg9[%get3A_136] {strides = array<i32>} : memref<2048xi32, #tpu.memory_space<vmem>>, vector<16xi32>,
    %get3A_138 = arith.constant 1 : i32
    %get3A_139 = arith.index_cast %get3A_138 : i32 to index
    %get3A_140 = arith.constant 32 : index
    %get3A_141 = tpu.vector_load %arg10[%get3A_139, %get3A_140] {strides = array<i32>} : memref<16x128xf32, #tpu.memory_space<vmem>>, vector<16xf32>,
    tpu.vector_store_idx %arg11[%shift_right_logical3A_135, %get3A_137], %get3A_141 : memref<512x64xf32, #tpu.memory_space<vmem>>[vector<16xi32>, vector<16xi32>], vector<16xf32>,
    %add3A_142 = arith.constant 176 : i32
    %add3A_143 = vector.broadcast %add3A_142 : i32 to vector<16xi32>
    %add3A_144 = arith.addi %iota3A, %add3A_143 : vector<16xi32>
    %shift_right_logical3A_145 = arith.constant 2 : i32
    %shift_right_logical3A_146 = vector.broadcast %shift_right_logical3A_145 : i32 to vector<16xi32>
    %shift_right_logical3A_147 = arith.shrui %add3A_144, %shift_right_logical3A_146 : vector<16xi32>
    %get3A_148 = arith.constant 176 : index
    %get3A_149 = tpu.vector_load %arg9[%get3A_148] {strides = array<i32>} : memref<2048xi32, #tpu.memory_space<vmem>>, vector<16xi32>,
    %get3A_150 = arith.constant 1 : i32
    %get3A_151 = arith.index_cast %get3A_150 : i32 to index
    %get3A_152 = arith.constant 48 : index
    %get3A_153 = tpu.vector_load %arg10[%get3A_151, %get3A_152] {strides = array<i32>} : memref<16x128xf32, #tpu.memory_space<vmem>>, vector<16xf32>,
    tpu.vector_store_idx %arg11[%shift_right_logical3A_147, %get3A_149], %get3A_153 : memref<512x64xf32, #tpu.memory_space<vmem>>[vector<16xi32>, vector<16xi32>], vector<16xf32>,
    %add3A_154 = arith.constant 192 : i32
    %add3A_155 = vector.broadcast %add3A_154 : i32 to vector<16xi32>
    %add3A_156 = arith.addi %iota3A, %add3A_155 : vector<16xi32>
    %shift_right_logical3A_157 = arith.constant 2 : i32
    %shift_right_logical3A_158 = vector.broadcast %shift_right_logical3A_157 : i32 to vector<16xi32>
    %shift_right_logical3A_159 = arith.shrui %add3A_156, %shift_right_logical3A_158 : vector<16xi32>
    %get3A_160 = arith.constant 192 : index
    %get3A_161 = tpu.vector_load %arg9[%get3A_160] {strides = array<i32>} : memref<2048xi32, #tpu.memory_space<vmem>>, vector<16xi32>,
    %get3A_162 = arith.constant 1 : i32
    %get3A_163 = arith.index_cast %get3A_162 : i32 to index
    %get3A_164 = arith.constant 64 : index
    %get3A_165 = tpu.vector_load %arg10[%get3A_163, %get3A_164] {strides = array<i32>} : memref<16x128xf32, #tpu.memory_space<vmem>>, vector<16xf32>,
    tpu.vector_store_idx %arg11[%shift_right_logical3A_159, %get3A_161], %get3A_165 : memref<512x64xf32, #tpu.memory_space<vmem>>[vector<16xi32>, vector<16xi32>], vector<16xf32>,
    %add3A_166 = arith.constant 208 : i32
    %add3A_167 = vector.broadcast %add3A_166 : i32 to vector<16xi32>
    %add3A_168 = arith.addi %iota3A, %add3A_167 : vector<16xi32>
    %shift_right_logical3A_169 = arith.constant 2 : i32
    %shift_right_logical3A_170 = vector.broadcast %shift_right_logical3A_169 : i32 to vector<16xi32>
    %shift_right_logical3A_171 = arith.shrui %add3A_168, %shift_right_logical3A_170 : vector<16xi32>
    %get3A_172 = arith.constant 208 : index
    %get3A_173 = tpu.vector_load %arg9[%get3A_172] {strides = array<i32>} : memref<2048xi32, #tpu.memory_space<vmem>>, vector<16xi32>,
    %get3A_174 = arith.constant 1 : i32
    %get3A_175 = arith.index_cast %get3A_174 : i32 to index
    %get3A_176 = arith.constant 80 : index
    %get3A_177 = tpu.vector_load %arg10[%get3A_175, %get3A_176] {strides = array<i32>} : memref<16x128xf32, #tpu.memory_space<vmem>>, vector<16xf32>,
    tpu.vector_store_idx %arg11[%shift_right_logical3A_171, %get3A_173], %get3A_177 : memref<512x64xf32, #tpu.memory_space<vmem>>[vector<16xi32>, vector<16xi32>], vector<16xf32>,
    %add3A_178 = arith.constant 224 : i32
    %add3A_179 = vector.broadcast %add3A_178 : i32 to vector<16xi32>
    %add3A_180 = arith.addi %iota3A, %add3A_179 : vector<16xi32>
    %shift_right_logical3A_181 = arith.constant 2 : i32
    %shift_right_logical3A_182 = vector.broadcast %shift_right_logical3A_181 : i32 to vector<16xi32>
    %shift_right_logical3A_183 = arith.shrui %add3A_180, %shift_right_logical3A_182 : vector<16xi32>
    %get3A_184 = arith.constant 224 : index
    %get3A_185 = tpu.vector_load %arg9[%get3A_184] {strides = array<i32>} : memref<2048xi32, #tpu.memory_space<vmem>>, vector<16xi32>,
    %get3A_186 = arith.constant 1 : i32
    %get3A_187 = arith.index_cast %get3A_186 : i32 to index
    %get3A_188 = arith.constant 96 : index
    %get3A_189 = tpu.vector_load %arg10[%get3A_187, %get3A_188] {strides = array<i32>} : memref<16x128xf32, #tpu.memory_space<vmem>>, vector<16xf32>,
    tpu.vector_store_idx %arg11[%shift_right_logical3A_183, %get3A_185], %get3A_189 : memref<512x64xf32, #tpu.memory_space<vmem>>[vector<16xi32>, vector<16xi32>], vector<16xf32>,
    %add3A_190 = arith.constant 240 : i32
    %add3A_191 = vector.broadcast %add3A_190 : i32 to vector<16xi32>
    %add3A_192 = arith.addi %iota3A, %add3A_191 : vector<16xi32>
    %shift_right_logical3A_193 = arith.constant 2 : i32
    %shift_right_logical3A_194 = vector.broadcast %shift_right_logical3A_193 : i32 to vector<16xi32>
    %shift_right_logical3A_195 = arith.shrui %add3A_192, %shift_right_logical3A_194 : vector<16xi32>
    %get3A_196 = arith.constant 240 : index
    %get3A_197 = tpu.vector_load %arg9[%get3A_196] {strides = array<i32>} : memref<2048xi32, #tpu.memory_space<vmem>>, vector<16xi32>,
    %get3A_198 = arith.constant 1 : i32
    %get3A_199 = arith.index_cast %get3A_198 : i32 to index
    %get3A_200 = arith.constant 112 : index
    %get3A_201 = tpu.vector_load %arg10[%get3A_199, %get3A_200] {strides = array<i32>} : memref<16x128xf32, #tpu.memory_space<vmem>>, vector<16xf32>,
    tpu.vector_store_idx %arg11[%shift_right_logical3A_195, %get3A_197], %get3A_201 : memref<512x64xf32, #tpu.memory_space<vmem>>[vector<16xi32>, vector<16xi32>], vector<16xf32>,
    %add3A_202 = arith.constant 256 : i32
    %add3A_203 = vector.broadcast %add3A_202 : i32 to vector<16xi32>
    %add3A_204 = arith.addi %iota3A, %add3A_203 : vector<16xi32>
    %shift_right_logical3A_205 = arith.constant 2 : i32
    %shift_right_logical3A_206 = vector.broadcast %shift_right_logical3A_205 : i32 to vector<16xi32>
    %shift_right_logical3A_207 = arith.shrui %add3A_204, %shift_right_logical3A_206 : vector<16xi32>
    %get3A_208 = arith.constant 256 : index
    %get3A_209 = tpu.vector_load %arg9[%get3A_208] {strides = array<i32>} : memref<2048xi32, #tpu.memory_space<vmem>>, vector<16xi32>,
    %get3A_210 = arith.constant 2 : i32
    %get3A_211 = arith.index_cast %get3A_210 : i32 to index
    %get3A_212 = arith.constant 0 : index
    %get3A_213 = tpu.vector_load %arg10[%get3A_211, %get3A_212] {strides = array<i32>} : memref<16x128xf32, #tpu.memory_space<vmem>>, vector<16xf32>,
    tpu.vector_store_idx %arg11[%shift_right_logical3A_207, %get3A_209], %get3A_213 : memref<512x64xf32, #tpu.memory_space<vmem>>[vector<16xi32>, vector<16xi32>], vector<16xf32>,
    %add3A_214 = arith.constant 272 : i32
    %add3A_215 = vector.broadcast %add3A_214 : i32 to vector<16xi32>
    %add3A_216 = arith.addi %iota3A, %add3A_215 : vector<16xi32>
    %shift_right_logical3A_217 = arith.constant 2 : i32
    %shift_right_logical3A_218 = vector.broadcast %shift_right_logical3A_217 : i32 to vector<16xi32>
    %shift_right_logical3A_219 = arith.shrui %add3A_216, %shift_right_logical3A_218 : vector<16xi32>
    %get3A_220 = arith.constant 272 : index
    %get3A_221 = tpu.vector_load %arg9[%get3A_220] {strides = array<i32>} : memref<2048xi32, #tpu.memory_space<vmem>>, vector<16xi32>,
    %get3A_222 = arith.constant 2 : i32
    %get3A_223 = arith.index_cast %get3A_222 : i32 to index
    %get3A_224 = arith.constant 16 : index
    %get3A_225 = tpu.vector_load %arg10[%get3A_223, %get3A_224] {strides = array<i32>} : memref<16x128xf32, #tpu.memory_space<vmem>>, vector<16xf32>,
    tpu.vector_store_idx %arg11[%shift_right_logical3A_219, %get3A_221], %get3A_225 : memref<512x64xf32, #tpu.memory_space<vmem>>[vector<16xi32>, vector<16xi32>], vector<16xf32>,
    %add3A_226 = arith.constant 288 : i32
    %add3A_227 = vector.broadcast %add3A_226 : i32 to vector<16xi32>
    %add3A_228 = arith.addi %iota3A, %add3A_227 : vector<16xi32>
    %shift_right_logical3A_229 = arith.constant 2 : i32
    %shift_right_logical3A_230 = vector.broadcast %shift_right_logical3A_229 : i32 to vector<16xi32>
    %shift_right_logical3A_231 = arith.shrui %add3A_228, %shift_right_logical3A_230 : vector<16xi32>
    %get3A_232 = arith.constant 288 : index
    %get3A_233 = tpu.vector_load %arg9[%get3A_232] {strides = array<i32>} : memref<2048xi32, #tpu.memory_space<vmem>>, vector<16xi32>,
    %get3A_234 = arith.constant 2 : i32
    %get3A_235 = arith.index_cast %get3A_234 : i32 to index
    %get3A_236 = arith.constant 32 : index
    %get3A_237 = tpu.vector_load %arg10[%get3A_235, %get3A_236] {strides = array<i32>} : memref<16x128xf32, #tpu.memory_space<vmem>>, vector<16xf32>,
    tpu.vector_store_idx %arg11[%shift_right_logical3A_231, %get3A_233], %get3A_237 : memref<512x64xf32, #tpu.memory_space<vmem>>[vector<16xi32>, vector<16xi32>], vector<16xf32>,
    %add3A_238 = arith.constant 304 : i32
    %add3A_239 = vector.broadcast %add3A_238 : i32 to vector<16xi32>
    %add3A_240 = arith.addi %iota3A, %add3A_239 : vector<16xi32>
    %shift_right_logical3A_241 = arith.constant 2 : i32
    %shift_right_logical3A_242 = vector.broadcast %shift_right_logical3A_241 : i32 to vector<16xi32>
    %shift_right_logical3A_243 = arith.shrui %add3A_240, %shift_right_logical3A_242 : vector<16xi32>
    %get3A_244 = arith.constant 304 : index
    %get3A_245 = tpu.vector_load %arg9[%get3A_244] {strides = array<i32>} : memref<2048xi32, #tpu.memory_space<vmem>>, vector<16xi32>,
    %get3A_246 = arith.constant 2 : i32
    %get3A_247 = arith.index_cast %get3A_246 : i32 to index
    %get3A_248 = arith.constant 48 : index
    %get3A_249 = tpu.vector_load %arg10[%get3A_247, %get3A_248] {strides = array<i32>} : memref<16x128xf32, #tpu.memory_space<vmem>>, vector<16xf32>,
    tpu.vector_store_idx %arg11[%shift_right_logical3A_243, %get3A_245], %get3A_249 : memref<512x64xf32, #tpu.memory_space<vmem>>[vector<16xi32>, vector<16xi32>], vector<16xf32>,
    %add3A_250 = arith.constant 320 : i32
    %add3A_251 = vector.broadcast %add3A_250 : i32 to vector<16xi32>
    %add3A_252 = arith.addi %iota3A, %add3A_251 : vector<16xi32>
    %shift_right_logical3A_253 = arith.constant 2 : i32
    %shift_right_logical3A_254 = vector.broadcast %shift_right_logical3A_253 : i32 to vector<16xi32>
    %shift_right_logical3A_255 = arith.shrui %add3A_252, %shift_right_logical3A_254 : vector<16xi32>
    %get3A_256 = arith.constant 320 : index
    %get3A_257 = tpu.vector_load %arg9[%get3A_256] {strides = array<i32>} : memref<2048xi32, #tpu.memory_space<vmem>>, vector<16xi32>,
    %get3A_258 = arith.constant 2 : i32
    %get3A_259 = arith.index_cast %get3A_258 : i32 to index
    %get3A_260 = arith.constant 64 : index
    %get3A_261 = tpu.vector_load %arg10[%get3A_259, %get3A_260] {strides = array<i32>} : memref<16x128xf32, #tpu.memory_space<vmem>>, vector<16xf32>,
    tpu.vector_store_idx %arg11[%shift_right_logical3A_255, %get3A_257], %get3A_261 : memref<512x64xf32, #tpu.memory_space<vmem>>[vector<16xi32>, vector<16xi32>], vector<16xf32>,
    %add3A_262 = arith.constant 336 : i32
    %add3A_263 = vector.broadcast %add3A_262 : i32 to vector<16xi32>
    %add3A_264 = arith.addi %iota3A, %add3A_263 : vector<16xi32>
    %shift_right_logical3A_265 = arith.constant 2 : i32
    %shift_right_logical3A_266 = vector.broadcast %shift_right_logical3A_265 : i32 to vector<16xi32>
    %shift_right_logical3A_267 = arith.shrui %add3A_264, %shift_right_logical3A_266 : vector<16xi32>
    %get3A_268 = arith.constant 336 : index
    %get3A_269 = tpu.vector_load %arg9[%get3A_268] {strides = array<i32>} : memref<2048xi32, #tpu.memory_space<vmem>>, vector<16xi32>,
    %get3A_270 = arith.constant 2 : i32
    %get3A_271 = arith.index_cast %get3A_270 : i32 to index
    %get3A_272 = arith.constant 80 : index
    %get3A_273 = tpu.vector_load %arg10[%get3A_271, %get3A_272] {strides = array<i32>} : memref<16x128xf32, #tpu.memory_space<vmem>>, vector<16xf32>,
    tpu.vector_store_idx %arg11[%shift_right_logical3A_267, %get3A_269], %get3A_273 : memref<512x64xf32, #tpu.memory_space<vmem>>[vector<16xi32>, vector<16xi32>], vector<16xf32>,
    %add3A_274 = arith.constant 352 : i32
    %add3A_275 = vector.broadcast %add3A_274 : i32 to vector<16xi32>
    %add3A_276 = arith.addi %iota3A, %add3A_275 : vector<16xi32>
    %shift_right_logical3A_277 = arith.constant 2 : i32
    %shift_right_logical3A_278 = vector.broadcast %shift_right_logical3A_277 : i32 to vector<16xi32>
    %shift_right_logical3A_279 = arith.shrui %add3A_276, %shift_right_logical3A_278 : vector<16xi32>
    %get3A_280 = arith.constant 352 : index
    %get3A_281 = tpu.vector_load %arg9[%get3A_280] {strides = array<i32>} : memref<2048xi32, #tpu.memory_space<vmem>>, vector<16xi32>,
    %get3A_282 = arith.constant 2 : i32
    %get3A_283 = arith.index_cast %get3A_282 : i32 to index
    %get3A_284 = arith.constant 96 : index
    %get3A_285 = tpu.vector_load %arg10[%get3A_283, %get3A_284] {strides = array<i32>} : memref<16x128xf32, #tpu.memory_space<vmem>>, vector<16xf32>,
    tpu.vector_store_idx %arg11[%shift_right_logical3A_279, %get3A_281], %get3A_285 : memref<512x64xf32, #tpu.memory_space<vmem>>[vector<16xi32>, vector<16xi32>], vector<16xf32>,
    %add3A_286 = arith.constant 368 : i32
    %add3A_287 = vector.broadcast %add3A_286 : i32 to vector<16xi32>
    %add3A_288 = arith.addi %iota3A, %add3A_287 : vector<16xi32>
    %shift_right_logical3A_289 = arith.constant 2 : i32
    %shift_right_logical3A_290 = vector.broadcast %shift_right_logical3A_289 : i32 to vector<16xi32>
    %shift_right_logical3A_291 = arith.shrui %add3A_288, %shift_right_logical3A_290 : vector<16xi32>
    %get3A_292 = arith.constant 368 : index
    %get3A_293 = tpu.vector_load %arg9[%get3A_292] {strides = array<i32>} : memref<2048xi32, #tpu.memory_space<vmem>>, vector<16xi32>,
    %get3A_294 = arith.constant 2 : i32
    %get3A_295 = arith.index_cast %get3A_294 : i32 to index
    %get3A_296 = arith.constant 112 : index
    %get3A_297 = tpu.vector_load %arg10[%get3A_295, %get3A_296] {strides = array<i32>} : memref<16x128xf32, #tpu.memory_space<vmem>>, vector<16xf32>,
    tpu.vector_store_idx %arg11[%shift_right_logical3A_291, %get3A_293], %get3A_297 : memref<512x64xf32, #tpu.memory_space<vmem>>[vector<16xi32>, vector<16xi32>], vector<16xf32>,
    %add3A_298 = arith.constant 384 : i32
    %add3A_299 = vector.broadcast %add3A_298 : i32 to vector<16xi32>
    %add3A_300 = arith.addi %iota3A, %add3A_299 : vector<16xi32>
    %shift_right_logical3A_301 = arith.constant 2 : i32
    %shift_right_logical3A_302 = vector.broadcast %shift_right_logical3A_301 : i32 to vector<16xi32>
    %shift_right_logical3A_303 = arith.shrui %add3A_300, %shift_right_logical3A_302 : vector<16xi32>
    %get3A_304 = arith.constant 384 : index
    %get3A_305 = tpu.vector_load %arg9[%get3A_304] {strides = array<i32>} : memref<2048xi32, #tpu.memory_space<vmem>>, vector<16xi32>,
    %get3A_306 = arith.constant 3 : i32
    %get3A_307 = arith.index_cast %get3A_306 : i32 to index
    %get3A_308 = arith.constant 0 : index
    %get3A_309 = tpu.vector_load %arg10[%get3A_307, %get3A_308] {strides = array<i32>} : memref<16x128xf32, #tpu.memory_space<vmem>>, vector<16xf32>,
    tpu.vector_store_idx %arg11[%shift_right_logical3A_303, %get3A_305], %get3A_309 : memref<512x64xf32, #tpu.memory_space<vmem>>[vector<16xi32>, vector<16xi32>], vector<16xf32>,
    %add3A_310 = arith.constant 400 : i32
    %add3A_311 = vector.broadcast %add3A_310 : i32 to vector<16xi32>
    %add3A_312 = arith.addi %iota3A, %add3A_311 : vector<16xi32>
    %shift_right_logical3A_313 = arith.constant 2 : i32
    %shift_right_logical3A_314 = vector.broadcast %shift_right_logical3A_313 : i32 to vector<16xi32>
    %shift_right_logical3A_315 = arith.shrui %add3A_312, %shift_right_logical3A_314 : vector<16xi32>
    %get3A_316 = arith.constant 400 : index
    %get3A_317 = tpu.vector_load %arg9[%get3A_316] {strides = array<i32>} : memref<2048xi32, #tpu.memory_space<vmem>>, vector<16xi32>,
    %get3A_318 = arith.constant 3 : i32
    %get3A_319 = arith.index_cast %get3A_318 : i32 to index
    %get3A_320 = arith.constant 16 : index
    %get3A_321 = tpu.vector_load %arg10[%get3A_319, %get3A_320] {strides = array<i32>} : memref<16x128xf32, #tpu.memory_space<vmem>>, vector<16xf32>,
    tpu.vector_store_idx %arg11[%shift_right_logical3A_315, %get3A_317], %get3A_321 : memref<512x64xf32, #tpu.memory_space<vmem>>[vector<16xi32>, vector<16xi32>], vector<16xf32>,
    %add3A_322 = arith.constant 416 : i32
    %add3A_323 = vector.broadcast %add3A_322 : i32 to vector<16xi32>
    %add3A_324 = arith.addi %iota3A, %add3A_323 : vector<16xi32>
    %shift_right_logical3A_325 = arith.constant 2 : i32
    %shift_right_logical3A_326 = vector.broadcast %shift_right_logical3A_325 : i32 to vector<16xi32>
    %shift_right_logical3A_327 = arith.shrui %add3A_324, %shift_right_logical3A_326 : vector<16xi32>
    %get3A_328 = arith.constant 416 : index
    %get3A_329 = tpu.vector_load %arg9[%get3A_328] {strides = array<i32>} : memref<2048xi32, #tpu.memory_space<vmem>>, vector<16xi32>,
    %get3A_330 = arith.constant 3 : i32
    %get3A_331 = arith.index_cast %get3A_330 : i32 to index
    %get3A_332 = arith.constant 32 : index
    %get3A_333 = tpu.vector_load %arg10[%get3A_331, %get3A_332] {strides = array<i32>} : memref<16x128xf32, #tpu.memory_space<vmem>>, vector<16xf32>,
    tpu.vector_store_idx %arg11[%shift_right_logical3A_327, %get3A_329], %get3A_333 : memref<512x64xf32, #tpu.memory_space<vmem>>[vector<16xi32>, vector<16xi32>], vector<16xf32>,
    %add3A_334 = arith.constant 432 : i32
    %add3A_335 = vector.broadcast %add3A_334 : i32 to vector<16xi32>
    %add3A_336 = arith.addi %iota3A, %add3A_335 : vector<16xi32>
    %shift_right_logical3A_337 = arith.constant 2 : i32
    %shift_right_logical3A_338 = vector.broadcast %shift_right_logical3A_337 : i32 to vector<16xi32>
    %shift_right_logical3A_339 = arith.shrui %add3A_336, %shift_right_logical3A_338 : vector<16xi32>
    %get3A_340 = arith.constant 432 : index
    %get3A_341 = tpu.vector_load %arg9[%get3A_340] {strides = array<i32>} : memref<2048xi32, #tpu.memory_space<vmem>>, vector<16xi32>,
    %get3A_342 = arith.constant 3 : i32
    %get3A_343 = arith.index_cast %get3A_342 : i32 to index
    %get3A_344 = arith.constant 48 : index
    %get3A_345 = tpu.vector_load %arg10[%get3A_343, %get3A_344] {strides = array<i32>} : memref<16x128xf32, #tpu.memory_space<vmem>>, vector<16xf32>,
    tpu.vector_store_idx %arg11[%shift_right_logical3A_339, %get3A_341], %get3A_345 : memref<512x64xf32, #tpu.memory_space<vmem>>[vector<16xi32>, vector<16xi32>], vector<16xf32>,
    %add3A_346 = arith.constant 448 : i32
    %add3A_347 = vector.broadcast %add3A_346 : i32 to vector<16xi32>
    %add3A_348 = arith.addi %iota3A, %add3A_347 : vector<16xi32>
    %shift_right_logical3A_349 = arith.constant 2 : i32
    %shift_right_logical3A_350 = vector.broadcast %shift_right_logical3A_349 : i32 to vector<16xi32>
    %shift_right_logical3A_351 = arith.shrui %add3A_348, %shift_right_logical3A_350 : vector<16xi32>
    %get3A_352 = arith.constant 448 : index
    %get3A_353 = tpu.vector_load %arg9[%get3A_352] {strides = array<i32>} : memref<2048xi32, #tpu.memory_space<vmem>>, vector<16xi32>,
    %get3A_354 = arith.constant 3 : i32
    %get3A_355 = arith.index_cast %get3A_354 : i32 to index
    %get3A_356 = arith.constant 64 : index
    %get3A_357 = tpu.vector_load %arg10[%get3A_355, %get3A_356] {strides = array<i32>} : memref<16x128xf32, #tpu.memory_space<vmem>>, vector<16xf32>,
    tpu.vector_store_idx %arg11[%shift_right_logical3A_351, %get3A_353], %get3A_357 : memref<512x64xf32, #tpu.memory_space<vmem>>[vector<16xi32>, vector<16xi32>], vector<16xf32>,
    %add3A_358 = arith.constant 464 : i32
    %add3A_359 = vector.broadcast %add3A_358 : i32 to vector<16xi32>
    %add3A_360 = arith.addi %iota3A, %add3A_359 : vector<16xi32>
    %shift_right_logical3A_361 = arith.constant 2 : i32
    %shift_right_logical3A_362 = vector.broadcast %shift_right_logical3A_361 : i32 to vector<16xi32>
    %shift_right_logical3A_363 = arith.shrui %add3A_360, %shift_right_logical3A_362 : vector<16xi32>
    %get3A_364 = arith.constant 464 : index
    %get3A_365 = tpu.vector_load %arg9[%get3A_364] {strides = array<i32>} : memref<2048xi32, #tpu.memory_space<vmem>>, vector<16xi32>,
    %get3A_366 = arith.constant 3 : i32
    %get3A_367 = arith.index_cast %get3A_366 : i32 to index
    %get3A_368 = arith.constant 80 : index
    %get3A_369 = tpu.vector_load %arg10[%get3A_367, %get3A_368] {strides = array<i32>} : memref<16x128xf32, #tpu.memory_space<vmem>>, vector<16xf32>,
    tpu.vector_store_idx %arg11[%shift_right_logical3A_363, %get3A_365], %get3A_369 : memref<512x64xf32, #tpu.memory_space<vmem>>[vector<16xi32>, vector<16xi32>], vector<16xf32>,
    %add3A_370 = arith.constant 480 : i32
    %add3A_371 = vector.broadcast %add3A_370 : i32 to vector<16xi32>
    %add3A_372 = arith.addi %iota3A, %add3A_371 : vector<16xi32>
    %shift_right_logical3A_373 = arith.constant 2 : i32
    %shift_right_logical3A_374 = vector.broadcast %shift_right_logical3A_373 : i32 to vector<16xi32>
    %shift_right_logical3A_375 = arith.shrui %add3A_372, %shift_right_logical3A_374 : vector<16xi32>
    %get3A_376 = arith.constant 480 : index
    %get3A_377 = tpu.vector_load %arg9[%get3A_376] {strides = array<i32>} : memref<2048xi32, #tpu.memory_space<vmem>>, vector<16xi32>,
    %get3A_378 = arith.constant 3 : i32
    %get3A_379 = arith.index_cast %get3A_378 : i32 to index
    %get3A_380 = arith.constant 96 : index
    %get3A_381 = tpu.vector_load %arg10[%get3A_379, %get3A_380] {strides = array<i32>} : memref<16x128xf32, #tpu.memory_space<vmem>>, vector<16xf32>,
    tpu.vector_store_idx %arg11[%shift_right_logical3A_375, %get3A_377], %get3A_381 : memref<512x64xf32, #tpu.memory_space<vmem>>[vector<16xi32>, vector<16xi32>], vector<16xf32>,
    %add3A_382 = arith.constant 496 : i32
    %add3A_383 = vector.broadcast %add3A_382 : i32 to vector<16xi32>
    %add3A_384 = arith.addi %iota3A, %add3A_383 : vector<16xi32>
    %shift_right_logical3A_385 = arith.constant 2 : i32
    %shift_right_logical3A_386 = vector.broadcast %shift_right_logical3A_385 : i32 to vector<16xi32>
    %shift_right_logical3A_387 = arith.shrui %add3A_384, %shift_right_logical3A_386 : vector<16xi32>
    %get3A_388 = arith.constant 496 : index
    %get3A_389 = tpu.vector_load %arg9[%get3A_388] {strides = array<i32>} : memref<2048xi32, #tpu.memory_space<vmem>>, vector<16xi32>,
    %get3A_390 = arith.constant 3 : i32
    %get3A_391 = arith.index_cast %get3A_390 : i32 to index
    %get3A_392 = arith.constant 112 : index
    %get3A_393 = tpu.vector_load %arg10[%get3A_391, %get3A_392] {strides = array<i32>} : memref<16x128xf32, #tpu.memory_space<vmem>>, vector<16xf32>,
    tpu.vector_store_idx %arg11[%shift_right_logical3A_387, %get3A_389], %get3A_393 : memref<512x64xf32, #tpu.memory_space<vmem>>[vector<16xi32>, vector<16xi32>], vector<16xf32>,
    %add3A_394 = arith.constant 512 : i32
    %add3A_395 = vector.broadcast %add3A_394 : i32 to vector<16xi32>
    %add3A_396 = arith.addi %iota3A, %add3A_395 : vector<16xi32>
    %shift_right_logical3A_397 = arith.constant 2 : i32
    %shift_right_logical3A_398 = vector.broadcast %shift_right_logical3A_397 : i32 to vector<16xi32>
    %shift_right_logical3A_399 = arith.shrui %add3A_396, %shift_right_logical3A_398 : vector<16xi32>
    %get3A_400 = arith.constant 512 : index
    %get3A_401 = tpu.vector_load %arg9[%get3A_400] {strides = array<i32>} : memref<2048xi32, #tpu.memory_space<vmem>>, vector<16xi32>,
    %get3A_402 = arith.constant 4 : i32
    %get3A_403 = arith.index_cast %get3A_402 : i32 to index
    %get3A_404 = arith.constant 0 : index
    %get3A_405 = tpu.vector_load %arg10[%get3A_403, %get3A_404] {strides = array<i32>} : memref<16x128xf32, #tpu.memory_space<vmem>>, vector<16xf32>,
    tpu.vector_store_idx %arg11[%shift_right_logical3A_399, %get3A_401], %get3A_405 : memref<512x64xf32, #tpu.memory_space<vmem>>[vector<16xi32>, vector<16xi32>], vector<16xf32>,
    %add3A_406 = arith.constant 528 : i32
    %add3A_407 = vector.broadcast %add3A_406 : i32 to vector<16xi32>
    %add3A_408 = arith.addi %iota3A, %add3A_407 : vector<16xi32>
    %shift_right_logical3A_409 = arith.constant 2 : i32
    %shift_right_logical3A_410 = vector.broadcast %shift_right_logical3A_409 : i32 to vector<16xi32>
    %shift_right_logical3A_411 = arith.shrui %add3A_408, %shift_right_logical3A_410 : vector<16xi32>
    %get3A_412 = arith.constant 528 : index
    %get3A_413 = tpu.vector_load %arg9[%get3A_412] {strides = array<i32>} : memref<2048xi32, #tpu.memory_space<vmem>>, vector<16xi32>,
    %get3A_414 = arith.constant 4 : i32
    %get3A_415 = arith.index_cast %get3A_414 : i32 to index
    %get3A_416 = arith.constant 16 : index
    %get3A_417 = tpu.vector_load %arg10[%get3A_415, %get3A_416] {strides = array<i32>} : memref<16x128xf32, #tpu.memory_space<vmem>>, vector<16xf32>,
    tpu.vector_store_idx %arg11[%shift_right_logical3A_411, %get3A_413], %get3A_417 : memref<512x64xf32, #tpu.memory_space<vmem>>[vector<16xi32>, vector<16xi32>], vector<16xf32>,
    %add3A_418 = arith.constant 544 : i32
    %add3A_419 = vector.broadcast %add3A_418 : i32 to vector<16xi32>
    %add3A_420 = arith.addi %iota3A, %add3A_419 : vector<16xi32>
    %shift_right_logical3A_421 = arith.constant 2 : i32
    %shift_right_logical3A_422 = vector.broadcast %shift_right_logical3A_421 : i32 to vector<16xi32>
    %shift_right_logical3A_423 = arith.shrui %add3A_420, %shift_right_logical3A_422 : vector<16xi32>
    %get3A_424 = arith.constant 544 : index
    %get3A_425 = tpu.vector_load %arg9[%get3A_424] {strides = array<i32>} : memref<2048xi32, #tpu.memory_space<vmem>>, vector<16xi32>,
    %get3A_426 = arith.constant 4 : i32
    %get3A_427 = arith.index_cast %get3A_426 : i32 to index
    %get3A_428 = arith.constant 32 : index
    %get3A_429 = tpu.vector_load %arg10[%get3A_427, %get3A_428] {strides = array<i32>} : memref<16x128xf32, #tpu.memory_space<vmem>>, vector<16xf32>,
    tpu.vector_store_idx %arg11[%shift_right_logical3A_423, %get3A_425], %get3A_429 : memref<512x64xf32, #tpu.memory_space<vmem>>[vector<16xi32>, vector<16xi32>], vector<16xf32>,
    %add3A_430 = arith.constant 560 : i32
    %add3A_431 = vector.broadcast %add3A_430 : i32 to vector<16xi32>
    %add3A_432 = arith.addi %iota3A, %add3A_431 : vector<16xi32>
    %shift_right_logical3A_433 = arith.constant 2 : i32
    %shift_right_logical3A_434 = vector.broadcast %shift_right_logical3A_433 : i32 to vector<16xi32>
    %shift_right_logical3A_435 = arith.shrui %add3A_432, %shift_right_logical3A_434 : vector<16xi32>
    %get3A_436 = arith.constant 560 : index
    %get3A_437 = tpu.vector_load %arg9[%get3A_436] {strides = array<i32>} : memref<2048xi32, #tpu.memory_space<vmem>>, vector<16xi32>,
    %get3A_438 = arith.constant 4 : i32
    %get3A_439 = arith.index_cast %get3A_438 : i32 to index
    %get3A_440 = arith.constant 48 : index
    %get3A_441 = tpu.vector_load %arg10[%get3A_439, %get3A_440] {strides = array<i32>} : memref<16x128xf32, #tpu.memory_space<vmem>>, vector<16xf32>,
    tpu.vector_store_idx %arg11[%shift_right_logical3A_435, %get3A_437], %get3A_441 : memref<512x64xf32, #tpu.memory_space<vmem>>[vector<16xi32>, vector<16xi32>], vector<16xf32>,
    %add3A_442 = arith.constant 576 : i32
    %add3A_443 = vector.broadcast %add3A_442 : i32 to vector<16xi32>
    %add3A_444 = arith.addi %iota3A, %add3A_443 : vector<16xi32>
    %shift_right_logical3A_445 = arith.constant 2 : i32
    %shift_right_logical3A_446 = vector.broadcast %shift_right_logical3A_445 : i32 to vector<16xi32>
    %shift_right_logical3A_447 = arith.shrui %add3A_444, %shift_right_logical3A_446 : vector<16xi32>
    %get3A_448 = arith.constant 576 : index
    %get3A_449 = tpu.vector_load %arg9[%get3A_448] {strides = array<i32>} : memref<2048xi32, #tpu.memory_space<vmem>>, vector<16xi32>,
    %get3A_450 = arith.constant 4 : i32
    %get3A_451 = arith.index_cast %get3A_450 : i32 to index
    %get3A_452 = arith.constant 64 : index
    %get3A_453 = tpu.vector_load %arg10[%get3A_451, %get3A_452] {strides = array<i32>} : memref<16x128xf32, #tpu.memory_space<vmem>>, vector<16xf32>,
    tpu.vector_store_idx %arg11[%shift_right_logical3A_447, %get3A_449], %get3A_453 : memref<512x64xf32, #tpu.memory_space<vmem>>[vector<16xi32>, vector<16xi32>], vector<16xf32>,
    %add3A_454 = arith.constant 592 : i32
    %add3A_455 = vector.broadcast %add3A_454 : i32 to vector<16xi32>
    %add3A_456 = arith.addi %iota3A, %add3A_455 : vector<16xi32>
    %shift_right_logical3A_457 = arith.constant 2 : i32
    %shift_right_logical3A_458 = vector.broadcast %shift_right_logical3A_457 : i32 to vector<16xi32>
    %shift_right_logical3A_459 = arith.shrui %add3A_456, %shift_right_logical3A_458 : vector<16xi32>
    %get3A_460 = arith.constant 592 : index
    %get3A_461 = tpu.vector_load %arg9[%get3A_460] {strides = array<i32>} : memref<2048xi32, #tpu.memory_space<vmem>>, vector<16xi32>,
    %get3A_462 = arith.constant 4 : i32
    %get3A_463 = arith.index_cast %get3A_462 : i32 to index
    %get3A_464 = arith.constant 80 : index
    %get3A_465 = tpu.vector_load %arg10[%get3A_463, %get3A_464] {strides = array<i32>} : memref<16x128xf32, #tpu.memory_space<vmem>>, vector<16xf32>,
    tpu.vector_store_idx %arg11[%shift_right_logical3A_459, %get3A_461], %get3A_465 : memref<512x64xf32, #tpu.memory_space<vmem>>[vector<16xi32>, vector<16xi32>], vector<16xf32>,
    %add3A_466 = arith.constant 608 : i32
    %add3A_467 = vector.broadcast %add3A_466 : i32 to vector<16xi32>
    %add3A_468 = arith.addi %iota3A, %add3A_467 : vector<16xi32>
    %shift_right_logical3A_469 = arith.constant 2 : i32
    %shift_right_logical3A_470 = vector.broadcast %shift_right_logical3A_469 : i32 to vector<16xi32>
    %shift_right_logical3A_471 = arith.shrui %add3A_468, %shift_right_logical3A_470 : vector<16xi32>
    %get3A_472 = arith.constant 608 : index
    %get3A_473 = tpu.vector_load %arg9[%get3A_472] {strides = array<i32>} : memref<2048xi32, #tpu.memory_space<vmem>>, vector<16xi32>,
    %get3A_474 = arith.constant 4 : i32
    %get3A_475 = arith.index_cast %get3A_474 : i32 to index
    %get3A_476 = arith.constant 96 : index
    %get3A_477 = tpu.vector_load %arg10[%get3A_475, %get3A_476] {strides = array<i32>} : memref<16x128xf32, #tpu.memory_space<vmem>>, vector<16xf32>,
    tpu.vector_store_idx %arg11[%shift_right_logical3A_471, %get3A_473], %get3A_477 : memref<512x64xf32, #tpu.memory_space<vmem>>[vector<16xi32>, vector<16xi32>], vector<16xf32>,
    %add3A_478 = arith.constant 624 : i32
    %add3A_479 = vector.broadcast %add3A_478 : i32 to vector<16xi32>
    %add3A_480 = arith.addi %iota3A, %add3A_479 : vector<16xi32>
    %shift_right_logical3A_481 = arith.constant 2 : i32
    %shift_right_logical3A_482 = vector.broadcast %shift_right_logical3A_481 : i32 to vector<16xi32>
    %shift_right_logical3A_483 = arith.shrui %add3A_480, %shift_right_logical3A_482 : vector<16xi32>
    %get3A_484 = arith.constant 624 : index
    %get3A_485 = tpu.vector_load %arg9[%get3A_484] {strides = array<i32>} : memref<2048xi32, #tpu.memory_space<vmem>>, vector<16xi32>,
    %get3A_486 = arith.constant 4 : i32
    %get3A_487 = arith.index_cast %get3A_486 : i32 to index
    %get3A_488 = arith.constant 112 : index
    %get3A_489 = tpu.vector_load %arg10[%get3A_487, %get3A_488] {strides = array<i32>} : memref<16x128xf32, #tpu.memory_space<vmem>>, vector<16xf32>,
    tpu.vector_store_idx %arg11[%shift_right_logical3A_483, %get3A_485], %get3A_489 : memref<512x64xf32, #tpu.memory_space<vmem>>[vector<16xi32>, vector<16xi32>], vector<16xf32>,
    %add3A_490 = arith.constant 640 : i32
    %add3A_491 = vector.broadcast %add3A_490 : i32 to vector<16xi32>
    %add3A_492 = arith.addi %iota3A, %add3A_491 : vector<16xi32>
    %shift_right_logical3A_493 = arith.constant 2 : i32
    %shift_right_logical3A_494 = vector.broadcast %shift_right_logical3A_493 : i32 to vector<16xi32>
    %shift_right_logical3A_495 = arith.shrui %add3A_492, %shift_right_logical3A_494 : vector<16xi32>
    %get3A_496 = arith.constant 640 : index
    %get3A_497 = tpu.vector_load %arg9[%get3A_496] {strides = array<i32>} : memref<2048xi32, #tpu.memory_space<vmem>>, vector<16xi32>,
    %get3A_498 = arith.constant 5 : i32
    %get3A_499 = arith.index_cast %get3A_498 : i32 to index
    %get3A_500 = arith.constant 0 : index
    %get3A_501 = tpu.vector_load %arg10[%get3A_499, %get3A_500] {strides = array<i32>} : memref<16x128xf32, #tpu.memory_space<vmem>>, vector<16xf32>,
    tpu.vector_store_idx %arg11[%shift_right_logical3A_495, %get3A_497], %get3A_501 : memref<512x64xf32, #tpu.memory_space<vmem>>[vector<16xi32>, vector<16xi32>], vector<16xf32>,
    %add3A_502 = arith.constant 656 : i32
    %add3A_503 = vector.broadcast %add3A_502 : i32 to vector<16xi32>
    %add3A_504 = arith.addi %iota3A, %add3A_503 : vector<16xi32>
    %shift_right_logical3A_505 = arith.constant 2 : i32
    %shift_right_logical3A_506 = vector.broadcast %shift_right_logical3A_505 : i32 to vector<16xi32>
    %shift_right_logical3A_507 = arith.shrui %add3A_504, %shift_right_logical3A_506 : vector<16xi32>
    %get3A_508 = arith.constant 656 : index
    %get3A_509 = tpu.vector_load %arg9[%get3A_508] {strides = array<i32>} : memref<2048xi32, #tpu.memory_space<vmem>>, vector<16xi32>,
    %get3A_510 = arith.constant 5 : i32
    %get3A_511 = arith.index_cast %get3A_510 : i32 to index
    %get3A_512 = arith.constant 16 : index
    %get3A_513 = tpu.vector_load %arg10[%get3A_511, %get3A_512] {strides = array<i32>} : memref<16x128xf32, #tpu.memory_space<vmem>>, vector<16xf32>,
    tpu.vector_store_idx %arg11[%shift_right_logical3A_507, %get3A_509], %get3A_513 : memref<512x64xf32, #tpu.memory_space<vmem>>[vector<16xi32>, vector<16xi32>], vector<16xf32>,
    %add3A_514 = arith.constant 672 : i32
    %add3A_515 = vector.broadcast %add3A_514 : i32 to vector<16xi32>
    %add3A_516 = arith.addi %iota3A, %add3A_515 : vector<16xi32>
    %shift_right_logical3A_517 = arith.constant 2 : i32
    %shift_right_logical3A_518 = vector.broadcast %shift_right_logical3A_517 : i32 to vector<16xi32>
    %shift_right_logical3A_519 = arith.shrui %add3A_516, %shift_right_logical3A_518 : vector<16xi32>
    %get3A_520 = arith.constant 672 : index
    %get3A_521 = tpu.vector_load %arg9[%get3A_520] {strides = array<i32>} : memref<2048xi32, #tpu.memory_space<vmem>>, vector<16xi32>,
    %get3A_522 = arith.constant 5 : i32
    %get3A_523 = arith.index_cast %get3A_522 : i32 to index
    %get3A_524 = arith.constant 32 : index
    %get3A_525 = tpu.vector_load %arg10[%get3A_523, %get3A_524] {strides = array<i32>} : memref<16x128xf32, #tpu.memory_space<vmem>>, vector<16xf32>,
    tpu.vector_store_idx %arg11[%shift_right_logical3A_519, %get3A_521], %get3A_525 : memref<512x64xf32, #tpu.memory_space<vmem>>[vector<16xi32>, vector<16xi32>], vector<16xf32>,
    %add3A_526 = arith.constant 688 : i32
    %add3A_527 = vector.broadcast %add3A_526 : i32 to vector<16xi32>
    %add3A_528 = arith.addi %iota3A, %add3A_527 : vector<16xi32>
    %shift_right_logical3A_529 = arith.constant 2 : i32
    %shift_right_logical3A_530 = vector.broadcast %shift_right_logical3A_529 : i32 to vector<16xi32>
    %shift_right_logical3A_531 = arith.shrui %add3A_528, %shift_right_logical3A_530 : vector<16xi32>
    %get3A_532 = arith.constant 688 : index
    %get3A_533 = tpu.vector_load %arg9[%get3A_532] {strides = array<i32>} : memref<2048xi32, #tpu.memory_space<vmem>>, vector<16xi32>,
    %get3A_534 = arith.constant 5 : i32
    %get3A_535 = arith.index_cast %get3A_534 : i32 to index
    %get3A_536 = arith.constant 48 : index
    %get3A_537 = tpu.vector_load %arg10[%get3A_535, %get3A_536] {strides = array<i32>} : memref<16x128xf32, #tpu.memory_space<vmem>>, vector<16xf32>,
    tpu.vector_store_idx %arg11[%shift_right_logical3A_531, %get3A_533], %get3A_537 : memref<512x64xf32, #tpu.memory_space<vmem>>[vector<16xi32>, vector<16xi32>], vector<16xf32>,
    %add3A_538 = arith.constant 704 : i32
    %add3A_539 = vector.broadcast %add3A_538 : i32 to vector<16xi32>
    %add3A_540 = arith.addi %iota3A, %add3A_539 : vector<16xi32>
    %shift_right_logical3A_541 = arith.constant 2 : i32
    %shift_right_logical3A_542 = vector.broadcast %shift_right_logical3A_541 : i32 to vector<16xi32>
    %shift_right_logical3A_543 = arith.shrui %add3A_540, %shift_right_logical3A_542 : vector<16xi32>
    %get3A_544 = arith.constant 704 : index
    %get3A_545 = tpu.vector_load %arg9[%get3A_544] {strides = array<i32>} : memref<2048xi32, #tpu.memory_space<vmem>>, vector<16xi32>,
    %get3A_546 = arith.constant 5 : i32
    %get3A_547 = arith.index_cast %get3A_546 : i32 to index
    %get3A_548 = arith.constant 64 : index
    %get3A_549 = tpu.vector_load %arg10[%get3A_547, %get3A_548] {strides = array<i32>} : memref<16x128xf32, #tpu.memory_space<vmem>>, vector<16xf32>,
    tpu.vector_store_idx %arg11[%shift_right_logical3A_543, %get3A_545], %get3A_549 : memref<512x64xf32, #tpu.memory_space<vmem>>[vector<16xi32>, vector<16xi32>], vector<16xf32>,
    %add3A_550 = arith.constant 720 : i32
    %add3A_551 = vector.broadcast %add3A_550 : i32 to vector<16xi32>
    %add3A_552 = arith.addi %iota3A, %add3A_551 : vector<16xi32>
    %shift_right_logical3A_553 = arith.constant 2 : i32
    %shift_right_logical3A_554 = vector.broadcast %shift_right_logical3A_553 : i32 to vector<16xi32>
    %shift_right_logical3A_555 = arith.shrui %add3A_552, %shift_right_logical3A_554 : vector<16xi32>
    %get3A_556 = arith.constant 720 : index
    %get3A_557 = tpu.vector_load %arg9[%get3A_556] {strides = array<i32>} : memref<2048xi32, #tpu.memory_space<vmem>>, vector<16xi32>,
    %get3A_558 = arith.constant 5 : i32
    %get3A_559 = arith.index_cast %get3A_558 : i32 to index
    %get3A_560 = arith.constant 80 : index
    %get3A_561 = tpu.vector_load %arg10[%get3A_559, %get3A_560] {strides = array<i32>} : memref<16x128xf32, #tpu.memory_space<vmem>>, vector<16xf32>,
    tpu.vector_store_idx %arg11[%shift_right_logical3A_555, %get3A_557], %get3A_561 : memref<512x64xf32, #tpu.memory_space<vmem>>[vector<16xi32>, vector<16xi32>], vector<16xf32>,
    %add3A_562 = arith.constant 736 : i32
    %add3A_563 = vector.broadcast %add3A_562 : i32 to vector<16xi32>
    %add3A_564 = arith.addi %iota3A, %add3A_563 : vector<16xi32>
    %shift_right_logical3A_565 = arith.constant 2 : i32
    %shift_right_logical3A_566 = vector.broadcast %shift_right_logical3A_565 : i32 to vector<16xi32>
    %shift_right_logical3A_567 = arith.shrui %add3A_564, %shift_right_logical3A_566 : vector<16xi32>
    %get3A_568 = arith.constant 736 : index
    %get3A_569 = tpu.vector_load %arg9[%get3A_568] {strides = array<i32>} : memref<2048xi32, #tpu.memory_space<vmem>>, vector<16xi32>,
    %get3A_570 = arith.constant 5 : i32
    %get3A_571 = arith.index_cast %get3A_570 : i32 to index
    %get3A_572 = arith.constant 96 : index
    %get3A_573 = tpu.vector_load %arg10[%get3A_571, %get3A_572] {strides = array<i32>} : memref<16x128xf32, #tpu.memory_space<vmem>>, vector<16xf32>,
    tpu.vector_store_idx %arg11[%shift_right_logical3A_567, %get3A_569], %get3A_573 : memref<512x64xf32, #tpu.memory_space<vmem>>[vector<16xi32>, vector<16xi32>], vector<16xf32>,
    %add3A_574 = arith.constant 752 : i32
    %add3A_575 = vector.broadcast %add3A_574 : i32 to vector<16xi32>
    %add3A_576 = arith.addi %iota3A, %add3A_575 : vector<16xi32>
    %shift_right_logical3A_577 = arith.constant 2 : i32
    %shift_right_logical3A_578 = vector.broadcast %shift_right_logical3A_577 : i32 to vector<16xi32>
    %shift_right_logical3A_579 = arith.shrui %add3A_576, %shift_right_logical3A_578 : vector<16xi32>
    %get3A_580 = arith.constant 752 : index
    %get3A_581 = tpu.vector_load %arg9[%get3A_580] {strides = array<i32>} : memref<2048xi32, #tpu.memory_space<vmem>>, vector<16xi32>,
    %get3A_582 = arith.constant 5 : i32
    %get3A_583 = arith.index_cast %get3A_582 : i32 to index
    %get3A_584 = arith.constant 112 : index
    %get3A_585 = tpu.vector_load %arg10[%get3A_583, %get3A_584] {strides = array<i32>} : memref<16x128xf32, #tpu.memory_space<vmem>>, vector<16xf32>,
    tpu.vector_store_idx %arg11[%shift_right_logical3A_579, %get3A_581], %get3A_585 : memref<512x64xf32, #tpu.memory_space<vmem>>[vector<16xi32>, vector<16xi32>], vector<16xf32>,
    %add3A_586 = arith.constant 768 : i32
    %add3A_587 = vector.broadcast %add3A_586 : i32 to vector<16xi32>
    %add3A_588 = arith.addi %iota3A, %add3A_587 : vector<16xi32>
    %shift_right_logical3A_589 = arith.constant 2 : i32
    %shift_right_logical3A_590 = vector.broadcast %shift_right_logical3A_589 : i32 to vector<16xi32>
    %shift_right_logical3A_591 = arith.shrui %add3A_588, %shift_right_logical3A_590 : vector<16xi32>
    %get3A_592 = arith.constant 768 : index
    %get3A_593 = tpu.vector_load %arg9[%get3A_592] {strides = array<i32>} : memref<2048xi32, #tpu.memory_space<vmem>>, vector<16xi32>,
    %get3A_594 = arith.constant 6 : i32
    %get3A_595 = arith.index_cast %get3A_594 : i32 to index
    %get3A_596 = arith.constant 0 : index
    %get3A_597 = tpu.vector_load %arg10[%get3A_595, %get3A_596] {strides = array<i32>} : memref<16x128xf32, #tpu.memory_space<vmem>>, vector<16xf32>,
    tpu.vector_store_idx %arg11[%shift_right_logical3A_591, %get3A_593], %get3A_597 : memref<512x64xf32, #tpu.memory_space<vmem>>[vector<16xi32>, vector<16xi32>], vector<16xf32>,
    %add3A_598 = arith.constant 784 : i32
    %add3A_599 = vector.broadcast %add3A_598 : i32 to vector<16xi32>
    %add3A_600 = arith.addi %iota3A, %add3A_599 : vector<16xi32>
    %shift_right_logical3A_601 = arith.constant 2 : i32
    %shift_right_logical3A_602 = vector.broadcast %shift_right_logical3A_601 : i32 to vector<16xi32>
    %shift_right_logical3A_603 = arith.shrui %add3A_600, %shift_right_logical3A_602 : vector<16xi32>
    %get3A_604 = arith.constant 784 : index
    %get3A_605 = tpu.vector_load %arg9[%get3A_604] {strides = array<i32>} : memref<2048xi32, #tpu.memory_space<vmem>>, vector<16xi32>,
    %get3A_606 = arith.constant 6 : i32
    %get3A_607 = arith.index_cast %get3A_606 : i32 to index
    %get3A_608 = arith.constant 16 : index
    %get3A_609 = tpu.vector_load %arg10[%get3A_607, %get3A_608] {strides = array<i32>} : memref<16x128xf32, #tpu.memory_space<vmem>>, vector<16xf32>,
    tpu.vector_store_idx %arg11[%shift_right_logical3A_603, %get3A_605], %get3A_609 : memref<512x64xf32, #tpu.memory_space<vmem>>[vector<16xi32>, vector<16xi32>], vector<16xf32>,
    %add3A_610 = arith.constant 800 : i32
    %add3A_611 = vector.broadcast %add3A_610 : i32 to vector<16xi32>
    %add3A_612 = arith.addi %iota3A, %add3A_611 : vector<16xi32>
    %shift_right_logical3A_613 = arith.constant 2 : i32
    %shift_right_logical3A_614 = vector.broadcast %shift_right_logical3A_613 : i32 to vector<16xi32>
    %shift_right_logical3A_615 = arith.shrui %add3A_612, %shift_right_logical3A_614 : vector<16xi32>
    %get3A_616 = arith.constant 800 : index
    %get3A_617 = tpu.vector_load %arg9[%get3A_616] {strides = array<i32>} : memref<2048xi32, #tpu.memory_space<vmem>>, vector<16xi32>,
    %get3A_618 = arith.constant 6 : i32
    %get3A_619 = arith.index_cast %get3A_618 : i32 to index
    %get3A_620 = arith.constant 32 : index
    %get3A_621 = tpu.vector_load %arg10[%get3A_619, %get3A_620] {strides = array<i32>} : memref<16x128xf32, #tpu.memory_space<vmem>>, vector<16xf32>,
    tpu.vector_store_idx %arg11[%shift_right_logical3A_615, %get3A_617], %get3A_621 : memref<512x64xf32, #tpu.memory_space<vmem>>[vector<16xi32>, vector<16xi32>], vector<16xf32>,
    %add3A_622 = arith.constant 816 : i32
    %add3A_623 = vector.broadcast %add3A_622 : i32 to vector<16xi32>
    %add3A_624 = arith.addi %iota3A, %add3A_623 : vector<16xi32>
    %shift_right_logical3A_625 = arith.constant 2 : i32
    %shift_right_logical3A_626 = vector.broadcast %shift_right_logical3A_625 : i32 to vector<16xi32>
    %shift_right_logical3A_627 = arith.shrui %add3A_624, %shift_right_logical3A_626 : vector<16xi32>
    %get3A_628 = arith.constant 816 : index
    %get3A_629 = tpu.vector_load %arg9[%get3A_628] {strides = array<i32>} : memref<2048xi32, #tpu.memory_space<vmem>>, vector<16xi32>,
    %get3A_630 = arith.constant 6 : i32
    %get3A_631 = arith.index_cast %get3A_630 : i32 to index
    %get3A_632 = arith.constant 48 : index
    %get3A_633 = tpu.vector_load %arg10[%get3A_631, %get3A_632] {strides = array<i32>} : memref<16x128xf32, #tpu.memory_space<vmem>>, vector<16xf32>,
    tpu.vector_store_idx %arg11[%shift_right_logical3A_627, %get3A_629], %get3A_633 : memref<512x64xf32, #tpu.memory_space<vmem>>[vector<16xi32>, vector<16xi32>], vector<16xf32>,
    %add3A_634 = arith.constant 832 : i32
    %add3A_635 = vector.broadcast %add3A_634 : i32 to vector<16xi32>
    %add3A_636 = arith.addi %iota3A, %add3A_635 : vector<16xi32>
    %shift_right_logical3A_637 = arith.constant 2 : i32
    %shift_right_logical3A_638 = vector.broadcast %shift_right_logical3A_637 : i32 to vector<16xi32>
    %shift_right_logical3A_639 = arith.shrui %add3A_636, %shift_right_logical3A_638 : vector<16xi32>
    %get3A_640 = arith.constant 832 : index
    %get3A_641 = tpu.vector_load %arg9[%get3A_640] {strides = array<i32>} : memref<2048xi32, #tpu.memory_space<vmem>>, vector<16xi32>,
    %get3A_642 = arith.constant 6 : i32
    %get3A_643 = arith.index_cast %get3A_642 : i32 to index
    %get3A_644 = arith.constant 64 : index
    %get3A_645 = tpu.vector_load %arg10[%get3A_643, %get3A_644] {strides = array<i32>} : memref<16x128xf32, #tpu.memory_space<vmem>>, vector<16xf32>,
    tpu.vector_store_idx %arg11[%shift_right_logical3A_639, %get3A_641], %get3A_645 : memref<512x64xf32, #tpu.memory_space<vmem>>[vector<16xi32>, vector<16xi32>], vector<16xf32>,
    %add3A_646 = arith.constant 848 : i32
    %add3A_647 = vector.broadcast %add3A_646 : i32 to vector<16xi32>
    %add3A_648 = arith.addi %iota3A, %add3A_647 : vector<16xi32>
    %shift_right_logical3A_649 = arith.constant 2 : i32
    %shift_right_logical3A_650 = vector.broadcast %shift_right_logical3A_649 : i32 to vector<16xi32>
    %shift_right_logical3A_651 = arith.shrui %add3A_648, %shift_right_logical3A_650 : vector<16xi32>
    %get3A_652 = arith.constant 848 : index
    %get3A_653 = tpu.vector_load %arg9[%get3A_652] {strides = array<i32>} : memref<2048xi32, #tpu.memory_space<vmem>>, vector<16xi32>,
    %get3A_654 = arith.constant 6 : i32
    %get3A_655 = arith.index_cast %get3A_654 : i32 to index
    %get3A_656 = arith.constant 80 : index
    %get3A_657 = tpu.vector_load %arg10[%get3A_655, %get3A_656] {strides = array<i32>} : memref<16x128xf32, #tpu.memory_space<vmem>>, vector<16xf32>,
    tpu.vector_store_idx %arg11[%shift_right_logical3A_651, %get3A_653], %get3A_657 : memref<512x64xf32, #tpu.memory_space<vmem>>[vector<16xi32>, vector<16xi32>], vector<16xf32>,
    %add3A_658 = arith.constant 864 : i32
    %add3A_659 = vector.broadcast %add3A_658 : i32 to vector<16xi32>
    %add3A_660 = arith.addi %iota3A, %add3A_659 : vector<16xi32>
    %shift_right_logical3A_661 = arith.constant 2 : i32
    %shift_right_logical3A_662 = vector.broadcast %shift_right_logical3A_661 : i32 to vector<16xi32>
    %shift_right_logical3A_663 = arith.shrui %add3A_660, %shift_right_logical3A_662 : vector<16xi32>
    %get3A_664 = arith.constant 864 : index
    %get3A_665 = tpu.vector_load %arg9[%get3A_664] {strides = array<i32>} : memref<2048xi32, #tpu.memory_space<vmem>>, vector<16xi32>,
    %get3A_666 = arith.constant 6 : i32
    %get3A_667 = arith.index_cast %get3A_666 : i32 to index
    %get3A_668 = arith.constant 96 : index
    %get3A_669 = tpu.vector_load %arg10[%get3A_667, %get3A_668] {strides = array<i32>} : memref<16x128xf32, #tpu.memory_space<vmem>>, vector<16xf32>,
    tpu.vector_store_idx %arg11[%shift_right_logical3A_663, %get3A_665], %get3A_669 : memref<512x64xf32, #tpu.memory_space<vmem>>[vector<16xi32>, vector<16xi32>], vector<16xf32>,
    %add3A_670 = arith.constant 880 : i32
    %add3A_671 = vector.broadcast %add3A_670 : i32 to vector<16xi32>
    %add3A_672 = arith.addi %iota3A, %add3A_671 : vector<16xi32>
    %shift_right_logical3A_673 = arith.constant 2 : i32
    %shift_right_logical3A_674 = vector.broadcast %shift_right_logical3A_673 : i32 to vector<16xi32>
    %shift_right_logical3A_675 = arith.shrui %add3A_672, %shift_right_logical3A_674 : vector<16xi32>
    %get3A_676 = arith.constant 880 : index
    %get3A_677 = tpu.vector_load %arg9[%get3A_676] {strides = array<i32>} : memref<2048xi32, #tpu.memory_space<vmem>>, vector<16xi32>,
    %get3A_678 = arith.constant 6 : i32
    %get3A_679 = arith.index_cast %get3A_678 : i32 to index
    %get3A_680 = arith.constant 112 : index
    %get3A_681 = tpu.vector_load %arg10[%get3A_679, %get3A_680] {strides = array<i32>} : memref<16x128xf32, #tpu.memory_space<vmem>>, vector<16xf32>,
    tpu.vector_store_idx %arg11[%shift_right_logical3A_675, %get3A_677], %get3A_681 : memref<512x64xf32, #tpu.memory_space<vmem>>[vector<16xi32>, vector<16xi32>], vector<16xf32>,
    %add3A_682 = arith.constant 896 : i32
    %add3A_683 = vector.broadcast %add3A_682 : i32 to vector<16xi32>
    %add3A_684 = arith.addi %iota3A, %add3A_683 : vector<16xi32>
    %shift_right_logical3A_685 = arith.constant 2 : i32
    %shift_right_logical3A_686 = vector.broadcast %shift_right_logical3A_685 : i32 to vector<16xi32>
    %shift_right_logical3A_687 = arith.shrui %add3A_684, %shift_right_logical3A_686 : vector<16xi32>
    %get3A_688 = arith.constant 896 : index
    %get3A_689 = tpu.vector_load %arg9[%get3A_688] {strides = array<i32>} : memref<2048xi32, #tpu.memory_space<vmem>>, vector<16xi32>,
    %get3A_690 = arith.constant 7 : i32
    %get3A_691 = arith.index_cast %get3A_690 : i32 to index
    %get3A_692 = arith.constant 0 : index
    %get3A_693 = tpu.vector_load %arg10[%get3A_691, %get3A_692] {strides = array<i32>} : memref<16x128xf32, #tpu.memory_space<vmem>>, vector<16xf32>,
    tpu.vector_store_idx %arg11[%shift_right_logical3A_687, %get3A_689], %get3A_693 : memref<512x64xf32, #tpu.memory_space<vmem>>[vector<16xi32>, vector<16xi32>], vector<16xf32>,
    %add3A_694 = arith.constant 912 : i32
    %add3A_695 = vector.broadcast %add3A_694 : i32 to vector<16xi32>
    %add3A_696 = arith.addi %iota3A, %add3A_695 : vector<16xi32>
    %shift_right_logical3A_697 = arith.constant 2 : i32
    %shift_right_logical3A_698 = vector.broadcast %shift_right_logical3A_697 : i32 to vector<16xi32>
    %shift_right_logical3A_699 = arith.shrui %add3A_696, %shift_right_logical3A_698 : vector<16xi32>
    %get3A_700 = arith.constant 912 : index
    %get3A_701 = tpu.vector_load %arg9[%get3A_700] {strides = array<i32>} : memref<2048xi32, #tpu.memory_space<vmem>>, vector<16xi32>,
    %get3A_702 = arith.constant 7 : i32
    %get3A_703 = arith.index_cast %get3A_702 : i32 to index
    %get3A_704 = arith.constant 16 : index
    %get3A_705 = tpu.vector_load %arg10[%get3A_703, %get3A_704] {strides = array<i32>} : memref<16x128xf32, #tpu.memory_space<vmem>>, vector<16xf32>,
    tpu.vector_store_idx %arg11[%shift_right_logical3A_699, %get3A_701], %get3A_705 : memref<512x64xf32, #tpu.memory_space<vmem>>[vector<16xi32>, vector<16xi32>], vector<16xf32>,
    %add3A_706 = arith.constant 928 : i32
    %add3A_707 = vector.broadcast %add3A_706 : i32 to vector<16xi32>
    %add3A_708 = arith.addi %iota3A, %add3A_707 : vector<16xi32>
    %shift_right_logical3A_709 = arith.constant 2 : i32
    %shift_right_logical3A_710 = vector.broadcast %shift_right_logical3A_709 : i32 to vector<16xi32>
    %shift_right_logical3A_711 = arith.shrui %add3A_708, %shift_right_logical3A_710 : vector<16xi32>
    %get3A_712 = arith.constant 928 : index
    %get3A_713 = tpu.vector_load %arg9[%get3A_712] {strides = array<i32>} : memref<2048xi32, #tpu.memory_space<vmem>>, vector<16xi32>,
    %get3A_714 = arith.constant 7 : i32
    %get3A_715 = arith.index_cast %get3A_714 : i32 to index
    %get3A_716 = arith.constant 32 : index
    %get3A_717 = tpu.vector_load %arg10[%get3A_715, %get3A_716] {strides = array<i32>} : memref<16x128xf32, #tpu.memory_space<vmem>>, vector<16xf32>,
    tpu.vector_store_idx %arg11[%shift_right_logical3A_711, %get3A_713], %get3A_717 : memref<512x64xf32, #tpu.memory_space<vmem>>[vector<16xi32>, vector<16xi32>], vector<16xf32>,
    %add3A_718 = arith.constant 944 : i32
    %add3A_719 = vector.broadcast %add3A_718 : i32 to vector<16xi32>
    %add3A_720 = arith.addi %iota3A, %add3A_719 : vector<16xi32>
    %shift_right_logical3A_721 = arith.constant 2 : i32
    %shift_right_logical3A_722 = vector.broadcast %shift_right_logical3A_721 : i32 to vector<16xi32>
    %shift_right_logical3A_723 = arith.shrui %add3A_720, %shift_right_logical3A_722 : vector<16xi32>
    %get3A_724 = arith.constant 944 : index
    %get3A_725 = tpu.vector_load %arg9[%get3A_724] {strides = array<i32>} : memref<2048xi32, #tpu.memory_space<vmem>>, vector<16xi32>,
    %get3A_726 = arith.constant 7 : i32
    %get3A_727 = arith.index_cast %get3A_726 : i32 to index
    %get3A_728 = arith.constant 48 : index
    %get3A_729 = tpu.vector_load %arg10[%get3A_727, %get3A_728] {strides = array<i32>} : memref<16x128xf32, #tpu.memory_space<vmem>>, vector<16xf32>,
    tpu.vector_store_idx %arg11[%shift_right_logical3A_723, %get3A_725], %get3A_729 : memref<512x64xf32, #tpu.memory_space<vmem>>[vector<16xi32>, vector<16xi32>], vector<16xf32>,
    %add3A_730 = arith.constant 960 : i32
    %add3A_731 = vector.broadcast %add3A_730 : i32 to vector<16xi32>
    %add3A_732 = arith.addi %iota3A, %add3A_731 : vector<16xi32>
    %shift_right_logical3A_733 = arith.constant 2 : i32
    %shift_right_logical3A_734 = vector.broadcast %shift_right_logical3A_733 : i32 to vector<16xi32>
    %shift_right_logical3A_735 = arith.shrui %add3A_732, %shift_right_logical3A_734 : vector<16xi32>
    %get3A_736 = arith.constant 960 : index
    %get3A_737 = tpu.vector_load %arg9[%get3A_736] {strides = array<i32>} : memref<2048xi32, #tpu.memory_space<vmem>>, vector<16xi32>,
    %get3A_738 = arith.constant 7 : i32
    %get3A_739 = arith.index_cast %get3A_738 : i32 to index
    %get3A_740 = arith.constant 64 : index
    %get3A_741 = tpu.vector_load %arg10[%get3A_739, %get3A_740] {strides = array<i32>} : memref<16x128xf32, #tpu.memory_space<vmem>>, vector<16xf32>,
    tpu.vector_store_idx %arg11[%shift_right_logical3A_735, %get3A_737], %get3A_741 : memref<512x64xf32, #tpu.memory_space<vmem>>[vector<16xi32>, vector<16xi32>], vector<16xf32>,
    %add3A_742 = arith.constant 976 : i32
    %add3A_743 = vector.broadcast %add3A_742 : i32 to vector<16xi32>
    %add3A_744 = arith.addi %iota3A, %add3A_743 : vector<16xi32>
    %shift_right_logical3A_745 = arith.constant 2 : i32
    %shift_right_logical3A_746 = vector.broadcast %shift_right_logical3A_745 : i32 to vector<16xi32>
    %shift_right_logical3A_747 = arith.shrui %add3A_744, %shift_right_logical3A_746 : vector<16xi32>
    %get3A_748 = arith.constant 976 : index
    %get3A_749 = tpu.vector_load %arg9[%get3A_748] {strides = array<i32>} : memref<2048xi32, #tpu.memory_space<vmem>>, vector<16xi32>,
    %get3A_750 = arith.constant 7 : i32
    %get3A_751 = arith.index_cast %get3A_750 : i32 to index
    %get3A_752 = arith.constant 80 : index
    %get3A_753 = tpu.vector_load %arg10[%get3A_751, %get3A_752] {strides = array<i32>} : memref<16x128xf32, #tpu.memory_space<vmem>>, vector<16xf32>,
    tpu.vector_store_idx %arg11[%shift_right_logical3A_747, %get3A_749], %get3A_753 : memref<512x64xf32, #tpu.memory_space<vmem>>[vector<16xi32>, vector<16xi32>], vector<16xf32>,
    %add3A_754 = arith.constant 992 : i32
    %add3A_755 = vector.broadcast %add3A_754 : i32 to vector<16xi32>
    %add3A_756 = arith.addi %iota3A, %add3A_755 : vector<16xi32>
    %shift_right_logical3A_757 = arith.constant 2 : i32
    %shift_right_logical3A_758 = vector.broadcast %shift_right_logical3A_757 : i32 to vector<16xi32>
    %shift_right_logical3A_759 = arith.shrui %add3A_756, %shift_right_logical3A_758 : vector<16xi32>
    %get3A_760 = arith.constant 992 : index
    %get3A_761 = tpu.vector_load %arg9[%get3A_760] {strides = array<i32>} : memref<2048xi32, #tpu.memory_space<vmem>>, vector<16xi32>,
    %get3A_762 = arith.constant 7 : i32
    %get3A_763 = arith.index_cast %get3A_762 : i32 to index
    %get3A_764 = arith.constant 96 : index
    %get3A_765 = tpu.vector_load %arg10[%get3A_763, %get3A_764] {strides = array<i32>} : memref<16x128xf32, #tpu.memory_space<vmem>>, vector<16xf32>,
    tpu.vector_store_idx %arg11[%shift_right_logical3A_759, %get3A_761], %get3A_765 : memref<512x64xf32, #tpu.memory_space<vmem>>[vector<16xi32>, vector<16xi32>], vector<16xf32>,
    %add3A_766 = arith.constant 1008 : i32
    %add3A_767 = vector.broadcast %add3A_766 : i32 to vector<16xi32>
    %add3A_768 = arith.addi %iota3A, %add3A_767 : vector<16xi32>
    %shift_right_logical3A_769 = arith.constant 2 : i32
    %shift_right_logical3A_770 = vector.broadcast %shift_right_logical3A_769 : i32 to vector<16xi32>
    %shift_right_logical3A_771 = arith.shrui %add3A_768, %shift_right_logical3A_770 : vector<16xi32>
    %get3A_772 = arith.constant 1008 : index
    %get3A_773 = tpu.vector_load %arg9[%get3A_772] {strides = array<i32>} : memref<2048xi32, #tpu.memory_space<vmem>>, vector<16xi32>,
    %get3A_774 = arith.constant 7 : i32
    %get3A_775 = arith.index_cast %get3A_774 : i32 to index
    %get3A_776 = arith.constant 112 : index
    %get3A_777 = tpu.vector_load %arg10[%get3A_775, %get3A_776] {strides = array<i32>} : memref<16x128xf32, #tpu.memory_space<vmem>>, vector<16xf32>,
    tpu.vector_store_idx %arg11[%shift_right_logical3A_771, %get3A_773], %get3A_777 : memref<512x64xf32, #tpu.memory_space<vmem>>[vector<16xi32>, vector<16xi32>], vector<16xf32>,
    %add3A_778 = arith.constant 1024 : i32
    %add3A_779 = vector.broadcast %add3A_778 : i32 to vector<16xi32>
    %add3A_780 = arith.addi %iota3A, %add3A_779 : vector<16xi32>
    %shift_right_logical3A_781 = arith.constant 2 : i32
    %shift_right_logical3A_782 = vector.broadcast %shift_right_logical3A_781 : i32 to vector<16xi32>
    %shift_right_logical3A_783 = arith.shrui %add3A_780, %shift_right_logical3A_782 : vector<16xi32>
    %get3A_784 = arith.constant 1024 : index
    %get3A_785 = tpu.vector_load %arg9[%get3A_784] {strides = array<i32>} : memref<2048xi32, #tpu.memory_space<vmem>>, vector<16xi32>,
    %get3A_786 = arith.constant 8 : i32
    %get3A_787 = arith.index_cast %get3A_786 : i32 to index
    %get3A_788 = arith.constant 0 : index
    %get3A_789 = tpu.vector_load %arg10[%get3A_787, %get3A_788] {strides = array<i32>} : memref<16x128xf32, #tpu.memory_space<vmem>>, vector<16xf32>,
    tpu.vector_store_idx %arg11[%shift_right_logical3A_783, %get3A_785], %get3A_789 : memref<512x64xf32, #tpu.memory_space<vmem>>[vector<16xi32>, vector<16xi32>], vector<16xf32>,
    %add3A_790 = arith.constant 1040 : i32
    %add3A_791 = vector.broadcast %add3A_790 : i32 to vector<16xi32>
    %add3A_792 = arith.addi %iota3A, %add3A_791 : vector<16xi32>
    %shift_right_logical3A_793 = arith.constant 2 : i32
    %shift_right_logical3A_794 = vector.broadcast %shift_right_logical3A_793 : i32 to vector<16xi32>
    %shift_right_logical3A_795 = arith.shrui %add3A_792, %shift_right_logical3A_794 : vector<16xi32>
    %get3A_796 = arith.constant 1040 : index
    %get3A_797 = tpu.vector_load %arg9[%get3A_796] {strides = array<i32>} : memref<2048xi32, #tpu.memory_space<vmem>>, vector<16xi32>,
    %get3A_798 = arith.constant 8 : i32
    %get3A_799 = arith.index_cast %get3A_798 : i32 to index
    %get3A_800 = arith.constant 16 : index
    %get3A_801 = tpu.vector_load %arg10[%get3A_799, %get3A_800] {strides = array<i32>} : memref<16x128xf32, #tpu.memory_space<vmem>>, vector<16xf32>,
    tpu.vector_store_idx %arg11[%shift_right_logical3A_795, %get3A_797], %get3A_801 : memref<512x64xf32, #tpu.memory_space<vmem>>[vector<16xi32>, vector<16xi32>], vector<16xf32>,
    %add3A_802 = arith.constant 1056 : i32
    %add3A_803 = vector.broadcast %add3A_802 : i32 to vector<16xi32>
    %add3A_804 = arith.addi %iota3A, %add3A_803 : vector<16xi32>
    %shift_right_logical3A_805 = arith.constant 2 : i32
    %shift_right_logical3A_806 = vector.broadcast %shift_right_logical3A_805 : i32 to vector<16xi32>
    %shift_right_logical3A_807 = arith.shrui %add3A_804, %shift_right_logical3A_806 : vector<16xi32>
    %get3A_808 = arith.constant 1056 : index
    %get3A_809 = tpu.vector_load %arg9[%get3A_808] {strides = array<i32>} : memref<2048xi32, #tpu.memory_space<vmem>>, vector<16xi32>,
    %get3A_810 = arith.constant 8 : i32
    %get3A_811 = arith.index_cast %get3A_810 : i32 to index
    %get3A_812 = arith.constant 32 : index
    %get3A_813 = tpu.vector_load %arg10[%get3A_811, %get3A_812] {strides = array<i32>} : memref<16x128xf32, #tpu.memory_space<vmem>>, vector<16xf32>,
    tpu.vector_store_idx %arg11[%shift_right_logical3A_807, %get3A_809], %get3A_813 : memref<512x64xf32, #tpu.memory_space<vmem>>[vector<16xi32>, vector<16xi32>], vector<16xf32>,
    %add3A_814 = arith.constant 1072 : i32
    %add3A_815 = vector.broadcast %add3A_814 : i32 to vector<16xi32>
    %add3A_816 = arith.addi %iota3A, %add3A_815 : vector<16xi32>
    %shift_right_logical3A_817 = arith.constant 2 : i32
    %shift_right_logical3A_818 = vector.broadcast %shift_right_logical3A_817 : i32 to vector<16xi32>
    %shift_right_logical3A_819 = arith.shrui %add3A_816, %shift_right_logical3A_818 : vector<16xi32>
    %get3A_820 = arith.constant 1072 : index
    %get3A_821 = tpu.vector_load %arg9[%get3A_820] {strides = array<i32>} : memref<2048xi32, #tpu.memory_space<vmem>>, vector<16xi32>,
    %get3A_822 = arith.constant 8 : i32
    %get3A_823 = arith.index_cast %get3A_822 : i32 to index
    %get3A_824 = arith.constant 48 : index
    %get3A_825 = tpu.vector_load %arg10[%get3A_823, %get3A_824] {strides = array<i32>} : memref<16x128xf32, #tpu.memory_space<vmem>>, vector<16xf32>,
    tpu.vector_store_idx %arg11[%shift_right_logical3A_819, %get3A_821], %get3A_825 : memref<512x64xf32, #tpu.memory_space<vmem>>[vector<16xi32>, vector<16xi32>], vector<16xf32>,
    %add3A_826 = arith.constant 1088 : i32
    %add3A_827 = vector.broadcast %add3A_826 : i32 to vector<16xi32>
    %add3A_828 = arith.addi %iota3A, %add3A_827 : vector<16xi32>
    %shift_right_logical3A_829 = arith.constant 2 : i32
    %shift_right_logical3A_830 = vector.broadcast %shift_right_logical3A_829 : i32 to vector<16xi32>
    %shift_right_logical3A_831 = arith.shrui %add3A_828, %shift_right_logical3A_830 : vector<16xi32>
    %get3A_832 = arith.constant 1088 : index
    %get3A_833 = tpu.vector_load %arg9[%get3A_832] {strides = array<i32>} : memref<2048xi32, #tpu.memory_space<vmem>>, vector<16xi32>,
    %get3A_834 = arith.constant 8 : i32
    %get3A_835 = arith.index_cast %get3A_834 : i32 to index
    %get3A_836 = arith.constant 64 : index
    %get3A_837 = tpu.vector_load %arg10[%get3A_835, %get3A_836] {strides = array<i32>} : memref<16x128xf32, #tpu.memory_space<vmem>>, vector<16xf32>,
    tpu.vector_store_idx %arg11[%shift_right_logical3A_831, %get3A_833], %get3A_837 : memref<512x64xf32, #tpu.memory_space<vmem>>[vector<16xi32>, vector<16xi32>], vector<16xf32>,
    %add3A_838 = arith.constant 1104 : i32
    %add3A_839 = vector.broadcast %add3A_838 : i32 to vector<16xi32>
    %add3A_840 = arith.addi %iota3A, %add3A_839 : vector<16xi32>
    %shift_right_logical3A_841 = arith.constant 2 : i32
    %shift_right_logical3A_842 = vector.broadcast %shift_right_logical3A_841 : i32 to vector<16xi32>
    %shift_right_logical3A_843 = arith.shrui %add3A_840, %shift_right_logical3A_842 : vector<16xi32>
    %get3A_844 = arith.constant 1104 : index
    %get3A_845 = tpu.vector_load %arg9[%get3A_844] {strides = array<i32>} : memref<2048xi32, #tpu.memory_space<vmem>>, vector<16xi32>,
    %get3A_846 = arith.constant 8 : i32
    %get3A_847 = arith.index_cast %get3A_846 : i32 to index
    %get3A_848 = arith.constant 80 : index
    %get3A_849 = tpu.vector_load %arg10[%get3A_847, %get3A_848] {strides = array<i32>} : memref<16x128xf32, #tpu.memory_space<vmem>>, vector<16xf32>,
    tpu.vector_store_idx %arg11[%shift_right_logical3A_843, %get3A_845], %get3A_849 : memref<512x64xf32, #tpu.memory_space<vmem>>[vector<16xi32>, vector<16xi32>], vector<16xf32>,
    %add3A_850 = arith.constant 1120 : i32
    %add3A_851 = vector.broadcast %add3A_850 : i32 to vector<16xi32>
    %add3A_852 = arith.addi %iota3A, %add3A_851 : vector<16xi32>
    %shift_right_logical3A_853 = arith.constant 2 : i32
    %shift_right_logical3A_854 = vector.broadcast %shift_right_logical3A_853 : i32 to vector<16xi32>
    %shift_right_logical3A_855 = arith.shrui %add3A_852, %shift_right_logical3A_854 : vector<16xi32>
    %get3A_856 = arith.constant 1120 : index
    %get3A_857 = tpu.vector_load %arg9[%get3A_856] {strides = array<i32>} : memref<2048xi32, #tpu.memory_space<vmem>>, vector<16xi32>,
    %get3A_858 = arith.constant 8 : i32
    %get3A_859 = arith.index_cast %get3A_858 : i32 to index
    %get3A_860 = arith.constant 96 : index
    %get3A_861 = tpu.vector_load %arg10[%get3A_859, %get3A_860] {strides = array<i32>} : memref<16x128xf32, #tpu.memory_space<vmem>>, vector<16xf32>,
    tpu.vector_store_idx %arg11[%shift_right_logical3A_855, %get3A_857], %get3A_861 : memref<512x64xf32, #tpu.memory_space<vmem>>[vector<16xi32>, vector<16xi32>], vector<16xf32>,
    %add3A_862 = arith.constant 1136 : i32
    %add3A_863 = vector.broadcast %add3A_862 : i32 to vector<16xi32>
    %add3A_864 = arith.addi %iota3A, %add3A_863 : vector<16xi32>
    %shift_right_logical3A_865 = arith.constant 2 : i32
    %shift_right_logical3A_866 = vector.broadcast %shift_right_logical3A_865 : i32 to vector<16xi32>
    %shift_right_logical3A_867 = arith.shrui %add3A_864, %shift_right_logical3A_866 : vector<16xi32>
    %get3A_868 = arith.constant 1136 : index
    %get3A_869 = tpu.vector_load %arg9[%get3A_868] {strides = array<i32>} : memref<2048xi32, #tpu.memory_space<vmem>>, vector<16xi32>,
    %get3A_870 = arith.constant 8 : i32
    %get3A_871 = arith.index_cast %get3A_870 : i32 to index
    %get3A_872 = arith.constant 112 : index
    %get3A_873 = tpu.vector_load %arg10[%get3A_871, %get3A_872] {strides = array<i32>} : memref<16x128xf32, #tpu.memory_space<vmem>>, vector<16xf32>,
    tpu.vector_store_idx %arg11[%shift_right_logical3A_867, %get3A_869], %get3A_873 : memref<512x64xf32, #tpu.memory_space<vmem>>[vector<16xi32>, vector<16xi32>], vector<16xf32>,
    %add3A_874 = arith.constant 1152 : i32
    %add3A_875 = vector.broadcast %add3A_874 : i32 to vector<16xi32>
    %add3A_876 = arith.addi %iota3A, %add3A_875 : vector<16xi32>
    %shift_right_logical3A_877 = arith.constant 2 : i32
    %shift_right_logical3A_878 = vector.broadcast %shift_right_logical3A_877 : i32 to vector<16xi32>
    %shift_right_logical3A_879 = arith.shrui %add3A_876, %shift_right_logical3A_878 : vector<16xi32>
    %get3A_880 = arith.constant 1152 : index
    %get3A_881 = tpu.vector_load %arg9[%get3A_880] {strides = array<i32>} : memref<2048xi32, #tpu.memory_space<vmem>>, vector<16xi32>,
    %get3A_882 = arith.constant 9 : i32
    %get3A_883 = arith.index_cast %get3A_882 : i32 to index
    %get3A_884 = arith.constant 0 : index
    %get3A_885 = tpu.vector_load %arg10[%get3A_883, %get3A_884] {strides = array<i32>} : memref<16x128xf32, #tpu.memory_space<vmem>>, vector<16xf32>,
    tpu.vector_store_idx %arg11[%shift_right_logical3A_879, %get3A_881], %get3A_885 : memref<512x64xf32, #tpu.memory_space<vmem>>[vector<16xi32>, vector<16xi32>], vector<16xf32>,
    %add3A_886 = arith.constant 1168 : i32
    %add3A_887 = vector.broadcast %add3A_886 : i32 to vector<16xi32>
    %add3A_888 = arith.addi %iota3A, %add3A_887 : vector<16xi32>
    %shift_right_logical3A_889 = arith.constant 2 : i32
    %shift_right_logical3A_890 = vector.broadcast %shift_right_logical3A_889 : i32 to vector<16xi32>
    %shift_right_logical3A_891 = arith.shrui %add3A_888, %shift_right_logical3A_890 : vector<16xi32>
    %get3A_892 = arith.constant 1168 : index
    %get3A_893 = tpu.vector_load %arg9[%get3A_892] {strides = array<i32>} : memref<2048xi32, #tpu.memory_space<vmem>>, vector<16xi32>,
    %get3A_894 = arith.constant 9 : i32
    %get3A_895 = arith.index_cast %get3A_894 : i32 to index
    %get3A_896 = arith.constant 16 : index
    %get3A_897 = tpu.vector_load %arg10[%get3A_895, %get3A_896] {strides = array<i32>} : memref<16x128xf32, #tpu.memory_space<vmem>>, vector<16xf32>,
    tpu.vector_store_idx %arg11[%shift_right_logical3A_891, %get3A_893], %get3A_897 : memref<512x64xf32, #tpu.memory_space<vmem>>[vector<16xi32>, vector<16xi32>], vector<16xf32>,
    %add3A_898 = arith.constant 1184 : i32
    %add3A_899 = vector.broadcast %add3A_898 : i32 to vector<16xi32>
    %add3A_900 = arith.addi %iota3A, %add3A_899 : vector<16xi32>
    %shift_right_logical3A_901 = arith.constant 2 : i32
    %shift_right_logical3A_902 = vector.broadcast %shift_right_logical3A_901 : i32 to vector<16xi32>
    %shift_right_logical3A_903 = arith.shrui %add3A_900, %shift_right_logical3A_902 : vector<16xi32>
    %get3A_904 = arith.constant 1184 : index
    %get3A_905 = tpu.vector_load %arg9[%get3A_904] {strides = array<i32>} : memref<2048xi32, #tpu.memory_space<vmem>>, vector<16xi32>,
    %get3A_906 = arith.constant 9 : i32
    %get3A_907 = arith.index_cast %get3A_906 : i32 to index
    %get3A_908 = arith.constant 32 : index
    %get3A_909 = tpu.vector_load %arg10[%get3A_907, %get3A_908] {strides = array<i32>} : memref<16x128xf32, #tpu.memory_space<vmem>>, vector<16xf32>,
    tpu.vector_store_idx %arg11[%shift_right_logical3A_903, %get3A_905], %get3A_909 : memref<512x64xf32, #tpu.memory_space<vmem>>[vector<16xi32>, vector<16xi32>], vector<16xf32>,
    %add3A_910 = arith.constant 1200 : i32
    %add3A_911 = vector.broadcast %add3A_910 : i32 to vector<16xi32>
    %add3A_912 = arith.addi %iota3A, %add3A_911 : vector<16xi32>
    %shift_right_logical3A_913 = arith.constant 2 : i32
    %shift_right_logical3A_914 = vector.broadcast %shift_right_logical3A_913 : i32 to vector<16xi32>
    %shift_right_logical3A_915 = arith.shrui %add3A_912, %shift_right_logical3A_914 : vector<16xi32>
    %get3A_916 = arith.constant 1200 : index
    %get3A_917 = tpu.vector_load %arg9[%get3A_916] {strides = array<i32>} : memref<2048xi32, #tpu.memory_space<vmem>>, vector<16xi32>,
    %get3A_918 = arith.constant 9 : i32
    %get3A_919 = arith.index_cast %get3A_918 : i32 to index
    %get3A_920 = arith.constant 48 : index
    %get3A_921 = tpu.vector_load %arg10[%get3A_919, %get3A_920] {strides = array<i32>} : memref<16x128xf32, #tpu.memory_space<vmem>>, vector<16xf32>,
    tpu.vector_store_idx %arg11[%shift_right_logical3A_915, %get3A_917], %get3A_921 : memref<512x64xf32, #tpu.memory_space<vmem>>[vector<16xi32>, vector<16xi32>], vector<16xf32>,
    %add3A_922 = arith.constant 1216 : i32
    %add3A_923 = vector.broadcast %add3A_922 : i32 to vector<16xi32>
    %add3A_924 = arith.addi %iota3A, %add3A_923 : vector<16xi32>
    %shift_right_logical3A_925 = arith.constant 2 : i32
    %shift_right_logical3A_926 = vector.broadcast %shift_right_logical3A_925 : i32 to vector<16xi32>
    %shift_right_logical3A_927 = arith.shrui %add3A_924, %shift_right_logical3A_926 : vector<16xi32>
    %get3A_928 = arith.constant 1216 : index
    %get3A_929 = tpu.vector_load %arg9[%get3A_928] {strides = array<i32>} : memref<2048xi32, #tpu.memory_space<vmem>>, vector<16xi32>,
    %get3A_930 = arith.constant 9 : i32
    %get3A_931 = arith.index_cast %get3A_930 : i32 to index
    %get3A_932 = arith.constant 64 : index
    %get3A_933 = tpu.vector_load %arg10[%get3A_931, %get3A_932] {strides = array<i32>} : memref<16x128xf32, #tpu.memory_space<vmem>>, vector<16xf32>,
    tpu.vector_store_idx %arg11[%shift_right_logical3A_927, %get3A_929], %get3A_933 : memref<512x64xf32, #tpu.memory_space<vmem>>[vector<16xi32>, vector<16xi32>], vector<16xf32>,
    %add3A_934 = arith.constant 1232 : i32
    %add3A_935 = vector.broadcast %add3A_934 : i32 to vector<16xi32>
    %add3A_936 = arith.addi %iota3A, %add3A_935 : vector<16xi32>
    %shift_right_logical3A_937 = arith.constant 2 : i32
    %shift_right_logical3A_938 = vector.broadcast %shift_right_logical3A_937 : i32 to vector<16xi32>
    %shift_right_logical3A_939 = arith.shrui %add3A_936, %shift_right_logical3A_938 : vector<16xi32>
    %get3A_940 = arith.constant 1232 : index
    %get3A_941 = tpu.vector_load %arg9[%get3A_940] {strides = array<i32>} : memref<2048xi32, #tpu.memory_space<vmem>>, vector<16xi32>,
    %get3A_942 = arith.constant 9 : i32
    %get3A_943 = arith.index_cast %get3A_942 : i32 to index
    %get3A_944 = arith.constant 80 : index
    %get3A_945 = tpu.vector_load %arg10[%get3A_943, %get3A_944] {strides = array<i32>} : memref<16x128xf32, #tpu.memory_space<vmem>>, vector<16xf32>,
    tpu.vector_store_idx %arg11[%shift_right_logical3A_939, %get3A_941], %get3A_945 : memref<512x64xf32, #tpu.memory_space<vmem>>[vector<16xi32>, vector<16xi32>], vector<16xf32>,
    %add3A_946 = arith.constant 1248 : i32
    %add3A_947 = vector.broadcast %add3A_946 : i32 to vector<16xi32>
    %add3A_948 = arith.addi %iota3A, %add3A_947 : vector<16xi32>
    %shift_right_logical3A_949 = arith.constant 2 : i32
    %shift_right_logical3A_950 = vector.broadcast %shift_right_logical3A_949 : i32 to vector<16xi32>
    %shift_right_logical3A_951 = arith.shrui %add3A_948, %shift_right_logical3A_950 : vector<16xi32>
    %get3A_952 = arith.constant 1248 : index
    %get3A_953 = tpu.vector_load %arg9[%get3A_952] {strides = array<i32>} : memref<2048xi32, #tpu.memory_space<vmem>>, vector<16xi32>,
    %get3A_954 = arith.constant 9 : i32
    %get3A_955 = arith.index_cast %get3A_954 : i32 to index
    %get3A_956 = arith.constant 96 : index
    %get3A_957 = tpu.vector_load %arg10[%get3A_955, %get3A_956] {strides = array<i32>} : memref<16x128xf32, #tpu.memory_space<vmem>>, vector<16xf32>,
    tpu.vector_store_idx %arg11[%shift_right_logical3A_951, %get3A_953], %get3A_957 : memref<512x64xf32, #tpu.memory_space<vmem>>[vector<16xi32>, vector<16xi32>], vector<16xf32>,
    %add3A_958 = arith.constant 1264 : i32
    %add3A_959 = vector.broadcast %add3A_958 : i32 to vector<16xi32>
    %add3A_960 = arith.addi %iota3A, %add3A_959 : vector<16xi32>
    %shift_right_logical3A_961 = arith.constant 2 : i32
    %shift_right_logical3A_962 = vector.broadcast %shift_right_logical3A_961 : i32 to vector<16xi32>
    %shift_right_logical3A_963 = arith.shrui %add3A_960, %shift_right_logical3A_962 : vector<16xi32>
    %get3A_964 = arith.constant 1264 : index
    %get3A_965 = tpu.vector_load %arg9[%get3A_964] {strides = array<i32>} : memref<2048xi32, #tpu.memory_space<vmem>>, vector<16xi32>,
    %get3A_966 = arith.constant 9 : i32
    %get3A_967 = arith.index_cast %get3A_966 : i32 to index
    %get3A_968 = arith.constant 112 : index
    %get3A_969 = tpu.vector_load %arg10[%get3A_967, %get3A_968] {strides = array<i32>} : memref<16x128xf32, #tpu.memory_space<vmem>>, vector<16xf32>,
    tpu.vector_store_idx %arg11[%shift_right_logical3A_963, %get3A_965], %get3A_969 : memref<512x64xf32, #tpu.memory_space<vmem>>[vector<16xi32>, vector<16xi32>], vector<16xf32>,
    %add3A_970 = arith.constant 1280 : i32
    %add3A_971 = vector.broadcast %add3A_970 : i32 to vector<16xi32>
    %add3A_972 = arith.addi %iota3A, %add3A_971 : vector<16xi32>
    %shift_right_logical3A_973 = arith.constant 2 : i32
    %shift_right_logical3A_974 = vector.broadcast %shift_right_logical3A_973 : i32 to vector<16xi32>
    %shift_right_logical3A_975 = arith.shrui %add3A_972, %shift_right_logical3A_974 : vector<16xi32>
    %get3A_976 = arith.constant 1280 : index
    %get3A_977 = tpu.vector_load %arg9[%get3A_976] {strides = array<i32>} : memref<2048xi32, #tpu.memory_space<vmem>>, vector<16xi32>,
    %get3A_978 = arith.constant 10 : i32
    %get3A_979 = arith.index_cast %get3A_978 : i32 to index
    %get3A_980 = arith.constant 0 : index
    %get3A_981 = tpu.vector_load %arg10[%get3A_979, %get3A_980] {strides = array<i32>} : memref<16x128xf32, #tpu.memory_space<vmem>>, vector<16xf32>,
    tpu.vector_store_idx %arg11[%shift_right_logical3A_975, %get3A_977], %get3A_981 : memref<512x64xf32, #tpu.memory_space<vmem>>[vector<16xi32>, vector<16xi32>], vector<16xf32>,
    %add3A_982 = arith.constant 1296 : i32
    %add3A_983 = vector.broadcast %add3A_982 : i32 to vector<16xi32>
    %add3A_984 = arith.addi %iota3A, %add3A_983 : vector<16xi32>
    %shift_right_logical3A_985 = arith.constant 2 : i32
    %shift_right_logical3A_986 = vector.broadcast %shift_right_logical3A_985 : i32 to vector<16xi32>
    %shift_right_logical3A_987 = arith.shrui %add3A_984, %shift_right_logical3A_986 : vector<16xi32>
    %get3A_988 = arith.constant 1296 : index
    %get3A_989 = tpu.vector_load %arg9[%get3A_988] {strides = array<i32>} : memref<2048xi32, #tpu.memory_space<vmem>>, vector<16xi32>,
    %get3A_990 = arith.constant 10 : i32
    %get3A_991 = arith.index_cast %get3A_990 : i32 to index
    %get3A_992 = arith.constant 16 : index
    %get3A_993 = tpu.vector_load %arg10[%get3A_991, %get3A_992] {strides = array<i32>} : memref<16x128xf32, #tpu.memory_space<vmem>>, vector<16xf32>,
    tpu.vector_store_idx %arg11[%shift_right_logical3A_987, %get3A_989], %get3A_993 : memref<512x64xf32, #tpu.memory_space<vmem>>[vector<16xi32>, vector<16xi32>], vector<16xf32>,
    %add3A_994 = arith.constant 1312 : i32
    %add3A_995 = vector.broadcast %add3A_994 : i32 to vector<16xi32>
    %add3A_996 = arith.addi %iota3A, %add3A_995 : vector<16xi32>
    %shift_right_logical3A_997 = arith.constant 2 : i32
    %shift_right_logical3A_998 = vector.broadcast %shift_right_logical3A_997 : i32 to vector<16xi32>
    %shift_right_logical3A_999 = arith.shrui %add3A_996, %shift_right_logical3A_998 : vector<16xi32>
    %get3A_1000 = arith.constant 1312 : index
    %get3A_1001 = tpu.vector_load %arg9[%get3A_1000] {strides = array<i32>} : memref<2048xi32, #tpu.memory_space<vmem>>, vector<16xi32>,
    %get3A_1002 = arith.constant 10 : i32
    %get3A_1003 = arith.index_cast %get3A_1002 : i32 to index
    %get3A_1004 = arith.constant 32 : index
    %get3A_1005 = tpu.vector_load %arg10[%get3A_1003, %get3A_1004] {strides = array<i32>} : memref<16x128xf32, #tpu.memory_space<vmem>>, vector<16xf32>,
    tpu.vector_store_idx %arg11[%shift_right_logical3A_999, %get3A_1001], %get3A_1005 : memref<512x64xf32, #tpu.memory_space<vmem>>[vector<16xi32>, vector<16xi32>], vector<16xf32>,
    %add3A_1006 = arith.constant 1328 : i32
    %add3A_1007 = vector.broadcast %add3A_1006 : i32 to vector<16xi32>
    %add3A_1008 = arith.addi %iota3A, %add3A_1007 : vector<16xi32>
    %shift_right_logical3A_1009 = arith.constant 2 : i32
    %shift_right_logical3A_1010 = vector.broadcast %shift_right_logical3A_1009 : i32 to vector<16xi32>
    %shift_right_logical3A_1011 = arith.shrui %add3A_1008, %shift_right_logical3A_1010 : vector<16xi32>
    %get3A_1012 = arith.constant 1328 : index
    %get3A_1013 = tpu.vector_load %arg9[%get3A_1012] {strides = array<i32>} : memref<2048xi32, #tpu.memory_space<vmem>>, vector<16xi32>,
    %get3A_1014 = arith.constant 10 : i32
    %get3A_1015 = arith.index_cast %get3A_1014 : i32 to index
    %get3A_1016 = arith.constant 48 : index
    %get3A_1017 = tpu.vector_load %arg10[%get3A_1015, %get3A_1016] {strides = array<i32>} : memref<16x128xf32, #tpu.memory_space<vmem>>, vector<16xf32>,
    tpu.vector_store_idx %arg11[%shift_right_logical3A_1011, %get3A_1013], %get3A_1017 : memref<512x64xf32, #tpu.memory_space<vmem>>[vector<16xi32>, vector<16xi32>], vector<16xf32>,
    %add3A_1018 = arith.constant 1344 : i32
    %add3A_1019 = vector.broadcast %add3A_1018 : i32 to vector<16xi32>
    %add3A_1020 = arith.addi %iota3A, %add3A_1019 : vector<16xi32>
    %shift_right_logical3A_1021 = arith.constant 2 : i32
    %shift_right_logical3A_1022 = vector.broadcast %shift_right_logical3A_1021 : i32 to vector<16xi32>
    %shift_right_logical3A_1023 = arith.shrui %add3A_1020, %shift_right_logical3A_1022 : vector<16xi32>
    %get3A_1024 = arith.constant 1344 : index
    %get3A_1025 = tpu.vector_load %arg9[%get3A_1024] {strides = array<i32>} : memref<2048xi32, #tpu.memory_space<vmem>>, vector<16xi32>,
    %get3A_1026 = arith.constant 10 : i32
    %get3A_1027 = arith.index_cast %get3A_1026 : i32 to index
    %get3A_1028 = arith.constant 64 : index
    %get3A_1029 = tpu.vector_load %arg10[%get3A_1027, %get3A_1028] {strides = array<i32>} : memref<16x128xf32, #tpu.memory_space<vmem>>, vector<16xf32>,
    tpu.vector_store_idx %arg11[%shift_right_logical3A_1023, %get3A_1025], %get3A_1029 : memref<512x64xf32, #tpu.memory_space<vmem>>[vector<16xi32>, vector<16xi32>], vector<16xf32>,
    %add3A_1030 = arith.constant 1360 : i32
    %add3A_1031 = vector.broadcast %add3A_1030 : i32 to vector<16xi32>
    %add3A_1032 = arith.addi %iota3A, %add3A_1031 : vector<16xi32>
    %shift_right_logical3A_1033 = arith.constant 2 : i32
    %shift_right_logical3A_1034 = vector.broadcast %shift_right_logical3A_1033 : i32 to vector<16xi32>
    %shift_right_logical3A_1035 = arith.shrui %add3A_1032, %shift_right_logical3A_1034 : vector<16xi32>
    %get3A_1036 = arith.constant 1360 : index
    %get3A_1037 = tpu.vector_load %arg9[%get3A_1036] {strides = array<i32>} : memref<2048xi32, #tpu.memory_space<vmem>>, vector<16xi32>,
    %get3A_1038 = arith.constant 10 : i32
    %get3A_1039 = arith.index_cast %get3A_1038 : i32 to index
    %get3A_1040 = arith.constant 80 : index
    %get3A_1041 = tpu.vector_load %arg10[%get3A_1039, %get3A_1040] {strides = array<i32>} : memref<16x128xf32, #tpu.memory_space<vmem>>, vector<16xf32>,
    tpu.vector_store_idx %arg11[%shift_right_logical3A_1035, %get3A_1037], %get3A_1041 : memref<512x64xf32, #tpu.memory_space<vmem>>[vector<16xi32>, vector<16xi32>], vector<16xf32>,
    %add3A_1042 = arith.constant 1376 : i32
    %add3A_1043 = vector.broadcast %add3A_1042 : i32 to vector<16xi32>
    %add3A_1044 = arith.addi %iota3A, %add3A_1043 : vector<16xi32>
    %shift_right_logical3A_1045 = arith.constant 2 : i32
    %shift_right_logical3A_1046 = vector.broadcast %shift_right_logical3A_1045 : i32 to vector<16xi32>
    %shift_right_logical3A_1047 = arith.shrui %add3A_1044, %shift_right_logical3A_1046 : vector<16xi32>
    %get3A_1048 = arith.constant 1376 : index
    %get3A_1049 = tpu.vector_load %arg9[%get3A_1048] {strides = array<i32>} : memref<2048xi32, #tpu.memory_space<vmem>>, vector<16xi32>,
    %get3A_1050 = arith.constant 10 : i32
    %get3A_1051 = arith.index_cast %get3A_1050 : i32 to index
    %get3A_1052 = arith.constant 96 : index
    %get3A_1053 = tpu.vector_load %arg10[%get3A_1051, %get3A_1052] {strides = array<i32>} : memref<16x128xf32, #tpu.memory_space<vmem>>, vector<16xf32>,
    tpu.vector_store_idx %arg11[%shift_right_logical3A_1047, %get3A_1049], %get3A_1053 : memref<512x64xf32, #tpu.memory_space<vmem>>[vector<16xi32>, vector<16xi32>], vector<16xf32>,
    %add3A_1054 = arith.constant 1392 : i32
    %add3A_1055 = vector.broadcast %add3A_1054 : i32 to vector<16xi32>
    %add3A_1056 = arith.addi %iota3A, %add3A_1055 : vector<16xi32>
    %shift_right_logical3A_1057 = arith.constant 2 : i32
    %shift_right_logical3A_1058 = vector.broadcast %shift_right_logical3A_1057 : i32 to vector<16xi32>
    %shift_right_logical3A_1059 = arith.shrui %add3A_1056, %shift_right_logical3A_1058 : vector<16xi32>
    %get3A_1060 = arith.constant 1392 : index
    %get3A_1061 = tpu.vector_load %arg9[%get3A_1060] {strides = array<i32>} : memref<2048xi32, #tpu.memory_space<vmem>>, vector<16xi32>,
    %get3A_1062 = arith.constant 10 : i32
    %get3A_1063 = arith.index_cast %get3A_1062 : i32 to index
    %get3A_1064 = arith.constant 112 : index
    %get3A_1065 = tpu.vector_load %arg10[%get3A_1063, %get3A_1064] {strides = array<i32>} : memref<16x128xf32, #tpu.memory_space<vmem>>, vector<16xf32>,
    tpu.vector_store_idx %arg11[%shift_right_logical3A_1059, %get3A_1061], %get3A_1065 : memref<512x64xf32, #tpu.memory_space<vmem>>[vector<16xi32>, vector<16xi32>], vector<16xf32>,
    %add3A_1066 = arith.constant 1408 : i32
    %add3A_1067 = vector.broadcast %add3A_1066 : i32 to vector<16xi32>
    %add3A_1068 = arith.addi %iota3A, %add3A_1067 : vector<16xi32>
    %shift_right_logical3A_1069 = arith.constant 2 : i32
    %shift_right_logical3A_1070 = vector.broadcast %shift_right_logical3A_1069 : i32 to vector<16xi32>
    %shift_right_logical3A_1071 = arith.shrui %add3A_1068, %shift_right_logical3A_1070 : vector<16xi32>
    %get3A_1072 = arith.constant 1408 : index
    %get3A_1073 = tpu.vector_load %arg9[%get3A_1072] {strides = array<i32>} : memref<2048xi32, #tpu.memory_space<vmem>>, vector<16xi32>,
    %get3A_1074 = arith.constant 11 : i32
    %get3A_1075 = arith.index_cast %get3A_1074 : i32 to index
    %get3A_1076 = arith.constant 0 : index
    %get3A_1077 = tpu.vector_load %arg10[%get3A_1075, %get3A_1076] {strides = array<i32>} : memref<16x128xf32, #tpu.memory_space<vmem>>, vector<16xf32>,
    tpu.vector_store_idx %arg11[%shift_right_logical3A_1071, %get3A_1073], %get3A_1077 : memref<512x64xf32, #tpu.memory_space<vmem>>[vector<16xi32>, vector<16xi32>], vector<16xf32>,
    %add3A_1078 = arith.constant 1424 : i32
    %add3A_1079 = vector.broadcast %add3A_1078 : i32 to vector<16xi32>
    %add3A_1080 = arith.addi %iota3A, %add3A_1079 : vector<16xi32>
    %shift_right_logical3A_1081 = arith.constant 2 : i32
    %shift_right_logical3A_1082 = vector.broadcast %shift_right_logical3A_1081 : i32 to vector<16xi32>
    %shift_right_logical3A_1083 = arith.shrui %add3A_1080, %shift_right_logical3A_1082 : vector<16xi32>
    %get3A_1084 = arith.constant 1424 : index
    %get3A_1085 = tpu.vector_load %arg9[%get3A_1084] {strides = array<i32>} : memref<2048xi32, #tpu.memory_space<vmem>>, vector<16xi32>,
    %get3A_1086 = arith.constant 11 : i32
    %get3A_1087 = arith.index_cast %get3A_1086 : i32 to index
    %get3A_1088 = arith.constant 16 : index
    %get3A_1089 = tpu.vector_load %arg10[%get3A_1087, %get3A_1088] {strides = array<i32>} : memref<16x128xf32, #tpu.memory_space<vmem>>, vector<16xf32>,
    tpu.vector_store_idx %arg11[%shift_right_logical3A_1083, %get3A_1085], %get3A_1089 : memref<512x64xf32, #tpu.memory_space<vmem>>[vector<16xi32>, vector<16xi32>], vector<16xf32>,
    %add3A_1090 = arith.constant 1440 : i32
    %add3A_1091 = vector.broadcast %add3A_1090 : i32 to vector<16xi32>
    %add3A_1092 = arith.addi %iota3A, %add3A_1091 : vector<16xi32>
    %shift_right_logical3A_1093 = arith.constant 2 : i32
    %shift_right_logical3A_1094 = vector.broadcast %shift_right_logical3A_1093 : i32 to vector<16xi32>
    %shift_right_logical3A_1095 = arith.shrui %add3A_1092, %shift_right_logical3A_1094 : vector<16xi32>
    %get3A_1096 = arith.constant 1440 : index
    %get3A_1097 = tpu.vector_load %arg9[%get3A_1096] {strides = array<i32>} : memref<2048xi32, #tpu.memory_space<vmem>>, vector<16xi32>,
    %get3A_1098 = arith.constant 11 : i32
    %get3A_1099 = arith.index_cast %get3A_1098 : i32 to index
    %get3A_1100 = arith.constant 32 : index
    %get3A_1101 = tpu.vector_load %arg10[%get3A_1099, %get3A_1100] {strides = array<i32>} : memref<16x128xf32, #tpu.memory_space<vmem>>, vector<16xf32>,
    tpu.vector_store_idx %arg11[%shift_right_logical3A_1095, %get3A_1097], %get3A_1101 : memref<512x64xf32, #tpu.memory_space<vmem>>[vector<16xi32>, vector<16xi32>], vector<16xf32>,
    %add3A_1102 = arith.constant 1456 : i32
    %add3A_1103 = vector.broadcast %add3A_1102 : i32 to vector<16xi32>
    %add3A_1104 = arith.addi %iota3A, %add3A_1103 : vector<16xi32>
    %shift_right_logical3A_1105 = arith.constant 2 : i32
    %shift_right_logical3A_1106 = vector.broadcast %shift_right_logical3A_1105 : i32 to vector<16xi32>
    %shift_right_logical3A_1107 = arith.shrui %add3A_1104, %shift_right_logical3A_1106 : vector<16xi32>
    %get3A_1108 = arith.constant 1456 : index
    %get3A_1109 = tpu.vector_load %arg9[%get3A_1108] {strides = array<i32>} : memref<2048xi32, #tpu.memory_space<vmem>>, vector<16xi32>,
    %get3A_1110 = arith.constant 11 : i32
    %get3A_1111 = arith.index_cast %get3A_1110 : i32 to index
    %get3A_1112 = arith.constant 48 : index
    %get3A_1113 = tpu.vector_load %arg10[%get3A_1111, %get3A_1112] {strides = array<i32>} : memref<16x128xf32, #tpu.memory_space<vmem>>, vector<16xf32>,
    tpu.vector_store_idx %arg11[%shift_right_logical3A_1107, %get3A_1109], %get3A_1113 : memref<512x64xf32, #tpu.memory_space<vmem>>[vector<16xi32>, vector<16xi32>], vector<16xf32>,
    %add3A_1114 = arith.constant 1472 : i32
    %add3A_1115 = vector.broadcast %add3A_1114 : i32 to vector<16xi32>
    %add3A_1116 = arith.addi %iota3A, %add3A_1115 : vector<16xi32>
    %shift_right_logical3A_1117 = arith.constant 2 : i32
    %shift_right_logical3A_1118 = vector.broadcast %shift_right_logical3A_1117 : i32 to vector<16xi32>
    %shift_right_logical3A_1119 = arith.shrui %add3A_1116, %shift_right_logical3A_1118 : vector<16xi32>
    %get3A_1120 = arith.constant 1472 : index
    %get3A_1121 = tpu.vector_load %arg9[%get3A_1120] {strides = array<i32>} : memref<2048xi32, #tpu.memory_space<vmem>>, vector<16xi32>,
    %get3A_1122 = arith.constant 11 : i32
    %get3A_1123 = arith.index_cast %get3A_1122 : i32 to index
    %get3A_1124 = arith.constant 64 : index
    %get3A_1125 = tpu.vector_load %arg10[%get3A_1123, %get3A_1124] {strides = array<i32>} : memref<16x128xf32, #tpu.memory_space<vmem>>, vector<16xf32>,
    tpu.vector_store_idx %arg11[%shift_right_logical3A_1119, %get3A_1121], %get3A_1125 : memref<512x64xf32, #tpu.memory_space<vmem>>[vector<16xi32>, vector<16xi32>], vector<16xf32>,
    %add3A_1126 = arith.constant 1488 : i32
    %add3A_1127 = vector.broadcast %add3A_1126 : i32 to vector<16xi32>
    %add3A_1128 = arith.addi %iota3A, %add3A_1127 : vector<16xi32>
    %shift_right_logical3A_1129 = arith.constant 2 : i32
    %shift_right_logical3A_1130 = vector.broadcast %shift_right_logical3A_1129 : i32 to vector<16xi32>
    %shift_right_logical3A_1131 = arith.shrui %add3A_1128, %shift_right_logical3A_1130 : vector<16xi32>
    %get3A_1132 = arith.constant 1488 : index
    %get3A_1133 = tpu.vector_load %arg9[%get3A_1132] {strides = array<i32>} : memref<2048xi32, #tpu.memory_space<vmem>>, vector<16xi32>,
    %get3A_1134 = arith.constant 11 : i32
    %get3A_1135 = arith.index_cast %get3A_1134 : i32 to index
    %get3A_1136 = arith.constant 80 : index
    %get3A_1137 = tpu.vector_load %arg10[%get3A_1135, %get3A_1136] {strides = array<i32>} : memref<16x128xf32, #tpu.memory_space<vmem>>, vector<16xf32>,
    tpu.vector_store_idx %arg11[%shift_right_logical3A_1131, %get3A_1133], %get3A_1137 : memref<512x64xf32, #tpu.memory_space<vmem>>[vector<16xi32>, vector<16xi32>], vector<16xf32>,
    %add3A_1138 = arith.constant 1504 : i32
    %add3A_1139 = vector.broadcast %add3A_1138 : i32 to vector<16xi32>
    %add3A_1140 = arith.addi %iota3A, %add3A_1139 : vector<16xi32>
    %shift_right_logical3A_1141 = arith.constant 2 : i32
    %shift_right_logical3A_1142 = vector.broadcast %shift_right_logical3A_1141 : i32 to vector<16xi32>
    %shift_right_logical3A_1143 = arith.shrui %add3A_1140, %shift_right_logical3A_1142 : vector<16xi32>
    %get3A_1144 = arith.constant 1504 : index
    %get3A_1145 = tpu.vector_load %arg9[%get3A_1144] {strides = array<i32>} : memref<2048xi32, #tpu.memory_space<vmem>>, vector<16xi32>,
    %get3A_1146 = arith.constant 11 : i32
    %get3A_1147 = arith.index_cast %get3A_1146 : i32 to index
    %get3A_1148 = arith.constant 96 : index
    %get3A_1149 = tpu.vector_load %arg10[%get3A_1147, %get3A_1148] {strides = array<i32>} : memref<16x128xf32, #tpu.memory_space<vmem>>, vector<16xf32>,
    tpu.vector_store_idx %arg11[%shift_right_logical3A_1143, %get3A_1145], %get3A_1149 : memref<512x64xf32, #tpu.memory_space<vmem>>[vector<16xi32>, vector<16xi32>], vector<16xf32>,
    %add3A_1150 = arith.constant 1520 : i32
    %add3A_1151 = vector.broadcast %add3A_1150 : i32 to vector<16xi32>
    %add3A_1152 = arith.addi %iota3A, %add3A_1151 : vector<16xi32>
    %shift_right_logical3A_1153 = arith.constant 2 : i32
    %shift_right_logical3A_1154 = vector.broadcast %shift_right_logical3A_1153 : i32 to vector<16xi32>
    %shift_right_logical3A_1155 = arith.shrui %add3A_1152, %shift_right_logical3A_1154 : vector<16xi32>
    %get3A_1156 = arith.constant 1520 : index
    %get3A_1157 = tpu.vector_load %arg9[%get3A_1156] {strides = array<i32>} : memref<2048xi32, #tpu.memory_space<vmem>>, vector<16xi32>,
    %get3A_1158 = arith.constant 11 : i32
    %get3A_1159 = arith.index_cast %get3A_1158 : i32 to index
    %get3A_1160 = arith.constant 112 : index
    %get3A_1161 = tpu.vector_load %arg10[%get3A_1159, %get3A_1160] {strides = array<i32>} : memref<16x128xf32, #tpu.memory_space<vmem>>, vector<16xf32>,
    tpu.vector_store_idx %arg11[%shift_right_logical3A_1155, %get3A_1157], %get3A_1161 : memref<512x64xf32, #tpu.memory_space<vmem>>[vector<16xi32>, vector<16xi32>], vector<16xf32>,
    %add3A_1162 = arith.constant 1536 : i32
    %add3A_1163 = vector.broadcast %add3A_1162 : i32 to vector<16xi32>
    %add3A_1164 = arith.addi %iota3A, %add3A_1163 : vector<16xi32>
    %shift_right_logical3A_1165 = arith.constant 2 : i32
    %shift_right_logical3A_1166 = vector.broadcast %shift_right_logical3A_1165 : i32 to vector<16xi32>
    %shift_right_logical3A_1167 = arith.shrui %add3A_1164, %shift_right_logical3A_1166 : vector<16xi32>
    %get3A_1168 = arith.constant 1536 : index
    %get3A_1169 = tpu.vector_load %arg9[%get3A_1168] {strides = array<i32>} : memref<2048xi32, #tpu.memory_space<vmem>>, vector<16xi32>,
    %get3A_1170 = arith.constant 12 : i32
    %get3A_1171 = arith.index_cast %get3A_1170 : i32 to index
    %get3A_1172 = arith.constant 0 : index
    %get3A_1173 = tpu.vector_load %arg10[%get3A_1171, %get3A_1172] {strides = array<i32>} : memref<16x128xf32, #tpu.memory_space<vmem>>, vector<16xf32>,
    tpu.vector_store_idx %arg11[%shift_right_logical3A_1167, %get3A_1169], %get3A_1173 : memref<512x64xf32, #tpu.memory_space<vmem>>[vector<16xi32>, vector<16xi32>], vector<16xf32>,
    %add3A_1174 = arith.constant 1552 : i32
    %add3A_1175 = vector.broadcast %add3A_1174 : i32 to vector<16xi32>
    %add3A_1176 = arith.addi %iota3A, %add3A_1175 : vector<16xi32>
    %shift_right_logical3A_1177 = arith.constant 2 : i32
    %shift_right_logical3A_1178 = vector.broadcast %shift_right_logical3A_1177 : i32 to vector<16xi32>
    %shift_right_logical3A_1179 = arith.shrui %add3A_1176, %shift_right_logical3A_1178 : vector<16xi32>
    %get3A_1180 = arith.constant 1552 : index
    %get3A_1181 = tpu.vector_load %arg9[%get3A_1180] {strides = array<i32>} : memref<2048xi32, #tpu.memory_space<vmem>>, vector<16xi32>,
    %get3A_1182 = arith.constant 12 : i32
    %get3A_1183 = arith.index_cast %get3A_1182 : i32 to index
    %get3A_1184 = arith.constant 16 : index
    %get3A_1185 = tpu.vector_load %arg10[%get3A_1183, %get3A_1184] {strides = array<i32>} : memref<16x128xf32, #tpu.memory_space<vmem>>, vector<16xf32>,
    tpu.vector_store_idx %arg11[%shift_right_logical3A_1179, %get3A_1181], %get3A_1185 : memref<512x64xf32, #tpu.memory_space<vmem>>[vector<16xi32>, vector<16xi32>], vector<16xf32>,
    %add3A_1186 = arith.constant 1568 : i32
    %add3A_1187 = vector.broadcast %add3A_1186 : i32 to vector<16xi32>
    %add3A_1188 = arith.addi %iota3A, %add3A_1187 : vector<16xi32>
    %shift_right_logical3A_1189 = arith.constant 2 : i32
    %shift_right_logical3A_1190 = vector.broadcast %shift_right_logical3A_1189 : i32 to vector<16xi32>
    %shift_right_logical3A_1191 = arith.shrui %add3A_1188, %shift_right_logical3A_1190 : vector<16xi32>
    %get3A_1192 = arith.constant 1568 : index
    %get3A_1193 = tpu.vector_load %arg9[%get3A_1192] {strides = array<i32>} : memref<2048xi32, #tpu.memory_space<vmem>>, vector<16xi32>,
    %get3A_1194 = arith.constant 12 : i32
    %get3A_1195 = arith.index_cast %get3A_1194 : i32 to index
    %get3A_1196 = arith.constant 32 : index
    %get3A_1197 = tpu.vector_load %arg10[%get3A_1195, %get3A_1196] {strides = array<i32>} : memref<16x128xf32, #tpu.memory_space<vmem>>, vector<16xf32>,
    tpu.vector_store_idx %arg11[%shift_right_logical3A_1191, %get3A_1193], %get3A_1197 : memref<512x64xf32, #tpu.memory_space<vmem>>[vector<16xi32>, vector<16xi32>], vector<16xf32>,
    %add3A_1198 = arith.constant 1584 : i32
    %add3A_1199 = vector.broadcast %add3A_1198 : i32 to vector<16xi32>
    %add3A_1200 = arith.addi %iota3A, %add3A_1199 : vector<16xi32>
    %shift_right_logical3A_1201 = arith.constant 2 : i32
    %shift_right_logical3A_1202 = vector.broadcast %shift_right_logical3A_1201 : i32 to vector<16xi32>
    %shift_right_logical3A_1203 = arith.shrui %add3A_1200, %shift_right_logical3A_1202 : vector<16xi32>
    %get3A_1204 = arith.constant 1584 : index
    %get3A_1205 = tpu.vector_load %arg9[%get3A_1204] {strides = array<i32>} : memref<2048xi32, #tpu.memory_space<vmem>>, vector<16xi32>,
    %get3A_1206 = arith.constant 12 : i32
    %get3A_1207 = arith.index_cast %get3A_1206 : i32 to index
    %get3A_1208 = arith.constant 48 : index
    %get3A_1209 = tpu.vector_load %arg10[%get3A_1207, %get3A_1208] {strides = array<i32>} : memref<16x128xf32, #tpu.memory_space<vmem>>, vector<16xf32>,
    tpu.vector_store_idx %arg11[%shift_right_logical3A_1203, %get3A_1205], %get3A_1209 : memref<512x64xf32, #tpu.memory_space<vmem>>[vector<16xi32>, vector<16xi32>], vector<16xf32>,
    %add3A_1210 = arith.constant 1600 : i32
    %add3A_1211 = vector.broadcast %add3A_1210 : i32 to vector<16xi32>
    %add3A_1212 = arith.addi %iota3A, %add3A_1211 : vector<16xi32>
    %shift_right_logical3A_1213 = arith.constant 2 : i32
    %shift_right_logical3A_1214 = vector.broadcast %shift_right_logical3A_1213 : i32 to vector<16xi32>
    %shift_right_logical3A_1215 = arith.shrui %add3A_1212, %shift_right_logical3A_1214 : vector<16xi32>
    %get3A_1216 = arith.constant 1600 : index
    %get3A_1217 = tpu.vector_load %arg9[%get3A_1216] {strides = array<i32>} : memref<2048xi32, #tpu.memory_space<vmem>>, vector<16xi32>,
    %get3A_1218 = arith.constant 12 : i32
    %get3A_1219 = arith.index_cast %get3A_1218 : i32 to index
    %get3A_1220 = arith.constant 64 : index
    %get3A_1221 = tpu.vector_load %arg10[%get3A_1219, %get3A_1220] {strides = array<i32>} : memref<16x128xf32, #tpu.memory_space<vmem>>, vector<16xf32>,
    tpu.vector_store_idx %arg11[%shift_right_logical3A_1215, %get3A_1217], %get3A_1221 : memref<512x64xf32, #tpu.memory_space<vmem>>[vector<16xi32>, vector<16xi32>], vector<16xf32>,
    %add3A_1222 = arith.constant 1616 : i32
    %add3A_1223 = vector.broadcast %add3A_1222 : i32 to vector<16xi32>
    %add3A_1224 = arith.addi %iota3A, %add3A_1223 : vector<16xi32>
    %shift_right_logical3A_1225 = arith.constant 2 : i32
    %shift_right_logical3A_1226 = vector.broadcast %shift_right_logical3A_1225 : i32 to vector<16xi32>
    %shift_right_logical3A_1227 = arith.shrui %add3A_1224, %shift_right_logical3A_1226 : vector<16xi32>
    %get3A_1228 = arith.constant 1616 : index
    %get3A_1229 = tpu.vector_load %arg9[%get3A_1228] {strides = array<i32>} : memref<2048xi32, #tpu.memory_space<vmem>>, vector<16xi32>,
    %get3A_1230 = arith.constant 12 : i32
    %get3A_1231 = arith.index_cast %get3A_1230 : i32 to index
    %get3A_1232 = arith.constant 80 : index
    %get3A_1233 = tpu.vector_load %arg10[%get3A_1231, %get3A_1232] {strides = array<i32>} : memref<16x128xf32, #tpu.memory_space<vmem>>, vector<16xf32>,
    tpu.vector_store_idx %arg11[%shift_right_logical3A_1227, %get3A_1229], %get3A_1233 : memref<512x64xf32, #tpu.memory_space<vmem>>[vector<16xi32>, vector<16xi32>], vector<16xf32>,
    %add3A_1234 = arith.constant 1632 : i32
    %add3A_1235 = vector.broadcast %add3A_1234 : i32 to vector<16xi32>
    %add3A_1236 = arith.addi %iota3A, %add3A_1235 : vector<16xi32>
    %shift_right_logical3A_1237 = arith.constant 2 : i32
    %shift_right_logical3A_1238 = vector.broadcast %shift_right_logical3A_1237 : i32 to vector<16xi32>
    %shift_right_logical3A_1239 = arith.shrui %add3A_1236, %shift_right_logical3A_1238 : vector<16xi32>
    %get3A_1240 = arith.constant 1632 : index
    %get3A_1241 = tpu.vector_load %arg9[%get3A_1240] {strides = array<i32>} : memref<2048xi32, #tpu.memory_space<vmem>>, vector<16xi32>,
    %get3A_1242 = arith.constant 12 : i32
    %get3A_1243 = arith.index_cast %get3A_1242 : i32 to index
    %get3A_1244 = arith.constant 96 : index
    %get3A_1245 = tpu.vector_load %arg10[%get3A_1243, %get3A_1244] {strides = array<i32>} : memref<16x128xf32, #tpu.memory_space<vmem>>, vector<16xf32>,
    tpu.vector_store_idx %arg11[%shift_right_logical3A_1239, %get3A_1241], %get3A_1245 : memref<512x64xf32, #tpu.memory_space<vmem>>[vector<16xi32>, vector<16xi32>], vector<16xf32>,
    %add3A_1246 = arith.constant 1648 : i32
    %add3A_1247 = vector.broadcast %add3A_1246 : i32 to vector<16xi32>
    %add3A_1248 = arith.addi %iota3A, %add3A_1247 : vector<16xi32>
    %shift_right_logical3A_1249 = arith.constant 2 : i32
    %shift_right_logical3A_1250 = vector.broadcast %shift_right_logical3A_1249 : i32 to vector<16xi32>
    %shift_right_logical3A_1251 = arith.shrui %add3A_1248, %shift_right_logical3A_1250 : vector<16xi32>
    %get3A_1252 = arith.constant 1648 : index
    %get3A_1253 = tpu.vector_load %arg9[%get3A_1252] {strides = array<i32>} : memref<2048xi32, #tpu.memory_space<vmem>>, vector<16xi32>,
    %get3A_1254 = arith.constant 12 : i32
    %get3A_1255 = arith.index_cast %get3A_1254 : i32 to index
    %get3A_1256 = arith.constant 112 : index
    %get3A_1257 = tpu.vector_load %arg10[%get3A_1255, %get3A_1256] {strides = array<i32>} : memref<16x128xf32, #tpu.memory_space<vmem>>, vector<16xf32>,
    tpu.vector_store_idx %arg11[%shift_right_logical3A_1251, %get3A_1253], %get3A_1257 : memref<512x64xf32, #tpu.memory_space<vmem>>[vector<16xi32>, vector<16xi32>], vector<16xf32>,
    %add3A_1258 = arith.constant 1664 : i32
    %add3A_1259 = vector.broadcast %add3A_1258 : i32 to vector<16xi32>
    %add3A_1260 = arith.addi %iota3A, %add3A_1259 : vector<16xi32>
    %shift_right_logical3A_1261 = arith.constant 2 : i32
    %shift_right_logical3A_1262 = vector.broadcast %shift_right_logical3A_1261 : i32 to vector<16xi32>
    %shift_right_logical3A_1263 = arith.shrui %add3A_1260, %shift_right_logical3A_1262 : vector<16xi32>
    %get3A_1264 = arith.constant 1664 : index
    %get3A_1265 = tpu.vector_load %arg9[%get3A_1264] {strides = array<i32>} : memref<2048xi32, #tpu.memory_space<vmem>>, vector<16xi32>,
    %get3A_1266 = arith.constant 13 : i32
    %get3A_1267 = arith.index_cast %get3A_1266 : i32 to index
    %get3A_1268 = arith.constant 0 : index
    %get3A_1269 = tpu.vector_load %arg10[%get3A_1267, %get3A_1268] {strides = array<i32>} : memref<16x128xf32, #tpu.memory_space<vmem>>, vector<16xf32>,
    tpu.vector_store_idx %arg11[%shift_right_logical3A_1263, %get3A_1265], %get3A_1269 : memref<512x64xf32, #tpu.memory_space<vmem>>[vector<16xi32>, vector<16xi32>], vector<16xf32>,
    %add3A_1270 = arith.constant 1680 : i32
    %add3A_1271 = vector.broadcast %add3A_1270 : i32 to vector<16xi32>
    %add3A_1272 = arith.addi %iota3A, %add3A_1271 : vector<16xi32>
    %shift_right_logical3A_1273 = arith.constant 2 : i32
    %shift_right_logical3A_1274 = vector.broadcast %shift_right_logical3A_1273 : i32 to vector<16xi32>
    %shift_right_logical3A_1275 = arith.shrui %add3A_1272, %shift_right_logical3A_1274 : vector<16xi32>
    %get3A_1276 = arith.constant 1680 : index
    %get3A_1277 = tpu.vector_load %arg9[%get3A_1276] {strides = array<i32>} : memref<2048xi32, #tpu.memory_space<vmem>>, vector<16xi32>,
    %get3A_1278 = arith.constant 13 : i32
    %get3A_1279 = arith.index_cast %get3A_1278 : i32 to index
    %get3A_1280 = arith.constant 16 : index
    %get3A_1281 = tpu.vector_load %arg10[%get3A_1279, %get3A_1280] {strides = array<i32>} : memref<16x128xf32, #tpu.memory_space<vmem>>, vector<16xf32>,
    tpu.vector_store_idx %arg11[%shift_right_logical3A_1275, %get3A_1277], %get3A_1281 : memref<512x64xf32, #tpu.memory_space<vmem>>[vector<16xi32>, vector<16xi32>], vector<16xf32>,
    %add3A_1282 = arith.constant 1696 : i32
    %add3A_1283 = vector.broadcast %add3A_1282 : i32 to vector<16xi32>
    %add3A_1284 = arith.addi %iota3A, %add3A_1283 : vector<16xi32>
    %shift_right_logical3A_1285 = arith.constant 2 : i32
    %shift_right_logical3A_1286 = vector.broadcast %shift_right_logical3A_1285 : i32 to vector<16xi32>
    %shift_right_logical3A_1287 = arith.shrui %add3A_1284, %shift_right_logical3A_1286 : vector<16xi32>
    %get3A_1288 = arith.constant 1696 : index
    %get3A_1289 = tpu.vector_load %arg9[%get3A_1288] {strides = array<i32>} : memref<2048xi32, #tpu.memory_space<vmem>>, vector<16xi32>,
    %get3A_1290 = arith.constant 13 : i32
    %get3A_1291 = arith.index_cast %get3A_1290 : i32 to index
    %get3A_1292 = arith.constant 32 : index
    %get3A_1293 = tpu.vector_load %arg10[%get3A_1291, %get3A_1292] {strides = array<i32>} : memref<16x128xf32, #tpu.memory_space<vmem>>, vector<16xf32>,
    tpu.vector_store_idx %arg11[%shift_right_logical3A_1287, %get3A_1289], %get3A_1293 : memref<512x64xf32, #tpu.memory_space<vmem>>[vector<16xi32>, vector<16xi32>], vector<16xf32>,
    %add3A_1294 = arith.constant 1712 : i32
    %add3A_1295 = vector.broadcast %add3A_1294 : i32 to vector<16xi32>
    %add3A_1296 = arith.addi %iota3A, %add3A_1295 : vector<16xi32>
    %shift_right_logical3A_1297 = arith.constant 2 : i32
    %shift_right_logical3A_1298 = vector.broadcast %shift_right_logical3A_1297 : i32 to vector<16xi32>
    %shift_right_logical3A_1299 = arith.shrui %add3A_1296, %shift_right_logical3A_1298 : vector<16xi32>
    %get3A_1300 = arith.constant 1712 : index
    %get3A_1301 = tpu.vector_load %arg9[%get3A_1300] {strides = array<i32>} : memref<2048xi32, #tpu.memory_space<vmem>>, vector<16xi32>,
    %get3A_1302 = arith.constant 13 : i32
    %get3A_1303 = arith.index_cast %get3A_1302 : i32 to index
    %get3A_1304 = arith.constant 48 : index
    %get3A_1305 = tpu.vector_load %arg10[%get3A_1303, %get3A_1304] {strides = array<i32>} : memref<16x128xf32, #tpu.memory_space<vmem>>, vector<16xf32>,
    tpu.vector_store_idx %arg11[%shift_right_logical3A_1299, %get3A_1301], %get3A_1305 : memref<512x64xf32, #tpu.memory_space<vmem>>[vector<16xi32>, vector<16xi32>], vector<16xf32>,
    %add3A_1306 = arith.constant 1728 : i32
    %add3A_1307 = vector.broadcast %add3A_1306 : i32 to vector<16xi32>
    %add3A_1308 = arith.addi %iota3A, %add3A_1307 : vector<16xi32>
    %shift_right_logical3A_1309 = arith.constant 2 : i32
    %shift_right_logical3A_1310 = vector.broadcast %shift_right_logical3A_1309 : i32 to vector<16xi32>
    %shift_right_logical3A_1311 = arith.shrui %add3A_1308, %shift_right_logical3A_1310 : vector<16xi32>
    %get3A_1312 = arith.constant 1728 : index
    %get3A_1313 = tpu.vector_load %arg9[%get3A_1312] {strides = array<i32>} : memref<2048xi32, #tpu.memory_space<vmem>>, vector<16xi32>,
    %get3A_1314 = arith.constant 13 : i32
    %get3A_1315 = arith.index_cast %get3A_1314 : i32 to index
    %get3A_1316 = arith.constant 64 : index
    %get3A_1317 = tpu.vector_load %arg10[%get3A_1315, %get3A_1316] {strides = array<i32>} : memref<16x128xf32, #tpu.memory_space<vmem>>, vector<16xf32>,
    tpu.vector_store_idx %arg11[%shift_right_logical3A_1311, %get3A_1313], %get3A_1317 : memref<512x64xf32, #tpu.memory_space<vmem>>[vector<16xi32>, vector<16xi32>], vector<16xf32>,
    %add3A_1318 = arith.constant 1744 : i32
    %add3A_1319 = vector.broadcast %add3A_1318 : i32 to vector<16xi32>
    %add3A_1320 = arith.addi %iota3A, %add3A_1319 : vector<16xi32>
    %shift_right_logical3A_1321 = arith.constant 2 : i32
    %shift_right_logical3A_1322 = vector.broadcast %shift_right_logical3A_1321 : i32 to vector<16xi32>
    %shift_right_logical3A_1323 = arith.shrui %add3A_1320, %shift_right_logical3A_1322 : vector<16xi32>
    %get3A_1324 = arith.constant 1744 : index
    %get3A_1325 = tpu.vector_load %arg9[%get3A_1324] {strides = array<i32>} : memref<2048xi32, #tpu.memory_space<vmem>>, vector<16xi32>,
    %get3A_1326 = arith.constant 13 : i32
    %get3A_1327 = arith.index_cast %get3A_1326 : i32 to index
    %get3A_1328 = arith.constant 80 : index
    %get3A_1329 = tpu.vector_load %arg10[%get3A_1327, %get3A_1328] {strides = array<i32>} : memref<16x128xf32, #tpu.memory_space<vmem>>, vector<16xf32>,
    tpu.vector_store_idx %arg11[%shift_right_logical3A_1323, %get3A_1325], %get3A_1329 : memref<512x64xf32, #tpu.memory_space<vmem>>[vector<16xi32>, vector<16xi32>], vector<16xf32>,
    %add3A_1330 = arith.constant 1760 : i32
    %add3A_1331 = vector.broadcast %add3A_1330 : i32 to vector<16xi32>
    %add3A_1332 = arith.addi %iota3A, %add3A_1331 : vector<16xi32>
    %shift_right_logical3A_1333 = arith.constant 2 : i32
    %shift_right_logical3A_1334 = vector.broadcast %shift_right_logical3A_1333 : i32 to vector<16xi32>
    %shift_right_logical3A_1335 = arith.shrui %add3A_1332, %shift_right_logical3A_1334 : vector<16xi32>
    %get3A_1336 = arith.constant 1760 : index
    %get3A_1337 = tpu.vector_load %arg9[%get3A_1336] {strides = array<i32>} : memref<2048xi32, #tpu.memory_space<vmem>>, vector<16xi32>,
    %get3A_1338 = arith.constant 13 : i32
    %get3A_1339 = arith.index_cast %get3A_1338 : i32 to index
    %get3A_1340 = arith.constant 96 : index
    %get3A_1341 = tpu.vector_load %arg10[%get3A_1339, %get3A_1340] {strides = array<i32>} : memref<16x128xf32, #tpu.memory_space<vmem>>, vector<16xf32>,
    tpu.vector_store_idx %arg11[%shift_right_logical3A_1335, %get3A_1337], %get3A_1341 : memref<512x64xf32, #tpu.memory_space<vmem>>[vector<16xi32>, vector<16xi32>], vector<16xf32>,
    %add3A_1342 = arith.constant 1776 : i32
    %add3A_1343 = vector.broadcast %add3A_1342 : i32 to vector<16xi32>
    %add3A_1344 = arith.addi %iota3A, %add3A_1343 : vector<16xi32>
    %shift_right_logical3A_1345 = arith.constant 2 : i32
    %shift_right_logical3A_1346 = vector.broadcast %shift_right_logical3A_1345 : i32 to vector<16xi32>
    %shift_right_logical3A_1347 = arith.shrui %add3A_1344, %shift_right_logical3A_1346 : vector<16xi32>
    %get3A_1348 = arith.constant 1776 : index
    %get3A_1349 = tpu.vector_load %arg9[%get3A_1348] {strides = array<i32>} : memref<2048xi32, #tpu.memory_space<vmem>>, vector<16xi32>,
    %get3A_1350 = arith.constant 13 : i32
    %get3A_1351 = arith.index_cast %get3A_1350 : i32 to index
    %get3A_1352 = arith.constant 112 : index
    %get3A_1353 = tpu.vector_load %arg10[%get3A_1351, %get3A_1352] {strides = array<i32>} : memref<16x128xf32, #tpu.memory_space<vmem>>, vector<16xf32>,
    tpu.vector_store_idx %arg11[%shift_right_logical3A_1347, %get3A_1349], %get3A_1353 : memref<512x64xf32, #tpu.memory_space<vmem>>[vector<16xi32>, vector<16xi32>], vector<16xf32>,
    %add3A_1354 = arith.constant 1792 : i32
    %add3A_1355 = vector.broadcast %add3A_1354 : i32 to vector<16xi32>
    %add3A_1356 = arith.addi %iota3A, %add3A_1355 : vector<16xi32>
    %shift_right_logical3A_1357 = arith.constant 2 : i32
    %shift_right_logical3A_1358 = vector.broadcast %shift_right_logical3A_1357 : i32 to vector<16xi32>
    %shift_right_logical3A_1359 = arith.shrui %add3A_1356, %shift_right_logical3A_1358 : vector<16xi32>
    %get3A_1360 = arith.constant 1792 : index
    %get3A_1361 = tpu.vector_load %arg9[%get3A_1360] {strides = array<i32>} : memref<2048xi32, #tpu.memory_space<vmem>>, vector<16xi32>,
    %get3A_1362 = arith.constant 14 : i32
    %get3A_1363 = arith.index_cast %get3A_1362 : i32 to index
    %get3A_1364 = arith.constant 0 : index
    %get3A_1365 = tpu.vector_load %arg10[%get3A_1363, %get3A_1364] {strides = array<i32>} : memref<16x128xf32, #tpu.memory_space<vmem>>, vector<16xf32>,
    tpu.vector_store_idx %arg11[%shift_right_logical3A_1359, %get3A_1361], %get3A_1365 : memref<512x64xf32, #tpu.memory_space<vmem>>[vector<16xi32>, vector<16xi32>], vector<16xf32>,
    %add3A_1366 = arith.constant 1808 : i32
    %add3A_1367 = vector.broadcast %add3A_1366 : i32 to vector<16xi32>
    %add3A_1368 = arith.addi %iota3A, %add3A_1367 : vector<16xi32>
    %shift_right_logical3A_1369 = arith.constant 2 : i32
    %shift_right_logical3A_1370 = vector.broadcast %shift_right_logical3A_1369 : i32 to vector<16xi32>
    %shift_right_logical3A_1371 = arith.shrui %add3A_1368, %shift_right_logical3A_1370 : vector<16xi32>
    %get3A_1372 = arith.constant 1808 : index
    %get3A_1373 = tpu.vector_load %arg9[%get3A_1372] {strides = array<i32>} : memref<2048xi32, #tpu.memory_space<vmem>>, vector<16xi32>,
    %get3A_1374 = arith.constant 14 : i32
    %get3A_1375 = arith.index_cast %get3A_1374 : i32 to index
    %get3A_1376 = arith.constant 16 : index
    %get3A_1377 = tpu.vector_load %arg10[%get3A_1375, %get3A_1376] {strides = array<i32>} : memref<16x128xf32, #tpu.memory_space<vmem>>, vector<16xf32>,
    tpu.vector_store_idx %arg11[%shift_right_logical3A_1371, %get3A_1373], %get3A_1377 : memref<512x64xf32, #tpu.memory_space<vmem>>[vector<16xi32>, vector<16xi32>], vector<16xf32>,
    %add3A_1378 = arith.constant 1824 : i32
    %add3A_1379 = vector.broadcast %add3A_1378 : i32 to vector<16xi32>
    %add3A_1380 = arith.addi %iota3A, %add3A_1379 : vector<16xi32>
    %shift_right_logical3A_1381 = arith.constant 2 : i32
    %shift_right_logical3A_1382 = vector.broadcast %shift_right_logical3A_1381 : i32 to vector<16xi32>
    %shift_right_logical3A_1383 = arith.shrui %add3A_1380, %shift_right_logical3A_1382 : vector<16xi32>
    %get3A_1384 = arith.constant 1824 : index
    %get3A_1385 = tpu.vector_load %arg9[%get3A_1384] {strides = array<i32>} : memref<2048xi32, #tpu.memory_space<vmem>>, vector<16xi32>,
    %get3A_1386 = arith.constant 14 : i32
    %get3A_1387 = arith.index_cast %get3A_1386 : i32 to index
    %get3A_1388 = arith.constant 32 : index
    %get3A_1389 = tpu.vector_load %arg10[%get3A_1387, %get3A_1388] {strides = array<i32>} : memref<16x128xf32, #tpu.memory_space<vmem>>, vector<16xf32>,
    tpu.vector_store_idx %arg11[%shift_right_logical3A_1383, %get3A_1385], %get3A_1389 : memref<512x64xf32, #tpu.memory_space<vmem>>[vector<16xi32>, vector<16xi32>], vector<16xf32>,
    %add3A_1390 = arith.constant 1840 : i32
    %add3A_1391 = vector.broadcast %add3A_1390 : i32 to vector<16xi32>
    %add3A_1392 = arith.addi %iota3A, %add3A_1391 : vector<16xi32>
    %shift_right_logical3A_1393 = arith.constant 2 : i32
    %shift_right_logical3A_1394 = vector.broadcast %shift_right_logical3A_1393 : i32 to vector<16xi32>
    %shift_right_logical3A_1395 = arith.shrui %add3A_1392, %shift_right_logical3A_1394 : vector<16xi32>
    %get3A_1396 = arith.constant 1840 : index
    %get3A_1397 = tpu.vector_load %arg9[%get3A_1396] {strides = array<i32>} : memref<2048xi32, #tpu.memory_space<vmem>>, vector<16xi32>,
    %get3A_1398 = arith.constant 14 : i32
    %get3A_1399 = arith.index_cast %get3A_1398 : i32 to index
    %get3A_1400 = arith.constant 48 : index
    %get3A_1401 = tpu.vector_load %arg10[%get3A_1399, %get3A_1400] {strides = array<i32>} : memref<16x128xf32, #tpu.memory_space<vmem>>, vector<16xf32>,
    tpu.vector_store_idx %arg11[%shift_right_logical3A_1395, %get3A_1397], %get3A_1401 : memref<512x64xf32, #tpu.memory_space<vmem>>[vector<16xi32>, vector<16xi32>], vector<16xf32>,
    %add3A_1402 = arith.constant 1856 : i32
    %add3A_1403 = vector.broadcast %add3A_1402 : i32 to vector<16xi32>
    %add3A_1404 = arith.addi %iota3A, %add3A_1403 : vector<16xi32>
    %shift_right_logical3A_1405 = arith.constant 2 : i32
    %shift_right_logical3A_1406 = vector.broadcast %shift_right_logical3A_1405 : i32 to vector<16xi32>
    %shift_right_logical3A_1407 = arith.shrui %add3A_1404, %shift_right_logical3A_1406 : vector<16xi32>
    %get3A_1408 = arith.constant 1856 : index
    %get3A_1409 = tpu.vector_load %arg9[%get3A_1408] {strides = array<i32>} : memref<2048xi32, #tpu.memory_space<vmem>>, vector<16xi32>,
    %get3A_1410 = arith.constant 14 : i32
    %get3A_1411 = arith.index_cast %get3A_1410 : i32 to index
    %get3A_1412 = arith.constant 64 : index
    %get3A_1413 = tpu.vector_load %arg10[%get3A_1411, %get3A_1412] {strides = array<i32>} : memref<16x128xf32, #tpu.memory_space<vmem>>, vector<16xf32>,
    tpu.vector_store_idx %arg11[%shift_right_logical3A_1407, %get3A_1409], %get3A_1413 : memref<512x64xf32, #tpu.memory_space<vmem>>[vector<16xi32>, vector<16xi32>], vector<16xf32>,
    %add3A_1414 = arith.constant 1872 : i32
    %add3A_1415 = vector.broadcast %add3A_1414 : i32 to vector<16xi32>
    %add3A_1416 = arith.addi %iota3A, %add3A_1415 : vector<16xi32>
    %shift_right_logical3A_1417 = arith.constant 2 : i32
    %shift_right_logical3A_1418 = vector.broadcast %shift_right_logical3A_1417 : i32 to vector<16xi32>
    %shift_right_logical3A_1419 = arith.shrui %add3A_1416, %shift_right_logical3A_1418 : vector<16xi32>
    %get3A_1420 = arith.constant 1872 : index
    %get3A_1421 = tpu.vector_load %arg9[%get3A_1420] {strides = array<i32>} : memref<2048xi32, #tpu.memory_space<vmem>>, vector<16xi32>,
    %get3A_1422 = arith.constant 14 : i32
    %get3A_1423 = arith.index_cast %get3A_1422 : i32 to index
    %get3A_1424 = arith.constant 80 : index
    %get3A_1425 = tpu.vector_load %arg10[%get3A_1423, %get3A_1424] {strides = array<i32>} : memref<16x128xf32, #tpu.memory_space<vmem>>, vector<16xf32>,
    tpu.vector_store_idx %arg11[%shift_right_logical3A_1419, %get3A_1421], %get3A_1425 : memref<512x64xf32, #tpu.memory_space<vmem>>[vector<16xi32>, vector<16xi32>], vector<16xf32>,
    %add3A_1426 = arith.constant 1888 : i32
    %add3A_1427 = vector.broadcast %add3A_1426 : i32 to vector<16xi32>
    %add3A_1428 = arith.addi %iota3A, %add3A_1427 : vector<16xi32>
    %shift_right_logical3A_1429 = arith.constant 2 : i32
    %shift_right_logical3A_1430 = vector.broadcast %shift_right_logical3A_1429 : i32 to vector<16xi32>
    %shift_right_logical3A_1431 = arith.shrui %add3A_1428, %shift_right_logical3A_1430 : vector<16xi32>
    %get3A_1432 = arith.constant 1888 : index
    %get3A_1433 = tpu.vector_load %arg9[%get3A_1432] {strides = array<i32>} : memref<2048xi32, #tpu.memory_space<vmem>>, vector<16xi32>,
    %get3A_1434 = arith.constant 14 : i32
    %get3A_1435 = arith.index_cast %get3A_1434 : i32 to index
    %get3A_1436 = arith.constant 96 : index
    %get3A_1437 = tpu.vector_load %arg10[%get3A_1435, %get3A_1436] {strides = array<i32>} : memref<16x128xf32, #tpu.memory_space<vmem>>, vector<16xf32>,
    tpu.vector_store_idx %arg11[%shift_right_logical3A_1431, %get3A_1433], %get3A_1437 : memref<512x64xf32, #tpu.memory_space<vmem>>[vector<16xi32>, vector<16xi32>], vector<16xf32>,
    %add3A_1438 = arith.constant 1904 : i32
    %add3A_1439 = vector.broadcast %add3A_1438 : i32 to vector<16xi32>
    %add3A_1440 = arith.addi %iota3A, %add3A_1439 : vector<16xi32>
    %shift_right_logical3A_1441 = arith.constant 2 : i32
    %shift_right_logical3A_1442 = vector.broadcast %shift_right_logical3A_1441 : i32 to vector<16xi32>
    %shift_right_logical3A_1443 = arith.shrui %add3A_1440, %shift_right_logical3A_1442 : vector<16xi32>
    %get3A_1444 = arith.constant 1904 : index
    %get3A_1445 = tpu.vector_load %arg9[%get3A_1444] {strides = array<i32>} : memref<2048xi32, #tpu.memory_space<vmem>>, vector<16xi32>,
    %get3A_1446 = arith.constant 14 : i32
    %get3A_1447 = arith.index_cast %get3A_1446 : i32 to index
    %get3A_1448 = arith.constant 112 : index
    %get3A_1449 = tpu.vector_load %arg10[%get3A_1447, %get3A_1448] {strides = array<i32>} : memref<16x128xf32, #tpu.memory_space<vmem>>, vector<16xf32>,
    tpu.vector_store_idx %arg11[%shift_right_logical3A_1443, %get3A_1445], %get3A_1449 : memref<512x64xf32, #tpu.memory_space<vmem>>[vector<16xi32>, vector<16xi32>], vector<16xf32>,
    %add3A_1450 = arith.constant 1920 : i32
    %add3A_1451 = vector.broadcast %add3A_1450 : i32 to vector<16xi32>
    %add3A_1452 = arith.addi %iota3A, %add3A_1451 : vector<16xi32>
    %shift_right_logical3A_1453 = arith.constant 2 : i32
    %shift_right_logical3A_1454 = vector.broadcast %shift_right_logical3A_1453 : i32 to vector<16xi32>
    %shift_right_logical3A_1455 = arith.shrui %add3A_1452, %shift_right_logical3A_1454 : vector<16xi32>
    %get3A_1456 = arith.constant 1920 : index
    %get3A_1457 = tpu.vector_load %arg9[%get3A_1456] {strides = array<i32>} : memref<2048xi32, #tpu.memory_space<vmem>>, vector<16xi32>,
    %get3A_1458 = arith.constant 15 : i32
    %get3A_1459 = arith.index_cast %get3A_1458 : i32 to index
    %get3A_1460 = arith.constant 0 : index
    %get3A_1461 = tpu.vector_load %arg10[%get3A_1459, %get3A_1460] {strides = array<i32>} : memref<16x128xf32, #tpu.memory_space<vmem>>, vector<16xf32>,
    tpu.vector_store_idx %arg11[%shift_right_logical3A_1455, %get3A_1457], %get3A_1461 : memref<512x64xf32, #tpu.memory_space<vmem>>[vector<16xi32>, vector<16xi32>], vector<16xf32>,
    %add3A_1462 = arith.constant 1936 : i32
    %add3A_1463 = vector.broadcast %add3A_1462 : i32 to vector<16xi32>
    %add3A_1464 = arith.addi %iota3A, %add3A_1463 : vector<16xi32>
    %shift_right_logical3A_1465 = arith.constant 2 : i32
    %shift_right_logical3A_1466 = vector.broadcast %shift_right_logical3A_1465 : i32 to vector<16xi32>
    %shift_right_logical3A_1467 = arith.shrui %add3A_1464, %shift_right_logical3A_1466 : vector<16xi32>
    %get3A_1468 = arith.constant 1936 : index
    %get3A_1469 = tpu.vector_load %arg9[%get3A_1468] {strides = array<i32>} : memref<2048xi32, #tpu.memory_space<vmem>>, vector<16xi32>,
    %get3A_1470 = arith.constant 15 : i32
    %get3A_1471 = arith.index_cast %get3A_1470 : i32 to index
    %get3A_1472 = arith.constant 16 : index
    %get3A_1473 = tpu.vector_load %arg10[%get3A_1471, %get3A_1472] {strides = array<i32>} : memref<16x128xf32, #tpu.memory_space<vmem>>, vector<16xf32>,
    tpu.vector_store_idx %arg11[%shift_right_logical3A_1467, %get3A_1469], %get3A_1473 : memref<512x64xf32, #tpu.memory_space<vmem>>[vector<16xi32>, vector<16xi32>], vector<16xf32>,
    %add3A_1474 = arith.constant 1952 : i32
    %add3A_1475 = vector.broadcast %add3A_1474 : i32 to vector<16xi32>
    %add3A_1476 = arith.addi %iota3A, %add3A_1475 : vector<16xi32>
    %shift_right_logical3A_1477 = arith.constant 2 : i32
    %shift_right_logical3A_1478 = vector.broadcast %shift_right_logical3A_1477 : i32 to vector<16xi32>
    %shift_right_logical3A_1479 = arith.shrui %add3A_1476, %shift_right_logical3A_1478 : vector<16xi32>
    %get3A_1480 = arith.constant 1952 : index
    %get3A_1481 = tpu.vector_load %arg9[%get3A_1480] {strides = array<i32>} : memref<2048xi32, #tpu.memory_space<vmem>>, vector<16xi32>,
    %get3A_1482 = arith.constant 15 : i32
    %get3A_1483 = arith.index_cast %get3A_1482 : i32 to index
    %get3A_1484 = arith.constant 32 : index
    %get3A_1485 = tpu.vector_load %arg10[%get3A_1483, %get3A_1484] {strides = array<i32>} : memref<16x128xf32, #tpu.memory_space<vmem>>, vector<16xf32>,
    tpu.vector_store_idx %arg11[%shift_right_logical3A_1479, %get3A_1481], %get3A_1485 : memref<512x64xf32, #tpu.memory_space<vmem>>[vector<16xi32>, vector<16xi32>], vector<16xf32>,
    %add3A_1486 = arith.constant 1968 : i32
    %add3A_1487 = vector.broadcast %add3A_1486 : i32 to vector<16xi32>
    %add3A_1488 = arith.addi %iota3A, %add3A_1487 : vector<16xi32>
    %shift_right_logical3A_1489 = arith.constant 2 : i32
    %shift_right_logical3A_1490 = vector.broadcast %shift_right_logical3A_1489 : i32 to vector<16xi32>
    %shift_right_logical3A_1491 = arith.shrui %add3A_1488, %shift_right_logical3A_1490 : vector<16xi32>
    %get3A_1492 = arith.constant 1968 : index
    %get3A_1493 = tpu.vector_load %arg9[%get3A_1492] {strides = array<i32>} : memref<2048xi32, #tpu.memory_space<vmem>>, vector<16xi32>,
    %get3A_1494 = arith.constant 15 : i32
    %get3A_1495 = arith.index_cast %get3A_1494 : i32 to index
    %get3A_1496 = arith.constant 48 : index
    %get3A_1497 = tpu.vector_load %arg10[%get3A_1495, %get3A_1496] {strides = array<i32>} : memref<16x128xf32, #tpu.memory_space<vmem>>, vector<16xf32>,
    tpu.vector_store_idx %arg11[%shift_right_logical3A_1491, %get3A_1493], %get3A_1497 : memref<512x64xf32, #tpu.memory_space<vmem>>[vector<16xi32>, vector<16xi32>], vector<16xf32>,
    %add3A_1498 = arith.constant 1984 : i32
    %add3A_1499 = vector.broadcast %add3A_1498 : i32 to vector<16xi32>
    %add3A_1500 = arith.addi %iota3A, %add3A_1499 : vector<16xi32>
    %shift_right_logical3A_1501 = arith.constant 2 : i32
    %shift_right_logical3A_1502 = vector.broadcast %shift_right_logical3A_1501 : i32 to vector<16xi32>
    %shift_right_logical3A_1503 = arith.shrui %add3A_1500, %shift_right_logical3A_1502 : vector<16xi32>
    %get3A_1504 = arith.constant 1984 : index
    %get3A_1505 = tpu.vector_load %arg9[%get3A_1504] {strides = array<i32>} : memref<2048xi32, #tpu.memory_space<vmem>>, vector<16xi32>,
    %get3A_1506 = arith.constant 15 : i32
    %get3A_1507 = arith.index_cast %get3A_1506 : i32 to index
    %get3A_1508 = arith.constant 64 : index
    %get3A_1509 = tpu.vector_load %arg10[%get3A_1507, %get3A_1508] {strides = array<i32>} : memref<16x128xf32, #tpu.memory_space<vmem>>, vector<16xf32>,
    tpu.vector_store_idx %arg11[%shift_right_logical3A_1503, %get3A_1505], %get3A_1509 : memref<512x64xf32, #tpu.memory_space<vmem>>[vector<16xi32>, vector<16xi32>], vector<16xf32>,
    %add3A_1510 = arith.constant 2000 : i32
    %add3A_1511 = vector.broadcast %add3A_1510 : i32 to vector<16xi32>
    %add3A_1512 = arith.addi %iota3A, %add3A_1511 : vector<16xi32>
    %shift_right_logical3A_1513 = arith.constant 2 : i32
    %shift_right_logical3A_1514 = vector.broadcast %shift_right_logical3A_1513 : i32 to vector<16xi32>
    %shift_right_logical3A_1515 = arith.shrui %add3A_1512, %shift_right_logical3A_1514 : vector<16xi32>
    %get3A_1516 = arith.constant 2000 : index
    %get3A_1517 = tpu.vector_load %arg9[%get3A_1516] {strides = array<i32>} : memref<2048xi32, #tpu.memory_space<vmem>>, vector<16xi32>,
    %get3A_1518 = arith.constant 15 : i32
    %get3A_1519 = arith.index_cast %get3A_1518 : i32 to index
    %get3A_1520 = arith.constant 80 : index
    %get3A_1521 = tpu.vector_load %arg10[%get3A_1519, %get3A_1520] {strides = array<i32>} : memref<16x128xf32, #tpu.memory_space<vmem>>, vector<16xf32>,
    tpu.vector_store_idx %arg11[%shift_right_logical3A_1515, %get3A_1517], %get3A_1521 : memref<512x64xf32, #tpu.memory_space<vmem>>[vector<16xi32>, vector<16xi32>], vector<16xf32>,
    %add3A_1522 = arith.constant 2016 : i32
    %add3A_1523 = vector.broadcast %add3A_1522 : i32 to vector<16xi32>
    %add3A_1524 = arith.addi %iota3A, %add3A_1523 : vector<16xi32>
    %shift_right_logical3A_1525 = arith.constant 2 : i32
    %shift_right_logical3A_1526 = vector.broadcast %shift_right_logical3A_1525 : i32 to vector<16xi32>
    %shift_right_logical3A_1527 = arith.shrui %add3A_1524, %shift_right_logical3A_1526 : vector<16xi32>
    %get3A_1528 = arith.constant 2016 : index
    %get3A_1529 = tpu.vector_load %arg9[%get3A_1528] {strides = array<i32>} : memref<2048xi32, #tpu.memory_space<vmem>>, vector<16xi32>,
    %get3A_1530 = arith.constant 15 : i32
    %get3A_1531 = arith.index_cast %get3A_1530 : i32 to index
    %get3A_1532 = arith.constant 96 : index
    %get3A_1533 = tpu.vector_load %arg10[%get3A_1531, %get3A_1532] {strides = array<i32>} : memref<16x128xf32, #tpu.memory_space<vmem>>, vector<16xf32>,
    tpu.vector_store_idx %arg11[%shift_right_logical3A_1527, %get3A_1529], %get3A_1533 : memref<512x64xf32, #tpu.memory_space<vmem>>[vector<16xi32>, vector<16xi32>], vector<16xf32>,
    %add3A_1534 = arith.constant 2032 : i32
    %add3A_1535 = vector.broadcast %add3A_1534 : i32 to vector<16xi32>
    %add3A_1536 = arith.addi %iota3A, %add3A_1535 : vector<16xi32>
    %shift_right_logical3A_1537 = arith.constant 2 : i32
    %shift_right_logical3A_1538 = vector.broadcast %shift_right_logical3A_1537 : i32 to vector<16xi32>
    %shift_right_logical3A_1539 = arith.shrui %add3A_1536, %shift_right_logical3A_1538 : vector<16xi32>
    %get3A_1540 = arith.constant 2032 : index
    %get3A_1541 = tpu.vector_load %arg9[%get3A_1540] {strides = array<i32>} : memref<2048xi32, #tpu.memory_space<vmem>>, vector<16xi32>,
    %get3A_1542 = arith.constant 15 : i32
    %get3A_1543 = arith.index_cast %get3A_1542 : i32 to index
    %get3A_1544 = arith.constant 112 : index
    %get3A_1545 = tpu.vector_load %arg10[%get3A_1543, %get3A_1544] {strides = array<i32>} : memref<16x128xf32, #tpu.memory_space<vmem>>, vector<16xf32>,
    tpu.vector_store_idx %arg11[%shift_right_logical3A_1539, %get3A_1541], %get3A_1545 : memref<512x64xf32, #tpu.memory_space<vmem>>[vector<16xi32>, vector<16xi32>], vector<16xf32>,
    %scan3A_1546 = arith.constant 0 : i32
    %scan3A_1547 = arith.constant 0 : i32
    %scan3A_1548 = arith.constant 32 : i32
    %scan3A_1549 = arith.addi %scan3A_1547, %scan3A_1548 : i32
    %scan3A_1550 = arith.constant 1 : i32
    scf.for %scan3A_1552 = %scan3A_1547 to %scan3A_1549 step %scan3A_1550  : i32 {
      %mul3A_1553 = arith.constant 16 : i32
      %mul3A_1554 = arith.muli %scan3A_1552, %mul3A_1553 : i32
      %get3A_1555 = arith.index_cast %mul3A_1554 : i32 to index
      %get3A_1556 = tpu.vector_load %arg8[%get3A_1555] {strides = array<i32>} : memref<512xi32, #tpu.memory_space<vmem>>, vector<16xi32>,
      %mul3A_1557 = arith.constant 16 : i32
      %mul3A_1558 = arith.muli %scan3A_1552, %mul3A_1557 : i32
      %add3A_1559 = arith.constant 0 : i32
      %add3A_1560 = arith.addi %mul3A_1558, %add3A_1559 : i32
      %slice3A = vector.extract_strided_slice %get3A_1556 {offsets = [0], sizes = [1], strides = [1]} : vector<16xi32> to vector<1xi32>
      %squeeze3A = vector.extract %slice3A[0] : i32 from vector<1xi32>
      %dma_start3A = arith.constant 0 : i32
      %dma_start3A_1561 = tpu.memref_slice %arg11[%add3A_1560, %dma_start3A] : memref<512x64xf32, #tpu.memory_space<vmem>> -> memref<1x64xf32, #tpu.memory_space<vmem>>
      %dma_start3A_1562 = tpu.memref_squeeze %dma_start3A_1561 : memref<1x64xf32, #tpu.memory_space<vmem>> -> memref<64xf32, #tpu.memory_space<vmem>>
      %dma_start3A_1563 = arith.constant 0 : i32
      %dma_start3A_1564 = tpu.memref_slice %arg2[%squeeze3A, %dma_start3A_1563] : memref<1000000x64xf32, #tpu.memory_space<hbm>> -> memref<1x64xf32, #tpu.memory_space<hbm>>
      %dma_start3A_1565 = tpu.memref_squeeze %dma_start3A_1564 : memref<1x64xf32, #tpu.memory_space<hbm>> -> memref<64xf32, #tpu.memory_space<hbm>>
      %dma_start3A_1566 = arith.constant 0 : i32
      %dma_start3A_1567 = tpu.memref_slice %arg2[%squeeze3A, %dma_start3A_1566] : memref<1000000x64xf32, #tpu.memory_space<hbm>> -> memref<1x64xf32, #tpu.memory_space<hbm>>
      %dma_start3A_1568 = tpu.memref_squeeze %dma_start3A_1567 : memref<1x64xf32, #tpu.memory_space<hbm>> -> memref<64xf32, #tpu.memory_space<hbm>>
      %dma_start3A_1569 = arith.constant 0 : i32
      %dma_start3A_1570 = tpu.memref_slice %arg11[%add3A_1560, %dma_start3A_1569] : memref<512x64xf32, #tpu.memory_space<vmem>> -> memref<1x64xf32, #tpu.memory_space<vmem>>
      %dma_start3A_1571 = tpu.memref_squeeze %dma_start3A_1570 : memref<1x64xf32, #tpu.memory_space<vmem>> -> memref<64xf32, #tpu.memory_space<vmem>>
      tpu.enqueue_dma source(%dma_start3A_1571 : memref<64xf32, #tpu.memory_space<vmem>>) target(%dma_start3A_1568 : memref<64xf32, #tpu.memory_space<hbm>>) target_semaphore(%arg12 : memref<!tpu.dma_semaphore, #tpu.memory_space<semaphore_mem>>)
      %mul3A_1572 = arith.constant 16 : i32
      %mul3A_1573 = arith.muli %scan3A_1552, %mul3A_1572 : i32
      %add3A_1574 = arith.constant 1 : i32
      %add3A_1575 = arith.addi %mul3A_1573, %add3A_1574 : i32
      %slice3A_1576 = vector.extract_strided_slice %get3A_1556 {offsets = [1], sizes = [1], strides = [1]} : vector<16xi32> to vector<1xi32>
      %squeeze3A_1577 = vector.extract %slice3A_1576[0] : i32 from vector<1xi32>
      %dma_start3A_1578 = arith.constant 0 : i32
      %dma_start3A_1579 = tpu.memref_slice %arg11[%add3A_1575, %dma_start3A_1578] : memref<512x64xf32, #tpu.memory_space<vmem>> -> memref<1x64xf32, #tpu.memory_space<vmem>>
      %dma_start3A_1580 = tpu.memref_squeeze %dma_start3A_1579 : memref<1x64xf32, #tpu.memory_space<vmem>> -> memref<64xf32, #tpu.memory_space<vmem>>
      %dma_start3A_1581 = arith.constant 0 : i32
      %dma_start3A_1582 = tpu.memref_slice %arg2[%squeeze3A_1577, %dma_start3A_1581] : memref<1000000x64xf32, #tpu.memory_space<hbm>> -> memref<1x64xf32, #tpu.memory_space<hbm>>
      %dma_start3A_1583 = tpu.memref_squeeze %dma_start3A_1582 : memref<1x64xf32, #tpu.memory_space<hbm>> -> memref<64xf32, #tpu.memory_space<hbm>>
      %dma_start3A_1584 = arith.constant 0 : i32
      %dma_start3A_1585 = tpu.memref_slice %arg2[%squeeze3A_1577, %dma_start3A_1584] : memref<1000000x64xf32, #tpu.memory_space<hbm>> -> memref<1x64xf32, #tpu.memory_space<hbm>>
      %dma_start3A_1586 = tpu.memref_squeeze %dma_start3A_1585 : memref<1x64xf32, #tpu.memory_space<hbm>> -> memref<64xf32, #tpu.memory_space<hbm>>
      %dma_start3A_1587 = arith.constant 0 : i32
      %dma_start3A_1588 = tpu.memref_slice %arg11[%add3A_1575, %dma_start3A_1587] : memref<512x64xf32, #tpu.memory_space<vmem>> -> memref<1x64xf32, #tpu.memory_space<vmem>>
      %dma_start3A_1589 = tpu.memref_squeeze %dma_start3A_1588 : memref<1x64xf32, #tpu.memory_space<vmem>> -> memref<64xf32, #tpu.memory_space<vmem>>
      tpu.enqueue_dma source(%dma_start3A_1589 : memref<64xf32, #tpu.memory_space<vmem>>) target(%dma_start3A_1586 : memref<64xf32, #tpu.memory_space<hbm>>) target_semaphore(%arg12 : memref<!tpu.dma_semaphore, #tpu.memory_space<semaphore_mem>>)
      %mul3A_1590 = arith.constant 16 : i32
      %mul3A_1591 = arith.muli %scan3A_1552, %mul3A_1590 : i32
      %add3A_1592 = arith.constant 2 : i32
      %add3A_1593 = arith.addi %mul3A_1591, %add3A_1592 : i32
      %slice3A_1594 = vector.extract_strided_slice %get3A_1556 {offsets = [2], sizes = [1], strides = [1]} : vector<16xi32> to vector<1xi32>
      %squeeze3A_1595 = vector.extract %slice3A_1594[0] : i32 from vector<1xi32>
      %dma_start3A_1596 = arith.constant 0 : i32
      %dma_start3A_1597 = tpu.memref_slice %arg11[%add3A_1593, %dma_start3A_1596] : memref<512x64xf32, #tpu.memory_space<vmem>> -> memref<1x64xf32, #tpu.memory_space<vmem>>
      %dma_start3A_1598 = tpu.memref_squeeze %dma_start3A_1597 : memref<1x64xf32, #tpu.memory_space<vmem>> -> memref<64xf32, #tpu.memory_space<vmem>>
      %dma_start3A_1599 = arith.constant 0 : i32
      %dma_start3A_1600 = tpu.memref_slice %arg2[%squeeze3A_1595, %dma_start3A_1599] : memref<1000000x64xf32, #tpu.memory_space<hbm>> -> memref<1x64xf32, #tpu.memory_space<hbm>>
      %dma_start3A_1601 = tpu.memref_squeeze %dma_start3A_1600 : memref<1x64xf32, #tpu.memory_space<hbm>> -> memref<64xf32, #tpu.memory_space<hbm>>
      %dma_start3A_1602 = arith.constant 0 : i32
      %dma_start3A_1603 = tpu.memref_slice %arg2[%squeeze3A_1595, %dma_start3A_1602] : memref<1000000x64xf32, #tpu.memory_space<hbm>> -> memref<1x64xf32, #tpu.memory_space<hbm>>
      %dma_start3A_1604 = tpu.memref_squeeze %dma_start3A_1603 : memref<1x64xf32, #tpu.memory_space<hbm>> -> memref<64xf32, #tpu.memory_space<hbm>>
      %dma_start3A_1605 = arith.constant 0 : i32
      %dma_start3A_1606 = tpu.memref_slice %arg11[%add3A_1593, %dma_start3A_1605] : memref<512x64xf32, #tpu.memory_space<vmem>> -> memref<1x64xf32, #tpu.memory_space<vmem>>
      %dma_start3A_1607 = tpu.memref_squeeze %dma_start3A_1606 : memref<1x64xf32, #tpu.memory_space<vmem>> -> memref<64xf32, #tpu.memory_space<vmem>>
      tpu.enqueue_dma source(%dma_start3A_1607 : memref<64xf32, #tpu.memory_space<vmem>>) target(%dma_start3A_1604 : memref<64xf32, #tpu.memory_space<hbm>>) target_semaphore(%arg12 : memref<!tpu.dma_semaphore, #tpu.memory_space<semaphore_mem>>)
      %mul3A_1608 = arith.constant 16 : i32
      %mul3A_1609 = arith.muli %scan3A_1552, %mul3A_1608 : i32
      %add3A_1610 = arith.constant 3 : i32
      %add3A_1611 = arith.addi %mul3A_1609, %add3A_1610 : i32
      %slice3A_1612 = vector.extract_strided_slice %get3A_1556 {offsets = [3], sizes = [1], strides = [1]} : vector<16xi32> to vector<1xi32>
      %squeeze3A_1613 = vector.extract %slice3A_1612[0] : i32 from vector<1xi32>
      %dma_start3A_1614 = arith.constant 0 : i32
      %dma_start3A_1615 = tpu.memref_slice %arg11[%add3A_1611, %dma_start3A_1614] : memref<512x64xf32, #tpu.memory_space<vmem>> -> memref<1x64xf32, #tpu.memory_space<vmem>>
      %dma_start3A_1616 = tpu.memref_squeeze %dma_start3A_1615 : memref<1x64xf32, #tpu.memory_space<vmem>> -> memref<64xf32, #tpu.memory_space<vmem>>
      %dma_start3A_1617 = arith.constant 0 : i32
      %dma_start3A_1618 = tpu.memref_slice %arg2[%squeeze3A_1613, %dma_start3A_1617] : memref<1000000x64xf32, #tpu.memory_space<hbm>> -> memref<1x64xf32, #tpu.memory_space<hbm>>
      %dma_start3A_1619 = tpu.memref_squeeze %dma_start3A_1618 : memref<1x64xf32, #tpu.memory_space<hbm>> -> memref<64xf32, #tpu.memory_space<hbm>>
      %dma_start3A_1620 = arith.constant 0 : i32
      %dma_start3A_1621 = tpu.memref_slice %arg2[%squeeze3A_1613, %dma_start3A_1620] : memref<1000000x64xf32, #tpu.memory_space<hbm>> -> memref<1x64xf32, #tpu.memory_space<hbm>>
      %dma_start3A_1622 = tpu.memref_squeeze %dma_start3A_1621 : memref<1x64xf32, #tpu.memory_space<hbm>> -> memref<64xf32, #tpu.memory_space<hbm>>
      %dma_start3A_1623 = arith.constant 0 : i32
      %dma_start3A_1624 = tpu.memref_slice %arg11[%add3A_1611, %dma_start3A_1623] : memref<512x64xf32, #tpu.memory_space<vmem>> -> memref<1x64xf32, #tpu.memory_space<vmem>>
      %dma_start3A_1625 = tpu.memref_squeeze %dma_start3A_1624 : memref<1x64xf32, #tpu.memory_space<vmem>> -> memref<64xf32, #tpu.memory_space<vmem>>
      tpu.enqueue_dma source(%dma_start3A_1625 : memref<64xf32, #tpu.memory_space<vmem>>) target(%dma_start3A_1622 : memref<64xf32, #tpu.memory_space<hbm>>) target_semaphore(%arg12 : memref<!tpu.dma_semaphore, #tpu.memory_space<semaphore_mem>>)
      %mul3A_1626 = arith.constant 16 : i32
      %mul3A_1627 = arith.muli %scan3A_1552, %mul3A_1626 : i32
      %add3A_1628 = arith.constant 4 : i32
      %add3A_1629 = arith.addi %mul3A_1627, %add3A_1628 : i32
      %slice3A_1630 = vector.extract_strided_slice %get3A_1556 {offsets = [4], sizes = [1], strides = [1]} : vector<16xi32> to vector<1xi32>
      %squeeze3A_1631 = vector.extract %slice3A_1630[0] : i32 from vector<1xi32>
      %dma_start3A_1632 = arith.constant 0 : i32
      %dma_start3A_1633 = tpu.memref_slice %arg11[%add3A_1629, %dma_start3A_1632] : memref<512x64xf32, #tpu.memory_space<vmem>> -> memref<1x64xf32, #tpu.memory_space<vmem>>
      %dma_start3A_1634 = tpu.memref_squeeze %dma_start3A_1633 : memref<1x64xf32, #tpu.memory_space<vmem>> -> memref<64xf32, #tpu.memory_space<vmem>>
      %dma_start3A_1635 = arith.constant 0 : i32
      %dma_start3A_1636 = tpu.memref_slice %arg2[%squeeze3A_1631, %dma_start3A_1635] : memref<1000000x64xf32, #tpu.memory_space<hbm>> -> memref<1x64xf32, #tpu.memory_space<hbm>>
      %dma_start3A_1637 = tpu.memref_squeeze %dma_start3A_1636 : memref<1x64xf32, #tpu.memory_space<hbm>> -> memref<64xf32, #tpu.memory_space<hbm>>
      %dma_start3A_1638 = arith.constant 0 : i32
      %dma_start3A_1639 = tpu.memref_slice %arg2[%squeeze3A_1631, %dma_start3A_1638] : memref<1000000x64xf32, #tpu.memory_space<hbm>> -> memref<1x64xf32, #tpu.memory_space<hbm>>
      %dma_start3A_1640 = tpu.memref_squeeze %dma_start3A_1639 : memref<1x64xf32, #tpu.memory_space<hbm>> -> memref<64xf32, #tpu.memory_space<hbm>>
      %dma_start3A_1641 = arith.constant 0 : i32
      %dma_start3A_1642 = tpu.memref_slice %arg11[%add3A_1629, %dma_start3A_1641] : memref<512x64xf32, #tpu.memory_space<vmem>> -> memref<1x64xf32, #tpu.memory_space<vmem>>
      %dma_start3A_1643 = tpu.memref_squeeze %dma_start3A_1642 : memref<1x64xf32, #tpu.memory_space<vmem>> -> memref<64xf32, #tpu.memory_space<vmem>>
      tpu.enqueue_dma source(%dma_start3A_1643 : memref<64xf32, #tpu.memory_space<vmem>>) target(%dma_start3A_1640 : memref<64xf32, #tpu.memory_space<hbm>>) target_semaphore(%arg12 : memref<!tpu.dma_semaphore, #tpu.memory_space<semaphore_mem>>)
      %mul3A_1644 = arith.constant 16 : i32
      %mul3A_1645 = arith.muli %scan3A_1552, %mul3A_1644 : i32
      %add3A_1646 = arith.constant 5 : i32
      %add3A_1647 = arith.addi %mul3A_1645, %add3A_1646 : i32
      %slice3A_1648 = vector.extract_strided_slice %get3A_1556 {offsets = [5], sizes = [1], strides = [1]} : vector<16xi32> to vector<1xi32>
      %squeeze3A_1649 = vector.extract %slice3A_1648[0] : i32 from vector<1xi32>
      %dma_start3A_1650 = arith.constant 0 : i32
      %dma_start3A_1651 = tpu.memref_slice %arg11[%add3A_1647, %dma_start3A_1650] : memref<512x64xf32, #tpu.memory_space<vmem>> -> memref<1x64xf32, #tpu.memory_space<vmem>>
      %dma_start3A_1652 = tpu.memref_squeeze %dma_start3A_1651 : memref<1x64xf32, #tpu.memory_space<vmem>> -> memref<64xf32, #tpu.memory_space<vmem>>
      %dma_start3A_1653 = arith.constant 0 : i32
      %dma_start3A_1654 = tpu.memref_slice %arg2[%squeeze3A_1649, %dma_start3A_1653] : memref<1000000x64xf32, #tpu.memory_space<hbm>> -> memref<1x64xf32, #tpu.memory_space<hbm>>
      %dma_start3A_1655 = tpu.memref_squeeze %dma_start3A_1654 : memref<1x64xf32, #tpu.memory_space<hbm>> -> memref<64xf32, #tpu.memory_space<hbm>>
      %dma_start3A_1656 = arith.constant 0 : i32
      %dma_start3A_1657 = tpu.memref_slice %arg2[%squeeze3A_1649, %dma_start3A_1656] : memref<1000000x64xf32, #tpu.memory_space<hbm>> -> memref<1x64xf32, #tpu.memory_space<hbm>>
      %dma_start3A_1658 = tpu.memref_squeeze %dma_start3A_1657 : memref<1x64xf32, #tpu.memory_space<hbm>> -> memref<64xf32, #tpu.memory_space<hbm>>
      %dma_start3A_1659 = arith.constant 0 : i32
      %dma_start3A_1660 = tpu.memref_slice %arg11[%add3A_1647, %dma_start3A_1659] : memref<512x64xf32, #tpu.memory_space<vmem>> -> memref<1x64xf32, #tpu.memory_space<vmem>>
      %dma_start3A_1661 = tpu.memref_squeeze %dma_start3A_1660 : memref<1x64xf32, #tpu.memory_space<vmem>> -> memref<64xf32, #tpu.memory_space<vmem>>
      tpu.enqueue_dma source(%dma_start3A_1661 : memref<64xf32, #tpu.memory_space<vmem>>) target(%dma_start3A_1658 : memref<64xf32, #tpu.memory_space<hbm>>) target_semaphore(%arg12 : memref<!tpu.dma_semaphore, #tpu.memory_space<semaphore_mem>>)
      %mul3A_1662 = arith.constant 16 : i32
      %mul3A_1663 = arith.muli %scan3A_1552, %mul3A_1662 : i32
      %add3A_1664 = arith.constant 6 : i32
      %add3A_1665 = arith.addi %mul3A_1663, %add3A_1664 : i32
      %slice3A_1666 = vector.extract_strided_slice %get3A_1556 {offsets = [6], sizes = [1], strides = [1]} : vector<16xi32> to vector<1xi32>
      %squeeze3A_1667 = vector.extract %slice3A_1666[0] : i32 from vector<1xi32>
      %dma_start3A_1668 = arith.constant 0 : i32
      %dma_start3A_1669 = tpu.memref_slice %arg11[%add3A_1665, %dma_start3A_1668] : memref<512x64xf32, #tpu.memory_space<vmem>> -> memref<1x64xf32, #tpu.memory_space<vmem>>
      %dma_start3A_1670 = tpu.memref_squeeze %dma_start3A_1669 : memref<1x64xf32, #tpu.memory_space<vmem>> -> memref<64xf32, #tpu.memory_space<vmem>>
      %dma_start3A_1671 = arith.constant 0 : i32
      %dma_start3A_1672 = tpu.memref_slice %arg2[%squeeze3A_1667, %dma_start3A_1671] : memref<1000000x64xf32, #tpu.memory_space<hbm>> -> memref<1x64xf32, #tpu.memory_space<hbm>>
      %dma_start3A_1673 = tpu.memref_squeeze %dma_start3A_1672 : memref<1x64xf32, #tpu.memory_space<hbm>> -> memref<64xf32, #tpu.memory_space<hbm>>
      %dma_start3A_1674 = arith.constant 0 : i32
      %dma_start3A_1675 = tpu.memref_slice %arg2[%squeeze3A_1667, %dma_start3A_1674] : memref<1000000x64xf32, #tpu.memory_space<hbm>> -> memref<1x64xf32, #tpu.memory_space<hbm>>
      %dma_start3A_1676 = tpu.memref_squeeze %dma_start3A_1675 : memref<1x64xf32, #tpu.memory_space<hbm>> -> memref<64xf32, #tpu.memory_space<hbm>>
      %dma_start3A_1677 = arith.constant 0 : i32
      %dma_start3A_1678 = tpu.memref_slice %arg11[%add3A_1665, %dma_start3A_1677] : memref<512x64xf32, #tpu.memory_space<vmem>> -> memref<1x64xf32, #tpu.memory_space<vmem>>
      %dma_start3A_1679 = tpu.memref_squeeze %dma_start3A_1678 : memref<1x64xf32, #tpu.memory_space<vmem>> -> memref<64xf32, #tpu.memory_space<vmem>>
      tpu.enqueue_dma source(%dma_start3A_1679 : memref<64xf32, #tpu.memory_space<vmem>>) target(%dma_start3A_1676 : memref<64xf32, #tpu.memory_space<hbm>>) target_semaphore(%arg12 : memref<!tpu.dma_semaphore, #tpu.memory_space<semaphore_mem>>)
      %mul3A_1680 = arith.constant 16 : i32
      %mul3A_1681 = arith.muli %scan3A_1552, %mul3A_1680 : i32
      %add3A_1682 = arith.constant 7 : i32
      %add3A_1683 = arith.addi %mul3A_1681, %add3A_1682 : i32
      %slice3A_1684 = vector.extract_strided_slice %get3A_1556 {offsets = [7], sizes = [1], strides = [1]} : vector<16xi32> to vector<1xi32>
      %squeeze3A_1685 = vector.extract %slice3A_1684[0] : i32 from vector<1xi32>
      %dma_start3A_1686 = arith.constant 0 : i32
      %dma_start3A_1687 = tpu.memref_slice %arg11[%add3A_1683, %dma_start3A_1686] : memref<512x64xf32, #tpu.memory_space<vmem>> -> memref<1x64xf32, #tpu.memory_space<vmem>>
      %dma_start3A_1688 = tpu.memref_squeeze %dma_start3A_1687 : memref<1x64xf32, #tpu.memory_space<vmem>> -> memref<64xf32, #tpu.memory_space<vmem>>
      %dma_start3A_1689 = arith.constant 0 : i32
      %dma_start3A_1690 = tpu.memref_slice %arg2[%squeeze3A_1685, %dma_start3A_1689] : memref<1000000x64xf32, #tpu.memory_space<hbm>> -> memref<1x64xf32, #tpu.memory_space<hbm>>
      %dma_start3A_1691 = tpu.memref_squeeze %dma_start3A_1690 : memref<1x64xf32, #tpu.memory_space<hbm>> -> memref<64xf32, #tpu.memory_space<hbm>>
      %dma_start3A_1692 = arith.constant 0 : i32
      %dma_start3A_1693 = tpu.memref_slice %arg2[%squeeze3A_1685, %dma_start3A_1692] : memref<1000000x64xf32, #tpu.memory_space<hbm>> -> memref<1x64xf32, #tpu.memory_space<hbm>>
      %dma_start3A_1694 = tpu.memref_squeeze %dma_start3A_1693 : memref<1x64xf32, #tpu.memory_space<hbm>> -> memref<64xf32, #tpu.memory_space<hbm>>
      %dma_start3A_1695 = arith.constant 0 : i32
      %dma_start3A_1696 = tpu.memref_slice %arg11[%add3A_1683, %dma_start3A_1695] : memref<512x64xf32, #tpu.memory_space<vmem>> -> memref<1x64xf32, #tpu.memory_space<vmem>>
      %dma_start3A_1697 = tpu.memref_squeeze %dma_start3A_1696 : memref<1x64xf32, #tpu.memory_space<vmem>> -> memref<64xf32, #tpu.memory_space<vmem>>
      tpu.enqueue_dma source(%dma_start3A_1697 : memref<64xf32, #tpu.memory_space<vmem>>) target(%dma_start3A_1694 : memref<64xf32, #tpu.memory_space<hbm>>) target_semaphore(%arg12 : memref<!tpu.dma_semaphore, #tpu.memory_space<semaphore_mem>>)
      %mul3A_1698 = arith.constant 16 : i32
      %mul3A_1699 = arith.muli %scan3A_1552, %mul3A_1698 : i32
      %add3A_1700 = arith.constant 8 : i32
      %add3A_1701 = arith.addi %mul3A_1699, %add3A_1700 : i32
      %slice3A_1702 = vector.extract_strided_slice %get3A_1556 {offsets = [8], sizes = [1], strides = [1]} : vector<16xi32> to vector<1xi32>
      %squeeze3A_1703 = vector.extract %slice3A_1702[0] : i32 from vector<1xi32>
      %dma_start3A_1704 = arith.constant 0 : i32
      %dma_start3A_1705 = tpu.memref_slice %arg11[%add3A_1701, %dma_start3A_1704] : memref<512x64xf32, #tpu.memory_space<vmem>> -> memref<1x64xf32, #tpu.memory_space<vmem>>
      %dma_start3A_1706 = tpu.memref_squeeze %dma_start3A_1705 : memref<1x64xf32, #tpu.memory_space<vmem>> -> memref<64xf32, #tpu.memory_space<vmem>>
      %dma_start3A_1707 = arith.constant 0 : i32
      %dma_start3A_1708 = tpu.memref_slice %arg2[%squeeze3A_1703, %dma_start3A_1707] : memref<1000000x64xf32, #tpu.memory_space<hbm>> -> memref<1x64xf32, #tpu.memory_space<hbm>>
      %dma_start3A_1709 = tpu.memref_squeeze %dma_start3A_1708 : memref<1x64xf32, #tpu.memory_space<hbm>> -> memref<64xf32, #tpu.memory_space<hbm>>
      %dma_start3A_1710 = arith.constant 0 : i32
      %dma_start3A_1711 = tpu.memref_slice %arg2[%squeeze3A_1703, %dma_start3A_1710] : memref<1000000x64xf32, #tpu.memory_space<hbm>> -> memref<1x64xf32, #tpu.memory_space<hbm>>
      %dma_start3A_1712 = tpu.memref_squeeze %dma_start3A_1711 : memref<1x64xf32, #tpu.memory_space<hbm>> -> memref<64xf32, #tpu.memory_space<hbm>>
      %dma_start3A_1713 = arith.constant 0 : i32
      %dma_start3A_1714 = tpu.memref_slice %arg11[%add3A_1701, %dma_start3A_1713] : memref<512x64xf32, #tpu.memory_space<vmem>> -> memref<1x64xf32, #tpu.memory_space<vmem>>
      %dma_start3A_1715 = tpu.memref_squeeze %dma_start3A_1714 : memref<1x64xf32, #tpu.memory_space<vmem>> -> memref<64xf32, #tpu.memory_space<vmem>>
      tpu.enqueue_dma source(%dma_start3A_1715 : memref<64xf32, #tpu.memory_space<vmem>>) target(%dma_start3A_1712 : memref<64xf32, #tpu.memory_space<hbm>>) target_semaphore(%arg12 : memref<!tpu.dma_semaphore, #tpu.memory_space<semaphore_mem>>)
      %mul3A_1716 = arith.constant 16 : i32
      %mul3A_1717 = arith.muli %scan3A_1552, %mul3A_1716 : i32
      %add3A_1718 = arith.constant 9 : i32
      %add3A_1719 = arith.addi %mul3A_1717, %add3A_1718 : i32
      %slice3A_1720 = vector.extract_strided_slice %get3A_1556 {offsets = [9], sizes = [1], strides = [1]} : vector<16xi32> to vector<1xi32>
      %squeeze3A_1721 = vector.extract %slice3A_1720[0] : i32 from vector<1xi32>
      %dma_start3A_1722 = arith.constant 0 : i32
      %dma_start3A_1723 = tpu.memref_slice %arg11[%add3A_1719, %dma_start3A_1722] : memref<512x64xf32, #tpu.memory_space<vmem>> -> memref<1x64xf32, #tpu.memory_space<vmem>>
      %dma_start3A_1724 = tpu.memref_squeeze %dma_start3A_1723 : memref<1x64xf32, #tpu.memory_space<vmem>> -> memref<64xf32, #tpu.memory_space<vmem>>
      %dma_start3A_1725 = arith.constant 0 : i32
      %dma_start3A_1726 = tpu.memref_slice %arg2[%squeeze3A_1721, %dma_start3A_1725] : memref<1000000x64xf32, #tpu.memory_space<hbm>> -> memref<1x64xf32, #tpu.memory_space<hbm>>
      %dma_start3A_1727 = tpu.memref_squeeze %dma_start3A_1726 : memref<1x64xf32, #tpu.memory_space<hbm>> -> memref<64xf32, #tpu.memory_space<hbm>>
      %dma_start3A_1728 = arith.constant 0 : i32
      %dma_start3A_1729 = tpu.memref_slice %arg2[%squeeze3A_1721, %dma_start3A_1728] : memref<1000000x64xf32, #tpu.memory_space<hbm>> -> memref<1x64xf32, #tpu.memory_space<hbm>>
      %dma_start3A_1730 = tpu.memref_squeeze %dma_start3A_1729 : memref<1x64xf32, #tpu.memory_space<hbm>> -> memref<64xf32, #tpu.memory_space<hbm>>
      %dma_start3A_1731 = arith.constant 0 : i32
      %dma_start3A_1732 = tpu.memref_slice %arg11[%add3A_1719, %dma_start3A_1731] : memref<512x64xf32, #tpu.memory_space<vmem>> -> memref<1x64xf32, #tpu.memory_space<vmem>>
      %dma_start3A_1733 = tpu.memref_squeeze %dma_start3A_1732 : memref<1x64xf32, #tpu.memory_space<vmem>> -> memref<64xf32, #tpu.memory_space<vmem>>
      tpu.enqueue_dma source(%dma_start3A_1733 : memref<64xf32, #tpu.memory_space<vmem>>) target(%dma_start3A_1730 : memref<64xf32, #tpu.memory_space<hbm>>) target_semaphore(%arg12 : memref<!tpu.dma_semaphore, #tpu.memory_space<semaphore_mem>>)
      %mul3A_1734 = arith.constant 16 : i32
      %mul3A_1735 = arith.muli %scan3A_1552, %mul3A_1734 : i32
      %add3A_1736 = arith.constant 10 : i32
      %add3A_1737 = arith.addi %mul3A_1735, %add3A_1736 : i32
      %slice3A_1738 = vector.extract_strided_slice %get3A_1556 {offsets = [10], sizes = [1], strides = [1]} : vector<16xi32> to vector<1xi32>
      %squeeze3A_1739 = vector.extract %slice3A_1738[0] : i32 from vector<1xi32>
      %dma_start3A_1740 = arith.constant 0 : i32
      %dma_start3A_1741 = tpu.memref_slice %arg11[%add3A_1737, %dma_start3A_1740] : memref<512x64xf32, #tpu.memory_space<vmem>> -> memref<1x64xf32, #tpu.memory_space<vmem>>
      %dma_start3A_1742 = tpu.memref_squeeze %dma_start3A_1741 : memref<1x64xf32, #tpu.memory_space<vmem>> -> memref<64xf32, #tpu.memory_space<vmem>>
      %dma_start3A_1743 = arith.constant 0 : i32
      %dma_start3A_1744 = tpu.memref_slice %arg2[%squeeze3A_1739, %dma_start3A_1743] : memref<1000000x64xf32, #tpu.memory_space<hbm>> -> memref<1x64xf32, #tpu.memory_space<hbm>>
      %dma_start3A_1745 = tpu.memref_squeeze %dma_start3A_1744 : memref<1x64xf32, #tpu.memory_space<hbm>> -> memref<64xf32, #tpu.memory_space<hbm>>
      %dma_start3A_1746 = arith.constant 0 : i32
      %dma_start3A_1747 = tpu.memref_slice %arg2[%squeeze3A_1739, %dma_start3A_1746] : memref<1000000x64xf32, #tpu.memory_space<hbm>> -> memref<1x64xf32, #tpu.memory_space<hbm>>
      %dma_start3A_1748 = tpu.memref_squeeze %dma_start3A_1747 : memref<1x64xf32, #tpu.memory_space<hbm>> -> memref<64xf32, #tpu.memory_space<hbm>>
      %dma_start3A_1749 = arith.constant 0 : i32
      %dma_start3A_1750 = tpu.memref_slice %arg11[%add3A_1737, %dma_start3A_1749] : memref<512x64xf32, #tpu.memory_space<vmem>> -> memref<1x64xf32, #tpu.memory_space<vmem>>
      %dma_start3A_1751 = tpu.memref_squeeze %dma_start3A_1750 : memref<1x64xf32, #tpu.memory_space<vmem>> -> memref<64xf32, #tpu.memory_space<vmem>>
      tpu.enqueue_dma source(%dma_start3A_1751 : memref<64xf32, #tpu.memory_space<vmem>>) target(%dma_start3A_1748 : memref<64xf32, #tpu.memory_space<hbm>>) target_semaphore(%arg12 : memref<!tpu.dma_semaphore, #tpu.memory_space<semaphore_mem>>)
      %mul3A_1752 = arith.constant 16 : i32
      %mul3A_1753 = arith.muli %scan3A_1552, %mul3A_1752 : i32
      %add3A_1754 = arith.constant 11 : i32
      %add3A_1755 = arith.addi %mul3A_1753, %add3A_1754 : i32
      %slice3A_1756 = vector.extract_strided_slice %get3A_1556 {offsets = [11], sizes = [1], strides = [1]} : vector<16xi32> to vector<1xi32>
      %squeeze3A_1757 = vector.extract %slice3A_1756[0] : i32 from vector<1xi32>
      %dma_start3A_1758 = arith.constant 0 : i32
      %dma_start3A_1759 = tpu.memref_slice %arg11[%add3A_1755, %dma_start3A_1758] : memref<512x64xf32, #tpu.memory_space<vmem>> -> memref<1x64xf32, #tpu.memory_space<vmem>>
      %dma_start3A_1760 = tpu.memref_squeeze %dma_start3A_1759 : memref<1x64xf32, #tpu.memory_space<vmem>> -> memref<64xf32, #tpu.memory_space<vmem>>
      %dma_start3A_1761 = arith.constant 0 : i32
      %dma_start3A_1762 = tpu.memref_slice %arg2[%squeeze3A_1757, %dma_start3A_1761] : memref<1000000x64xf32, #tpu.memory_space<hbm>> -> memref<1x64xf32, #tpu.memory_space<hbm>>
      %dma_start3A_1763 = tpu.memref_squeeze %dma_start3A_1762 : memref<1x64xf32, #tpu.memory_space<hbm>> -> memref<64xf32, #tpu.memory_space<hbm>>
      %dma_start3A_1764 = arith.constant 0 : i32
      %dma_start3A_1765 = tpu.memref_slice %arg2[%squeeze3A_1757, %dma_start3A_1764] : memref<1000000x64xf32, #tpu.memory_space<hbm>> -> memref<1x64xf32, #tpu.memory_space<hbm>>
      %dma_start3A_1766 = tpu.memref_squeeze %dma_start3A_1765 : memref<1x64xf32, #tpu.memory_space<hbm>> -> memref<64xf32, #tpu.memory_space<hbm>>
      %dma_start3A_1767 = arith.constant 0 : i32
      %dma_start3A_1768 = tpu.memref_slice %arg11[%add3A_1755, %dma_start3A_1767] : memref<512x64xf32, #tpu.memory_space<vmem>> -> memref<1x64xf32, #tpu.memory_space<vmem>>
      %dma_start3A_1769 = tpu.memref_squeeze %dma_start3A_1768 : memref<1x64xf32, #tpu.memory_space<vmem>> -> memref<64xf32, #tpu.memory_space<vmem>>
      tpu.enqueue_dma source(%dma_start3A_1769 : memref<64xf32, #tpu.memory_space<vmem>>) target(%dma_start3A_1766 : memref<64xf32, #tpu.memory_space<hbm>>) target_semaphore(%arg12 : memref<!tpu.dma_semaphore, #tpu.memory_space<semaphore_mem>>)
      %mul3A_1770 = arith.constant 16 : i32
      %mul3A_1771 = arith.muli %scan3A_1552, %mul3A_1770 : i32
      %add3A_1772 = arith.constant 12 : i32
      %add3A_1773 = arith.addi %mul3A_1771, %add3A_1772 : i32
      %slice3A_1774 = vector.extract_strided_slice %get3A_1556 {offsets = [12], sizes = [1], strides = [1]} : vector<16xi32> to vector<1xi32>
      %squeeze3A_1775 = vector.extract %slice3A_1774[0] : i32 from vector<1xi32>
      %dma_start3A_1776 = arith.constant 0 : i32
      %dma_start3A_1777 = tpu.memref_slice %arg11[%add3A_1773, %dma_start3A_1776] : memref<512x64xf32, #tpu.memory_space<vmem>> -> memref<1x64xf32, #tpu.memory_space<vmem>>
      %dma_start3A_1778 = tpu.memref_squeeze %dma_start3A_1777 : memref<1x64xf32, #tpu.memory_space<vmem>> -> memref<64xf32, #tpu.memory_space<vmem>>
      %dma_start3A_1779 = arith.constant 0 : i32
      %dma_start3A_1780 = tpu.memref_slice %arg2[%squeeze3A_1775, %dma_start3A_1779] : memref<1000000x64xf32, #tpu.memory_space<hbm>> -> memref<1x64xf32, #tpu.memory_space<hbm>>
      %dma_start3A_1781 = tpu.memref_squeeze %dma_start3A_1780 : memref<1x64xf32, #tpu.memory_space<hbm>> -> memref<64xf32, #tpu.memory_space<hbm>>
      %dma_start3A_1782 = arith.constant 0 : i32
      %dma_start3A_1783 = tpu.memref_slice %arg2[%squeeze3A_1775, %dma_start3A_1782] : memref<1000000x64xf32, #tpu.memory_space<hbm>> -> memref<1x64xf32, #tpu.memory_space<hbm>>
      %dma_start3A_1784 = tpu.memref_squeeze %dma_start3A_1783 : memref<1x64xf32, #tpu.memory_space<hbm>> -> memref<64xf32, #tpu.memory_space<hbm>>
      %dma_start3A_1785 = arith.constant 0 : i32
      %dma_start3A_1786 = tpu.memref_slice %arg11[%add3A_1773, %dma_start3A_1785] : memref<512x64xf32, #tpu.memory_space<vmem>> -> memref<1x64xf32, #tpu.memory_space<vmem>>
      %dma_start3A_1787 = tpu.memref_squeeze %dma_start3A_1786 : memref<1x64xf32, #tpu.memory_space<vmem>> -> memref<64xf32, #tpu.memory_space<vmem>>
      tpu.enqueue_dma source(%dma_start3A_1787 : memref<64xf32, #tpu.memory_space<vmem>>) target(%dma_start3A_1784 : memref<64xf32, #tpu.memory_space<hbm>>) target_semaphore(%arg12 : memref<!tpu.dma_semaphore, #tpu.memory_space<semaphore_mem>>)
      %mul3A_1788 = arith.constant 16 : i32
      %mul3A_1789 = arith.muli %scan3A_1552, %mul3A_1788 : i32
      %add3A_1790 = arith.constant 13 : i32
      %add3A_1791 = arith.addi %mul3A_1789, %add3A_1790 : i32
      %slice3A_1792 = vector.extract_strided_slice %get3A_1556 {offsets = [13], sizes = [1], strides = [1]} : vector<16xi32> to vector<1xi32>
      %squeeze3A_1793 = vector.extract %slice3A_1792[0] : i32 from vector<1xi32>
      %dma_start3A_1794 = arith.constant 0 : i32
      %dma_start3A_1795 = tpu.memref_slice %arg11[%add3A_1791, %dma_start3A_1794] : memref<512x64xf32, #tpu.memory_space<vmem>> -> memref<1x64xf32, #tpu.memory_space<vmem>>
      %dma_start3A_1796 = tpu.memref_squeeze %dma_start3A_1795 : memref<1x64xf32, #tpu.memory_space<vmem>> -> memref<64xf32, #tpu.memory_space<vmem>>
      %dma_start3A_1797 = arith.constant 0 : i32
      %dma_start3A_1798 = tpu.memref_slice %arg2[%squeeze3A_1793, %dma_start3A_1797] : memref<1000000x64xf32, #tpu.memory_space<hbm>> -> memref<1x64xf32, #tpu.memory_space<hbm>>
      %dma_start3A_1799 = tpu.memref_squeeze %dma_start3A_1798 : memref<1x64xf32, #tpu.memory_space<hbm>> -> memref<64xf32, #tpu.memory_space<hbm>>
      %dma_start3A_1800 = arith.constant 0 : i32
      %dma_start3A_1801 = tpu.memref_slice %arg2[%squeeze3A_1793, %dma_start3A_1800] : memref<1000000x64xf32, #tpu.memory_space<hbm>> -> memref<1x64xf32, #tpu.memory_space<hbm>>
      %dma_start3A_1802 = tpu.memref_squeeze %dma_start3A_1801 : memref<1x64xf32, #tpu.memory_space<hbm>> -> memref<64xf32, #tpu.memory_space<hbm>>
      %dma_start3A_1803 = arith.constant 0 : i32
      %dma_start3A_1804 = tpu.memref_slice %arg11[%add3A_1791, %dma_start3A_1803] : memref<512x64xf32, #tpu.memory_space<vmem>> -> memref<1x64xf32, #tpu.memory_space<vmem>>
      %dma_start3A_1805 = tpu.memref_squeeze %dma_start3A_1804 : memref<1x64xf32, #tpu.memory_space<vmem>> -> memref<64xf32, #tpu.memory_space<vmem>>
      tpu.enqueue_dma source(%dma_start3A_1805 : memref<64xf32, #tpu.memory_space<vmem>>) target(%dma_start3A_1802 : memref<64xf32, #tpu.memory_space<hbm>>) target_semaphore(%arg12 : memref<!tpu.dma_semaphore, #tpu.memory_space<semaphore_mem>>)
      %mul3A_1806 = arith.constant 16 : i32
      %mul3A_1807 = arith.muli %scan3A_1552, %mul3A_1806 : i32
      %add3A_1808 = arith.constant 14 : i32
      %add3A_1809 = arith.addi %mul3A_1807, %add3A_1808 : i32
      %slice3A_1810 = vector.extract_strided_slice %get3A_1556 {offsets = [14], sizes = [1], strides = [1]} : vector<16xi32> to vector<1xi32>
      %squeeze3A_1811 = vector.extract %slice3A_1810[0] : i32 from vector<1xi32>
      %dma_start3A_1812 = arith.constant 0 : i32
      %dma_start3A_1813 = tpu.memref_slice %arg11[%add3A_1809, %dma_start3A_1812] : memref<512x64xf32, #tpu.memory_space<vmem>> -> memref<1x64xf32, #tpu.memory_space<vmem>>
      %dma_start3A_1814 = tpu.memref_squeeze %dma_start3A_1813 : memref<1x64xf32, #tpu.memory_space<vmem>> -> memref<64xf32, #tpu.memory_space<vmem>>
      %dma_start3A_1815 = arith.constant 0 : i32
      %dma_start3A_1816 = tpu.memref_slice %arg2[%squeeze3A_1811, %dma_start3A_1815] : memref<1000000x64xf32, #tpu.memory_space<hbm>> -> memref<1x64xf32, #tpu.memory_space<hbm>>
      %dma_start3A_1817 = tpu.memref_squeeze %dma_start3A_1816 : memref<1x64xf32, #tpu.memory_space<hbm>> -> memref<64xf32, #tpu.memory_space<hbm>>
      %dma_start3A_1818 = arith.constant 0 : i32
      %dma_start3A_1819 = tpu.memref_slice %arg2[%squeeze3A_1811, %dma_start3A_1818] : memref<1000000x64xf32, #tpu.memory_space<hbm>> -> memref<1x64xf32, #tpu.memory_space<hbm>>
      %dma_start3A_1820 = tpu.memref_squeeze %dma_start3A_1819 : memref<1x64xf32, #tpu.memory_space<hbm>> -> memref<64xf32, #tpu.memory_space<hbm>>
      %dma_start3A_1821 = arith.constant 0 : i32
      %dma_start3A_1822 = tpu.memref_slice %arg11[%add3A_1809, %dma_start3A_1821] : memref<512x64xf32, #tpu.memory_space<vmem>> -> memref<1x64xf32, #tpu.memory_space<vmem>>
      %dma_start3A_1823 = tpu.memref_squeeze %dma_start3A_1822 : memref<1x64xf32, #tpu.memory_space<vmem>> -> memref<64xf32, #tpu.memory_space<vmem>>
      tpu.enqueue_dma source(%dma_start3A_1823 : memref<64xf32, #tpu.memory_space<vmem>>) target(%dma_start3A_1820 : memref<64xf32, #tpu.memory_space<hbm>>) target_semaphore(%arg12 : memref<!tpu.dma_semaphore, #tpu.memory_space<semaphore_mem>>)
      %mul3A_1824 = arith.constant 16 : i32
      %mul3A_1825 = arith.muli %scan3A_1552, %mul3A_1824 : i32
      %add3A_1826 = arith.constant 15 : i32
      %add3A_1827 = arith.addi %mul3A_1825, %add3A_1826 : i32
      %slice3A_1828 = vector.extract_strided_slice %get3A_1556 {offsets = [15], sizes = [1], strides = [1]} : vector<16xi32> to vector<1xi32>
      %squeeze3A_1829 = vector.extract %slice3A_1828[0] : i32 from vector<1xi32>
      %dma_start3A_1830 = arith.constant 0 : i32
      %dma_start3A_1831 = tpu.memref_slice %arg11[%add3A_1827, %dma_start3A_1830] : memref<512x64xf32, #tpu.memory_space<vmem>> -> memref<1x64xf32, #tpu.memory_space<vmem>>
      %dma_start3A_1832 = tpu.memref_squeeze %dma_start3A_1831 : memref<1x64xf32, #tpu.memory_space<vmem>> -> memref<64xf32, #tpu.memory_space<vmem>>
      %dma_start3A_1833 = arith.constant 0 : i32
      %dma_start3A_1834 = tpu.memref_slice %arg2[%squeeze3A_1829, %dma_start3A_1833] : memref<1000000x64xf32, #tpu.memory_space<hbm>> -> memref<1x64xf32, #tpu.memory_space<hbm>>
      %dma_start3A_1835 = tpu.memref_squeeze %dma_start3A_1834 : memref<1x64xf32, #tpu.memory_space<hbm>> -> memref<64xf32, #tpu.memory_space<hbm>>
      %dma_start3A_1836 = arith.constant 0 : i32
      %dma_start3A_1837 = tpu.memref_slice %arg2[%squeeze3A_1829, %dma_start3A_1836] : memref<1000000x64xf32, #tpu.memory_space<hbm>> -> memref<1x64xf32, #tpu.memory_space<hbm>>
      %dma_start3A_1838 = tpu.memref_squeeze %dma_start3A_1837 : memref<1x64xf32, #tpu.memory_space<hbm>> -> memref<64xf32, #tpu.memory_space<hbm>>
      %dma_start3A_1839 = arith.constant 0 : i32
      %dma_start3A_1840 = tpu.memref_slice %arg11[%add3A_1827, %dma_start3A_1839] : memref<512x64xf32, #tpu.memory_space<vmem>> -> memref<1x64xf32, #tpu.memory_space<vmem>>
      %dma_start3A_1841 = tpu.memref_squeeze %dma_start3A_1840 : memref<1x64xf32, #tpu.memory_space<vmem>> -> memref<64xf32, #tpu.memory_space<vmem>>
      tpu.enqueue_dma source(%dma_start3A_1841 : memref<64xf32, #tpu.memory_space<vmem>>) target(%dma_start3A_1838 : memref<64xf32, #tpu.memory_space<hbm>>) target_semaphore(%arg12 : memref<!tpu.dma_semaphore, #tpu.memory_space<semaphore_mem>>)
      %dma_wait3A = arith.constant 0 : i32
      %dma_wait3A_1842 = tpu.memref_slice %arg11[%add3A_1560, %dma_wait3A] : memref<512x64xf32, #tpu.memory_space<vmem>> -> memref<1x64xf32, #tpu.memory_space<vmem>>
      %dma_wait3A_1843 = tpu.memref_squeeze %dma_wait3A_1842 : memref<1x64xf32, #tpu.memory_space<vmem>> -> memref<64xf32, #tpu.memory_space<vmem>>
      %dma_wait3A_1844 = arith.constant 0 : i32
      %dma_wait3A_1845 = tpu.memref_slice %arg2[%squeeze3A, %dma_wait3A_1844] : memref<1000000x64xf32, #tpu.memory_space<hbm>> -> memref<1x64xf32, #tpu.memory_space<hbm>>
      %dma_wait3A_1846 = tpu.memref_squeeze %dma_wait3A_1845 : memref<1x64xf32, #tpu.memory_space<hbm>> -> memref<64xf32, #tpu.memory_space<hbm>>
      %dma_wait3A_1847 = arith.constant 0 : i32
      %dma_wait3A_1848 = tpu.memref_slice %arg2[%squeeze3A, %dma_wait3A_1847] : memref<1000000x64xf32, #tpu.memory_space<hbm>> -> memref<1x64xf32, #tpu.memory_space<hbm>>
      %dma_wait3A_1849 = tpu.memref_squeeze %dma_wait3A_1848 : memref<1x64xf32, #tpu.memory_space<hbm>> -> memref<64xf32, #tpu.memory_space<hbm>>
      %dma_wait3A_1850 = arith.constant 0 : i32
      %dma_wait3A_1851 = tpu.memref_slice %arg11[%add3A_1560, %dma_wait3A_1850] : memref<512x64xf32, #tpu.memory_space<vmem>> -> memref<1x64xf32, #tpu.memory_space<vmem>>
      %dma_wait3A_1852 = tpu.memref_squeeze %dma_wait3A_1851 : memref<1x64xf32, #tpu.memory_space<vmem>> -> memref<64xf32, #tpu.memory_space<vmem>>
      tpu.wait_dma2 semaphore(%arg12 : memref<!tpu.dma_semaphore, #tpu.memory_space<semaphore_mem>>) src(%dma_wait3A_1852 : memref<64xf32, #tpu.memory_space<vmem>>) dst(%dma_wait3A_1849 : memref<64xf32, #tpu.memory_space<hbm>>)
      %dma_wait3A_1853 = arith.constant 0 : i32
      %dma_wait3A_1854 = tpu.memref_slice %arg11[%add3A_1575, %dma_wait3A_1853] : memref<512x64xf32, #tpu.memory_space<vmem>> -> memref<1x64xf32, #tpu.memory_space<vmem>>
      %dma_wait3A_1855 = tpu.memref_squeeze %dma_wait3A_1854 : memref<1x64xf32, #tpu.memory_space<vmem>> -> memref<64xf32, #tpu.memory_space<vmem>>
      %dma_wait3A_1856 = arith.constant 0 : i32
      %dma_wait3A_1857 = tpu.memref_slice %arg2[%squeeze3A_1577, %dma_wait3A_1856] : memref<1000000x64xf32, #tpu.memory_space<hbm>> -> memref<1x64xf32, #tpu.memory_space<hbm>>
      %dma_wait3A_1858 = tpu.memref_squeeze %dma_wait3A_1857 : memref<1x64xf32, #tpu.memory_space<hbm>> -> memref<64xf32, #tpu.memory_space<hbm>>
      %dma_wait3A_1859 = arith.constant 0 : i32
      %dma_wait3A_1860 = tpu.memref_slice %arg2[%squeeze3A_1577, %dma_wait3A_1859] : memref<1000000x64xf32, #tpu.memory_space<hbm>> -> memref<1x64xf32, #tpu.memory_space<hbm>>
      %dma_wait3A_1861 = tpu.memref_squeeze %dma_wait3A_1860 : memref<1x64xf32, #tpu.memory_space<hbm>> -> memref<64xf32, #tpu.memory_space<hbm>>
      %dma_wait3A_1862 = arith.constant 0 : i32
      %dma_wait3A_1863 = tpu.memref_slice %arg11[%add3A_1575, %dma_wait3A_1862] : memref<512x64xf32, #tpu.memory_space<vmem>> -> memref<1x64xf32, #tpu.memory_space<vmem>>
      %dma_wait3A_1864 = tpu.memref_squeeze %dma_wait3A_1863 : memref<1x64xf32, #tpu.memory_space<vmem>> -> memref<64xf32, #tpu.memory_space<vmem>>
      tpu.wait_dma2 semaphore(%arg12 : memref<!tpu.dma_semaphore, #tpu.memory_space<semaphore_mem>>) src(%dma_wait3A_1864 : memref<64xf32, #tpu.memory_space<vmem>>) dst(%dma_wait3A_1861 : memref<64xf32, #tpu.memory_space<hbm>>)
      %dma_wait3A_1865 = arith.constant 0 : i32
      %dma_wait3A_1866 = tpu.memref_slice %arg11[%add3A_1593, %dma_wait3A_1865] : memref<512x64xf32, #tpu.memory_space<vmem>> -> memref<1x64xf32, #tpu.memory_space<vmem>>
      %dma_wait3A_1867 = tpu.memref_squeeze %dma_wait3A_1866 : memref<1x64xf32, #tpu.memory_space<vmem>> -> memref<64xf32, #tpu.memory_space<vmem>>
      %dma_wait3A_1868 = arith.constant 0 : i32
      %dma_wait3A_1869 = tpu.memref_slice %arg2[%squeeze3A_1595, %dma_wait3A_1868] : memref<1000000x64xf32, #tpu.memory_space<hbm>> -> memref<1x64xf32, #tpu.memory_space<hbm>>
      %dma_wait3A_1870 = tpu.memref_squeeze %dma_wait3A_1869 : memref<1x64xf32, #tpu.memory_space<hbm>> -> memref<64xf32, #tpu.memory_space<hbm>>
      %dma_wait3A_1871 = arith.constant 0 : i32
      %dma_wait3A_1872 = tpu.memref_slice %arg2[%squeeze3A_1595, %dma_wait3A_1871] : memref<1000000x64xf32, #tpu.memory_space<hbm>> -> memref<1x64xf32, #tpu.memory_space<hbm>>
      %dma_wait3A_1873 = tpu.memref_squeeze %dma_wait3A_1872 : memref<1x64xf32, #tpu.memory_space<hbm>> -> memref<64xf32, #tpu.memory_space<hbm>>
      %dma_wait3A_1874 = arith.constant 0 : i32
      %dma_wait3A_1875 = tpu.memref_slice %arg11[%add3A_1593, %dma_wait3A_1874] : memref<512x64xf32, #tpu.memory_space<vmem>> -> memref<1x64xf32, #tpu.memory_space<vmem>>
      %dma_wait3A_1876 = tpu.memref_squeeze %dma_wait3A_1875 : memref<1x64xf32, #tpu.memory_space<vmem>> -> memref<64xf32, #tpu.memory_space<vmem>>
      tpu.wait_dma2 semaphore(%arg12 : memref<!tpu.dma_semaphore, #tpu.memory_space<semaphore_mem>>) src(%dma_wait3A_1876 : memref<64xf32, #tpu.memory_space<vmem>>) dst(%dma_wait3A_1873 : memref<64xf32, #tpu.memory_space<hbm>>)
      %dma_wait3A_1877 = arith.constant 0 : i32
      %dma_wait3A_1878 = tpu.memref_slice %arg11[%add3A_1611, %dma_wait3A_1877] : memref<512x64xf32, #tpu.memory_space<vmem>> -> memref<1x64xf32, #tpu.memory_space<vmem>>
      %dma_wait3A_1879 = tpu.memref_squeeze %dma_wait3A_1878 : memref<1x64xf32, #tpu.memory_space<vmem>> -> memref<64xf32, #tpu.memory_space<vmem>>
      %dma_wait3A_1880 = arith.constant 0 : i32
      %dma_wait3A_1881 = tpu.memref_slice %arg2[%squeeze3A_1613, %dma_wait3A_1880] : memref<1000000x64xf32, #tpu.memory_space<hbm>> -> memref<1x64xf32, #tpu.memory_space<hbm>>
      %dma_wait3A_1882 = tpu.memref_squeeze %dma_wait3A_1881 : memref<1x64xf32, #tpu.memory_space<hbm>> -> memref<64xf32, #tpu.memory_space<hbm>>
      %dma_wait3A_1883 = arith.constant 0 : i32
      %dma_wait3A_1884 = tpu.memref_slice %arg2[%squeeze3A_1613, %dma_wait3A_1883] : memref<1000000x64xf32, #tpu.memory_space<hbm>> -> memref<1x64xf32, #tpu.memory_space<hbm>>
      %dma_wait3A_1885 = tpu.memref_squeeze %dma_wait3A_1884 : memref<1x64xf32, #tpu.memory_space<hbm>> -> memref<64xf32, #tpu.memory_space<hbm>>
      %dma_wait3A_1886 = arith.constant 0 : i32
      %dma_wait3A_1887 = tpu.memref_slice %arg11[%add3A_1611, %dma_wait3A_1886] : memref<512x64xf32, #tpu.memory_space<vmem>> -> memref<1x64xf32, #tpu.memory_space<vmem>>
      %dma_wait3A_1888 = tpu.memref_squeeze %dma_wait3A_1887 : memref<1x64xf32, #tpu.memory_space<vmem>> -> memref<64xf32, #tpu.memory_space<vmem>>
      tpu.wait_dma2 semaphore(%arg12 : memref<!tpu.dma_semaphore, #tpu.memory_space<semaphore_mem>>) src(%dma_wait3A_1888 : memref<64xf32, #tpu.memory_space<vmem>>) dst(%dma_wait3A_1885 : memref<64xf32, #tpu.memory_space<hbm>>)
      %dma_wait3A_1889 = arith.constant 0 : i32
      %dma_wait3A_1890 = tpu.memref_slice %arg11[%add3A_1629, %dma_wait3A_1889] : memref<512x64xf32, #tpu.memory_space<vmem>> -> memref<1x64xf32, #tpu.memory_space<vmem>>
      %dma_wait3A_1891 = tpu.memref_squeeze %dma_wait3A_1890 : memref<1x64xf32, #tpu.memory_space<vmem>> -> memref<64xf32, #tpu.memory_space<vmem>>
      %dma_wait3A_1892 = arith.constant 0 : i32
      %dma_wait3A_1893 = tpu.memref_slice %arg2[%squeeze3A_1631, %dma_wait3A_1892] : memref<1000000x64xf32, #tpu.memory_space<hbm>> -> memref<1x64xf32, #tpu.memory_space<hbm>>
      %dma_wait3A_1894 = tpu.memref_squeeze %dma_wait3A_1893 : memref<1x64xf32, #tpu.memory_space<hbm>> -> memref<64xf32, #tpu.memory_space<hbm>>
      %dma_wait3A_1895 = arith.constant 0 : i32
      %dma_wait3A_1896 = tpu.memref_slice %arg2[%squeeze3A_1631, %dma_wait3A_1895] : memref<1000000x64xf32, #tpu.memory_space<hbm>> -> memref<1x64xf32, #tpu.memory_space<hbm>>
      %dma_wait3A_1897 = tpu.memref_squeeze %dma_wait3A_1896 : memref<1x64xf32, #tpu.memory_space<hbm>> -> memref<64xf32, #tpu.memory_space<hbm>>
      %dma_wait3A_1898 = arith.constant 0 : i32
      %dma_wait3A_1899 = tpu.memref_slice %arg11[%add3A_1629, %dma_wait3A_1898] : memref<512x64xf32, #tpu.memory_space<vmem>> -> memref<1x64xf32, #tpu.memory_space<vmem>>
      %dma_wait3A_1900 = tpu.memref_squeeze %dma_wait3A_1899 : memref<1x64xf32, #tpu.memory_space<vmem>> -> memref<64xf32, #tpu.memory_space<vmem>>
      tpu.wait_dma2 semaphore(%arg12 : memref<!tpu.dma_semaphore, #tpu.memory_space<semaphore_mem>>) src(%dma_wait3A_1900 : memref<64xf32, #tpu.memory_space<vmem>>) dst(%dma_wait3A_1897 : memref<64xf32, #tpu.memory_space<hbm>>)
      %dma_wait3A_1901 = arith.constant 0 : i32
      %dma_wait3A_1902 = tpu.memref_slice %arg11[%add3A_1647, %dma_wait3A_1901] : memref<512x64xf32, #tpu.memory_space<vmem>> -> memref<1x64xf32, #tpu.memory_space<vmem>>
      %dma_wait3A_1903 = tpu.memref_squeeze %dma_wait3A_1902 : memref<1x64xf32, #tpu.memory_space<vmem>> -> memref<64xf32, #tpu.memory_space<vmem>>
      %dma_wait3A_1904 = arith.constant 0 : i32
      %dma_wait3A_1905 = tpu.memref_slice %arg2[%squeeze3A_1649, %dma_wait3A_1904] : memref<1000000x64xf32, #tpu.memory_space<hbm>> -> memref<1x64xf32, #tpu.memory_space<hbm>>
      %dma_wait3A_1906 = tpu.memref_squeeze %dma_wait3A_1905 : memref<1x64xf32, #tpu.memory_space<hbm>> -> memref<64xf32, #tpu.memory_space<hbm>>
      %dma_wait3A_1907 = arith.constant 0 : i32
      %dma_wait3A_1908 = tpu.memref_slice %arg2[%squeeze3A_1649, %dma_wait3A_1907] : memref<1000000x64xf32, #tpu.memory_space<hbm>> -> memref<1x64xf32, #tpu.memory_space<hbm>>
      %dma_wait3A_1909 = tpu.memref_squeeze %dma_wait3A_1908 : memref<1x64xf32, #tpu.memory_space<hbm>> -> memref<64xf32, #tpu.memory_space<hbm>>
      %dma_wait3A_1910 = arith.constant 0 : i32
      %dma_wait3A_1911 = tpu.memref_slice %arg11[%add3A_1647, %dma_wait3A_1910] : memref<512x64xf32, #tpu.memory_space<vmem>> -> memref<1x64xf32, #tpu.memory_space<vmem>>
      %dma_wait3A_1912 = tpu.memref_squeeze %dma_wait3A_1911 : memref<1x64xf32, #tpu.memory_space<vmem>> -> memref<64xf32, #tpu.memory_space<vmem>>
      tpu.wait_dma2 semaphore(%arg12 : memref<!tpu.dma_semaphore, #tpu.memory_space<semaphore_mem>>) src(%dma_wait3A_1912 : memref<64xf32, #tpu.memory_space<vmem>>) dst(%dma_wait3A_1909 : memref<64xf32, #tpu.memory_space<hbm>>)
      %dma_wait3A_1913 = arith.constant 0 : i32
      %dma_wait3A_1914 = tpu.memref_slice %arg11[%add3A_1665, %dma_wait3A_1913] : memref<512x64xf32, #tpu.memory_space<vmem>> -> memref<1x64xf32, #tpu.memory_space<vmem>>
      %dma_wait3A_1915 = tpu.memref_squeeze %dma_wait3A_1914 : memref<1x64xf32, #tpu.memory_space<vmem>> -> memref<64xf32, #tpu.memory_space<vmem>>
      %dma_wait3A_1916 = arith.constant 0 : i32
      %dma_wait3A_1917 = tpu.memref_slice %arg2[%squeeze3A_1667, %dma_wait3A_1916] : memref<1000000x64xf32, #tpu.memory_space<hbm>> -> memref<1x64xf32, #tpu.memory_space<hbm>>
      %dma_wait3A_1918 = tpu.memref_squeeze %dma_wait3A_1917 : memref<1x64xf32, #tpu.memory_space<hbm>> -> memref<64xf32, #tpu.memory_space<hbm>>
      %dma_wait3A_1919 = arith.constant 0 : i32
      %dma_wait3A_1920 = tpu.memref_slice %arg2[%squeeze3A_1667, %dma_wait3A_1919] : memref<1000000x64xf32, #tpu.memory_space<hbm>> -> memref<1x64xf32, #tpu.memory_space<hbm>>
      %dma_wait3A_1921 = tpu.memref_squeeze %dma_wait3A_1920 : memref<1x64xf32, #tpu.memory_space<hbm>> -> memref<64xf32, #tpu.memory_space<hbm>>
      %dma_wait3A_1922 = arith.constant 0 : i32
      %dma_wait3A_1923 = tpu.memref_slice %arg11[%add3A_1665, %dma_wait3A_1922] : memref<512x64xf32, #tpu.memory_space<vmem>> -> memref<1x64xf32, #tpu.memory_space<vmem>>
      %dma_wait3A_1924 = tpu.memref_squeeze %dma_wait3A_1923 : memref<1x64xf32, #tpu.memory_space<vmem>> -> memref<64xf32, #tpu.memory_space<vmem>>
      tpu.wait_dma2 semaphore(%arg12 : memref<!tpu.dma_semaphore, #tpu.memory_space<semaphore_mem>>) src(%dma_wait3A_1924 : memref<64xf32, #tpu.memory_space<vmem>>) dst(%dma_wait3A_1921 : memref<64xf32, #tpu.memory_space<hbm>>)
      %dma_wait3A_1925 = arith.constant 0 : i32
      %dma_wait3A_1926 = tpu.memref_slice %arg11[%add3A_1683, %dma_wait3A_1925] : memref<512x64xf32, #tpu.memory_space<vmem>> -> memref<1x64xf32, #tpu.memory_space<vmem>>
      %dma_wait3A_1927 = tpu.memref_squeeze %dma_wait3A_1926 : memref<1x64xf32, #tpu.memory_space<vmem>> -> memref<64xf32, #tpu.memory_space<vmem>>
      %dma_wait3A_1928 = arith.constant 0 : i32
      %dma_wait3A_1929 = tpu.memref_slice %arg2[%squeeze3A_1685, %dma_wait3A_1928] : memref<1000000x64xf32, #tpu.memory_space<hbm>> -> memref<1x64xf32, #tpu.memory_space<hbm>>
      %dma_wait3A_1930 = tpu.memref_squeeze %dma_wait3A_1929 : memref<1x64xf32, #tpu.memory_space<hbm>> -> memref<64xf32, #tpu.memory_space<hbm>>
      %dma_wait3A_1931 = arith.constant 0 : i32
      %dma_wait3A_1932 = tpu.memref_slice %arg2[%squeeze3A_1685, %dma_wait3A_1931] : memref<1000000x64xf32, #tpu.memory_space<hbm>> -> memref<1x64xf32, #tpu.memory_space<hbm>>
      %dma_wait3A_1933 = tpu.memref_squeeze %dma_wait3A_1932 : memref<1x64xf32, #tpu.memory_space<hbm>> -> memref<64xf32, #tpu.memory_space<hbm>>
      %dma_wait3A_1934 = arith.constant 0 : i32
      %dma_wait3A_1935 = tpu.memref_slice %arg11[%add3A_1683, %dma_wait3A_1934] : memref<512x64xf32, #tpu.memory_space<vmem>> -> memref<1x64xf32, #tpu.memory_space<vmem>>
      %dma_wait3A_1936 = tpu.memref_squeeze %dma_wait3A_1935 : memref<1x64xf32, #tpu.memory_space<vmem>> -> memref<64xf32, #tpu.memory_space<vmem>>
      tpu.wait_dma2 semaphore(%arg12 : memref<!tpu.dma_semaphore, #tpu.memory_space<semaphore_mem>>) src(%dma_wait3A_1936 : memref<64xf32, #tpu.memory_space<vmem>>) dst(%dma_wait3A_1933 : memref<64xf32, #tpu.memory_space<hbm>>)
      %dma_wait3A_1937 = arith.constant 0 : i32
      %dma_wait3A_1938 = tpu.memref_slice %arg11[%add3A_1701, %dma_wait3A_1937] : memref<512x64xf32, #tpu.memory_space<vmem>> -> memref<1x64xf32, #tpu.memory_space<vmem>>
      %dma_wait3A_1939 = tpu.memref_squeeze %dma_wait3A_1938 : memref<1x64xf32, #tpu.memory_space<vmem>> -> memref<64xf32, #tpu.memory_space<vmem>>
      %dma_wait3A_1940 = arith.constant 0 : i32
      %dma_wait3A_1941 = tpu.memref_slice %arg2[%squeeze3A_1703, %dma_wait3A_1940] : memref<1000000x64xf32, #tpu.memory_space<hbm>> -> memref<1x64xf32, #tpu.memory_space<hbm>>
      %dma_wait3A_1942 = tpu.memref_squeeze %dma_wait3A_1941 : memref<1x64xf32, #tpu.memory_space<hbm>> -> memref<64xf32, #tpu.memory_space<hbm>>
      %dma_wait3A_1943 = arith.constant 0 : i32
      %dma_wait3A_1944 = tpu.memref_slice %arg2[%squeeze3A_1703, %dma_wait3A_1943] : memref<1000000x64xf32, #tpu.memory_space<hbm>> -> memref<1x64xf32, #tpu.memory_space<hbm>>
      %dma_wait3A_1945 = tpu.memref_squeeze %dma_wait3A_1944 : memref<1x64xf32, #tpu.memory_space<hbm>> -> memref<64xf32, #tpu.memory_space<hbm>>
      %dma_wait3A_1946 = arith.constant 0 : i32
      %dma_wait3A_1947 = tpu.memref_slice %arg11[%add3A_1701, %dma_wait3A_1946] : memref<512x64xf32, #tpu.memory_space<vmem>> -> memref<1x64xf32, #tpu.memory_space<vmem>>
      %dma_wait3A_1948 = tpu.memref_squeeze %dma_wait3A_1947 : memref<1x64xf32, #tpu.memory_space<vmem>> -> memref<64xf32, #tpu.memory_space<vmem>>
      tpu.wait_dma2 semaphore(%arg12 : memref<!tpu.dma_semaphore, #tpu.memory_space<semaphore_mem>>) src(%dma_wait3A_1948 : memref<64xf32, #tpu.memory_space<vmem>>) dst(%dma_wait3A_1945 : memref<64xf32, #tpu.memory_space<hbm>>)
      %dma_wait3A_1949 = arith.constant 0 : i32
      %dma_wait3A_1950 = tpu.memref_slice %arg11[%add3A_1719, %dma_wait3A_1949] : memref<512x64xf32, #tpu.memory_space<vmem>> -> memref<1x64xf32, #tpu.memory_space<vmem>>
      %dma_wait3A_1951 = tpu.memref_squeeze %dma_wait3A_1950 : memref<1x64xf32, #tpu.memory_space<vmem>> -> memref<64xf32, #tpu.memory_space<vmem>>
      %dma_wait3A_1952 = arith.constant 0 : i32
      %dma_wait3A_1953 = tpu.memref_slice %arg2[%squeeze3A_1721, %dma_wait3A_1952] : memref<1000000x64xf32, #tpu.memory_space<hbm>> -> memref<1x64xf32, #tpu.memory_space<hbm>>
      %dma_wait3A_1954 = tpu.memref_squeeze %dma_wait3A_1953 : memref<1x64xf32, #tpu.memory_space<hbm>> -> memref<64xf32, #tpu.memory_space<hbm>>
      %dma_wait3A_1955 = arith.constant 0 : i32
      %dma_wait3A_1956 = tpu.memref_slice %arg2[%squeeze3A_1721, %dma_wait3A_1955] : memref<1000000x64xf32, #tpu.memory_space<hbm>> -> memref<1x64xf32, #tpu.memory_space<hbm>>
      %dma_wait3A_1957 = tpu.memref_squeeze %dma_wait3A_1956 : memref<1x64xf32, #tpu.memory_space<hbm>> -> memref<64xf32, #tpu.memory_space<hbm>>
      %dma_wait3A_1958 = arith.constant 0 : i32
      %dma_wait3A_1959 = tpu.memref_slice %arg11[%add3A_1719, %dma_wait3A_1958] : memref<512x64xf32, #tpu.memory_space<vmem>> -> memref<1x64xf32, #tpu.memory_space<vmem>>
      %dma_wait3A_1960 = tpu.memref_squeeze %dma_wait3A_1959 : memref<1x64xf32, #tpu.memory_space<vmem>> -> memref<64xf32, #tpu.memory_space<vmem>>
      tpu.wait_dma2 semaphore(%arg12 : memref<!tpu.dma_semaphore, #tpu.memory_space<semaphore_mem>>) src(%dma_wait3A_1960 : memref<64xf32, #tpu.memory_space<vmem>>) dst(%dma_wait3A_1957 : memref<64xf32, #tpu.memory_space<hbm>>)
      %dma_wait3A_1961 = arith.constant 0 : i32
      %dma_wait3A_1962 = tpu.memref_slice %arg11[%add3A_1737, %dma_wait3A_1961] : memref<512x64xf32, #tpu.memory_space<vmem>> -> memref<1x64xf32, #tpu.memory_space<vmem>>
      %dma_wait3A_1963 = tpu.memref_squeeze %dma_wait3A_1962 : memref<1x64xf32, #tpu.memory_space<vmem>> -> memref<64xf32, #tpu.memory_space<vmem>>
      %dma_wait3A_1964 = arith.constant 0 : i32
      %dma_wait3A_1965 = tpu.memref_slice %arg2[%squeeze3A_1739, %dma_wait3A_1964] : memref<1000000x64xf32, #tpu.memory_space<hbm>> -> memref<1x64xf32, #tpu.memory_space<hbm>>
      %dma_wait3A_1966 = tpu.memref_squeeze %dma_wait3A_1965 : memref<1x64xf32, #tpu.memory_space<hbm>> -> memref<64xf32, #tpu.memory_space<hbm>>
      %dma_wait3A_1967 = arith.constant 0 : i32
      %dma_wait3A_1968 = tpu.memref_slice %arg2[%squeeze3A_1739, %dma_wait3A_1967] : memref<1000000x64xf32, #tpu.memory_space<hbm>> -> memref<1x64xf32, #tpu.memory_space<hbm>>
      %dma_wait3A_1969 = tpu.memref_squeeze %dma_wait3A_1968 : memref<1x64xf32, #tpu.memory_space<hbm>> -> memref<64xf32, #tpu.memory_space<hbm>>
      %dma_wait3A_1970 = arith.constant 0 : i32
      %dma_wait3A_1971 = tpu.memref_slice %arg11[%add3A_1737, %dma_wait3A_1970] : memref<512x64xf32, #tpu.memory_space<vmem>> -> memref<1x64xf32, #tpu.memory_space<vmem>>
      %dma_wait3A_1972 = tpu.memref_squeeze %dma_wait3A_1971 : memref<1x64xf32, #tpu.memory_space<vmem>> -> memref<64xf32, #tpu.memory_space<vmem>>
      tpu.wait_dma2 semaphore(%arg12 : memref<!tpu.dma_semaphore, #tpu.memory_space<semaphore_mem>>) src(%dma_wait3A_1972 : memref<64xf32, #tpu.memory_space<vmem>>) dst(%dma_wait3A_1969 : memref<64xf32, #tpu.memory_space<hbm>>)
      %dma_wait3A_1973 = arith.constant 0 : i32
      %dma_wait3A_1974 = tpu.memref_slice %arg11[%add3A_1755, %dma_wait3A_1973] : memref<512x64xf32, #tpu.memory_space<vmem>> -> memref<1x64xf32, #tpu.memory_space<vmem>>
      %dma_wait3A_1975 = tpu.memref_squeeze %dma_wait3A_1974 : memref<1x64xf32, #tpu.memory_space<vmem>> -> memref<64xf32, #tpu.memory_space<vmem>>
      %dma_wait3A_1976 = arith.constant 0 : i32
      %dma_wait3A_1977 = tpu.memref_slice %arg2[%squeeze3A_1757, %dma_wait3A_1976] : memref<1000000x64xf32, #tpu.memory_space<hbm>> -> memref<1x64xf32, #tpu.memory_space<hbm>>
      %dma_wait3A_1978 = tpu.memref_squeeze %dma_wait3A_1977 : memref<1x64xf32, #tpu.memory_space<hbm>> -> memref<64xf32, #tpu.memory_space<hbm>>
      %dma_wait3A_1979 = arith.constant 0 : i32
      %dma_wait3A_1980 = tpu.memref_slice %arg2[%squeeze3A_1757, %dma_wait3A_1979] : memref<1000000x64xf32, #tpu.memory_space<hbm>> -> memref<1x64xf32, #tpu.memory_space<hbm>>
      %dma_wait3A_1981 = tpu.memref_squeeze %dma_wait3A_1980 : memref<1x64xf32, #tpu.memory_space<hbm>> -> memref<64xf32, #tpu.memory_space<hbm>>
      %dma_wait3A_1982 = arith.constant 0 : i32
      %dma_wait3A_1983 = tpu.memref_slice %arg11[%add3A_1755, %dma_wait3A_1982] : memref<512x64xf32, #tpu.memory_space<vmem>> -> memref<1x64xf32, #tpu.memory_space<vmem>>
      %dma_wait3A_1984 = tpu.memref_squeeze %dma_wait3A_1983 : memref<1x64xf32, #tpu.memory_space<vmem>> -> memref<64xf32, #tpu.memory_space<vmem>>
      tpu.wait_dma2 semaphore(%arg12 : memref<!tpu.dma_semaphore, #tpu.memory_space<semaphore_mem>>) src(%dma_wait3A_1984 : memref<64xf32, #tpu.memory_space<vmem>>) dst(%dma_wait3A_1981 : memref<64xf32, #tpu.memory_space<hbm>>)
      %dma_wait3A_1985 = arith.constant 0 : i32
      %dma_wait3A_1986 = tpu.memref_slice %arg11[%add3A_1773, %dma_wait3A_1985] : memref<512x64xf32, #tpu.memory_space<vmem>> -> memref<1x64xf32, #tpu.memory_space<vmem>>
      %dma_wait3A_1987 = tpu.memref_squeeze %dma_wait3A_1986 : memref<1x64xf32, #tpu.memory_space<vmem>> -> memref<64xf32, #tpu.memory_space<vmem>>
      %dma_wait3A_1988 = arith.constant 0 : i32
      %dma_wait3A_1989 = tpu.memref_slice %arg2[%squeeze3A_1775, %dma_wait3A_1988] : memref<1000000x64xf32, #tpu.memory_space<hbm>> -> memref<1x64xf32, #tpu.memory_space<hbm>>
      %dma_wait3A_1990 = tpu.memref_squeeze %dma_wait3A_1989 : memref<1x64xf32, #tpu.memory_space<hbm>> -> memref<64xf32, #tpu.memory_space<hbm>>
      %dma_wait3A_1991 = arith.constant 0 : i32
      %dma_wait3A_1992 = tpu.memref_slice %arg2[%squeeze3A_1775, %dma_wait3A_1991] : memref<1000000x64xf32, #tpu.memory_space<hbm>> -> memref<1x64xf32, #tpu.memory_space<hbm>>
      %dma_wait3A_1993 = tpu.memref_squeeze %dma_wait3A_1992 : memref<1x64xf32, #tpu.memory_space<hbm>> -> memref<64xf32, #tpu.memory_space<hbm>>
      %dma_wait3A_1994 = arith.constant 0 : i32
      %dma_wait3A_1995 = tpu.memref_slice %arg11[%add3A_1773, %dma_wait3A_1994] : memref<512x64xf32, #tpu.memory_space<vmem>> -> memref<1x64xf32, #tpu.memory_space<vmem>>
      %dma_wait3A_1996 = tpu.memref_squeeze %dma_wait3A_1995 : memref<1x64xf32, #tpu.memory_space<vmem>> -> memref<64xf32, #tpu.memory_space<vmem>>
      tpu.wait_dma2 semaphore(%arg12 : memref<!tpu.dma_semaphore, #tpu.memory_space<semaphore_mem>>) src(%dma_wait3A_1996 : memref<64xf32, #tpu.memory_space<vmem>>) dst(%dma_wait3A_1993 : memref<64xf32, #tpu.memory_space<hbm>>)
      %dma_wait3A_1997 = arith.constant 0 : i32
      %dma_wait3A_1998 = tpu.memref_slice %arg11[%add3A_1791, %dma_wait3A_1997] : memref<512x64xf32, #tpu.memory_space<vmem>> -> memref<1x64xf32, #tpu.memory_space<vmem>>
      %dma_wait3A_1999 = tpu.memref_squeeze %dma_wait3A_1998 : memref<1x64xf32, #tpu.memory_space<vmem>> -> memref<64xf32, #tpu.memory_space<vmem>>
      %dma_wait3A_2000 = arith.constant 0 : i32
      %dma_wait3A_2001 = tpu.memref_slice %arg2[%squeeze3A_1793, %dma_wait3A_2000] : memref<1000000x64xf32, #tpu.memory_space<hbm>> -> memref<1x64xf32, #tpu.memory_space<hbm>>
      %dma_wait3A_2002 = tpu.memref_squeeze %dma_wait3A_2001 : memref<1x64xf32, #tpu.memory_space<hbm>> -> memref<64xf32, #tpu.memory_space<hbm>>
      %dma_wait3A_2003 = arith.constant 0 : i32
      %dma_wait3A_2004 = tpu.memref_slice %arg2[%squeeze3A_1793, %dma_wait3A_2003] : memref<1000000x64xf32, #tpu.memory_space<hbm>> -> memref<1x64xf32, #tpu.memory_space<hbm>>
      %dma_wait3A_2005 = tpu.memref_squeeze %dma_wait3A_2004 : memref<1x64xf32, #tpu.memory_space<hbm>> -> memref<64xf32, #tpu.memory_space<hbm>>
      %dma_wait3A_2006 = arith.constant 0 : i32
      %dma_wait3A_2007 = tpu.memref_slice %arg11[%add3A_1791, %dma_wait3A_2006] : memref<512x64xf32, #tpu.memory_space<vmem>> -> memref<1x64xf32, #tpu.memory_space<vmem>>
      %dma_wait3A_2008 = tpu.memref_squeeze %dma_wait3A_2007 : memref<1x64xf32, #tpu.memory_space<vmem>> -> memref<64xf32, #tpu.memory_space<vmem>>
      tpu.wait_dma2 semaphore(%arg12 : memref<!tpu.dma_semaphore, #tpu.memory_space<semaphore_mem>>) src(%dma_wait3A_2008 : memref<64xf32, #tpu.memory_space<vmem>>) dst(%dma_wait3A_2005 : memref<64xf32, #tpu.memory_space<hbm>>)
      %dma_wait3A_2009 = arith.constant 0 : i32
      %dma_wait3A_2010 = tpu.memref_slice %arg11[%add3A_1809, %dma_wait3A_2009] : memref<512x64xf32, #tpu.memory_space<vmem>> -> memref<1x64xf32, #tpu.memory_space<vmem>>
      %dma_wait3A_2011 = tpu.memref_squeeze %dma_wait3A_2010 : memref<1x64xf32, #tpu.memory_space<vmem>> -> memref<64xf32, #tpu.memory_space<vmem>>
      %dma_wait3A_2012 = arith.constant 0 : i32
      %dma_wait3A_2013 = tpu.memref_slice %arg2[%squeeze3A_1811, %dma_wait3A_2012] : memref<1000000x64xf32, #tpu.memory_space<hbm>> -> memref<1x64xf32, #tpu.memory_space<hbm>>
      %dma_wait3A_2014 = tpu.memref_squeeze %dma_wait3A_2013 : memref<1x64xf32, #tpu.memory_space<hbm>> -> memref<64xf32, #tpu.memory_space<hbm>>
      %dma_wait3A_2015 = arith.constant 0 : i32
      %dma_wait3A_2016 = tpu.memref_slice %arg2[%squeeze3A_1811, %dma_wait3A_2015] : memref<1000000x64xf32, #tpu.memory_space<hbm>> -> memref<1x64xf32, #tpu.memory_space<hbm>>
      %dma_wait3A_2017 = tpu.memref_squeeze %dma_wait3A_2016 : memref<1x64xf32, #tpu.memory_space<hbm>> -> memref<64xf32, #tpu.memory_space<hbm>>
      %dma_wait3A_2018 = arith.constant 0 : i32
      %dma_wait3A_2019 = tpu.memref_slice %arg11[%add3A_1809, %dma_wait3A_2018] : memref<512x64xf32, #tpu.memory_space<vmem>> -> memref<1x64xf32, #tpu.memory_space<vmem>>
      %dma_wait3A_2020 = tpu.memref_squeeze %dma_wait3A_2019 : memref<1x64xf32, #tpu.memory_space<vmem>> -> memref<64xf32, #tpu.memory_space<vmem>>
      tpu.wait_dma2 semaphore(%arg12 : memref<!tpu.dma_semaphore, #tpu.memory_space<semaphore_mem>>) src(%dma_wait3A_2020 : memref<64xf32, #tpu.memory_space<vmem>>) dst(%dma_wait3A_2017 : memref<64xf32, #tpu.memory_space<hbm>>)
      %dma_wait3A_2021 = arith.constant 0 : i32
      %dma_wait3A_2022 = tpu.memref_slice %arg11[%add3A_1827, %dma_wait3A_2021] : memref<512x64xf32, #tpu.memory_space<vmem>> -> memref<1x64xf32, #tpu.memory_space<vmem>>
      %dma_wait3A_2023 = tpu.memref_squeeze %dma_wait3A_2022 : memref<1x64xf32, #tpu.memory_space<vmem>> -> memref<64xf32, #tpu.memory_space<vmem>>
      %dma_wait3A_2024 = arith.constant 0 : i32
      %dma_wait3A_2025 = tpu.memref_slice %arg2[%squeeze3A_1829, %dma_wait3A_2024] : memref<1000000x64xf32, #tpu.memory_space<hbm>> -> memref<1x64xf32, #tpu.memory_space<hbm>>
      %dma_wait3A_2026 = tpu.memref_squeeze %dma_wait3A_2025 : memref<1x64xf32, #tpu.memory_space<hbm>> -> memref<64xf32, #tpu.memory_space<hbm>>
      %dma_wait3A_2027 = arith.constant 0 : i32
      %dma_wait3A_2028 = tpu.memref_slice %arg2[%squeeze3A_1829, %dma_wait3A_2027] : memref<1000000x64xf32, #tpu.memory_space<hbm>> -> memref<1x64xf32, #tpu.memory_space<hbm>>
      %dma_wait3A_2029 = tpu.memref_squeeze %dma_wait3A_2028 : memref<1x64xf32, #tpu.memory_space<hbm>> -> memref<64xf32, #tpu.memory_space<hbm>>
      %dma_wait3A_2030 = arith.constant 0 : i32
      %dma_wait3A_2031 = tpu.memref_slice %arg11[%add3A_1827, %dma_wait3A_2030] : memref<512x64xf32, #tpu.memory_space<vmem>> -> memref<1x64xf32, #tpu.memory_space<vmem>>
      %dma_wait3A_2032 = tpu.memref_squeeze %dma_wait3A_2031 : memref<1x64xf32, #tpu.memory_space<vmem>> -> memref<64xf32, #tpu.memory_space<vmem>>
      tpu.wait_dma2 semaphore(%arg12 : memref<!tpu.dma_semaphore, #tpu.memory_space<semaphore_mem>>) src(%dma_wait3A_2032 : memref<64xf32, #tpu.memory_space<vmem>>) dst(%dma_wait3A_2029 : memref<64xf32, #tpu.memory_space<hbm>>)
    }
    %scan3A_1551 = arith.constant 32 : i32
    return
  }
}

module attributes {stable_mosaic.version = 14 : i64} {
  func.func @_copy_body(%arg0: i32, %arg1: memref<8000x64xf32, #tpu.memory_space<vmem>>, %arg2: memref<8000x64xf32, #tpu.memory_space<vmem>>) attributes {dimension_semantics = [#tpu.dimension_semantics<arbitrary>], iteration_bounds = array<i64: 125>, scalar_prefetch = 0 : i64, scratch_operands = 0 : i64, tpu.core_type = #tpu.core_type<tc>, window_params = [{transform_indices = @transform_0, window_bounds = array<i64: 8000, 64>}, {transform_indices = @transform_1, window_bounds = array<i64: 8000, 64>}]} {
    %get3A = arith.constant 0 : index
    %get3A_0 = arith.constant 0 : index
    %get3A_1 = vector.load %arg1[%get3A, %get3A_0] : memref<8000x64xf32, #tpu.memory_space<vmem>>, vector<8000x64xf32>
    %swap3A = arith.constant 0 : index
    %swap3A_2 = arith.constant 0 : index
    %swap3A_3 = vector.load %arg2[%swap3A, %swap3A_2] : memref<8000x64xf32, #tpu.memory_space<vmem>>, vector<8000x64xf32>
    tpu.vector_store %arg2[%swap3A, %swap3A_2], %get3A_1 {strides = array<i32>} : memref<8000x64xf32, #tpu.memory_space<vmem>>, vector<8000x64xf32>,
    return
  }
  func.func @transform_0(%arg0: i32) -> (i32, i32) {
    %c0_i32 = arith.constant 0 : i32
    %c0_i32_0 = arith.constant 0 : i32
    return %arg0, %c0_i32 : i32, i32
  }
  func.func @transform_1(%arg0: i32) -> (i32, i32) {
    %c0_i32 = arith.constant 0 : i32
    %c0_i32_0 = arith.constant 0 : i32
    return %arg0, %c0_i32 : i32, i32
  }
}

</mosaic_0001>

<sc_bundles>
// kernel: kernel.4.cloned.1.call-start
scs
__scs_entry_jumppad:
0x0: {  	(pc) =	sbr.rel $0x88, $3  }
0x1: {  	(tag) =	ssettag $0x0;
	lr =	simm.s32 $0x1  }
0x2: {  	[smem:$0x3F9D] =	sst lr;
	_ =	strace $0xD0000000  }
0x3: {  	_ = 	snop  }
0x4: {  	_ = 	snop  }
0x5: {  	_ = 	snop  }
0x6: {  	_ = 	snop  }
0x7: {  	_ = 	snop  }
__scs_overlays_trampoline_lowered:
0x8: {  	[smem:$0x3FAC] =	sst s0  }
0x9: {  	[smem:$0x3FAD] =	sst s1  }
0xa: {  	[smem:$0x3FAE] =	sst s2  }
0xb: {  	[smem:$0x3FAF] =	sst s3  }
0xc: {  	[smem:$0x3FB0] =	sst s4  }
0xd: {  	[smem:$0x3FB1] =	sst s5  }
0xe: {  	[smem:$0x3FB2] =	sst s6  }
0xf: {  	[smem:$0x3FB3] =	sst s7  }
0x10: {  	[smem:$0x3FB4] =	sst s8  }
0x11: {  	[smem:$0x3FB5] =	sst s9;
	s0 =	simm.s32 @!p0 $0x0  }
0x12: {  	s1 =	sld [smem:$0x3F9B];
	s0 =	simm.s32 @p0 $0x1  }
0x13: {  	[smem:$0x3FB6] =	sst s0;
	s0 =	simm.s32 @!p1 $0x0  }
0x14: {  	s2 =	sld [smem:$0x3F9A];
	s0 =	simm.s32 @p1 $0x1  }
0x15: {  	[smem:$0x3FB7] =	sst s0;
	s0 =	simm.s32 @!p2 $0x0  }
0x16: {  	s3 =	sld [smem:$0x3FDB];
	s0 =	simm.s32 @p2 $0x1  }
0x17: {  	s4 =	simm.s32 $0x1BF5;
	[smem:$0x3FB9] =	sst s0  }
0x18: {  	s0 =	sld [smem:$0x3F9C];
	_ =	swait.ge [sflag:s4], $0x0  }
0x19: {  	s7 =	sld [smem:$0x3F9D]  }
0x1a: {  	s8 =	sadd.s32 $0xFFFFE003, lr  }
0x1b: {  	s9 =	sadd.s32 $0xFFFFFEF7, lr;
	s5 =	simm.s32 $0xFFFFFFFF;
	p2 =	slt.u32 s8, $0xFFFFF086  }
0x1c: {  	p1 =	slt.u32 s9, $0xF7A;
	s5 =	simm.s32 @!p2 $0x0  }
0x1d: {  	s5 =	simm.s32 @p1 $0x1;
	p0 =	seq.s32 s7, s2  }
0x1e: {  	s7 =	smul.u32 @!p0 $0xF7A, s2;
	p2 =	seq.s32 @!p0 s5, $0x0  }
0x1f: {  	s9 =	smul.u32 $0xF7A, s1;
	s8 =	simm.s32 @!p0 $0x1BF5;
	p2 =	por !p2, p0  }
0x20: {  	[sflag:s8] =	ssyncset.s32 @!p0 $0xFFFFF086;
	s6 =	sadd.s32 @!p0 s3, s7;
	s7 =	simm.s32 @!p0 $0x108  }
0x21: {  	s3 =	sadd.s32 s3, s9;
	s6 =	sadd.s32 @!p0 $0x88, s6;
	s7 =	simm.s32 @p2 $0x1082  }
0x22: {  	[simem:s7], [sflag:s8] =	dma.local @!p0 [hbm:s6], $0xF7A  }
0x23: {  	s9 =	sor.u32 $0xD0000000, s2;
	s6 =	simm.s32 $0x108;
	_ =	swait.ge @!p0 [sflag:s8], $0x0  }
0x24: {  	s3 =	sadd.s32 $0x88, s3;
	s6 =	simm.s32 @!p1 $0x1082;
	[sflag:s4] =	ssyncset.s32 $0xFFFFF086  }
0x25: {  	[simem:s6], [sflag:s4] =	dma.local [hbm:s3], $0xF7A  }
0x26: {  	[smem:$0x3F9D] =	sst s1;
	(tag) =	ssettag s2;
	_ =	strace s9  }
0x27: {  	s1 =	sld [smem:$0x3FAD]  }
0x28: {  	s2 =	sld [smem:$0x3FAE]  }
0x29: {  	s4 =	sld [smem:$0x3FB0]  }
0x2a: {  	p0 =	seq.s32 s5, $0x0;
	s5 =	sld [smem:$0x3FB1]  }
0x2b: {  	s6 =	sld [smem:$0x3FB2]  }
0x2c: {  	s7 =	sld [smem:$0x3FB3]  }
0x2d: {  	s3 =	simm.s32 $0x108;
	s8 =	sld [smem:$0x3FB4]  }
0x2e: {  	s3 =	simm.s32 @!p0 $0x1082;
	s9 =	sld [smem:$0x3FB5]  }
0x2f: {  	lr =	sadd.s32 s0, s3;
	s0 =	sld [smem:$0x3FAC]  }
0x30: {  	s3 =	sld [smem:$0x3FAF]  }
0x31: {  	[smem:$0x3FB8] =	sst s10  }
0x32: {  	s10 =	sld [smem:$0x3FB6];
	_ =	sdelay $0x3  }
0x33: {  	p0 =	seq.s32 s10, $0x1;
	s10 =	sld [smem:$0x3FB8];
	_ =	sdelay $0x3  }
0x34: {  	[smem:$0x3FB8] =	sst s10  }
0x35: {  	s10 =	sld [smem:$0x3FB7];
	_ =	sdelay $0x3  }
0x36: {  	p1 =	seq.s32 s10, $0x1;
	s10 =	sld [smem:$0x3FB8];
	_ =	sdelay $0x3  }
0x37: {  	[smem:$0x3FB8] =	sst s10  }
0x38: {  	s10 =	sld [smem:$0x3FB9]  }
0x39: {  	_ = 	snop;
	(pc) =	sbr.ind lr, $3  }
0x3a: {  	_ = 	snop  }
0x3b: {  	_ = 	snop  }
0x3c: {  	p2 =	seq.s32 s10, $0x1;
	s10 =	sld [smem:$0x3FB8]  }
0x3d: {  	_ =	shalt  }
0x3e: {  	_ =	shalt  }
0x3f: {  	_ =	shalt  }
0x40: {  	_ =	shalt  }
0x41: {  	_ =	shalt  }
0x42: {  	_ =	shalt  }
0x43: {  	_ =	shalt  }
0x44: {  	_ =	shalt  }
0x45: {  	_ =	shalt  }
0x46: {  	_ =	shalt  }
0x47: {  	_ =	shalt  }
0x48: {  	_ =	shalt  }
0x49: {  	_ =	shalt  }
0x4a: {  	_ =	shalt  }
0x4b: {  	_ =	shalt  }
0x4c: {  	_ =	shalt  }
0x4d: {  	_ =	shalt  }
0x4e: {  	_ =	shalt  }
0x4f: {  	_ =	shalt  }
0x50: {  	_ =	shalt  }
0x51: {  	_ =	shalt  }
0x52: {  	_ =	shalt  }
0x53: {  	_ =	shalt  }
0x54: {  	_ =	shalt  }
0x55: {  	_ =	shalt  }
0x56: {  	_ =	shalt  }
0x57: {  	_ =	shalt  }
0x58: {  	_ =	shalt  }
0x59: {  	_ =	shalt  }
0x5a: {  	_ =	shalt  }
0x5b: {  	_ =	shalt  }
0x5c: {  	_ =	shalt  }
0x5d: {  	_ =	shalt  }
0x5e: {  	_ =	shalt  }
0x5f: {  	_ =	shalt  }
0x60: {  	_ =	shalt  }
0x61: {  	_ =	shalt  }
0x62: {  	_ =	shalt  }
0x63: {  	_ =	shalt  }
0x64: {  	_ =	shalt  }
0x65: {  	_ =	shalt  }
0x66: {  	_ =	shalt  }
0x67: {  	_ =	shalt  }
0x68: {  	_ =	shalt  }
0x69: {  	_ =	shalt  }
0x6a: {  	_ =	shalt  }
0x6b: {  	_ =	shalt  }
0x6c: {  	_ =	shalt  }
0x6d: {  	_ =	shalt  }
0x6e: {  	_ =	shalt  }
0x6f: {  	_ =	shalt  }
0x70: {  	_ =	shalt  }
0x71: {  	_ =	shalt  }
0x72: {  	_ =	shalt  }
0x73: {  	_ =	shalt  }
0x74: {  	_ =	shalt  }
0x75: {  	_ =	shalt  }
0x76: {  	_ =	shalt  }
0x77: {  	_ =	shalt  }
0x78: {  	_ =	shalt  }
0x79: {  	_ =	shalt  }
0x7a: {  	_ =	shalt  }
0x7b: {  	_ =	shalt  }
0x7c: {  	_ =	shalt  }
0x7d: {  	_ =	shalt  }
0x7e: {  	_ =	shalt  }
0x7f: {  	_ =	shalt  }
0x80: {  	_ =	shalt  }
0x81: {  	_ =	shalt  }
0x82: {  	_ =	shalt  }
0x83: {  	_ =	shalt  }
0x84: {  	_ =	shalt  }
0x85: {  	_ =	shalt  }
0x86: {  	_ =	shalt  }
0x87: {  	_ =	shalt  }
.Lfunc_end0:
.L_simem_size_0:
called_computation_lowered:
.L_overlay_start_0:
0x88: {  	s2 =	sld [smem:$0x3FD9]  }
0x89: {  	s3 =	sld [smem:$0x3FFE];
	_ =	sdelay $0x1  }
0x8a: {  	s1 =	srdreg.scid  }
0x8b: {  	s0 =	sand.u32 $0x1, s1  }
0x8c: {  	s17 =	sshll.u32 s0, $0xA;
	s2 =	sadd.s32 s3, s2  }
0x8d: {  	s2 =	sadd.s32 s2, s17  }
0x8e: {  	[smem:$0x3FC4] =	sst s2  }
0x8f: {  	_ = 	snop  }
0x90: {  	s2 =	sld [smem:$0x3FC8]  }
0x91: {  	s18 =	sld [smem:$0x3FD0];
	(tm) =	ssettm $0x1  }
0x92: {  	s4 =	sld [smem:$0x3FFB];
	_ =	sdelay $0x3  }
0x93: {  	_ =	strace s4  }
0x94: {  	s4 =	sld [smem:$0x3FFC];
	_ =	sdelay $0x3  }
0x95: {  	_ =	strace s4  }
0x96: {  	s4 =	sld [smem:$0x3FFD];
	_ =	sdelay $0x3  }
0x97: {  	_ =	strace s4  }
0x98: {  	_ =	strace $0x8FFFFFFF  }
0x99: {  	s19 =	sld [smem:$0x3FDB];
	_ =	sdelay $0x1  }
0x9a: {  	s5 =	simm.s32 $_scs_section_size  }
0x9b: {  	s6 =	simm.s32 $_size__tile_overlayer_lowered;
	s7 =	simm.s32 $_tile_overlayer_lowered  }
0x9c: {  	s22 =	simm.s32 $0x1BFF;
	s21 =	sshll.u32 s7, $0x1;
	s4 =	sadd.s32 s5, s19  }
0x9d: {  	s8 =	simm.s32 $0x0;
	s20 =	sshll.u32 s6, $0x1;
	s6 =	sadd.s32 s21, s4  }
0x9e: {  	[timem:s8], [sflag:s22] =	dma.local [hbm:s6], s20  }
0x9f: {  	_ =	swait.ge [sflag:s22], s20  }
0xa0: {  	s5 =	ssub.s32 $0x0, s20;
	[sflag:s22] =	ssyncset.done $0x0  }
0xa1: {  	[sflag:s22] =	ssyncadd.s32 s5;
	_ =	sdelay $0x1  }
0xa2: {  	s23 =	simm.s32 $0x1B8B  }
0xa3: {  	_ =	swait.ge [sflag:s23], $0x1  }
0xa4: {  	[sflag:s23] =	ssyncset.done $0x0  }
0xa5: {  	s25 =	simm.s32 $0x1B8E;
	s24 =	sld [smem:$0x3FFE];
	[sflag:s23] =	ssyncadd.s32 $0xFFFFFFFF  }
0xa6: {  	s26 =	simm.s32 $execute0_lowered;
	[smem:$0x3FD2] =	sst s25  }
0xa7: {  	s6 =	sshll.u32 s26, $0x1;
	_ =	strace $0x80000046;
	[dreg:$0x1] =	wrdreg $0xFFFFFFFF  }
0xa8: {  	s28 =	simm.s32 $_size_execute0_lowered;
	s4 =	sadd.s32 s4, s6;
	[dreg:$0x0] =	wrdreg $0x0  }
0xa9: {  	s6 =	sshll.u32 s28, $0x1;
	[dreg:$0x2] =	wrdreg s4  }
0xaa: {  	[dreg:$0x3] =	wrdreg s6  }
0xab: {  	[dreg:$0x4] =	wrdreg $0xC0  }
0xac: {  	_ =	task [dreg:s8], $0x5FFFF  }
0xad: {  	[dreg:$0x1] =	wrdreg $0xFFFFFFFF  }
0xae: {  	[dreg:$0x0] =	wrdreg $0x60  }
0xaf: {  	[dreg:$0x2] =	wrdreg s24  }
0xb0: {  	[dreg:$0x3] =	wrdreg s2  }
0xb1: {  	[dreg:$0x4] =	wrdreg s18  }
0xb2: {  	[dreg:$0x5] =	wrdreg $0x9  }
0xb3: {  	_ =	task.clear_ibuf [dreg:s8], $0x6FFFF;
	_ =	strace $0x90000046  }
0xb4: {  	s29 =	simm.s32 $0x9;
	_ =	strace $0x80000048  }
0xb5: {  	_ =	swait.ge [sflag:s29], $0x1  }
0xb6: {  	[sflag:s29] =	ssyncadd.s32 $0xFFFFFFFF  }
0xb7: {  	_ =	strace $0x90000048  }
0xb8: {  	_ =	sfence  }
0xb9: {  	s30 =	sld [smem:$0x0];
	_ =	sdelay $0x2  }
0xba: {  	s31 =	sshll.u32 s1, $0xD;
	s1 =	sshrl.u32 s1, $0x2  }
0xbb: {  	s3 =	sand.u32 $0x4000, s31;
	s1 =	sadd.s32 s1, s30  }
0xbc: {  	s0 =	sor.u32 s3, s0;
	s1 =	sshll.u32 s1, $0x11  }
0xbd: {  	s0 =	sor.u32 s1, s0  }
0xbe: {  	s0 =	sadd.s32 $0x8F2B, s0  }
0xbf: {  	[sflag:s0] =	ssyncadd.remote.s32 $0x1  }
0xc0: {  	_ =	sfence.sel $0xFFFF  }
0xc1: {  	[dreg:$0x0] =	wrdreg $0xFFFFFFFF;
	(pc) =	sbr.abs _section_cstart, $3  }
0xc2: {  	[dreg:$0x1] =	wrdreg $0xFFFFFFFF  }
0xc3: {  	_ =	task.clear_ibuf [dreg:s8], $0x2FFFF;
	_ =	strace $0x9FFFFFFF  }
0xc4: {  	(tm) =	ssettm $0x7FFFFFFF  }
0xc5: {  	_ =	shalt  }
tec
execute0_lowered:
.L_overlay_start_1:
0x0: {  	(tag) =	ssettag $0x1  }
0x1: {  	v0 =	vlaneseq.u32  }
0x2: {  	v0 =	vshrl.u32 v0, $0x2  }
0x3: {  	v0 =	vmul.u32 $0x80, v0;
	_ =	sdelay $0x1  }
0x4: {  	v1 =	vor.u32 $0x200, v0;
	v3 =	vor.u32 $0x600, v0  }
0x5: {  	v4 =	vor.u32 $0x800, v0;
	v5 =	vor.u32 $0xA00, v0;
	v6 =	vor.u32 $0xC00, v0  }
0x6: {  	v7 =	vor.u32 $0xE00, v0;
	v8 =	vor.u32 $0x1000, v0;
	v9 =	vor.u32 $0x1200, v0  }
0x7: {  	v10 =	vor.u32 $0x1400, v0;
	v11 =	vor.u32 $0x1600, v0;
	v12 =	vor.u32 $0x1800, v0  }
0x8: {  	v13 =	vor.u32 $0x1A00, v0;
	v14 =	vor.u32 $0x1C00, v0;
	v15 =	vor.u32 $0x1E00, v0  }
0x9: {  	v16 =	vor.u32 $0x2000, v0;
	v17 =	vor.u32 $0x2200, v0;
	v18 =	vor.u32 $0x2400, v0  }
0xa: {  	v19 =	vor.u32 $0x2600, v0;
	v20 =	vor.u32 $0x2800, v0;
	v21 =	vor.u32 $0x2A00, v0  }
0xb: {  	v22 =	vor.u32 $0x2C00, v0;
	v23 =	vor.u32 $0x2E00, v0;
	v24 =	vor.u32 $0x3000, v0  }
0xc: {  	v25 =	vor.u32 $0x3200, v0;
	v26 =	vor.u32 $0x3400, v0;
	v27 =	vor.u32 $0x3600, v0  }
0xd: {  	v28 =	vor.u32 $0x3800, v0;
	v29 =	vor.u32 $0x3A00, v0;
	v30 =	vor.u32 $0x3C00, v0  }
0xe: {  	s5 =	rddreg [dreg:$0x0];
	v31 =	vor.u32 $0x3E00, v0;
	v32 =	vor.u32 $0x4000, v0;
	v33 =	vor.u32 $0x4200, v0  }
0xf: {  	s6 =	rddreg [dreg:$0x1];
	v34 =	vor.u32 $0x4400, v0;
	v35 =	vor.u32 $0x4600, v0;
	v36 =	vor.u32 $0x4800, v0  }
0x10: {  	s7 =	rddreg [dreg:$0x2];
	s1 =	simm.s32 $0x0;
	v37 =	vor.u32 $0x4A00, v0;
	v38 =	vor.u32 $0x4C00, v0;
	v39 =	vor.u32 $0x4E00, v0  }
0x11: {  	s4 =	srdreg.scid;
	s0 =	stileid.u32;
	s13 =	simm.s32 $0x1200;
	v40 =	vor.u32 $0x5000, v0;
	v41 =	vor.u32 $0x5200, v0;
	v42 =	vor.u32 $0x5400, v0  }
0x12: {  	s14 =	simm.s32 $0x0;
	s8 =	sand.u32 $0x1, s4;
	s9 =	sshll.u32 s0, $0x1;
	v43 =	vor.u32 $0x5600, v0;
	v44 =	vor.u32 $0x5800, v0;
	v45 =	vor.u32 $0x5A00, v0  }
0x13: {  	[smem:$0x7FF] =	sst s1;
	s3 =	sadd.s32 $0xF44800, s5;
	s9 =	sor.u32 s8, s9;
	v46 =	vor.u32 $0x5C00, v0;
	v47 =	vor.u32 $0x5E00, v0;
	v48 =	vor.u32 $0x6000, v0  }
0x14: {  	s4 =	sadd.s32 $0x2400, s5;
	s8 =	ssub.s32 $0x2, s8;
	s10 =	sshll.u32 s9, $0x8;
	v49 =	vor.u32 $0x6200, v0;
	v50 =	vor.u32 $0x6400, v0;
	v51 =	vor.u32 $0x6600, v0  }
0x15: {  	s11 =	sshrl.u32 s8, $0x1;
	s9 =	sshll.u32 s9, $0x6;
	s12 =	sadd.s32 s10, s5;
	v52 =	vor.u32 $0x6800, v0;
	v53 =	vor.u32 $0x6A00, v0;
	v54 =	vor.u32 $0x6C00, v0  }
0x16: {  	s8 =	ssub.s32 s8, s11;
	s31 =	sadd.s32 s6, s9;
	s6 =	sadd.s32 s7, s10;
	v55 =	vor.u32 $0x6E00, v0;
	v56 =	vor.u32 $0x7000, v0;
	[tilespmem:$0x1FFE0] =	vst v1;
	v1 =	vor.u32 $0x400, v0  }
0x17: {  	s9 =	simm.s32 $0x2;
	v57 =	vor.u32 $0x7200, v0;
	v58 =	vor.u32 $0x7400, v0;
	v59 =	vor.u32 $0x7600, v0;
	s7 =	sadd.s32 $0x400, s12;
	s8 =	smax.u32 s8, $0x1;
	[tilespmem:$0x1FFF0] =	vst v1  }
0x18: {  	v60 =	vor.u32 $0x7800, v0;
	v61 =	vor.u32 $0x7A00, v0;
	v62 =	vor.u32 $0x7C00, v0;
	s12 =	simm.s32 $0x1;
	_ =	strace $0x80000047;
	[dreg:$0x4] =	wrdreg s31  }
.LBB2_1:
0x19: {  	s0 =	rddreg [dreg:$0x4]  }
0x1a: {  	[tilespmem:s1], [sflag:$0x2] =	stream.linear.gather [hbm4b:s0+s1], $0x200, $0x38;
	[tilespmem:$0x11200] =	vst v63  }
0x1b: {  	_ =	swait.ge [sflag:s9], $0x200  }
0x1c: {  	[sflag:s9] =	ssyncset.done $0x0  }
0x1d: {  	s18 =	simm.s32 $0x200;
	[sflag:s9] =	ssyncadd.s32 $0xFFFFFE00  }
0x1e: {  	[tilespmem:s18], [sflag:$0x2] =	stream.linear.gather [hbm4b:s6+s1], $0x800, $0x38;
	[tilespmem:$0x11200] =	vst v63  }
0x1f: {  	_ =	swait.ge [sflag:s9], $0x800  }
0x20: {  	[sflag:s9] =	ssyncset.done $0x0  }
0x21: {  	s19 =	simm.s32 $0xA00;
	[sflag:s9] =	ssyncadd.s32 $0xFFFFF800  }
0x22: {  	[tilespmem:s19], [sflag:$0x2] =	stream.linear.gather [hbm4b:s7+s1], $0x800, $0x38;
	[tilespmem:$0x11200] =	vst v63  }
0x23: {  	_ =	swait.ge [sflag:s9], $0x800  }
0x24: {  	[sflag:s9] =	ssyncset.done $0x0  }
0x25: {  	[sflag:s9] =	ssyncadd.s32 $0xFFFFF800  }
0x26: {  	v63 =	vld [tilespmem:s1+$0x0];
	_ =	sdelay $0x4  }
0x27: {  	v63 =	vshll.u32 v63, $0x4  }
0x28: {  	(v2sf) =	vpush v63, $0x0;
	_ =	sdelay $0x1  }
0x29: {  	(v2sf) =	vpush v63, $0x1;
	_ =	sdelay $0x1  }
0x2a: {  	(v2sf) =	vpush v63, $0x2;
	_ =	sdelay $0x2  }
0x2b: {  	(v2sf) =	vpush v63, $0x3;
	_ =	sdelay $0x7  }
0x2c: {  	s15 =	spop (v2sf);
	(v2sf) =	vpush v63, $0x4;
	_ =	sdelay $0x1  }
0x2d: {  	s20 =	spop (v2sf);
	(v2sf) =	vpush v63, $0x5;
	_ =	sdelay $0x1  }
0x2e: {  	s22 =	spop (v2sf);
	(v2sf) =	vpush v63, $0x6;
	_ =	sdelay $0x1  }
0x2f: {  	s15 =	sand.u32 $0x1FFFFFF0, s15  }
0x30: {  	s16 =	simm.s32 $0x1200;
	s15 =	sadd.s32 s4, s15;
	s24 =	spop (v2sf);
	(v2sf) =	vpush v63, $0x7  }
0x31: {  	[tilespmem:s16], [sflag:$0x1] =	stream.linear.gather [hbm4b:s15+s1], $0x80, $0x38;
	[tilespmem:$0x11200] =	vst v63  }
0x32: {  	s15 =	sand.u32 $0x1FFFFFF0, s20  }
0x33: {  	s21 =	simm.s32 $0x1280;
	s15 =	sadd.s32 s4, s15  }
0x34: {  	[tilespmem:s21], [sflag:$0x1] =	stream.linear.gather [hbm4b:s15+s1], $0x80, $0x38;
	[tilespmem:$0x11200] =	vst v63  }
0x35: {  	s15 =	sand.u32 $0x1FFFFFF0, s22  }
0x36: {  	s23 =	simm.s32 $0x1300;
	s15 =	sadd.s32 s4, s15  }
0x37: {  	[tilespmem:s23], [sflag:$0x1] =	stream.linear.gather [hbm4b:s15+s1], $0x80, $0x38;
	[tilespmem:$0x11200] =	vst v63  }
0x38: {  	s26 =	spop (v2sf);
	(v2sf) =	vpush v63, $0x8  }
0x39: {  	s15 =	sand.u32 $0x1FFFFFF0, s24  }
0x3a: {  	s25 =	simm.s32 $0x1380;
	s15 =	sadd.s32 s4, s15;
	s29 =	spop (v2sf);
	(v2sf) =	vpush v63, $0x9  }
0x3b: {  	[tilespmem:s25], [sflag:$0x1] =	stream.linear.gather [hbm4b:s15+s1], $0x80, $0x38;
	[tilespmem:$0x11200] =	vst v63  }
0x3c: {  	s15 =	sand.u32 $0x1FFFFFF0, s26;
	s31 =	spop (v2sf);
	(v2sf) =	vpush v63, $0xA  }
0x3d: {  	s28 =	simm.s32 $0x1400;
	s15 =	sadd.s32 s4, s15  }
0x3e: {  	[tilespmem:s28], [sflag:$0x1] =	stream.linear.gather [hbm4b:s15+s1], $0x80, $0x38;
	[tilespmem:$0x11200] =	vst v63  }
0x3f: {  	s2 =	spop (v2sf);
	(v2sf) =	vpush v63, $0xB  }
0x40: {  	s15 =	sand.u32 $0x1FFFFFF0, s29  }
0x41: {  	s30 =	simm.s32 $0x1480;
	s15 =	sadd.s32 s4, s15  }
0x42: {  	[tilespmem:s30], [sflag:$0x1] =	stream.linear.gather [hbm4b:s15+s1], $0x80, $0x38;
	[tilespmem:$0x11200] =	vst v63  }
0x43: {  	s15 =	sand.u32 $0x1FFFFFF0, s31  }
0x44: {  	s0 =	simm.s32 $0x1500;
	s15 =	sadd.s32 s4, s15  }
0x45: {  	[tilespmem:s0], [sflag:$0x1] =	stream.linear.gather [hbm4b:s15+s1], $0x80, $0x38;
	[tilespmem:$0x11200] =	vst v63  }
0x46: {  	s15 =	sand.u32 $0x1FFFFFF0, s2  }
0x47: {  	s5 =	simm.s32 $0x1580;
	s15 =	sadd.s32 s4, s15;
	s10 =	spop (v2sf);
	(v2sf) =	vpush v63, $0xC  }
0x48: {  	[tilespmem:s5], [sflag:$0x1] =	stream.linear.gather [hbm4b:s15+s1], $0x80, $0x38;
	[tilespmem:$0x11200] =	vst v63  }
0x49: {  	s17 =	spop (v2sf);
	(v2sf) =	vpush v63, $0xD  }
0x4a: {  	s15 =	sand.u32 $0x1FFFFFF0, s10  }
0x4b: {  	s11 =	simm.s32 $0x1600;
	s15 =	sadd.s32 s4, s15;
	s19 =	spop (v2sf)  }
0x4c: {  	(v2sf) =	vpush v63, $0xE;
	[tilespmem:s11], [sflag:$0x1] =	stream.linear.gather [hbm4b:s15+s1], $0x80, $0x38;
	[tilespmem:$0x11200] =	vst v63  }
0x4d: {  	s15 =	sand.u32 $0x1FFFFFF0, s17  }
0x4e: {  	s18 =	simm.s32 $0x1680;
	s21 =	spop (v2sf);
	s15 =	sadd.s32 s4, s15  }
0x4f: {  	(v2sf) =	vpush v63, $0xF;
	[tilespmem:s18], [sflag:$0x1] =	stream.linear.gather [hbm4b:s15+s1], $0x80, $0x38;
	[tilespmem:$0x11200] =	vst v63  }
0x50: {  	s15 =	sand.u32 $0x1FFFFFF0, s19  }
0x51: {  	s20 =	simm.s32 $0x1700;
	s15 =	sadd.s32 s4, s15  }
0x52: {  	[tilespmem:s20], [sflag:$0x1] =	stream.linear.gather [hbm4b:s15+s1], $0x80, $0x38;
	[tilespmem:$0x11200] =	vst v63  }
0x53: {  	s15 =	sand.u32 $0x1FFFFFF0, s21  }
0x54: {  	s22 =	simm.s32 $0x1780;
	s15 =	sadd.s32 s4, s15  }
0x55: {  	[tilespmem:s22], [sflag:$0x1] =	stream.linear.gather [hbm4b:s15+s1], $0x80, $0x38;
	[tilespmem:$0x11200] =	vst v63  }
0x56: {  	s23 =	spop (v2sf)  }
0x57: {  	s15 =	sand.u32 $0x1FFFFFF0, s23  }
0x58: {  	s24 =	simm.s32 $0x1800;
	s25 =	spop (v2sf);
	s15 =	sadd.s32 s4, s15  }
0x59: {  	[tilespmem:s24], [sflag:$0x1] =	stream.linear.gather [hbm4b:s15+s1], $0x80, $0x38;
	[tilespmem:$0x11200] =	vst v63  }
0x5a: {  	s15 =	sand.u32 $0x1FFFFFF0, s25  }
0x5b: {  	s26 =	simm.s32 $0x1880;
	s28 =	spop (v2sf);
	s15 =	sadd.s32 s4, s15  }
0x5c: {  	[tilespmem:s26], [sflag:$0x1] =	stream.linear.gather [hbm4b:s15+s1], $0x80, $0x38;
	[tilespmem:$0x11200] =	vst v63  }
0x5d: {  	s15 =	sand.u32 $0x1FFFFFF0, s28  }
0x5e: {  	s29 =	simm.s32 $0x1900;
	s30 =	spop (v2sf);
	s15 =	sadd.s32 s4, s15  }
0x5f: {  	[tilespmem:s29], [sflag:$0x1] =	stream.linear.gather [hbm4b:s15+s1], $0x80, $0x38;
	[tilespmem:$0x11200] =	vst v63  }
0x60: {  	s15 =	sand.u32 $0x1FFFFFF0, s30  }
0x61: {  	s31 =	simm.s32 $0x1980;
	s15 =	sadd.s32 s4, s15  }
0x62: {  	[tilespmem:s31], [sflag:$0x1] =	stream.linear.gather [hbm4b:s15+s1], $0x80, $0x38;
	[tilespmem:$0x11200] =	vst v63  }
0x63: {  	_ =	swait.ge [sflag:s12], $0x80  }
0x64: {  	[sflag:s12] =	ssyncset.done $0x0  }
0x65: {  	[sflag:s12] =	ssyncadd.s32 $0xFFFFFF80  }
0x66: {  	_ =	swait.ge [sflag:s12], $0x80  }
0x67: {  	[sflag:s12] =	ssyncset.done $0x0  }
0x68: {  	[sflag:s12] =	ssyncadd.s32 $0xFFFFFF80  }
0x69: {  	_ =	swait.ge [sflag:s12], $0x80  }
0x6a: {  	[sflag:s12] =	ssyncset.done $0x0  }
0x6b: {  	[sflag:s12] =	ssyncadd.s32 $0xFFFFFF80  }
0x6c: {  	_ =	swait.ge [sflag:s12], $0x80  }
0x6d: {  	[sflag:s12] =	ssyncset.done $0x0  }
0x6e: {  	[sflag:s12] =	ssyncadd.s32 $0xFFFFFF80  }
0x6f: {  	_ =	swait.ge [sflag:s12], $0x80  }
0x70: {  	[sflag:s12] =	ssyncset.done $0x0  }
0x71: {  	[sflag:s12] =	ssyncadd.s32 $0xFFFFFF80  }
0x72: {  	_ =	swait.ge [sflag:s12], $0x80  }
0x73: {  	[sflag:s12] =	ssyncset.done $0x0  }
0x74: {  	[sflag:s12] =	ssyncadd.s32 $0xFFFFFF80  }
0x75: {  	_ =	swait.ge [sflag:s12], $0x80  }
0x76: {  	[sflag:s12] =	ssyncset.done $0x0  }
0x77: {  	[sflag:s12] =	ssyncadd.s32 $0xFFFFFF80  }
0x78: {  	_ =	swait.ge [sflag:s12], $0x80  }
0x79: {  	[sflag:s12] =	ssyncset.done $0x0  }
0x7a: {  	[sflag:s12] =	ssyncadd.s32 $0xFFFFFF80  }
0x7b: {  	_ =	swait.ge [sflag:s12], $0x80  }
0x7c: {  	[sflag:s12] =	ssyncset.done $0x0  }
0x7d: {  	[sflag:s12] =	ssyncadd.s32 $0xFFFFFF80  }
0x7e: {  	_ =	swait.ge [sflag:s12], $0x80  }
0x7f: {  	[sflag:s12] =	ssyncset.done $0x0  }
0x80: {  	[sflag:s12] =	ssyncadd.s32 $0xFFFFFF80  }
0x81: {  	_ =	swait.ge [sflag:s12], $0x80  }
0x82: {  	[sflag:s12] =	ssyncset.done $0x0  }
0x83: {  	[sflag:s12] =	ssyncadd.s32 $0xFFFFFF80  }
0x84: {  	_ =	swait.ge [sflag:s12], $0x80  }
0x85: {  	[sflag:s12] =	ssyncset.done $0x0  }
0x86: {  	[sflag:s12] =	ssyncadd.s32 $0xFFFFFF80  }
0x87: {  	_ =	swait.ge [sflag:s12], $0x80  }
0x88: {  	[sflag:s12] =	ssyncset.done $0x0  }
0x89: {  	[sflag:s12] =	ssyncadd.s32 $0xFFFFFF80  }
0x8a: {  	s16 =	simm.s32 $0x0;
	s15 =	simm.s32 $0x2000;
	_ =	swait.ge [sflag:s12], $0x80  }
.LBB2_2:
0x8b: {  	p0 =	sne.s32 s15, $0x3E000;
	[sflag:s12] =	ssyncset.done $0x0;
	s16 =	sadd.s32 $0x10, s16  }
0x8c: {  	s17 =	smov.u32 s15;
	s15 =	sadd.s32 $0x2000, s15;
	[sflag:s12] =	ssyncadd.s32 $0xFFFFFF80  }
0x8d: {  	_ =	swait.ge [sflag:s12], $0x80  }
0x8e: {  	[sflag:s12] =	ssyncset.done $0x0  }
0x8f: {  	[sflag:s12] =	ssyncadd.s32 $0xFFFFFF80  }
0x90: {  	_ =	swait.ge [sflag:s12], $0x80  }
0x91: {  	[sflag:s12] =	ssyncset.done $0x0  }
0x92: {  	[sflag:s12] =	ssyncadd.s32 $0xFFFFFF80  }
0x93: {  	v63 =	vld [tilespmem:s16+$0x0];
	_ =	sdelay $0x4  }
0x94: {  	v63 =	vshll.u32 v63, $0x4  }
0x95: {  	(v2sf) =	vpush v63, $0x0  }
0x96: {  	(v2sf) =	vpush v63, $0x1  }
0x97: {  	(v2sf) =	vpush v63, $0x2;
	_ =	sdelay $0x1  }
0x98: {  	(v2sf) =	vpush v63, $0x3;
	_ =	sdelay $0x1  }
0x99: {  	(v2sf) =	vpush v63, $0x4;
	_ =	sdelay $0x1  }
0x9a: {  	(v2sf) =	vpush v63, $0x5  }
0x9b: {  	s17 =	sshra.s32 s17, $0x2  }
0x9c: {  	s25 =	sadd.s32 $0x1280, s17;
	s26 =	sadd.s32 $0x1380, s17;
	s28 =	sadd.s32 $0x1400, s17;
	(v2sf) =	vpush v63, $0x6  }
0x9d: {  	s29 =	sadd.s32 $0x1200, s17;
	s30 =	sadd.s32 $0x1300, s17  }
0x9e: {  	s31 =	sadd.s32 $0x1480, s17;
	(v2sf) =	vpush v63, $0x7  }
0x9f: {  	s20 =	sadd.s32 $0x1800, s17;
	s19 =	sadd.s32 $0x1880, s17;
	s18 =	sadd.s32 $0x1980, s17  }
0xa0: {  	s0 =	sadd.s32 $0x1500, s17;
	s22 =	sadd.s32 $0x1700, s17;
	s21 =	sadd.s32 $0x1780, s17;
	(v2sf) =	vpush v63, $0x8  }
0xa1: {  	s24 =	sadd.s32 $0x1600, s17;
	s23 =	sadd.s32 $0x1680, s17;
	s2 =	spop (v2sf)  }
0xa2: {  	s10 =	sadd.s32 $0x1580, s17;
	s2 =	sand.u32 $0x1FFFFFF0, s2;
	s11 =	spop (v2sf);
	(v2sf) =	vpush v63, $0x9  }
0xa3: {  	s2 =	sadd.s32 s4, s2;
	s11 =	sand.u32 $0x1FFFFFF0, s11;
	s5 =	spop (v2sf)  }
0xa4: {  	[tilespmem:s29], [sflag:$0x1] =	stream.linear.gather [hbm4b:s2+s1], $0x80, $0x38;
	(v2sf) =	vpush v63, $0xA;
	[tilespmem:$0x11200] =	vst v63  }
0xa5: {  	s2 =	sadd.s32 s4, s11;
	s5 =	sand.u32 $0x1FFFFFF0, s5;
	s11 =	spop (v2sf)  }
0xa6: {  	[tilespmem:s25], [sflag:$0x1] =	stream.linear.gather [hbm4b:s2+s1], $0x80, $0x38;
	(v2sf) =	vpush v63, $0xB;
	[tilespmem:$0x11200] =	vst v63  }
0xa7: {  	s2 =	sadd.s32 s4, s5;
	s5 =	sand.u32 $0x1FFFFFF0, s11;
	s11 =	spop (v2sf)  }
0xa8: {  	[tilespmem:s30], [sflag:$0x1] =	stream.linear.gather [hbm4b:s2+s1], $0x80, $0x38;
	(v2sf) =	vpush v63, $0xC;
	[tilespmem:$0x11200] =	vst v63  }
0xa9: {  	s2 =	sadd.s32 s4, s5;
	s5 =	sand.u32 $0x1FFFFFF0, s11;
	s11 =	spop (v2sf)  }
0xaa: {  	[tilespmem:s26], [sflag:$0x1] =	stream.linear.gather [hbm4b:s2+s1], $0x80, $0x38;
	(v2sf) =	vpush v63, $0xD;
	[tilespmem:$0x11200] =	vst v63  }
0xab: {  	s2 =	sadd.s32 s4, s5;
	s5 =	sand.u32 $0x1FFFFFF0, s11;
	s11 =	spop (v2sf)  }
0xac: {  	[tilespmem:s28], [sflag:$0x1] =	stream.linear.gather [hbm4b:s2+s1], $0x80, $0x38;
	(v2sf) =	vpush v63, $0xE;
	[tilespmem:$0x11200] =	vst v63  }
0xad: {  	s2 =	sadd.s32 s4, s5;
	s5 =	sand.u32 $0x1FFFFFF0, s11;
	s11 =	spop (v2sf)  }
0xae: {  	[tilespmem:s31], [sflag:$0x1] =	stream.linear.gather [hbm4b:s2+s1], $0x80, $0x38;
	(v2sf) =	vpush v63, $0xF;
	[tilespmem:$0x11200] =	vst v63  }
0xaf: {  	s2 =	sadd.s32 s4, s5;
	s5 =	sand.u32 $0x1FFFFFF0, s11;
	s11 =	spop (v2sf)  }
0xb0: {  	[tilespmem:s0], [sflag:$0x1] =	stream.linear.gather [hbm4b:s2+s1], $0x80, $0x38;
	[tilespmem:$0x11200] =	vst v63  }
0xb1: {  	s0 =	sadd.s32 s4, s5;
	s2 =	sand.u32 $0x1FFFFFF0, s11;
	s5 =	spop (v2sf)  }
0xb2: {  	[tilespmem:s10], [sflag:$0x1] =	stream.linear.gather [hbm4b:s0+s1], $0x80, $0x38;
	[tilespmem:$0x11200] =	vst v63  }
0xb3: {  	s0 =	sadd.s32 s4, s2;
	s2 =	sand.u32 $0x1FFFFFF0, s5;
	s5 =	spop (v2sf)  }
0xb4: {  	[tilespmem:s24], [sflag:$0x1] =	stream.linear.gather [hbm4b:s0+s1], $0x80, $0x38;
	[tilespmem:$0x11200] =	vst v63  }
0xb5: {  	s0 =	sadd.s32 s4, s2;
	s2 =	sand.u32 $0x1FFFFFF0, s5;
	s5 =	spop (v2sf)  }
0xb6: {  	[tilespmem:s23], [sflag:$0x1] =	stream.linear.gather [hbm4b:s0+s1], $0x80, $0x38;
	[tilespmem:$0x11200] =	vst v63  }
0xb7: {  	s0 =	sadd.s32 s4, s2;
	s2 =	sand.u32 $0x1FFFFFF0, s5;
	s5 =	spop (v2sf)  }
0xb8: {  	[tilespmem:s22], [sflag:$0x1] =	stream.linear.gather [hbm4b:s0+s1], $0x80, $0x38;
	[tilespmem:$0x11200] =	vst v63  }
0xb9: {  	s0 =	sadd.s32 s4, s2;
	s2 =	sand.u32 $0x1FFFFFF0, s5;
	s5 =	spop (v2sf)  }
0xba: {  	[tilespmem:s21], [sflag:$0x1] =	stream.linear.gather [hbm4b:s0+s1], $0x80, $0x38;
	[tilespmem:$0x11200] =	vst v63  }
0xbb: {  	s0 =	sadd.s32 s4, s2;
	s2 =	sand.u32 $0x1FFFFFF0, s5;
	s5 =	spop (v2sf)  }
0xbc: {  	[tilespmem:s20], [sflag:$0x1] =	stream.linear.gather [hbm4b:s0+s1], $0x80, $0x38;
	[tilespmem:$0x11200] =	vst v63  }
0xbd: {  	s0 =	sadd.s32 s4, s2;
	s2 =	sand.u32 $0x1FFFFFF0, s5;
	s5 =	spop (v2sf)  }
0xbe: {  	[tilespmem:s19], [sflag:$0x1] =	stream.linear.gather [hbm4b:s0+s1], $0x80, $0x38;
	[tilespmem:$0x11200] =	vst v63  }
0xbf: {  	s2 =	sadd.s32 s4, s2;
	s0 =	sadd.s32 $0x1900, s17;
	s5 =	sand.u32 $0x1FFFFFF0, s5  }
0xc0: {  	[tilespmem:s0], [sflag:$0x1] =	stream.linear.gather [hbm4b:s2+s1], $0x80, $0x38;
	[tilespmem:$0x11200] =	vst v63  }
0xc1: {  	s0 =	sadd.s32 s4, s5  }
0xc2: {  	[tilespmem:s18], [sflag:$0x1] =	stream.linear.gather [hbm4b:s0+s1], $0x80, $0x38;
	[tilespmem:$0x11200] =	vst v63  }
0xc3: {  	_ =	swait.ge [sflag:s12], $0x80  }
0xc4: {  	[sflag:s12] =	ssyncset.done $0x0  }
0xc5: {  	[sflag:s12] =	ssyncadd.s32 $0xFFFFFF80  }
0xc6: {  	_ =	swait.ge [sflag:s12], $0x80  }
0xc7: {  	[sflag:s12] =	ssyncset.done $0x0  }
0xc8: {  	[sflag:s12] =	ssyncadd.s32 $0xFFFFFF80  }
0xc9: {  	_ =	swait.ge [sflag:s12], $0x80  }
0xca: {  	[sflag:s12] =	ssyncset.done $0x0  }
0xcb: {  	[sflag:s12] =	ssyncadd.s32 $0xFFFFFF80  }
0xcc: {  	_ =	swait.ge [sflag:s12], $0x80  }
0xcd: {  	[sflag:s12] =	ssyncset.done $0x0  }
0xce: {  	[sflag:s12] =	ssyncadd.s32 $0xFFFFFF80  }
0xcf: {  	_ =	swait.ge [sflag:s12], $0x80  }
0xd0: {  	[sflag:s12] =	ssyncset.done $0x0  }
0xd1: {  	[sflag:s12] =	ssyncadd.s32 $0xFFFFFF80  }
0xd2: {  	_ =	swait.ge [sflag:s12], $0x80  }
0xd3: {  	[sflag:s12] =	ssyncset.done $0x0  }
0xd4: {  	[sflag:s12] =	ssyncadd.s32 $0xFFFFFF80  }
0xd5: {  	_ =	swait.ge [sflag:s12], $0x80  }
0xd6: {  	[sflag:s12] =	ssyncset.done $0x0  }
0xd7: {  	[sflag:s12] =	ssyncadd.s32 $0xFFFFFF80  }
0xd8: {  	_ =	swait.ge [sflag:s12], $0x80  }
0xd9: {  	[sflag:s12] =	ssyncset.done $0x0  }
0xda: {  	[sflag:s12] =	ssyncadd.s32 $0xFFFFFF80  }
0xdb: {  	_ =	swait.ge [sflag:s12], $0x80  }
0xdc: {  	[sflag:s12] =	ssyncset.done $0x0  }
0xdd: {  	[sflag:s12] =	ssyncadd.s32 $0xFFFFFF80  }
0xde: {  	_ =	swait.ge [sflag:s12], $0x80  }
0xdf: {  	[sflag:s12] =	ssyncset.done $0x0  }
0xe0: {  	[sflag:s12] =	ssyncadd.s32 $0xFFFFFF80  }
0xe1: {  	_ =	swait.ge [sflag:s12], $0x80  }
0xe2: {  	[sflag:s12] =	ssyncset.done $0x0  }
0xe3: {  	[sflag:s12] =	ssyncadd.s32 $0xFFFFFF80  }
0xe4: {  	_ =	swait.ge [sflag:s12], $0x80  }
0xe5: {  	[sflag:s12] =	ssyncset.done $0x0  }
.Ltmp0:
0xe6: {  	[sflag:s12] =	ssyncadd.s32 $0xFFFFFF80;
	(pc) =	sbr.rel @p0 .LBB2_2-.Ltmp0, $4  }
0xe7: {  	_ =	swait.ge [sflag:s12], $0x80  }
0xe8: {  	[sflag:s12] =	ssyncset.done $0x0  }
0xe9: {  	[sflag:s12] =	ssyncadd.s32 $0xFFFFFF80  }
0xea: {  	_ =	swait.ge [sflag:s12], $0x80  }
0xeb: {  	[sflag:s12] =	ssyncset.done $0x0  }
0xec: {  	[sflag:s12] =	ssyncadd.s32 $0xFFFFFF80  }
0xed: {  	_ =	swait.ge [sflag:s12], $0x80  }
0xee: {  	[sflag:s12] =	ssyncset.done $0x0  }
0xef: {  	[sflag:s12] =	ssyncadd.s32 $0xFFFFFF80  }
0xf0: {  	_ =	swait.ge [sflag:s12], $0x80  }
0xf1: {  	[sflag:s12] =	ssyncset.done $0x0  }
0xf2: {  	[sflag:s12] =	ssyncadd.s32 $0xFFFFFF80  }
0xf3: {  	v63 =	vld [tilespmem:$0x200];
	_ =	sdelay $0x4  }
0xf4: {  	v1 =	vld [tilespmem:$0xA00];
	v63 =	vadd.s32 v0, v63;
	_ =	sdelay $0x4  }
0xf5: {  	v2 =	vld [tilespmem:$0x1FFE0];
	[tilespmem:v63+s13+$0x0] =	vst.idx.msk $0xffff, v1  }
0xf6: {  	v1 =	vld [tilespmem:$0x210];
	_ =	sdelay $0x4  }
0xf7: {  	v63 =	vld [tilespmem:$0xA10];
	v1 =	vadd.s32 v2, v1;
	_ =	sdelay $0x4  }
0xf8: {  	v2 =	vld [tilespmem:$0x1FFF0];
	[tilespmem:v1+s13+$0x0] =	vst.idx.msk $0xffff, v63  }
0xf9: {  	v1 =	vld [tilespmem:$0x220];
	_ =	sdelay $0x4  }
0xfa: {  	v63 =	vld [tilespmem:$0xA20];
	v1 =	vadd.s32 v2, v1;
	_ =	sdelay $0x4  }
0xfb: {  	[tilespmem:v1+s13+$0x0] =	vst.idx.msk $0xffff, v63  }
0xfc: {  	v1 =	vld [tilespmem:$0x230];
	_ =	sdelay $0x4  }
0xfd: {  	v63 =	vld [tilespmem:$0xA30];
	v1 =	vadd.s32 v3, v1;
	_ =	sdelay $0x4  }
0xfe: {  	[tilespmem:v1+s13+$0x0] =	vst.idx.msk $0xffff, v63  }
0xff: {  	v1 =	vld [tilespmem:$0x240];
	_ =	sdelay $0x4  }
0x100: {  	v63 =	vld [tilespmem:$0xA40];
	v1 =	vadd.s32 v4, v1;
	_ =	sdelay $0x4  }
0x101: {  	[tilespmem:v1+s13+$0x0] =	vst.idx.msk $0xffff, v63  }
0x102: {  	v1 =	vld [tilespmem:$0x250];
	_ =	sdelay $0x4  }
0x103: {  	v63 =	vld [tilespmem:$0xA50];
	v1 =	vadd.s32 v5, v1;
	_ =	sdelay $0x4  }
0x104: {  	[tilespmem:v1+s13+$0x0] =	vst.idx.msk $0xffff, v63  }
0x105: {  	v1 =	vld [tilespmem:$0x260];
	_ =	sdelay $0x4  }
0x106: {  	v63 =	vld [tilespmem:$0xA60];
	v1 =	vadd.s32 v6, v1;
	_ =	sdelay $0x4  }
0x107: {  	[tilespmem:v1+s13+$0x0] =	vst.idx.msk $0xffff, v63  }
0x108: {  	v1 =	vld [tilespmem:$0x270];
	_ =	sdelay $0x4  }
0x109: {  	v63 =	vld [tilespmem:$0xA70];
	v1 =	vadd.s32 v7, v1;
	_ =	sdelay $0x4  }
0x10a: {  	[tilespmem:v1+s13+$0x0] =	vst.idx.msk $0xffff, v63  }
0x10b: {  	v1 =	vld [tilespmem:$0x280];
	_ =	sdelay $0x4  }
0x10c: {  	v63 =	vld [tilespmem:$0xA80];
	v1 =	vadd.s32 v8, v1;
	_ =	sdelay $0x4  }
0x10d: {  	[tilespmem:v1+s13+$0x0] =	vst.idx.msk $0xffff, v63  }
0x10e: {  	v1 =	vld [tilespmem:$0x290];
	_ =	sdelay $0x4  }
0x10f: {  	v63 =	vld [tilespmem:$0xA90];
	v1 =	vadd.s32 v9, v1;
	_ =	sdelay $0x4  }
0x110: {  	[tilespmem:v1+s13+$0x0] =	vst.idx.msk $0xffff, v63  }
0x111: {  	v1 =	vld [tilespmem:$0x2A0];
	_ =	sdelay $0x4  }
0x112: {  	v63 =	vld [tilespmem:$0xAA0];
	v1 =	vadd.s32 v10, v1;
	_ =	sdelay $0x4  }
0x113: {  	[tilespmem:v1+s13+$0x0] =	vst.idx.msk $0xffff, v63  }
0x114: {  	v1 =	vld [tilespmem:$0x2B0];
	_ =	sdelay $0x4  }
0x115: {  	v63 =	vld [tilespmem:$0xAB0];
	v1 =	vadd.s32 v11, v1;
	_ =	sdelay $0x4  }
0x116: {  	[tilespmem:v1+s13+$0x0] =	vst.idx.msk $0xffff, v63  }
0x117: {  	v1 =	vld [tilespmem:$0x2C0];
	_ =	sdelay $0x4  }
0x118: {  	v63 =	vld [tilespmem:$0xAC0];
	v1 =	vadd.s32 v12, v1;
	_ =	sdelay $0x4  }
0x119: {  	[tilespmem:v1+s13+$0x0] =	vst.idx.msk $0xffff, v63  }
0x11a: {  	v1 =	vld [tilespmem:$0x2D0];
	_ =	sdelay $0x4  }
0x11b: {  	v63 =	vld [tilespmem:$0xAD0];
	v1 =	vadd.s32 v13, v1;
	_ =	sdelay $0x4  }
0x11c: {  	[tilespmem:v1+s13+$0x0] =	vst.idx.msk $0xffff, v63  }
0x11d: {  	v1 =	vld [tilespmem:$0x2E0];
	_ =	sdelay $0x4  }
0x11e: {  	v63 =	vld [tilespmem:$0xAE0];
	v1 =	vadd.s32 v14, v1;
	_ =	sdelay $0x4  }
0x11f: {  	[tilespmem:v1+s13+$0x0] =	vst.idx.msk $0xffff, v63  }
0x120: {  	v1 =	vld [tilespmem:$0x2F0];
	_ =	sdelay $0x4  }
0x121: {  	v63 =	vld [tilespmem:$0xAF0];
	v1 =	vadd.s32 v15, v1;
	_ =	sdelay $0x4  }
0x122: {  	[tilespmem:v1+s13+$0x0] =	vst.idx.msk $0xffff, v63  }
0x123: {  	v1 =	vld [tilespmem:$0x300];
	_ =	sdelay $0x4  }
0x124: {  	v63 =	vld [tilespmem:$0xB00];
	v1 =	vadd.s32 v16, v1;
	_ =	sdelay $0x4  }
0x125: {  	[tilespmem:v1+s13+$0x0] =	vst.idx.msk $0xffff, v63  }
0x126: {  	v1 =	vld [tilespmem:$0x310];
	_ =	sdelay $0x4  }
0x127: {  	v63 =	vld [tilespmem:$0xB10];
	v1 =	vadd.s32 v17, v1;
	_ =	sdelay $0x4  }
0x128: {  	[tilespmem:v1+s13+$0x0] =	vst.idx.msk $0xffff, v63  }
0x129: {  	v1 =	vld [tilespmem:$0x320];
	_ =	sdelay $0x4  }
0x12a: {  	v63 =	vld [tilespmem:$0xB20];
	v1 =	vadd.s32 v18, v1;
	_ =	sdelay $0x4  }
0x12b: {  	[tilespmem:v1+s13+$0x0] =	vst.idx.msk $0xffff, v63  }
0x12c: {  	v1 =	vld [tilespmem:$0x330];
	_ =	sdelay $0x4  }
0x12d: {  	v63 =	vld [tilespmem:$0xB30];
	v1 =	vadd.s32 v19, v1;
	_ =	sdelay $0x4  }
0x12e: {  	[tilespmem:v1+s13+$0x0] =	vst.idx.msk $0xffff, v63  }
0x12f: {  	v1 =	vld [tilespmem:$0x340];
	_ =	sdelay $0x4  }
0x130: {  	v63 =	vld [tilespmem:$0xB40];
	v1 =	vadd.s32 v20, v1;
	_ =	sdelay $0x4  }
0x131: {  	[tilespmem:v1+s13+$0x0] =	vst.idx.msk $0xffff, v63  }
0x132: {  	v1 =	vld [tilespmem:$0x350];
	_ =	sdelay $0x4  }
0x133: {  	v63 =	vld [tilespmem:$0xB50];
	v1 =	vadd.s32 v21, v1;
	_ =	sdelay $0x4  }
0x134: {  	[tilespmem:v1+s13+$0x0] =	vst.idx.msk $0xffff, v63  }
0x135: {  	v1 =	vld [tilespmem:$0x360];
	_ =	sdelay $0x4  }
0x136: {  	v63 =	vld [tilespmem:$0xB60];
	v1 =	vadd.s32 v22, v1;
	_ =	sdelay $0x4  }
0x137: {  	[tilespmem:v1+s13+$0x0] =	vst.idx.msk $0xffff, v63  }
0x138: {  	v1 =	vld [tilespmem:$0x370];
	_ =	sdelay $0x4  }
0x139: {  	v63 =	vld [tilespmem:$0xB70];
	v1 =	vadd.s32 v23, v1;
	_ =	sdelay $0x4  }
0x13a: {  	[tilespmem:v1+s13+$0x0] =	vst.idx.msk $0xffff, v63  }
0x13b: {  	v1 =	vld [tilespmem:$0x380];
	_ =	sdelay $0x4  }
0x13c: {  	v63 =	vld [tilespmem:$0xB80];
	v1 =	vadd.s32 v24, v1;
	_ =	sdelay $0x4  }
0x13d: {  	[tilespmem:v1+s13+$0x0] =	vst.idx.msk $0xffff, v63  }
0x13e: {  	v1 =	vld [tilespmem:$0x390];
	_ =	sdelay $0x4  }
0x13f: {  	v63 =	vld [tilespmem:$0xB90];
	v1 =	vadd.s32 v25, v1;
	_ =	sdelay $0x4  }
0x140: {  	[tilespmem:v1+s13+$0x0] =	vst.idx.msk $0xffff, v63  }
0x141: {  	v1 =	vld [tilespmem:$0x3A0];
	_ =	sdelay $0x4  }
0x142: {  	v63 =	vld [tilespmem:$0xBA0];
	v1 =	vadd.s32 v26, v1;
	_ =	sdelay $0x4  }
0x143: {  	[tilespmem:v1+s13+$0x0] =	vst.idx.msk $0xffff, v63  }
0x144: {  	v1 =	vld [tilespmem:$0x3B0];
	_ =	sdelay $0x4  }
0x145: {  	v63 =	vld [tilespmem:$0xBB0];
	v1 =	vadd.s32 v27, v1;
	_ =	sdelay $0x4  }
0x146: {  	[tilespmem:v1+s13+$0x0] =	vst.idx.msk $0xffff, v63  }
0x147: {  	v1 =	vld [tilespmem:$0x3C0];
	_ =	sdelay $0x4  }
0x148: {  	v63 =	vld [tilespmem:$0xBC0];
	v1 =	vadd.s32 v28, v1;
	_ =	sdelay $0x4  }
0x149: {  	[tilespmem:v1+s13+$0x0] =	vst.idx.msk $0xffff, v63  }
0x14a: {  	v1 =	vld [tilespmem:$0x3D0];
	_ =	sdelay $0x4  }
0x14b: {  	v63 =	vld [tilespmem:$0xBD0];
	v1 =	vadd.s32 v29, v1;
	_ =	sdelay $0x4  }
0x14c: {  	[tilespmem:v1+s13+$0x0] =	vst.idx.msk $0xffff, v63  }
0x14d: {  	v1 =	vld [tilespmem:$0x3E0];
	_ =	sdelay $0x4  }
0x14e: {  	v63 =	vld [tilespmem:$0xBE0];
	v1 =	vadd.s32 v30, v1;
	_ =	sdelay $0x4  }
0x14f: {  	[tilespmem:v1+s13+$0x0] =	vst.idx.msk $0xffff, v63  }
0x150: {  	v1 =	vld [tilespmem:$0x3F0];
	_ =	sdelay $0x4  }
0x151: {  	v63 =	vld [tilespmem:$0xBF0];
	v1 =	vadd.s32 v31, v1;
	_ =	sdelay $0x4  }
0x152: {  	[tilespmem:v1+s13+$0x0] =	vst.idx.msk $0xffff, v63  }
0x153: {  	v1 =	vld [tilespmem:$0x400];
	_ =	sdelay $0x4  }
0x154: {  	v63 =	vld [tilespmem:$0xC00];
	v1 =	vadd.s32 v32, v1;
	_ =	sdelay $0x4  }
0x155: {  	[tilespmem:v1+s13+$0x0] =	vst.idx.msk $0xffff, v63  }
0x156: {  	v1 =	vld [tilespmem:$0x410];
	_ =	sdelay $0x4  }
0x157: {  	v63 =	vld [tilespmem:$0xC10];
	v1 =	vadd.s32 v33, v1;
	_ =	sdelay $0x4  }
0x158: {  	[tilespmem:v1+s13+$0x0] =	vst.idx.msk $0xffff, v63  }
0x159: {  	v1 =	vld [tilespmem:$0x420];
	_ =	sdelay $0x4  }
0x15a: {  	v63 =	vld [tilespmem:$0xC20];
	v1 =	vadd.s32 v34, v1;
	_ =	sdelay $0x4  }
0x15b: {  	[tilespmem:v1+s13+$0x0] =	vst.idx.msk $0xffff, v63  }
0x15c: {  	v1 =	vld [tilespmem:$0x430];
	_ =	sdelay $0x4  }
0x15d: {  	v63 =	vld [tilespmem:$0xC30];
	v1 =	vadd.s32 v35, v1;
	_ =	sdelay $0x4  }
0x15e: {  	[tilespmem:v1+s13+$0x0] =	vst.idx.msk $0xffff, v63  }
0x15f: {  	v1 =	vld [tilespmem:$0x440];
	_ =	sdelay $0x4  }
0x160: {  	v63 =	vld [tilespmem:$0xC40];
	v1 =	vadd.s32 v36, v1;
	_ =	sdelay $0x4  }
0x161: {  	[tilespmem:v1+s13+$0x0] =	vst.idx.msk $0xffff, v63  }
0x162: {  	v1 =	vld [tilespmem:$0x450];
	_ =	sdelay $0x4  }
0x163: {  	v63 =	vld [tilespmem:$0xC50];
	v1 =	vadd.s32 v37, v1;
	_ =	sdelay $0x4  }
0x164: {  	[tilespmem:v1+s13+$0x0] =	vst.idx.msk $0xffff, v63  }
0x165: {  	v1 =	vld [tilespmem:$0x460];
	_ =	sdelay $0x4  }
0x166: {  	v63 =	vld [tilespmem:$0xC60];
	v1 =	vadd.s32 v38, v1;
	_ =	sdelay $0x4  }
0x167: {  	[tilespmem:v1+s13+$0x0] =	vst.idx.msk $0xffff, v63  }
0x168: {  	v1 =	vld [tilespmem:$0x470];
	_ =	sdelay $0x4  }
0x169: {  	v63 =	vld [tilespmem:$0xC70];
	v1 =	vadd.s32 v39, v1;
	_ =	sdelay $0x4  }
0x16a: {  	[tilespmem:v1+s13+$0x0] =	vst.idx.msk $0xffff, v63  }
0x16b: {  	v1 =	vld [tilespmem:$0x480];
	_ =	sdelay $0x4  }
0x16c: {  	v63 =	vld [tilespmem:$0xC80];
	v1 =	vadd.s32 v40, v1;
	_ =	sdelay $0x4  }
0x16d: {  	[tilespmem:v1+s13+$0x0] =	vst.idx.msk $0xffff, v63  }
0x16e: {  	v1 =	vld [tilespmem:$0x490];
	_ =	sdelay $0x4  }
0x16f: {  	v63 =	vld [tilespmem:$0xC90];
	v1 =	vadd.s32 v41, v1;
	_ =	sdelay $0x4  }
0x170: {  	[tilespmem:v1+s13+$0x0] =	vst.idx.msk $0xffff, v63  }
0x171: {  	v1 =	vld [tilespmem:$0x4A0];
	_ =	sdelay $0x4  }
0x172: {  	v63 =	vld [tilespmem:$0xCA0];
	v1 =	vadd.s32 v42, v1;
	_ =	sdelay $0x4  }
0x173: {  	[tilespmem:v1+s13+$0x0] =	vst.idx.msk $0xffff, v63  }
0x174: {  	v1 =	vld [tilespmem:$0x4B0];
	_ =	sdelay $0x4  }
0x175: {  	v63 =	vld [tilespmem:$0xCB0];
	v1 =	vadd.s32 v43, v1;
	_ =	sdelay $0x4  }
0x176: {  	[tilespmem:v1+s13+$0x0] =	vst.idx.msk $0xffff, v63  }
0x177: {  	v1 =	vld [tilespmem:$0x4C0];
	_ =	sdelay $0x4  }
0x178: {  	v63 =	vld [tilespmem:$0xCC0];
	v1 =	vadd.s32 v44, v1;
	_ =	sdelay $0x4  }
0x179: {  	[tilespmem:v1+s13+$0x0] =	vst.idx.msk $0xffff, v63  }
0x17a: {  	v1 =	vld [tilespmem:$0x4D0];
	_ =	sdelay $0x4  }
0x17b: {  	v63 =	vld [tilespmem:$0xCD0];
	v1 =	vadd.s32 v45, v1;
	_ =	sdelay $0x4  }
0x17c: {  	[tilespmem:v1+s13+$0x0] =	vst.idx.msk $0xffff, v63  }
0x17d: {  	v1 =	vld [tilespmem:$0x4E0];
	_ =	sdelay $0x4  }
0x17e: {  	v63 =	vld [tilespmem:$0xCE0];
	v1 =	vadd.s32 v46, v1;
	_ =	sdelay $0x4  }
0x17f: {  	[tilespmem:v1+s13+$0x0] =	vst.idx.msk $0xffff, v63  }
0x180: {  	v1 =	vld [tilespmem:$0x4F0];
	_ =	sdelay $0x4  }
0x181: {  	v63 =	vld [tilespmem:$0xCF0];
	v1 =	vadd.s32 v47, v1;
	_ =	sdelay $0x4  }
0x182: {  	[tilespmem:v1+s13+$0x0] =	vst.idx.msk $0xffff, v63  }
0x183: {  	v1 =	vld [tilespmem:$0x500];
	_ =	sdelay $0x4  }
0x184: {  	v63 =	vld [tilespmem:$0xD00];
	v1 =	vadd.s32 v48, v1;
	_ =	sdelay $0x4  }
0x185: {  	[tilespmem:v1+s13+$0x0] =	vst.idx.msk $0xffff, v63  }
0x186: {  	v1 =	vld [tilespmem:$0x510];
	_ =	sdelay $0x4  }
0x187: {  	v63 =	vld [tilespmem:$0xD10];
	v1 =	vadd.s32 v49, v1;
	_ =	sdelay $0x4  }
0x188: {  	[tilespmem:v1+s13+$0x0] =	vst.idx.msk $0xffff, v63  }
0x189: {  	v1 =	vld [tilespmem:$0x520];
	_ =	sdelay $0x4  }
0x18a: {  	v63 =	vld [tilespmem:$0xD20];
	v1 =	vadd.s32 v50, v1;
	_ =	sdelay $0x4  }
0x18b: {  	[tilespmem:v1+s13+$0x0] =	vst.idx.msk $0xffff, v63  }
0x18c: {  	v1 =	vld [tilespmem:$0x530];
	_ =	sdelay $0x4  }
0x18d: {  	v63 =	vld [tilespmem:$0xD30];
	v1 =	vadd.s32 v51, v1;
	_ =	sdelay $0x4  }
0x18e: {  	[tilespmem:v1+s13+$0x0] =	vst.idx.msk $0xffff, v63  }
0x18f: {  	v1 =	vld [tilespmem:$0x540];
	_ =	sdelay $0x4  }
0x190: {  	v63 =	vld [tilespmem:$0xD40];
	v1 =	vadd.s32 v52, v1;
	_ =	sdelay $0x4  }
0x191: {  	[tilespmem:v1+s13+$0x0] =	vst.idx.msk $0xffff, v63  }
0x192: {  	v1 =	vld [tilespmem:$0x550];
	_ =	sdelay $0x4  }
0x193: {  	v63 =	vld [tilespmem:$0xD50];
	v1 =	vadd.s32 v53, v1;
	_ =	sdelay $0x4  }
0x194: {  	[tilespmem:v1+s13+$0x0] =	vst.idx.msk $0xffff, v63  }
0x195: {  	v1 =	vld [tilespmem:$0x560];
	_ =	sdelay $0x4  }
0x196: {  	v63 =	vld [tilespmem:$0xD60];
	v1 =	vadd.s32 v54, v1;
	_ =	sdelay $0x4  }
0x197: {  	[tilespmem:v1+s13+$0x0] =	vst.idx.msk $0xffff, v63  }
0x198: {  	v1 =	vld [tilespmem:$0x570];
	_ =	sdelay $0x4  }
0x199: {  	v63 =	vld [tilespmem:$0xD70];
	v1 =	vadd.s32 v55, v1;
	_ =	sdelay $0x4  }
0x19a: {  	[tilespmem:v1+s13+$0x0] =	vst.idx.msk $0xffff, v63  }
0x19b: {  	v1 =	vld [tilespmem:$0x580];
	_ =	sdelay $0x4  }
0x19c: {  	v63 =	vld [tilespmem:$0xD80];
	v1 =	vadd.s32 v56, v1;
	_ =	sdelay $0x4  }
0x19d: {  	[tilespmem:v1+s13+$0x0] =	vst.idx.msk $0xffff, v63  }
0x19e: {  	v1 =	vld [tilespmem:$0x590];
	_ =	sdelay $0x4  }
0x19f: {  	v63 =	vld [tilespmem:$0xD90];
	v1 =	vadd.s32 v57, v1;
	_ =	sdelay $0x4  }
0x1a0: {  	[tilespmem:v1+s13+$0x0] =	vst.idx.msk $0xffff, v63  }
0x1a1: {  	v1 =	vld [tilespmem:$0x5A0];
	_ =	sdelay $0x4  }
0x1a2: {  	v63 =	vld [tilespmem:$0xDA0];
	v1 =	vadd.s32 v58, v1;
	_ =	sdelay $0x4  }
0x1a3: {  	[tilespmem:v1+s13+$0x0] =	vst.idx.msk $0xffff, v63  }
0x1a4: {  	v1 =	vld [tilespmem:$0x5B0];
	_ =	sdelay $0x4  }
0x1a5: {  	v63 =	vld [tilespmem:$0xDB0];
	v1 =	vadd.s32 v59, v1;
	_ =	sdelay $0x4  }
0x1a6: {  	[tilespmem:v1+s13+$0x0] =	vst.idx.msk $0xffff, v63  }
0x1a7: {  	v1 =	vld [tilespmem:$0x5C0];
	_ =	sdelay $0x4  }
0x1a8: {  	v63 =	vld [tilespmem:$0xDC0];
	v1 =	vadd.s32 v60, v1;
	_ =	sdelay $0x4  }
0x1a9: {  	[tilespmem:v1+s13+$0x0] =	vst.idx.msk $0xffff, v63  }
0x1aa: {  	v1 =	vld [tilespmem:$0x5D0];
	_ =	sdelay $0x4  }
0x1ab: {  	v63 =	vld [tilespmem:$0xDD0];
	v1 =	vadd.s32 v61, v1;
	_ =	sdelay $0x4  }
0x1ac: {  	[tilespmem:v1+s13+$0x0] =	vst.idx.msk $0xffff, v63  }
0x1ad: {  	v1 =	vld [tilespmem:$0x5E0];
	_ =	sdelay $0x4  }
0x1ae: {  	v63 =	vld [tilespmem:$0xDE0];
	v1 =	vadd.s32 v62, v1;
	_ =	sdelay $0x4  }
0x1af: {  	[tilespmem:v1+s13+$0x0] =	vst.idx.msk $0xffff, v63  }
0x1b0: {  	v1 =	vld [tilespmem:$0x5F0];
	_ =	sdelay $0x3  }
0x1b1: {  	v63 =	vor.u32 $0x7E00, v0  }
0x1b2: {  	v1 =	vadd.s32 v63, v1;
	v63 =	vld [tilespmem:$0xDF0];
	_ =	sdelay $0x4  }
0x1b3: {  	[tilespmem:v1+s13+$0x0] =	vst.idx.msk $0xffff, v63  }
0x1b4: {  	v1 =	vld [tilespmem:$0x600];
	_ =	sdelay $0x3  }
0x1b5: {  	v63 =	vor.u32 $0x8000, v0  }
0x1b6: {  	v1 =	vadd.s32 v63, v1;
	v63 =	vld [tilespmem:$0xE00];
	_ =	sdelay $0x4  }
0x1b7: {  	[tilespmem:v1+s13+$0x0] =	vst.idx.msk $0xffff, v63  }
0x1b8: {  	v1 =	vld [tilespmem:$0x610];
	_ =	sdelay $0x3  }
0x1b9: {  	v63 =	vor.u32 $0x8200, v0  }
0x1ba: {  	v1 =	vadd.s32 v63, v1;
	v63 =	vld [tilespmem:$0xE10];
	_ =	sdelay $0x4  }
0x1bb: {  	[tilespmem:v1+s13+$0x0] =	vst.idx.msk $0xffff, v63  }
0x1bc: {  	v1 =	vld [tilespmem:$0x620];
	_ =	sdelay $0x3  }
0x1bd: {  	v63 =	vor.u32 $0x8400, v0  }
0x1be: {  	v1 =	vadd.s32 v63, v1;
	v63 =	vld [tilespmem:$0xE20];
	_ =	sdelay $0x4  }
0x1bf: {  	[tilespmem:v1+s13+$0x0] =	vst.idx.msk $0xffff, v63  }
0x1c0: {  	v1 =	vld [tilespmem:$0x630];
	_ =	sdelay $0x3  }
0x1c1: {  	v63 =	vor.u32 $0x8600, v0  }
0x1c2: {  	v1 =	vadd.s32 v63, v1;
	v63 =	vld [tilespmem:$0xE30];
	_ =	sdelay $0x4  }
0x1c3: {  	[tilespmem:v1+s13+$0x0] =	vst.idx.msk $0xffff, v63  }
0x1c4: {  	v1 =	vld [tilespmem:$0x640];
	_ =	sdelay $0x3  }
0x1c5: {  	v63 =	vor.u32 $0x8800, v0  }
0x1c6: {  	v1 =	vadd.s32 v63, v1;
	v63 =	vld [tilespmem:$0xE40];
	_ =	sdelay $0x4  }
0x1c7: {  	[tilespmem:v1+s13+$0x0] =	vst.idx.msk $0xffff, v63  }
0x1c8: {  	v1 =	vld [tilespmem:$0x650];
	_ =	sdelay $0x3  }
0x1c9: {  	v63 =	vor.u32 $0x8A00, v0  }
0x1ca: {  	v1 =	vadd.s32 v63, v1;
	v63 =	vld [tilespmem:$0xE50];
	_ =	sdelay $0x4  }
0x1cb: {  	[tilespmem:v1+s13+$0x0] =	vst.idx.msk $0xffff, v63  }
0x1cc: {  	v1 =	vld [tilespmem:$0x660];
	_ =	sdelay $0x3  }
0x1cd: {  	v63 =	vor.u32 $0x8C00, v0  }
0x1ce: {  	v1 =	vadd.s32 v63, v1;
	v63 =	vld [tilespmem:$0xE60];
	_ =	sdelay $0x4  }
0x1cf: {  	[tilespmem:v1+s13+$0x0] =	vst.idx.msk $0xffff, v63  }
0x1d0: {  	v1 =	vld [tilespmem:$0x670];
	_ =	sdelay $0x3  }
0x1d1: {  	v63 =	vor.u32 $0x8E00, v0  }
0x1d2: {  	v1 =	vadd.s32 v63, v1;
	v63 =	vld [tilespmem:$0xE70];
	_ =	sdelay $0x4  }
0x1d3: {  	[tilespmem:v1+s13+$0x0] =	vst.idx.msk $0xffff, v63  }
0x1d4: {  	v1 =	vld [tilespmem:$0x680];
	_ =	sdelay $0x3  }
0x1d5: {  	v63 =	vor.u32 $0x9000, v0  }
0x1d6: {  	v1 =	vadd.s32 v63, v1;
	v63 =	vld [tilespmem:$0xE80];
	_ =	sdelay $0x4  }
0x1d7: {  	[tilespmem:v1+s13+$0x0] =	vst.idx.msk $0xffff, v63  }
0x1d8: {  	v1 =	vld [tilespmem:$0x690];
	_ =	sdelay $0x3  }
0x1d9: {  	v63 =	vor.u32 $0x9200, v0  }
0x1da: {  	v1 =	vadd.s32 v63, v1;
	v63 =	vld [tilespmem:$0xE90];
	_ =	sdelay $0x4  }
0x1db: {  	[tilespmem:v1+s13+$0x0] =	vst.idx.msk $0xffff, v63  }
0x1dc: {  	v1 =	vld [tilespmem:$0x6A0];
	_ =	sdelay $0x3  }
0x1dd: {  	v63 =	vor.u32 $0x9400, v0  }
0x1de: {  	v1 =	vadd.s32 v63, v1;
	v63 =	vld [tilespmem:$0xEA0];
	_ =	sdelay $0x4  }
0x1df: {  	[tilespmem:v1+s13+$0x0] =	vst.idx.msk $0xffff, v63  }
0x1e0: {  	v1 =	vld [tilespmem:$0x6B0];
	_ =	sdelay $0x3  }
0x1e1: {  	v63 =	vor.u32 $0x9600, v0  }
0x1e2: {  	v1 =	vadd.s32 v63, v1;
	v63 =	vld [tilespmem:$0xEB0];
	_ =	sdelay $0x4  }
0x1e3: {  	[tilespmem:v1+s13+$0x0] =	vst.idx.msk $0xffff, v63  }
0x1e4: {  	v1 =	vld [tilespmem:$0x6C0];
	_ =	sdelay $0x3  }
0x1e5: {  	v63 =	vor.u32 $0x9800, v0  }
0x1e6: {  	v1 =	vadd.s32 v63, v1;
	v63 =	vld [tilespmem:$0xEC0];
	_ =	sdelay $0x4  }
0x1e7: {  	[tilespmem:v1+s13+$0x0] =	vst.idx.msk $0xffff, v63  }
0x1e8: {  	v1 =	vld [tilespmem:$0x6D0];
	_ =	sdelay $0x3  }
0x1e9: {  	v63 =	vor.u32 $0x9A00, v0  }
0x1ea: {  	v1 =	vadd.s32 v63, v1;
	v63 =	vld [tilespmem:$0xED0];
	_ =	sdelay $0x4  }
0x1eb: {  	[tilespmem:v1+s13+$0x0] =	vst.idx.msk $0xffff, v63  }
0x1ec: {  	v1 =	vld [tilespmem:$0x6E0];
	_ =	sdelay $0x3  }
0x1ed: {  	v63 =	vor.u32 $0x9C00, v0  }
0x1ee: {  	v1 =	vadd.s32 v63, v1;
	v63 =	vld [tilespmem:$0xEE0];
	_ =	sdelay $0x4  }
0x1ef: {  	[tilespmem:v1+s13+$0x0] =	vst.idx.msk $0xffff, v63  }
0x1f0: {  	v1 =	vld [tilespmem:$0x6F0];
	_ =	sdelay $0x3  }
0x1f1: {  	v63 =	vor.u32 $0x9E00, v0  }
0x1f2: {  	v1 =	vadd.s32 v63, v1;
	v63 =	vld [tilespmem:$0xEF0];
	_ =	sdelay $0x4  }
0x1f3: {  	[tilespmem:v1+s13+$0x0] =	vst.idx.msk $0xffff, v63  }
0x1f4: {  	v1 =	vld [tilespmem:$0x700];
	_ =	sdelay $0x3  }
0x1f5: {  	v63 =	vor.u32 $0xA000, v0  }
0x1f6: {  	v1 =	vadd.s32 v63, v1;
	v63 =	vld [tilespmem:$0xF00];
	_ =	sdelay $0x4  }
0x1f7: {  	[tilespmem:v1+s13+$0x0] =	vst.idx.msk $0xffff, v63  }
0x1f8: {  	v1 =	vld [tilespmem:$0x710];
	_ =	sdelay $0x3  }
0x1f9: {  	v63 =	vor.u32 $0xA200, v0  }
0x1fa: {  	v1 =	vadd.s32 v63, v1;
	v63 =	vld [tilespmem:$0xF10];
	_ =	sdelay $0x4  }
0x1fb: {  	[tilespmem:v1+s13+$0x0] =	vst.idx.msk $0xffff, v63  }
0x1fc: {  	v1 =	vld [tilespmem:$0x720];
	_ =	sdelay $0x3  }
0x1fd: {  	v63 =	vor.u32 $0xA400, v0  }
0x1fe: {  	v1 =	vadd.s32 v63, v1;
	v63 =	vld [tilespmem:$0xF20];
	_ =	sdelay $0x4  }
0x1ff: {  	[tilespmem:v1+s13+$0x0] =	vst.idx.msk $0xffff, v63  }
0x200: {  	v1 =	vld [tilespmem:$0x730];
	_ =	sdelay $0x3  }
0x201: {  	v63 =	vor.u32 $0xA600, v0  }
0x202: {  	v1 =	vadd.s32 v63, v1;
	v63 =	vld [tilespmem:$0xF30];
	_ =	sdelay $0x4  }
0x203: {  	[tilespmem:v1+s13+$0x0] =	vst.idx.msk $0xffff, v63  }
0x204: {  	v1 =	vld [tilespmem:$0x740];
	_ =	sdelay $0x3  }
0x205: {  	v63 =	vor.u32 $0xA800, v0  }
0x206: {  	v1 =	vadd.s32 v63, v1;
	v63 =	vld [tilespmem:$0xF40];
	_ =	sdelay $0x4  }
0x207: {  	[tilespmem:v1+s13+$0x0] =	vst.idx.msk $0xffff, v63  }
0x208: {  	v1 =	vld [tilespmem:$0x750];
	_ =	sdelay $0x3  }
0x209: {  	v63 =	vor.u32 $0xAA00, v0  }
0x20a: {  	v1 =	vadd.s32 v63, v1;
	v63 =	vld [tilespmem:$0xF50];
	_ =	sdelay $0x4  }
0x20b: {  	[tilespmem:v1+s13+$0x0] =	vst.idx.msk $0xffff, v63  }
0x20c: {  	v1 =	vld [tilespmem:$0x760];
	_ =	sdelay $0x3  }
0x20d: {  	v63 =	vor.u32 $0xAC00, v0  }
0x20e: {  	v1 =	vadd.s32 v63, v1;
	v63 =	vld [tilespmem:$0xF60];
	_ =	sdelay $0x4  }
0x20f: {  	[tilespmem:v1+s13+$0x0] =	vst.idx.msk $0xffff, v63  }
0x210: {  	v1 =	vld [tilespmem:$0x770];
	_ =	sdelay $0x3  }
0x211: {  	v63 =	vor.u32 $0xAE00, v0  }
0x212: {  	v1 =	vadd.s32 v63, v1;
	v63 =	vld [tilespmem:$0xF70];
	_ =	sdelay $0x4  }
0x213: {  	[tilespmem:v1+s13+$0x0] =	vst.idx.msk $0xffff, v63  }
0x214: {  	v1 =	vld [tilespmem:$0x780];
	_ =	sdelay $0x3  }
0x215: {  	v63 =	vor.u32 $0xB000, v0  }
0x216: {  	v1 =	vadd.s32 v63, v1;
	v63 =	vld [tilespmem:$0xF80];
	_ =	sdelay $0x4  }
0x217: {  	[tilespmem:v1+s13+$0x0] =	vst.idx.msk $0xffff, v63  }
0x218: {  	v1 =	vld [tilespmem:$0x790];
	_ =	sdelay $0x3  }
0x219: {  	v63 =	vor.u32 $0xB200, v0  }
0x21a: {  	v1 =	vadd.s32 v63, v1;
	v63 =	vld [tilespmem:$0xF90];
	_ =	sdelay $0x4  }
0x21b: {  	[tilespmem:v1+s13+$0x0] =	vst.idx.msk $0xffff, v63  }
0x21c: {  	v1 =	vld [tilespmem:$0x7A0];
	_ =	sdelay $0x3  }
0x21d: {  	v63 =	vor.u32 $0xB400, v0  }
0x21e: {  	v1 =	vadd.s32 v63, v1;
	v63 =	vld [tilespmem:$0xFA0];
	_ =	sdelay $0x4  }
0x21f: {  	[tilespmem:v1+s13+$0x0] =	vst.idx.msk $0xffff, v63  }
0x220: {  	v1 =	vld [tilespmem:$0x7B0];
	_ =	sdelay $0x3  }
0x221: {  	v63 =	vor.u32 $0xB600, v0  }
0x222: {  	v1 =	vadd.s32 v63, v1;
	v63 =	vld [tilespmem:$0xFB0];
	_ =	sdelay $0x4  }
0x223: {  	[tilespmem:v1+s13+$0x0] =	vst.idx.msk $0xffff, v63  }
0x224: {  	v1 =	vld [tilespmem:$0x7C0];
	_ =	sdelay $0x3  }
0x225: {  	v63 =	vor.u32 $0xB800, v0  }
0x226: {  	v1 =	vadd.s32 v63, v1;
	v63 =	vld [tilespmem:$0xFC0];
	_ =	sdelay $0x4  }
0x227: {  	[tilespmem:v1+s13+$0x0] =	vst.idx.msk $0xffff, v63  }
0x228: {  	v1 =	vld [tilespmem:$0x7D0];
	_ =	sdelay $0x3  }
0x229: {  	v63 =	vor.u32 $0xBA00, v0  }
0x22a: {  	v1 =	vadd.s32 v63, v1;
	v63 =	vld [tilespmem:$0xFD0];
	_ =	sdelay $0x4  }
0x22b: {  	[tilespmem:v1+s13+$0x0] =	vst.idx.msk $0xffff, v63  }
0x22c: {  	v1 =	vld [tilespmem:$0x7E0];
	_ =	sdelay $0x3  }
0x22d: {  	v63 =	vor.u32 $0xBC00, v0  }
0x22e: {  	v1 =	vadd.s32 v63, v1;
	v63 =	vld [tilespmem:$0xFE0];
	_ =	sdelay $0x4  }
0x22f: {  	[tilespmem:v1+s13+$0x0] =	vst.idx.msk $0xffff, v63  }
0x230: {  	v1 =	vld [tilespmem:$0x7F0];
	_ =	sdelay $0x3  }
0x231: {  	v63 =	vor.u32 $0xBE00, v0  }
0x232: {  	v1 =	vadd.s32 v63, v1;
	v63 =	vld [tilespmem:$0xFF0];
	_ =	sdelay $0x4  }
0x233: {  	[tilespmem:v1+s13+$0x0] =	vst.idx.msk $0xffff, v63  }
0x234: {  	v1 =	vld [tilespmem:$0x800];
	_ =	sdelay $0x3  }
0x235: {  	v63 =	vor.u32 $0xC000, v0  }
0x236: {  	v1 =	vadd.s32 v63, v1;
	v63 =	vld [tilespmem:$0x1000];
	_ =	sdelay $0x4  }
0x237: {  	[tilespmem:v1+s13+$0x0] =	vst.idx.msk $0xffff, v63  }
0x238: {  	v1 =	vld [tilespmem:$0x810];
	_ =	sdelay $0x3  }
0x239: {  	v63 =	vor.u32 $0xC200, v0  }
0x23a: {  	v1 =	vadd.s32 v63, v1;
	v63 =	vld [tilespmem:$0x1010];
	_ =	sdelay $0x4  }
0x23b: {  	[tilespmem:v1+s13+$0x0] =	vst.idx.msk $0xffff, v63  }
0x23c: {  	v1 =	vld [tilespmem:$0x820];
	_ =	sdelay $0x3  }
0x23d: {  	v63 =	vor.u32 $0xC400, v0  }
0x23e: {  	v1 =	vadd.s32 v63, v1;
	v63 =	vld [tilespmem:$0x1020];
	_ =	sdelay $0x4  }
0x23f: {  	[tilespmem:v1+s13+$0x0] =	vst.idx.msk $0xffff, v63  }
0x240: {  	v1 =	vld [tilespmem:$0x830];
	_ =	sdelay $0x3  }
0x241: {  	v63 =	vor.u32 $0xC600, v0  }
0x242: {  	v1 =	vadd.s32 v63, v1;
	v63 =	vld [tilespmem:$0x1030];
	_ =	sdelay $0x4  }
0x243: {  	[tilespmem:v1+s13+$0x0] =	vst.idx.msk $0xffff, v63  }
0x244: {  	v1 =	vld [tilespmem:$0x840];
	_ =	sdelay $0x3  }
0x245: {  	v63 =	vor.u32 $0xC800, v0  }
0x246: {  	v1 =	vadd.s32 v63, v1;
	v63 =	vld [tilespmem:$0x1040];
	_ =	sdelay $0x4  }
0x247: {  	[tilespmem:v1+s13+$0x0] =	vst.idx.msk $0xffff, v63  }
0x248: {  	v1 =	vld [tilespmem:$0x850];
	_ =	sdelay $0x3  }
0x249: {  	v63 =	vor.u32 $0xCA00, v0  }
0x24a: {  	v1 =	vadd.s32 v63, v1;
	v63 =	vld [tilespmem:$0x1050];
	_ =	sdelay $0x4  }
0x24b: {  	[tilespmem:v1+s13+$0x0] =	vst.idx.msk $0xffff, v63  }
0x24c: {  	v1 =	vld [tilespmem:$0x860];
	_ =	sdelay $0x3  }
0x24d: {  	v63 =	vor.u32 $0xCC00, v0  }
0x24e: {  	v1 =	vadd.s32 v63, v1;
	v63 =	vld [tilespmem:$0x1060];
	_ =	sdelay $0x4  }
0x24f: {  	[tilespmem:v1+s13+$0x0] =	vst.idx.msk $0xffff, v63  }
0x250: {  	v1 =	vld [tilespmem:$0x870];
	_ =	sdelay $0x3  }
0x251: {  	v63 =	vor.u32 $0xCE00, v0  }
0x252: {  	v1 =	vadd.s32 v63, v1;
	v63 =	vld [tilespmem:$0x1070];
	_ =	sdelay $0x4  }
0x253: {  	[tilespmem:v1+s13+$0x0] =	vst.idx.msk $0xffff, v63  }
0x254: {  	v1 =	vld [tilespmem:$0x880];
	_ =	sdelay $0x3  }
0x255: {  	v63 =	vor.u32 $0xD000, v0  }
0x256: {  	v1 =	vadd.s32 v63, v1;
	v63 =	vld [tilespmem:$0x1080];
	_ =	sdelay $0x4  }
0x257: {  	[tilespmem:v1+s13+$0x0] =	vst.idx.msk $0xffff, v63  }
0x258: {  	v1 =	vld [tilespmem:$0x890];
	_ =	sdelay $0x3  }
0x259: {  	v63 =	vor.u32 $0xD200, v0  }
0x25a: {  	v1 =	vadd.s32 v63, v1;
	v63 =	vld [tilespmem:$0x1090];
	_ =	sdelay $0x4  }
0x25b: {  	[tilespmem:v1+s13+$0x0] =	vst.idx.msk $0xffff, v63  }
0x25c: {  	v1 =	vld [tilespmem:$0x8A0];
	_ =	sdelay $0x3  }
0x25d: {  	v63 =	vor.u32 $0xD400, v0  }
0x25e: {  	v1 =	vadd.s32 v63, v1;
	v63 =	vld [tilespmem:$0x10A0];
	_ =	sdelay $0x4  }
0x25f: {  	[tilespmem:v1+s13+$0x0] =	vst.idx.msk $0xffff, v63  }
0x260: {  	v1 =	vld [tilespmem:$0x8B0];
	_ =	sdelay $0x3  }
0x261: {  	v63 =	vor.u32 $0xD600, v0  }
0x262: {  	v1 =	vadd.s32 v63, v1;
	v63 =	vld [tilespmem:$0x10B0];
	_ =	sdelay $0x4  }
0x263: {  	[tilespmem:v1+s13+$0x0] =	vst.idx.msk $0xffff, v63  }
0x264: {  	v1 =	vld [tilespmem:$0x8C0];
	_ =	sdelay $0x3  }
0x265: {  	v63 =	vor.u32 $0xD800, v0  }
0x266: {  	v1 =	vadd.s32 v63, v1;
	v63 =	vld [tilespmem:$0x10C0];
	_ =	sdelay $0x4  }
0x267: {  	[tilespmem:v1+s13+$0x0] =	vst.idx.msk $0xffff, v63  }
0x268: {  	v1 =	vld [tilespmem:$0x8D0];
	_ =	sdelay $0x3  }
0x269: {  	v63 =	vor.u32 $0xDA00, v0  }
0x26a: {  	v1 =	vadd.s32 v63, v1;
	v63 =	vld [tilespmem:$0x10D0];
	_ =	sdelay $0x4  }
0x26b: {  	[tilespmem:v1+s13+$0x0] =	vst.idx.msk $0xffff, v63  }
0x26c: {  	v1 =	vld [tilespmem:$0x8E0];
	_ =	sdelay $0x3  }
0x26d: {  	v63 =	vor.u32 $0xDC00, v0  }
0x26e: {  	v1 =	vadd.s32 v63, v1;
	v63 =	vld [tilespmem:$0x10E0];
	_ =	sdelay $0x4  }
0x26f: {  	[tilespmem:v1+s13+$0x0] =	vst.idx.msk $0xffff, v63  }
0x270: {  	v1 =	vld [tilespmem:$0x8F0];
	_ =	sdelay $0x3  }
0x271: {  	v63 =	vor.u32 $0xDE00, v0  }
0x272: {  	v1 =	vadd.s32 v63, v1;
	v63 =	vld [tilespmem:$0x10F0];
	_ =	sdelay $0x4  }
0x273: {  	[tilespmem:v1+s13+$0x0] =	vst.idx.msk $0xffff, v63  }
0x274: {  	v1 =	vld [tilespmem:$0x900];
	_ =	sdelay $0x3  }
0x275: {  	v63 =	vor.u32 $0xE000, v0  }
0x276: {  	v1 =	vadd.s32 v63, v1;
	v63 =	vld [tilespmem:$0x1100];
	_ =	sdelay $0x4  }
0x277: {  	[tilespmem:v1+s13+$0x0] =	vst.idx.msk $0xffff, v63  }
0x278: {  	v1 =	vld [tilespmem:$0x910];
	_ =	sdelay $0x3  }
0x279: {  	v63 =	vor.u32 $0xE200, v0  }
0x27a: {  	v1 =	vadd.s32 v63, v1;
	v63 =	vld [tilespmem:$0x1110];
	_ =	sdelay $0x4  }
0x27b: {  	[tilespmem:v1+s13+$0x0] =	vst.idx.msk $0xffff, v63  }
0x27c: {  	v1 =	vld [tilespmem:$0x920];
	_ =	sdelay $0x3  }
0x27d: {  	v63 =	vor.u32 $0xE400, v0  }
0x27e: {  	v1 =	vadd.s32 v63, v1;
	v63 =	vld [tilespmem:$0x1120];
	_ =	sdelay $0x4  }
0x27f: {  	[tilespmem:v1+s13+$0x0] =	vst.idx.msk $0xffff, v63  }
0x280: {  	v1 =	vld [tilespmem:$0x930];
	_ =	sdelay $0x3  }
0x281: {  	v63 =	vor.u32 $0xE600, v0  }
0x282: {  	v1 =	vadd.s32 v63, v1;
	v63 =	vld [tilespmem:$0x1130];
	_ =	sdelay $0x4  }
0x283: {  	[tilespmem:v1+s13+$0x0] =	vst.idx.msk $0xffff, v63  }
0x284: {  	v1 =	vld [tilespmem:$0x940];
	_ =	sdelay $0x3  }
0x285: {  	v63 =	vor.u32 $0xE800, v0  }
0x286: {  	v1 =	vadd.s32 v63, v1;
	v63 =	vld [tilespmem:$0x1140];
	_ =	sdelay $0x4  }
0x287: {  	[tilespmem:v1+s13+$0x0] =	vst.idx.msk $0xffff, v63  }
0x288: {  	v1 =	vld [tilespmem:$0x950];
	_ =	sdelay $0x3  }
0x289: {  	v63 =	vor.u32 $0xEA00, v0  }
0x28a: {  	v1 =	vadd.s32 v63, v1;
	v63 =	vld [tilespmem:$0x1150];
	_ =	sdelay $0x4  }
0x28b: {  	[tilespmem:v1+s13+$0x0] =	vst.idx.msk $0xffff, v63  }
0x28c: {  	v1 =	vld [tilespmem:$0x960];
	_ =	sdelay $0x3  }
0x28d: {  	v63 =	vor.u32 $0xEC00, v0  }
0x28e: {  	v1 =	vadd.s32 v63, v1;
	v63 =	vld [tilespmem:$0x1160];
	_ =	sdelay $0x4  }
0x28f: {  	[tilespmem:v1+s13+$0x0] =	vst.idx.msk $0xffff, v63  }
0x290: {  	v1 =	vld [tilespmem:$0x970];
	_ =	sdelay $0x3  }
0x291: {  	v63 =	vor.u32 $0xEE00, v0  }
0x292: {  	v1 =	vadd.s32 v63, v1;
	v63 =	vld [tilespmem:$0x1170];
	_ =	sdelay $0x4  }
0x293: {  	[tilespmem:v1+s13+$0x0] =	vst.idx.msk $0xffff, v63  }
0x294: {  	v1 =	vld [tilespmem:$0x980];
	_ =	sdelay $0x3  }
0x295: {  	v63 =	vor.u32 $0xF000, v0  }
0x296: {  	v1 =	vadd.s32 v63, v1;
	v63 =	vld [tilespmem:$0x1180];
	_ =	sdelay $0x4  }
0x297: {  	[tilespmem:v1+s13+$0x0] =	vst.idx.msk $0xffff, v63  }
0x298: {  	v1 =	vld [tilespmem:$0x990];
	_ =	sdelay $0x3  }
0x299: {  	v63 =	vor.u32 $0xF200, v0  }
0x29a: {  	v1 =	vadd.s32 v63, v1;
	v63 =	vld [tilespmem:$0x1190];
	_ =	sdelay $0x4  }
0x29b: {  	[tilespmem:v1+s13+$0x0] =	vst.idx.msk $0xffff, v63  }
0x29c: {  	v1 =	vld [tilespmem:$0x9A0];
	_ =	sdelay $0x3  }
0x29d: {  	v63 =	vor.u32 $0xF400, v0  }
0x29e: {  	v1 =	vadd.s32 v63, v1;
	v63 =	vld [tilespmem:$0x11A0];
	_ =	sdelay $0x4  }
0x29f: {  	[tilespmem:v1+s13+$0x0] =	vst.idx.msk $0xffff, v63  }
0x2a0: {  	v1 =	vld [tilespmem:$0x9B0];
	_ =	sdelay $0x3  }
0x2a1: {  	v63 =	vor.u32 $0xF600, v0  }
0x2a2: {  	v1 =	vadd.s32 v63, v1;
	v63 =	vld [tilespmem:$0x11B0];
	_ =	sdelay $0x4  }
0x2a3: {  	[tilespmem:v1+s13+$0x0] =	vst.idx.msk $0xffff, v63  }
0x2a4: {  	v1 =	vld [tilespmem:$0x9C0];
	_ =	sdelay $0x3  }
0x2a5: {  	v63 =	vor.u32 $0xF800, v0  }
0x2a6: {  	v1 =	vadd.s32 v63, v1;
	v63 =	vld [tilespmem:$0x11C0];
	_ =	sdelay $0x4  }
0x2a7: {  	[tilespmem:v1+s13+$0x0] =	vst.idx.msk $0xffff, v63  }
0x2a8: {  	v1 =	vld [tilespmem:$0x9D0];
	_ =	sdelay $0x3  }
0x2a9: {  	v63 =	vor.u32 $0xFA00, v0  }
0x2aa: {  	v1 =	vadd.s32 v63, v1;
	v63 =	vld [tilespmem:$0x11D0];
	_ =	sdelay $0x4  }
0x2ab: {  	[tilespmem:v1+s13+$0x0] =	vst.idx.msk $0xffff, v63  }
0x2ac: {  	v1 =	vld [tilespmem:$0x9E0];
	_ =	sdelay $0x3  }
0x2ad: {  	v63 =	vor.u32 $0xFC00, v0  }
0x2ae: {  	v1 =	vadd.s32 v63, v1;
	v63 =	vld [tilespmem:$0x11E0];
	_ =	sdelay $0x4  }
0x2af: {  	[tilespmem:v1+s13+$0x0] =	vst.idx.msk $0xffff, v63  }
0x2b0: {  	v1 =	vld [tilespmem:$0x9F0];
	_ =	sdelay $0x3  }
0x2b1: {  	v63 =	vor.u32 $0xFE00, v0  }
0x2b2: {  	v1 =	vadd.s32 v63, v1;
	v63 =	vld [tilespmem:$0x11F0];
	_ =	sdelay $0x4  }
0x2b3: {  	s15 =	simm.s32 $0x0;
	[tilespmem:v1+s13+$0x0] =	vst.idx.msk $0xffff, v63  }
0x2b4: {  	v1 =	vld [tilespmem:s15+$0x0];
	_ =	sdelay $0x4  }
0x2b5: {  	v1 =	vshll.u32 v1, $0x4  }
0x2b6: {  	(v2sf) =	vpush v1, $0x0  }
0x2b7: {  	(v2sf) =	vpush v1, $0x1  }
0x2b8: {  	(v2sf) =	vpush v1, $0x2;
	_ =	sdelay $0x1  }
0x2b9: {  	(v2sf) =	vpush v1, $0x3;
	_ =	sdelay $0x1  }
0x2ba: {  	(v2sf) =	vpush v1, $0x4;
	_ =	sdelay $0x1  }
0x2bb: {  	(v2sf) =	vpush v1, $0x5;
	_ =	sdelay $0x1  }
0x2bc: {  	(v2sf) =	vpush v1, $0x6  }
0x2bd: {  	s0 =	simm.s32 $0x1200;
	s2 =	simm.s32 $0x1280  }
0x2be: {  	s18 =	simm.s32 $0x1780;
	s17 =	simm.s32 $0x1800;
	s16 =	simm.s32 $0x1880;
	(v2sf) =	vpush v1, $0x7  }
0x2bf: {  	s5 =	simm.s32 $0x1600;
	s10 =	simm.s32 $0x1680;
	s11 =	simm.s32 $0x1700  }
0x2c0: {  	s19 =	simm.s32 $0x1480;
	s20 =	simm.s32 $0x1500;
	s21 =	simm.s32 $0x1580;
	(v2sf) =	vpush v1, $0x8  }
0x2c1: {  	s22 =	simm.s32 $0x1380;
	s23 =	simm.s32 $0x1400;
	s24 =	spop (v2sf)  }
0x2c2: {  	s25 =	simm.s32 $0x1300;
	(v2sf) =	vpush v1, $0x9;
	s24 =	sand.u32 $0x1FFFFFF0, s24;
	s26 =	spop (v2sf)  }
0x2c3: {  	s24 =	sadd.s32 s3, s24;
	s26 =	sand.u32 $0x1FFFFFF0, s26;
	s28 =	spop (v2sf)  }
0x2c4: {  	(v2sf) =	vpush v1, $0xA;
	[hbm4b:s24+s1] =	stream.linear.scatter [tilespmem:s0], [sflag:$0x1], $0x80, $0x38;
	[tilespmem:$0x11200] =	vst v63  }
0x2c5: {  	s29 =	sadd.s32 s3, s26;
	s30 =	sand.u32 $0x1FFFFFF0, s28;
	s31 =	spop (v2sf)  }
0x2c6: {  	(v2sf) =	vpush v1, $0xB;
	[hbm4b:s29+s1] =	stream.linear.scatter [tilespmem:s2], [sflag:$0x1], $0x80, $0x38;
	[tilespmem:$0x11200] =	vst v63  }
0x2c7: {  	s24 =	sadd.s32 s3, s30;
	s26 =	sand.u32 $0x1FFFFFF0, s31;
	s28 =	spop (v2sf)  }
0x2c8: {  	(v2sf) =	vpush v1, $0xC;
	[hbm4b:s24+s1] =	stream.linear.scatter [tilespmem:s25], [sflag:$0x1], $0x80, $0x38;
	[tilespmem:$0x11200] =	vst v63  }
0x2c9: {  	s29 =	sadd.s32 s3, s26;
	s30 =	sand.u32 $0x1FFFFFF0, s28;
	s31 =	spop (v2sf)  }
0x2ca: {  	(v2sf) =	vpush v1, $0xD;
	[hbm4b:s29+s1] =	stream.linear.scatter [tilespmem:s22], [sflag:$0x1], $0x80, $0x38;
	[tilespmem:$0x11200] =	vst v63  }
0x2cb: {  	s2 =	sadd.s32 s3, s30;
	s24 =	spop (v2sf);
	s22 =	sand.u32 $0x1FFFFFF0, s31  }
0x2cc: {  	(v2sf) =	vpush v1, $0xE;
	[hbm4b:s2+s1] =	stream.linear.scatter [tilespmem:s23], [sflag:$0x1], $0x80, $0x38;
	[tilespmem:$0x11200] =	vst v63  }
0x2cd: {  	s26 =	sand.u32 $0x1FFFFFF0, s24;
	s28 =	spop (v2sf);
	s25 =	sadd.s32 s3, s22  }
0x2ce: {  	(v2sf) =	vpush v1, $0xF;
	[hbm4b:s25+s1] =	stream.linear.scatter [tilespmem:s19], [sflag:$0x1], $0x80, $0x38;
	[tilespmem:$0x11200] =	vst v63  }
0x2cf: {  	s29 =	sadd.s32 s3, s26;
	s30 =	sand.u32 $0x1FFFFFF0, s28;
	s31 =	spop (v2sf)  }
0x2d0: {  	[hbm4b:s29+s1] =	stream.linear.scatter [tilespmem:s20], [sflag:$0x1], $0x80, $0x38;
	[tilespmem:$0x11200] =	vst v63  }
0x2d1: {  	s22 =	sadd.s32 s3, s30;
	s23 =	sand.u32 $0x1FFFFFF0, s31;
	s24 =	spop (v2sf)  }
0x2d2: {  	[hbm4b:s22+s1] =	stream.linear.scatter [tilespmem:s21], [sflag:$0x1], $0x80, $0x38;
	[tilespmem:$0x11200] =	vst v63  }
0x2d3: {  	s25 =	sadd.s32 s3, s23;
	s26 =	sand.u32 $0x1FFFFFF0, s24;
	s28 =	spop (v2sf)  }
0x2d4: {  	[hbm4b:s25+s1] =	stream.linear.scatter [tilespmem:s5], [sflag:$0x1], $0x80, $0x38;
	[tilespmem:$0x11200] =	vst v63  }
0x2d5: {  	s29 =	sadd.s32 s3, s26;
	s30 =	sand.u32 $0x1FFFFFF0, s28;
	s31 =	spop (v2sf)  }
0x2d6: {  	[hbm4b:s29+s1] =	stream.linear.scatter [tilespmem:s10], [sflag:$0x1], $0x80, $0x38;
	[tilespmem:$0x11200] =	vst v63  }
0x2d7: {  	s2 =	sadd.s32 s3, s30;
	s5 =	sand.u32 $0x1FFFFFF0, s31;
	s10 =	spop (v2sf)  }
0x2d8: {  	[hbm4b:s2+s1] =	stream.linear.scatter [tilespmem:s11], [sflag:$0x1], $0x80, $0x38;
	[tilespmem:$0x11200] =	vst v63  }
0x2d9: {  	s19 =	sand.u32 $0x1FFFFFF0, s10;
	s20 =	spop (v2sf);
	s11 =	sadd.s32 s3, s5  }
0x2da: {  	[hbm4b:s11+s1] =	stream.linear.scatter [tilespmem:s18], [sflag:$0x1], $0x80, $0x38;
	[tilespmem:$0x11200] =	vst v63  }
0x2db: {  	s21 =	sadd.s32 s3, s19;
	s22 =	sand.u32 $0x1FFFFFF0, s20;
	s23 =	spop (v2sf)  }
0x2dc: {  	[hbm4b:s21+s1] =	stream.linear.scatter [tilespmem:s17], [sflag:$0x1], $0x80, $0x38;
	[tilespmem:$0x11200] =	vst v63  }
0x2dd: {  	s24 =	sadd.s32 s3, s22;
	s25 =	sand.u32 $0x1FFFFFF0, s23;
	s26 =	spop (v2sf)  }
0x2de: {  	[hbm4b:s24+s1] =	stream.linear.scatter [tilespmem:s16], [sflag:$0x1], $0x80, $0x38;
	[tilespmem:$0x11200] =	vst v63  }
0x2df: {  	s29 =	simm.s32 $0x1900;
	s28 =	sadd.s32 s3, s25;
	s5 =	sand.u32 $0x1FFFFFF0, s26  }
0x2e0: {  	[hbm4b:s28+s1] =	stream.linear.scatter [tilespmem:s29], [sflag:$0x1], $0x80, $0x38;
	[tilespmem:$0x11200] =	vst v63  }
0x2e1: {  	s30 =	simm.s32 $0x1980;
	s31 =	sadd.s32 s3, s5  }
0x2e2: {  	[hbm4b:s31+s1] =	stream.linear.scatter [tilespmem:s30], [sflag:$0x1], $0x80, $0x38;
	[tilespmem:$0x11200] =	vst v63  }
0x2e3: {  	_ =	swait.ge [sflag:s12], $0x80  }
0x2e4: {  	[sflag:s12] =	ssyncset.done $0x0  }
0x2e5: {  	[sflag:s12] =	ssyncadd.s32 $0xFFFFFF80  }
0x2e6: {  	_ =	swait.ge [sflag:s12], $0x80  }
0x2e7: {  	[sflag:s12] =	ssyncset.done $0x0  }
0x2e8: {  	[sflag:s12] =	ssyncadd.s32 $0xFFFFFF80  }
0x2e9: {  	_ =	swait.ge [sflag:s12], $0x80  }
0x2ea: {  	[sflag:s12] =	ssyncset.done $0x0  }
0x2eb: {  	[sflag:s12] =	ssyncadd.s32 $0xFFFFFF80  }
0x2ec: {  	_ =	swait.ge [sflag:s12], $0x80  }
0x2ed: {  	[sflag:s12] =	ssyncset.done $0x0  }
0x2ee: {  	[sflag:s12] =	ssyncadd.s32 $0xFFFFFF80  }
0x2ef: {  	_ =	swait.ge [sflag:s12], $0x80  }
0x2f0: {  	[sflag:s12] =	ssyncset.done $0x0  }
0x2f1: {  	[sflag:s12] =	ssyncadd.s32 $0xFFFFFF80  }
0x2f2: {  	_ =	swait.ge [sflag:s12], $0x80  }
0x2f3: {  	[sflag:s12] =	ssyncset.done $0x0  }
0x2f4: {  	[sflag:s12] =	ssyncadd.s32 $0xFFFFFF80  }
0x2f5: {  	_ =	swait.ge [sflag:s12], $0x80  }
0x2f6: {  	[sflag:s12] =	ssyncset.done $0x0  }
0x2f7: {  	[sflag:s12] =	ssyncadd.s32 $0xFFFFFF80  }
0x2f8: {  	_ =	swait.ge [sflag:s12], $0x80  }
0x2f9: {  	[sflag:s12] =	ssyncset.done $0x0  }
0x2fa: {  	[sflag:s12] =	ssyncadd.s32 $0xFFFFFF80  }
0x2fb: {  	_ =	swait.ge [sflag:s12], $0x80  }
0x2fc: {  	[sflag:s12] =	ssyncset.done $0x0  }
0x2fd: {  	[sflag:s12] =	ssyncadd.s32 $0xFFFFFF80  }
0x2fe: {  	_ =	swait.ge [sflag:s12], $0x80  }
0x2ff: {  	[sflag:s12] =	ssyncset.done $0x0  }
0x300: {  	[sflag:s12] =	ssyncadd.s32 $0xFFFFFF80  }
0x301: {  	_ =	swait.ge [sflag:s12], $0x80  }
0x302: {  	[sflag:s12] =	ssyncset.done $0x0  }
0x303: {  	[sflag:s12] =	ssyncadd.s32 $0xFFFFFF80  }
0x304: {  	_ =	swait.ge [sflag:s12], $0x80  }
0x305: {  	[sflag:s12] =	ssyncset.done $0x0  }
0x306: {  	[sflag:s12] =	ssyncadd.s32 $0xFFFFFF80  }
0x307: {  	_ =	swait.ge [sflag:s12], $0x80  }
0x308: {  	[sflag:s12] =	ssyncset.done $0x0  }
0x309: {  	s16 =	simm.s32 $0x2000;
	[sflag:s12] =	ssyncadd.s32 $0xFFFFFF80  }
.LBB2_4:
0x30a: {  	p0 =	sne.s32 s16, $0x3E000;
	_ =	swait.ge [sflag:s12], $0x80;
	s15 =	sadd.s32 $0x10, s15  }
0x30b: {  	s0 =	smov.u32 s16;
	s16 =	sadd.s32 $0x2000, s16;
	[sflag:s12] =	ssyncset.done $0x0  }
0x30c: {  	[sflag:s12] =	ssyncadd.s32 $0xFFFFFF80  }
0x30d: {  	_ =	swait.ge [sflag:s12], $0x80  }
0x30e: {  	[sflag:s12] =	ssyncset.done $0x0  }
0x30f: {  	[sflag:s12] =	ssyncadd.s32 $0xFFFFFF80  }
0x310: {  	_ =	swait.ge [sflag:s12], $0x80  }
0x311: {  	[sflag:s12] =	ssyncset.done $0x0  }
0x312: {  	[sflag:s12] =	ssyncadd.s32 $0xFFFFFF80  }
0x313: {  	v1 =	vld [tilespmem:s15+$0x0];
	_ =	sdelay $0x4  }
0x314: {  	v1 =	vshll.u32 v1, $0x4  }
0x315: {  	(v2sf) =	vpush v1, $0x0  }
0x316: {  	(v2sf) =	vpush v1, $0x1  }
0x317: {  	(v2sf) =	vpush v1, $0x2;
	_ =	sdelay $0x1  }
0x318: {  	(v2sf) =	vpush v1, $0x3;
	_ =	sdelay $0x1  }
0x319: {  	(v2sf) =	vpush v1, $0x4;
	_ =	sdelay $0x1  }
0x31a: {  	s17 =	sshra.s32 s0, $0x2;
	(v2sf) =	vpush v1, $0x5;
	_ =	sdelay $0x1  }
0x31b: {  	s0 =	sadd.s32 $0x1200, s17;
	(v2sf) =	vpush v1, $0x6  }
0x31c: {  	s2 =	sadd.s32 $0x1280, s17;
	s18 =	sadd.s32 $0x1980, s17  }
0x31d: {  	s21 =	sadd.s32 $0x1780, s17;
	s20 =	sadd.s32 $0x1800, s17;
	s19 =	sadd.s32 $0x1880, s17;
	(v2sf) =	vpush v1, $0x7  }
0x31e: {  	s24 =	sadd.s32 $0x1600, s17;
	s23 =	sadd.s32 $0x1680, s17;
	s22 =	sadd.s32 $0x1700, s17  }
0x31f: {  	s5 =	sadd.s32 $0x1480, s17;
	s10 =	sadd.s32 $0x1500, s17;
	s25 =	sadd.s32 $0x1580, s17;
	(v2sf) =	vpush v1, $0x8  }
0x320: {  	s11 =	sadd.s32 $0x1380, s17;
	s26 =	sadd.s32 $0x1400, s17;
	s28 =	spop (v2sf)  }
0x321: {  	s29 =	sadd.s32 $0x1300, s17;
	s28 =	sand.u32 $0x1FFFFFF0, s28;
	s30 =	spop (v2sf);
	(v2sf) =	vpush v1, $0x9  }
0x322: {  	s28 =	sadd.s32 s3, s28;
	s30 =	sand.u32 $0x1FFFFFF0, s30;
	s31 =	spop (v2sf)  }
0x323: {  	[hbm4b:s28+s1] =	stream.linear.scatter [tilespmem:s0], [sflag:$0x1], $0x80, $0x38;
	(v2sf) =	vpush v1, $0xA;
	[tilespmem:$0x11200] =	vst v63  }
0x324: {  	s0 =	sadd.s32 s3, s30;
	s28 =	sand.u32 $0x1FFFFFF0, s31;
	s30 =	spop (v2sf)  }
0x325: {  	[hbm4b:s0+s1] =	stream.linear.scatter [tilespmem:s2], [sflag:$0x1], $0x80, $0x38;
	(v2sf) =	vpush v1, $0xB;
	[tilespmem:$0x11200] =	vst v63  }
0x326: {  	s0 =	sadd.s32 s3, s28;
	s2 =	sand.u32 $0x1FFFFFF0, s30;
	s28 =	spop (v2sf)  }
0x327: {  	[hbm4b:s0+s1] =	stream.linear.scatter [tilespmem:s29], [sflag:$0x1], $0x80, $0x38;
	(v2sf) =	vpush v1, $0xC;
	[tilespmem:$0x11200] =	vst v63  }
0x328: {  	s0 =	sadd.s32 s3, s2;
	s2 =	sand.u32 $0x1FFFFFF0, s28;
	s28 =	spop (v2sf)  }
0x329: {  	[hbm4b:s0+s1] =	stream.linear.scatter [tilespmem:s11], [sflag:$0x1], $0x80, $0x38;
	(v2sf) =	vpush v1, $0xD;
	[tilespmem:$0x11200] =	vst v63  }
0x32a: {  	s0 =	sadd.s32 s3, s2;
	s2 =	sand.u32 $0x1FFFFFF0, s28;
	s11 =	spop (v2sf)  }
0x32b: {  	[hbm4b:s0+s1] =	stream.linear.scatter [tilespmem:s26], [sflag:$0x1], $0x80, $0x38;
	(v2sf) =	vpush v1, $0xE;
	[tilespmem:$0x11200] =	vst v63  }
0x32c: {  	s0 =	sadd.s32 s3, s2;
	s2 =	sand.u32 $0x1FFFFFF0, s11;
	s11 =	spop (v2sf)  }
0x32d: {  	[hbm4b:s0+s1] =	stream.linear.scatter [tilespmem:s5], [sflag:$0x1], $0x80, $0x38;
	(v2sf) =	vpush v1, $0xF;
	[tilespmem:$0x11200] =	vst v63  }
0x32e: {  	s0 =	sadd.s32 s3, s2;
	s2 =	sand.u32 $0x1FFFFFF0, s11;
	s5 =	spop (v2sf)  }
0x32f: {  	[hbm4b:s0+s1] =	stream.linear.scatter [tilespmem:s10], [sflag:$0x1], $0x80, $0x38;
	[tilespmem:$0x11200] =	vst v63  }
0x330: {  	s0 =	sadd.s32 s3, s2;
	s2 =	sand.u32 $0x1FFFFFF0, s5;
	s5 =	spop (v2sf)  }
0x331: {  	[hbm4b:s0+s1] =	stream.linear.scatter [tilespmem:s25], [sflag:$0x1], $0x80, $0x38;
	[tilespmem:$0x11200] =	vst v63  }
0x332: {  	s0 =	sadd.s32 s3, s2;
	s2 =	sand.u32 $0x1FFFFFF0, s5;
	s5 =	spop (v2sf)  }
0x333: {  	[hbm4b:s0+s1] =	stream.linear.scatter [tilespmem:s24], [sflag:$0x1], $0x80, $0x38;
	[tilespmem:$0x11200] =	vst v63  }
0x334: {  	s0 =	sadd.s32 s3, s2;
	s2 =	sand.u32 $0x1FFFFFF0, s5;
	s5 =	spop (v2sf)  }
0x335: {  	[hbm4b:s0+s1] =	stream.linear.scatter [tilespmem:s23], [sflag:$0x1], $0x80, $0x38;
	[tilespmem:$0x11200] =	vst v63  }
0x336: {  	s0 =	sadd.s32 s3, s2;
	s2 =	sand.u32 $0x1FFFFFF0, s5;
	s5 =	spop (v2sf)  }
0x337: {  	[hbm4b:s0+s1] =	stream.linear.scatter [tilespmem:s22], [sflag:$0x1], $0x80, $0x38;
	[tilespmem:$0x11200] =	vst v63  }
0x338: {  	s0 =	sadd.s32 s3, s2;
	s2 =	sand.u32 $0x1FFFFFF0, s5;
	s5 =	spop (v2sf)  }
0x339: {  	[hbm4b:s0+s1] =	stream.linear.scatter [tilespmem:s21], [sflag:$0x1], $0x80, $0x38;
	[tilespmem:$0x11200] =	vst v63  }
0x33a: {  	s0 =	sadd.s32 s3, s2;
	s2 =	sand.u32 $0x1FFFFFF0, s5;
	s5 =	spop (v2sf)  }
0x33b: {  	[hbm4b:s0+s1] =	stream.linear.scatter [tilespmem:s20], [sflag:$0x1], $0x80, $0x38;
	[tilespmem:$0x11200] =	vst v63  }
0x33c: {  	s0 =	sadd.s32 s3, s2;
	s2 =	sand.u32 $0x1FFFFFF0, s5;
	s5 =	spop (v2sf)  }
0x33d: {  	[hbm4b:s0+s1] =	stream.linear.scatter [tilespmem:s19], [sflag:$0x1], $0x80, $0x38;
	[tilespmem:$0x11200] =	vst v63  }
0x33e: {  	s0 =	sadd.s32 s3, s2;
	s2 =	sadd.s32 $0x1900, s17;
	s5 =	sand.u32 $0x1FFFFFF0, s5  }
0x33f: {  	[hbm4b:s0+s1] =	stream.linear.scatter [tilespmem:s2], [sflag:$0x1], $0x80, $0x38;
	[tilespmem:$0x11200] =	vst v63  }
0x340: {  	s0 =	sadd.s32 s3, s5  }
0x341: {  	[hbm4b:s0+s1] =	stream.linear.scatter [tilespmem:s18], [sflag:$0x1], $0x80, $0x38;
	[tilespmem:$0x11200] =	vst v63  }
0x342: {  	_ =	swait.ge [sflag:s12], $0x80  }
0x343: {  	[sflag:s12] =	ssyncset.done $0x0  }
0x344: {  	[sflag:s12] =	ssyncadd.s32 $0xFFFFFF80  }
0x345: {  	_ =	swait.ge [sflag:s12], $0x80  }
0x346: {  	[sflag:s12] =	ssyncset.done $0x0  }
0x347: {  	[sflag:s12] =	ssyncadd.s32 $0xFFFFFF80  }
0x348: {  	_ =	swait.ge [sflag:s12], $0x80  }
0x349: {  	[sflag:s12] =	ssyncset.done $0x0  }
0x34a: {  	[sflag:s12] =	ssyncadd.s32 $0xFFFFFF80  }
0x34b: {  	_ =	swait.ge [sflag:s12], $0x80  }
0x34c: {  	[sflag:s12] =	ssyncset.done $0x0  }
0x34d: {  	[sflag:s12] =	ssyncadd.s32 $0xFFFFFF80  }
0x34e: {  	_ =	swait.ge [sflag:s12], $0x80  }
0x34f: {  	[sflag:s12] =	ssyncset.done $0x0  }
0x350: {  	[sflag:s12] =	ssyncadd.s32 $0xFFFFFF80  }
0x351: {  	_ =	swait.ge [sflag:s12], $0x80  }
0x352: {  	[sflag:s12] =	ssyncset.done $0x0  }
0x353: {  	[sflag:s12] =	ssyncadd.s32 $0xFFFFFF80  }
0x354: {  	_ =	swait.ge [sflag:s12], $0x80  }
0x355: {  	[sflag:s12] =	ssyncset.done $0x0  }
0x356: {  	[sflag:s12] =	ssyncadd.s32 $0xFFFFFF80  }
0x357: {  	_ =	swait.ge [sflag:s12], $0x80  }
0x358: {  	[sflag:s12] =	ssyncset.done $0x0  }
0x359: {  	[sflag:s12] =	ssyncadd.s32 $0xFFFFFF80  }
0x35a: {  	_ =	swait.ge [sflag:s12], $0x80  }
0x35b: {  	[sflag:s12] =	ssyncset.done $0x0  }
0x35c: {  	[sflag:s12] =	ssyncadd.s32 $0xFFFFFF80  }
0x35d: {  	_ =	swait.ge [sflag:s12], $0x80  }
0x35e: {  	[sflag:s12] =	ssyncset.done $0x0  }
0x35f: {  	[sflag:s12] =	ssyncadd.s32 $0xFFFFFF80  }
0x360: {  	_ =	swait.ge [sflag:s12], $0x80  }
0x361: {  	[sflag:s12] =	ssyncset.done $0x0  }
0x362: {  	[sflag:s12] =	ssyncadd.s32 $0xFFFFFF80  }
0x363: {  	_ =	swait.ge [sflag:s12], $0x80  }
.Ltmp1:
0x364: {  	[sflag:s12] =	ssyncset.done $0x0;
	(pc) =	sbr.rel @p0 .LBB2_4-.Ltmp1, $4  }
0x365: {  	[sflag:s12] =	ssyncadd.s32 $0xFFFFFF80  }
0x366: {  	_ =	swait.ge [sflag:s12], $0x80  }
0x367: {  	[sflag:s12] =	ssyncset.done $0x0  }
0x368: {  	[sflag:s12] =	ssyncadd.s32 $0xFFFFFF80  }
0x369: {  	_ =	swait.ge [sflag:s12], $0x80  }
0x36a: {  	[sflag:s12] =	ssyncset.done $0x0  }
0x36b: {  	s14 =	sadd.s32 $0x1, s14;
	[sflag:s12] =	ssyncadd.s32 $0xFFFFFF80  }
0x36c: {  	p0 =	sne.s32 s14, s8;
	_ =	swait.ge [sflag:s12], $0x80  }
.Ltmp2:
0x36d: {  	[sflag:s12] =	ssyncset.done $0x0;
	(pc) =	sbr.rel @p0 .LBB2_1-.Ltmp2, $4  }
0x36e: {  	[sflag:s12] =	ssyncadd.s32 $0xFFFFFF80  }
0x36f: {  	_ =	swait.ge [sflag:s12], $0x80  }
0x370: {  	[sflag:s12] =	ssyncset.done $0x0  }
0x371: {  	[sflag:s12] =	ssyncadd.s32 $0xFFFFFF80  }
0x372: {  	_ =	sfence.sel $0x180000  }
0x373: {  	[bflag:$0x0] =	sbarrier.arrive $0xFFFF  }
0x374: {  	_ =	strace $0x90000047  }
0x375: {  	s0 =	stileid.u32;
	[bflag:$0x2] =	sbarrier.arrive $0xFFFF  }
0x376: {  	p0 =	sne.s32 s0, $0x0;
	s0 =	rddreg [dreg:$0x3]  }
0x377: {  	s0 =	sadd.s32 @!p0 $0x100000, s0  }
0x378: {  	[sflag:s0] =	ssyncadd.tile.s32 @!p0 $0x1;
	_ =	shalt  }
.Lfunc_end2:
_tile_overlayer_lowered:
.L_overlay_start_2:
0x379: {  	(tag) =	ssettag $0x2  }
0x37a: {  	s0 =	rddreg [dreg:$0x0];
	s2 =	stileid.u32  }
0x37b: {  	s1 =	rddreg [dreg:$0x1];
	p0 =	sne.s32 s2, $0x0  }
0x37c: {  	s3 =	rddreg [dreg:$0x2];
	[bflag:$0x3] =	sbarrier.arrive $0xFFFF;
	s2 =	simm.s32 @!p0 $0x1C02  }
0x37d: {  	[timem:s3], [sflag:s2] =	dma.local @!p0 [hbm:s0], s1  }
0x37e: {  	s0 =	simm.s32 @!p0 $0x2  }
0x37f: {  	_ =	swait.ge @!p0 [sflag:s0], s1  }
0x380: {  	s1 =	ssub.s32 @!p0 $0x0, s1;
	[sflag:s0] =	ssyncset.done @!p0 $0x0  }
0x381: {  	[sflag:s0] =	ssyncadd.s32 @!p0 s1  }
0x382: {  	[bflag:$0x3] =	sbarrier.arrive $0xFFFF  }
0x383: {  	_ =	shalt  }

</sc_bundles>
